<compile_context>
chip_gen: v7x
topology: tpu7x:2x2x1
jax: 0.10.2.dev20260603
libtpu: 0.0.44.dev20260713+nightly
codegen_flags: <defaults>
</compile_context>

<pallas_src>
import functools

import jax
import jax.numpy as jnp
from jax import lax
from jax.experimental import pallas as pl
from jax.experimental.pallas import tpu as pltpu
from jax.experimental.pallas import tpu_sc as plsc

N = 10000
E = 320000
F = 128
EPS = 1e-5

NC, NS = 2, 16
NW = NC * NS
EPW = E // NW
CH = 80
NCH = EPW // CH
PIECE = CH
NPIECES = N // PIECE
PPT = 8

_MESH = plsc.VectorSubcoreMesh(
    core_axis_name="c", subcore_axis_name="s", num_cores=NC, num_subcores=NS)


def _make_sc_pass(gather: bool):
  scratch = [
      pltpu.VMEM_SHARED((N, F), jnp.float32),
      pltpu.VMEM((4 * CH,), jnp.int32),
      pltpu.VMEM((CH,), jnp.int32),
      pltpu.VMEM((CH, F), jnp.float32),
      pltpu.SemaphoreType.DMA,
      pltpu.VMEM((PIECE,), jnp.int32),
      pltpu.VMEM((PIECE,), jnp.int32),
      pltpu.VMEM((CH,), jnp.int32),
      pltpu.VMEM((CH, F), jnp.float32),
      pltpu.SemaphoreType.DMA,
  ]

  @functools.partial(
      pl.kernel, out_type=jax.ShapeDtypeStruct((NC * N, F), jnp.float32),
      mesh=_MESH, scratch_types=scratch)
  def sc_pass(h_hbm, src_hbm, dst_hbm, ones_hbm, zf_hbm, iota_hbm,
              out_hbm, agg_sh, srcblk_v, dst_v, rows_v, sem, ibuf, obuf,
              dst_v1, rows_v1, sem1):
    cid = lax.axis_index("c")
    sid = lax.axis_index("s")
    wid = sid * NC + cid
    npieces = jnp.where(sid == NS - 1, NPIECES - (NS - 1) * PPT, PPT)

    pltpu.sync_copy(zf_hbm, rows_v)

    def zero_piece(p, carry):
      r = (sid * PPT + p) * PIECE
      pltpu.sync_copy(iota_hbm.at[pl.ds(r, PIECE)], ibuf)
      pltpu.sync_copy(rows_v, agg_sh.at[ibuf])
      return carry

    lax.fori_loop(0, npieces, zero_piece, 0)
    if not gather:
      pltpu.sync_copy(ones_hbm, rows_v)
    plsc.subcore_barrier()

    e0 = wid * EPW
    if gather:
      def g_start(boff, rows, gsem):
        pltpu.async_copy(h_hbm.at[srcblk_v.at[pl.ds(boff, CH)]], rows, gsem)

      def g_wait(boff, rows, gsem):
        pltpu.make_async_copy(
            h_hbm.at[srcblk_v.at[pl.ds(boff, CH)]], rows, gsem).wait()

      def stage_dst(c, dbuf):
        pltpu.sync_copy(dst_hbm.at[pl.ds(e0 + c * CH, CH)], dbuf)

      pltpu.sync_copy(src_hbm.at[pl.ds(e0, 4 * CH)], srcblk_v)
      stage_dst(0, dst_v)
      g_start(0, rows_v, sem)

      def quad(q, carry):
        c0 = 4 * q
        g_start(CH, rows_v1, sem1)
        stage_dst(c0 + 1, dst_v1)
        g_wait(0, rows_v, sem)
        pltpu.sync_copy(rows_v, agg_sh.at[dst_v], add=True)
        g_start(2 * CH, rows_v, sem)
        stage_dst(c0 + 2, dst_v)
        g_wait(CH, rows_v1, sem1)
        pltpu.sync_copy(rows_v1, agg_sh.at[dst_v1], add=True)
        g_start(3 * CH, rows_v1, sem1)
        stage_dst(c0 + 3, dst_v1)
        g_wait(2 * CH, rows_v, sem)
        pltpu.sync_copy(rows_v, agg_sh.at[dst_v], add=True)
        g_wait(3 * CH, rows_v1, sem1)
        pltpu.sync_copy(rows_v1, agg_sh.at[dst_v1], add=True)
        nb = jnp.minimum(c0 + 4, NCH - 4)
        pltpu.sync_copy(src_hbm.at[pl.ds(e0 + nb * CH, 4 * CH)], srcblk_v)
        soff = (c0 + 4 - nb) * CH
        stage_dst(c0 + 4, dst_v)
        pltpu.async_copy(h_hbm.at[srcblk_v.at[pl.ds(soff, CH)]], rows_v, sem)
        return carry

      lax.fori_loop(0, NCH // 4, quad, 0)
      pltpu.make_async_copy(
          h_hbm.at[srcblk_v.at[pl.ds(3 * CH, CH)]], rows_v, sem).wait()
      pltpu.sync_copy(rows_v, agg_sh.at[dst_v], add=True)
    else:
      pltpu.sync_copy(dst_hbm.at[pl.ds(e0, CH)], dst_v)
      pltpu.async_copy(rows_v, agg_sh.at[dst_v], sem, add=True)

      def cpair(j2, carry):
        a = 2 * j2
        pltpu.sync_copy(dst_hbm.at[pl.ds(e0 + (a + 1) * CH, CH)], dst_v1)
        pltpu.async_copy(rows_v, agg_sh.at[dst_v1], sem1, add=True)
        pltpu.make_async_copy(rows_v, agg_sh.at[dst_v], sem).wait()
        pltpu.sync_copy(dst_hbm.at[pl.ds(e0 + (a + 2) * CH, CH)], dst_v)
        pltpu.async_copy(rows_v, agg_sh.at[dst_v], sem, add=True)
        pltpu.make_async_copy(rows_v, agg_sh.at[dst_v1], sem1).wait()
        return carry

      lax.fori_loop(0, (NCH - 1) // 2, cpair, 0)
      pltpu.make_async_copy(rows_v, agg_sh.at[dst_v], sem).wait()
    plsc.subcore_barrier()

    def wb_piece(p, carry):
      r = (sid * PPT + p) * PIECE
      pltpu.sync_copy(iota_hbm.at[pl.ds(r, PIECE)], ibuf)
      for k in range(PIECE // 16):
        obuf[pl.ds(k * 16, 16)] = ibuf[pl.ds(k * 16, 16)] + cid * N
      pltpu.async_copy(agg_sh.at[ibuf], rows_v, sem).wait()
      pltpu.sync_copy(rows_v, out_hbm.at[obuf])
      return carry

    lax.fori_loop(0, npieces, wb_piece, 0)

  return sc_pass


_sc_agg = _make_sc_pass(True)
_sc_counts = _make_sc_pass(False)


def _dot(a, b):
  return lax.dot_general(a, b, (((1,), (0,)), ((), ())),
                         precision=lax.Precision.HIGHEST,
                         preferred_element_type=jnp.float32)


RB = 400
NRB = N // RB


def _tc_lin_body(p_ref, c_ref, h_ref, wl_ref, wr_ref, b_ref, y_ref,
                 stats_ref, acc_ref, *, with_stats):
  i = pl.program_id(0)
  cnt = jnp.maximum(c_ref[0, :, 0:1] + c_ref[1, :, 0:1], 1.0)
  mean = (p_ref[0] + p_ref[1]) / cnt
  y = _dot(mean, wl_ref[...]) + _dot(h_ref[...], wr_ref[...]) + b_ref[...]
  y_ref[...] = y
  if with_stats:
    @pl.when(i == 0)
    def _():
      acc_ref[...] = jnp.zeros_like(acc_ref)
    acc_ref[0:1, :] += jnp.sum(y, axis=0, keepdims=True)
    acc_ref[1:2, :] += jnp.sum(y * y, axis=0, keepdims=True)

    @pl.when(i == NRB - 1)
    def _():
      stats_ref[...] = acc_ref[...]


def _tc_lin(p, c, h, wl, wr, b, with_stats):
  out_shape = [jax.ShapeDtypeStruct((N, F), jnp.float32),
               jax.ShapeDtypeStruct((8, F), jnp.float32)]
  grid = (NRB,)
  in_specs = [
      pl.BlockSpec((NC, RB, F), lambda i: (0, i, 0)),
      pl.BlockSpec((NC, RB, F), lambda i: (0, i, 0)),
      pl.BlockSpec((RB, F), lambda i: (i, 0)),
      pl.BlockSpec((F, F), lambda i: (0, 0)),
      pl.BlockSpec((F, F), lambda i: (0, 0)),
      pl.BlockSpec((1, F), lambda i: (0, 0)),
  ]
  out_specs = [
      pl.BlockSpec((RB, F), lambda i: (i, 0)),
      pl.BlockSpec((8, F), lambda i: (0, 0)),
  ]
  y, stats = pl.pallas_call(
      functools.partial(_tc_lin_body, with_stats=with_stats),
      grid=grid, in_specs=in_specs, out_specs=out_specs,
      out_shape=out_shape,
      scratch_shapes=[pltpu.VMEM((8, F), jnp.float32)],
  )(p, c, h, wl, wr, b.reshape(1, F))
  return y, stats


def _tc_bn_body(y_ref, stats_ref, g_ref, be_ref, o_ref):
  mu = stats_ref[0:1, :] * (1.0 / N)
  var = stats_ref[1:2, :] * (1.0 / N) - mu * mu
  y = y_ref[...]
  yn = (y - mu) * lax.rsqrt(var + EPS) * g_ref[...] + be_ref[...]
  o_ref[...] = jnp.maximum(yn, 0.0)


def _tc_bn(y, stats, g, be):
  return pl.pallas_call(
      _tc_bn_body,
      grid=(NRB,),
      in_specs=[
          pl.BlockSpec((RB, F), lambda i: (i, 0)),
          pl.BlockSpec((8, F), lambda i: (0, 0)),
          pl.BlockSpec((1, F), lambda i: (0, 0)),
          pl.BlockSpec((1, F), lambda i: (0, 0)),
      ],
      out_specs=pl.BlockSpec((RB, F), lambda i: (i, 0)),
      out_shape=jax.ShapeDtypeStruct((N, F), jnp.float32),
  )(y, stats, g.reshape(1, F), be.reshape(1, F))


def kernel(x, edge_index, W_l0, W_r0, b0, gamma0, beta0,
           W_l1, W_r1, b1, gamma1, beta1, W_lo, W_ro, bo):
  src1d = edge_index[0]
  dst1d = edge_index[1]
  ones = jnp.ones((CH, F), jnp.float32)
  zf = jnp.zeros((PIECE, F), jnp.float32)
  iota = jnp.arange(N, dtype=jnp.int32)

  c0 = _sc_counts(x, src1d, dst1d, ones, zf, iota).reshape(NC, N, F)
  p0 = _sc_agg(x, src1d, dst1d, ones, zf, iota).reshape(NC, N, F)
  y, s = _tc_lin(p0, c0, x, W_l0, W_r0, b0, True)
  h = _tc_bn(y, s, gamma0, beta0)
  p1 = _sc_agg(h, src1d, dst1d, ones, zf, iota)
  y, s = _tc_lin(p1.reshape(NC, N, F), c0, h, W_l1, W_r1, b1, True)
  h = _tc_bn(y, s, gamma1, beta1)
  p2 = _sc_agg(h, src1d, dst1d, ones, zf, iota)
  out, _ = _tc_lin(p2.reshape(NC, N, F), c0, h, W_lo, W_ro, bo, False)
  return out

# --- scband reference (transcript-rebuilt; emitter-appended) ---
"""Pipeline reference for scband-sagedepth-80676665688568 (READ-ONLY COPY).

The authoritative reference and input builder live on the scoring server;
editing this copy changes nothing except your own understanding.
"""

import jax, jax.numpy as jnp
import numpy as np

N = 10000
E = 320000
D = 128
H = 128
O = 128
EPS = 1e-5


def setup_inputs(seed: int = 0) -> dict:
    key = jax.random.key(seed)
    ks = jax.random.split(key, 16)
    x = jax.random.normal(ks[0], (N, D), dtype=jnp.float32)
    edge_index = jax.random.randint(ks[1], (2, E), 0, N, dtype=jnp.int32)
    def lin(k, fan_in, fan_out):
        return jax.random.normal(k, (fan_in, fan_out), dtype=jnp.float32) / np.sqrt(fan_in)
    inp = {
        "x": x,
        "edge_index": edge_index,
        # conv 0 (in -> hidden): lin_l applied to aggregated neighbors, lin_r to self
        "W_l0": lin(ks[2], D, H), "W_r0": lin(ks[3], D, H), "b0": jnp.zeros((H,), jnp.float32),
        "gamma0": jnp.ones((H,), jnp.float32), "beta0": jnp.zeros((H,), jnp.float32),
        # conv 1 (hidden -> hidden)
        "W_l1": lin(ks[4], H, H), "W_r1": lin(ks[5], H, H), "b1": jnp.zeros((H,), jnp.float32),
        "gamma1": jnp.ones((H,), jnp.float32), "beta1": jnp.zeros((H,), jnp.float32),
        # out conv (hidden -> out)
        "W_lo": lin(ks[6], H, O), "W_ro": lin(ks[7], H, O), "bo": jnp.zeros((O,), jnp.float32),
    }
    return inp


def _sage_conv(x, src, dst, W_l, W_r, b):
    # mean aggregation of messages x[src] into dst, then out = lin_l(mean) + lin_r(x)
    msg = x[src]
    summed = jax.ops.segment_sum(msg, dst, num_segments=N)
    cnt = jax.ops.segment_sum(jnp.ones((src.shape[0],), x.dtype), dst, num_segments=N)
    mean = summed / jnp.clip(cnt, 1.0)[:, None]
    return mean @ W_l + x @ W_r + b


def _batch_norm(x, gamma, beta):
    m = jnp.mean(x, axis=0)
    v = jnp.var(x, axis=0)
    return (x - m) / jnp.sqrt(v + EPS) * gamma + beta


def reference(x, edge_index, W_l0, W_r0, b0, gamma0, beta0,
              W_l1, W_r1, b1, gamma1, beta1, W_lo, W_ro, bo):
    src = edge_index[0]
    dst = edge_index[1]
    # layer 0
    h = _sage_conv(x, src, dst, W_l0, W_r0, b0)
    h = _batch_norm(h, gamma0, beta0)
    h = jax.nn.relu(h)
    # dropout is identity in inference
    # layer 1
    h = _sage_conv(h, src, dst, W_l1, W_r1, b1)
    h = _batch_norm(h, gamma1, beta1)
    h = jax.nn.relu(h)
    # output conv
    out = _sage_conv(h, src, dst, W_lo, W_ro, bo)
    return out

if __name__ == "__main__":
    import jax
    _d = setup_inputs()
    print(jax.jit(kernel)(*tuple(_d.values())))

</pallas_src>

<mosaic_0001>
#map = affine_map<(d0, d1) -> (0, 0)>
#map1 = affine_map<(d0, d1) -> (0)>
module attributes {stable_mosaic.version = 14 : i64} {
  func.func @sc_pass(%arg0: i32, %arg1: i32, %arg2: memref<10000x128xf32, #tpu.memory_space<hbm>>, %arg3: memref<320000xi32, #tpu.memory_space<hbm>>, %arg4: memref<320000xi32, #tpu.memory_space<hbm>>, %arg5: memref<80x128xf32, #tpu.memory_space<hbm>>, %arg6: memref<80x128xf32, #tpu.memory_space<hbm>>, %arg7: memref<10000xi32, #tpu.memory_space<hbm>>, %arg8: memref<20000x128xf32, #tpu.memory_space<hbm>>, %arg9: memref<10000x128xf32, #tpu.memory_space<vmem_shared>>, %arg10: memref<320xi32, #tpu.memory_space<vmem>>, %arg11: memref<80xi32, #tpu.memory_space<vmem>>, %arg12: memref<80x128xf32, #tpu.memory_space<vmem>>, %arg13: memref<!tpu.dma_semaphore, #tpu.memory_space<semaphore_mem>>, %arg14: memref<80xi32, #tpu.memory_space<vmem>>, %arg15: memref<80xi32, #tpu.memory_space<vmem>>, %arg16: memref<80xi32, #tpu.memory_space<vmem>>, %arg17: memref<80x128xf32, #tpu.memory_space<vmem>>, %arg18: memref<!tpu.dma_semaphore, #tpu.memory_space<semaphore_mem>>) attributes {dimension_semantics = [#tpu.dimension_semantics<core_parallel>, #tpu.dimension_semantics<subcore_parallel>], iteration_bounds = array<i64: 2, 16>, scalar_prefetch = 0 : i64, scratch_operands = 10 : i64, tpu.core_type = #tpu.core_type<sc_vector_subcore>, window_params = [{transform_indices = #map}, {transform_indices = #map1}, {transform_indices = #map1}, {transform_indices = #map}, {transform_indices = #map}, {transform_indices = #map1}, {transform_indices = #map}]} {
    %mul3A = arith.constant 2 : i32
    %mul3A_0 = arith.muli %arg1, %mul3A : i32
    %add3A = arith.addi %mul3A_0, %arg0 : i32
    %eq3A = arith.constant 15 : i32
    %eq3A_1 = arith.cmpi eq, %arg1, %eq3A : i32
    %jit3A = arith.constant 5 : i32
    %jit3A_2 = arith.constant 8 : i32
    %select_n3A = arith.select %eq3A_1, %jit3A, %jit3A_2 : i32
    "tpu.region"() ({
      %run_scoped3A = tpu.sem_alloc : memref<!tpu.dma_semaphore, #tpu.memory_space<semaphore_mem>>
      tpu.enqueue_dma source(%arg6 : memref<80x128xf32, #tpu.memory_space<hbm>>) target(%arg12 : memref<80x128xf32, #tpu.memory_space<vmem>>) target_semaphore(%run_scoped3A : memref<!tpu.dma_semaphore, #tpu.memory_space<semaphore_mem>>)
      tpu.wait_dma2 semaphore(%run_scoped3A : memref<!tpu.dma_semaphore, #tpu.memory_space<semaphore_mem>>) src(%arg6 : memref<80x128xf32, #tpu.memory_space<hbm>>) dst(%arg12 : memref<80x128xf32, #tpu.memory_space<vmem>>)
      tpu.yield
    }) : () -> ()
    %while3A = arith.constant 0 : i32
    %while3A_3 = arith.constant 0 : i32
    %while3A_4 = arith.subi %select_n3A, %while3A_3 : i32
    %while3A_5 = arith.addi %while3A_3, %while3A_4 : i32
    %while3A_6 = arith.constant 1 : i32
    %while3A_7 = arith.divsi %while3A_4, %while3A_6 : i32
    %while3A_8 = arith.muli %while3A_7, %while3A_6 : i32
    %while3A_9 = arith.addi %while3A_3, %while3A_8 : i32
    %while3A_10 = arith.constant 1 : i32
    scf.for %while3A_40 = %while3A_3 to %while3A_9 step %while3A_10  : i32 {
      %mul3A_41 = arith.constant 8 : i32
      %mul3A_42 = arith.muli %arg1, %mul3A_41 : i32
      %add3A_43 = arith.addi %mul3A_42, %while3A_40 : i32
      %mul3A_44 = arith.constant 80 : i32
      %mul3A_45 = arith.muli %add3A_43, %mul3A_44 : i32
      "tpu.region"() ({
        %run_scoped3A = tpu.sem_alloc : memref<!tpu.dma_semaphore, #tpu.memory_space<semaphore_mem>>
        %dma_start3A_46 = tpu.memref_slice %arg7[%mul3A_45] : memref<10000xi32, #tpu.memory_space<hbm>> -> memref<80xi32, #tpu.memory_space<hbm>>
        %dma_start3A_47 = tpu.memref_slice %arg7[%mul3A_45] : memref<10000xi32, #tpu.memory_space<hbm>> -> memref<80xi32, #tpu.memory_space<hbm>>
        tpu.enqueue_dma source(%dma_start3A_47 : memref<80xi32, #tpu.memory_space<hbm>>) target(%arg14 : memref<80xi32, #tpu.memory_space<vmem>>) target_semaphore(%run_scoped3A : memref<!tpu.dma_semaphore, #tpu.memory_space<semaphore_mem>>)
        %dma_wait3A_48 = tpu.memref_slice %arg7[%mul3A_45] : memref<10000xi32, #tpu.memory_space<hbm>> -> memref<80xi32, #tpu.memory_space<hbm>>
        %dma_wait3A_49 = tpu.memref_slice %arg7[%mul3A_45] : memref<10000xi32, #tpu.memory_space<hbm>> -> memref<80xi32, #tpu.memory_space<hbm>>
        tpu.wait_dma2 semaphore(%run_scoped3A : memref<!tpu.dma_semaphore, #tpu.memory_space<semaphore_mem>>) src(%dma_wait3A_49 : memref<80xi32, #tpu.memory_space<hbm>>) dst(%arg14 : memref<80xi32, #tpu.memory_space<vmem>>)
        tpu.yield
      }) : () -> ()
      "tpu.region"() ({
        %run_scoped3A = tpu.sem_alloc : memref<!tpu.dma_semaphore, #tpu.memory_space<semaphore_mem>>
        %dma_start3A_46 = arith.constant 0 : i32
        %dma_start3A_47 = arith.constant 0 : i32
        %dma_start3A_48 = tpu.memref_slice %arg9[%dma_start3A_46, %dma_start3A_47] : memref<10000x128xf32, #tpu.memory_space<vmem_shared>> -> memref<10000x128xf32, #tpu.memory_space<vmem_shared>>
        tpu.enqueue_indirect_dma source(%arg12 : memref<80x128xf32, #tpu.memory_space<vmem>>) target(%dma_start3A_48 : memref<10000x128xf32, #tpu.memory_space<vmem_shared>>) offsets(%arg14 : memref<80xi32, #tpu.memory_space<vmem>>) semaphore(%run_scoped3A : memref<!tpu.dma_semaphore, #tpu.memory_space<semaphore_mem>>)
        %dma_wait3A_49 = arith.constant 0 : i32
        %dma_wait3A_50 = arith.constant 0 : i32
        %dma_wait3A_51 = tpu.memref_slice %arg9[%dma_wait3A_49, %dma_wait3A_50] : memref<10000x128xf32, #tpu.memory_space<vmem_shared>> -> memref<10000x128xf32, #tpu.memory_space<vmem_shared>>
        tpu.wait_indirect_dma semaphore(%run_scoped3A : memref<!tpu.dma_semaphore, #tpu.memory_space<semaphore_mem>>) src(%arg12 : memref<80x128xf32, #tpu.memory_space<vmem>>) dst(%dma_wait3A_51 : memref<10000x128xf32, #tpu.memory_space<vmem_shared>>)
        tpu.yield
      }) : () -> ()
    }
    %while3A_11 = arith.constant 1 : i32
    scf.for %while3A_40 = %while3A_9 to %while3A_5 step %while3A_11  : i32 {
      %mul3A_41 = arith.constant 8 : i32
      %mul3A_42 = arith.muli %arg1, %mul3A_41 : i32
      %add3A_43 = arith.addi %mul3A_42, %while3A_40 : i32
      %mul3A_44 = arith.constant 80 : i32
      %mul3A_45 = arith.muli %add3A_43, %mul3A_44 : i32
      "tpu.region"() ({
        %run_scoped3A = tpu.sem_alloc : memref<!tpu.dma_semaphore, #tpu.memory_space<semaphore_mem>>
        %dma_start3A_46 = tpu.memref_slice %arg7[%mul3A_45] : memref<10000xi32, #tpu.memory_space<hbm>> -> memref<80xi32, #tpu.memory_space<hbm>>
        %dma_start3A_47 = tpu.memref_slice %arg7[%mul3A_45] : memref<10000xi32, #tpu.memory_space<hbm>> -> memref<80xi32, #tpu.memory_space<hbm>>
        tpu.enqueue_dma source(%dma_start3A_47 : memref<80xi32, #tpu.memory_space<hbm>>) target(%arg14 : memref<80xi32, #tpu.memory_space<vmem>>) target_semaphore(%run_scoped3A : memref<!tpu.dma_semaphore, #tpu.memory_space<semaphore_mem>>)
        %dma_wait3A_48 = tpu.memref_slice %arg7[%mul3A_45] : memref<10000xi32, #tpu.memory_space<hbm>> -> memref<80xi32, #tpu.memory_space<hbm>>
        %dma_wait3A_49 = tpu.memref_slice %arg7[%mul3A_45] : memref<10000xi32, #tpu.memory_space<hbm>> -> memref<80xi32, #tpu.memory_space<hbm>>
        tpu.wait_dma2 semaphore(%run_scoped3A : memref<!tpu.dma_semaphore, #tpu.memory_space<semaphore_mem>>) src(%dma_wait3A_49 : memref<80xi32, #tpu.memory_space<hbm>>) dst(%arg14 : memref<80xi32, #tpu.memory_space<vmem>>)
        tpu.yield
      }) : () -> ()
      "tpu.region"() ({
        %run_scoped3A = tpu.sem_alloc : memref<!tpu.dma_semaphore, #tpu.memory_space<semaphore_mem>>
        %dma_start3A_46 = arith.constant 0 : i32
        %dma_start3A_47 = arith.constant 0 : i32
        %dma_start3A_48 = tpu.memref_slice %arg9[%dma_start3A_46, %dma_start3A_47] : memref<10000x128xf32, #tpu.memory_space<vmem_shared>> -> memref<10000x128xf32, #tpu.memory_space<vmem_shared>>
        tpu.enqueue_indirect_dma source(%arg12 : memref<80x128xf32, #tpu.memory_space<vmem>>) target(%dma_start3A_48 : memref<10000x128xf32, #tpu.memory_space<vmem_shared>>) offsets(%arg14 : memref<80xi32, #tpu.memory_space<vmem>>) semaphore(%run_scoped3A : memref<!tpu.dma_semaphore, #tpu.memory_space<semaphore_mem>>)
        %dma_wait3A_49 = arith.constant 0 : i32
        %dma_wait3A_50 = arith.constant 0 : i32
        %dma_wait3A_51 = tpu.memref_slice %arg9[%dma_wait3A_49, %dma_wait3A_50] : memref<10000x128xf32, #tpu.memory_space<vmem_shared>> -> memref<10000x128xf32, #tpu.memory_space<vmem_shared>>
        tpu.wait_indirect_dma semaphore(%run_scoped3A : memref<!tpu.dma_semaphore, #tpu.memory_space<semaphore_mem>>) src(%arg12 : memref<80x128xf32, #tpu.memory_space<vmem>>) dst(%dma_wait3A_51 : memref<10000x128xf32, #tpu.memory_space<vmem_shared>>)
        tpu.yield
      }) : () -> ()
    }
    %barrier3A = arith.constant 0 : index
    tpu.barrier barrier_id(%barrier3A)
    %mul3A_12 = arith.constant 10000 : i32
    %mul3A_13 = arith.muli %add3A, %mul3A_12 : i32
    "tpu.region"() ({
      %run_scoped3A = tpu.sem_alloc : memref<!tpu.dma_semaphore, #tpu.memory_space<semaphore_mem>>
      %dma_start3A_40 = tpu.memref_slice %arg3[%mul3A_13] : memref<320000xi32, #tpu.memory_space<hbm>> -> memref<320xi32, #tpu.memory_space<hbm>>
      %dma_start3A_41 = tpu.memref_slice %arg3[%mul3A_13] : memref<320000xi32, #tpu.memory_space<hbm>> -> memref<320xi32, #tpu.memory_space<hbm>>
      tpu.enqueue_dma source(%dma_start3A_41 : memref<320xi32, #tpu.memory_space<hbm>>) target(%arg10 : memref<320xi32, #tpu.memory_space<vmem>>) target_semaphore(%run_scoped3A : memref<!tpu.dma_semaphore, #tpu.memory_space<semaphore_mem>>)
      %dma_wait3A_42 = tpu.memref_slice %arg3[%mul3A_13] : memref<320000xi32, #tpu.memory_space<hbm>> -> memref<320xi32, #tpu.memory_space<hbm>>
      %dma_wait3A_43 = tpu.memref_slice %arg3[%mul3A_13] : memref<320000xi32, #tpu.memory_space<hbm>> -> memref<320xi32, #tpu.memory_space<hbm>>
      tpu.wait_dma2 semaphore(%run_scoped3A : memref<!tpu.dma_semaphore, #tpu.memory_space<semaphore_mem>>) src(%dma_wait3A_43 : memref<320xi32, #tpu.memory_space<hbm>>) dst(%arg10 : memref<320xi32, #tpu.memory_space<vmem>>)
      tpu.yield
    }) : () -> ()
    %add3A_14 = arith.constant 0 : i32
    %add3A_15 = arith.addi %mul3A_13, %add3A_14 : i32
    "tpu.region"() ({
      %run_scoped3A = tpu.sem_alloc : memref<!tpu.dma_semaphore, #tpu.memory_space<semaphore_mem>>
      %dma_start3A_40 = tpu.memref_slice %arg4[%add3A_15] : memref<320000xi32, #tpu.memory_space<hbm>> -> memref<80xi32, #tpu.memory_space<hbm>>
      %dma_start3A_41 = tpu.memref_slice %arg4[%add3A_15] : memref<320000xi32, #tpu.memory_space<hbm>> -> memref<80xi32, #tpu.memory_space<hbm>>
      tpu.enqueue_dma source(%dma_start3A_41 : memref<80xi32, #tpu.memory_space<hbm>>) target(%arg11 : memref<80xi32, #tpu.memory_space<vmem>>) target_semaphore(%run_scoped3A : memref<!tpu.dma_semaphore, #tpu.memory_space<semaphore_mem>>)
      %dma_wait3A_42 = tpu.memref_slice %arg4[%add3A_15] : memref<320000xi32, #tpu.memory_space<hbm>> -> memref<80xi32, #tpu.memory_space<hbm>>
      %dma_wait3A_43 = tpu.memref_slice %arg4[%add3A_15] : memref<320000xi32, #tpu.memory_space<hbm>> -> memref<80xi32, #tpu.memory_space<hbm>>
      tpu.wait_dma2 semaphore(%run_scoped3A : memref<!tpu.dma_semaphore, #tpu.memory_space<semaphore_mem>>) src(%dma_wait3A_43 : memref<80xi32, #tpu.memory_space<hbm>>) dst(%arg11 : memref<80xi32, #tpu.memory_space<vmem>>)
      tpu.yield
    }) : () -> ()
    %dma_start3A = arith.constant 0 : i32
    %dma_start3A_16 = tpu.memref_slice %arg10[%dma_start3A] : memref<320xi32, #tpu.memory_space<vmem>> -> memref<80xi32, #tpu.memory_space<vmem>>
    %dma_start3A_17 = arith.constant 0 : i32
    %dma_start3A_18 = arith.constant 0 : i32
    %dma_start3A_19 = tpu.memref_slice %arg2[%dma_start3A_17, %dma_start3A_18] : memref<10000x128xf32, #tpu.memory_space<hbm>> -> memref<10000x128xf32, #tpu.memory_space<hbm>>
    tpu.enqueue_indirect_dma source(%dma_start3A_19 : memref<10000x128xf32, #tpu.memory_space<hbm>>) target(%arg12 : memref<80x128xf32, #tpu.memory_space<vmem>>) offsets(%dma_start3A_16 : memref<80xi32, #tpu.memory_space<vmem>>) semaphore(%arg13 : memref<!tpu.dma_semaphore, #tpu.memory_space<semaphore_mem>>)
    %scan3A = arith.constant 0 : i32
    %scan3A_20 = arith.constant 0 : i32
    %scan3A_21 = arith.constant 31 : i32
    %scan3A_22 = arith.addi %scan3A_20, %scan3A_21 : i32
    %scan3A_23 = arith.constant 1 : i32
    scf.for %scan3A_40 = %scan3A_20 to %scan3A_22 step %scan3A_23  : i32 {
      %mul3A_41 = arith.constant 4 : i32
      %mul3A_42 = arith.muli %mul3A_41, %scan3A_40 : i32
      %dma_start3A_43 = arith.constant 80 : i32
      %dma_start3A_44 = tpu.memref_slice %arg10[%dma_start3A_43] : memref<320xi32, #tpu.memory_space<vmem>> -> memref<80xi32, #tpu.memory_space<vmem>>
      %dma_start3A_45 = arith.constant 0 : i32
      %dma_start3A_46 = arith.constant 0 : i32
      %dma_start3A_47 = tpu.memref_slice %arg2[%dma_start3A_45, %dma_start3A_46] : memref<10000x128xf32, #tpu.memory_space<hbm>> -> memref<10000x128xf32, #tpu.memory_space<hbm>>
      tpu.enqueue_indirect_dma source(%dma_start3A_47 : memref<10000x128xf32, #tpu.memory_space<hbm>>) target(%arg17 : memref<80x128xf32, #tpu.memory_space<vmem>>) offsets(%dma_start3A_44 : memref<80xi32, #tpu.memory_space<vmem>>) semaphore(%arg18 : memref<!tpu.dma_semaphore, #tpu.memory_space<semaphore_mem>>)
      %add3A_48 = arith.constant 1 : i32
      %add3A_49 = arith.addi %mul3A_42, %add3A_48 : i32
      %mul3A_50 = arith.constant 80 : i32
      %mul3A_51 = arith.muli %add3A_49, %mul3A_50 : i32
      %add3A_52 = arith.addi %mul3A_13, %mul3A_51 : i32
      "tpu.region"() ({
        %run_scoped3A = tpu.sem_alloc : memref<!tpu.dma_semaphore, #tpu.memory_space<semaphore_mem>>
        %dma_start3A_112 = tpu.memref_slice %arg4[%add3A_52] : memref<320000xi32, #tpu.memory_space<hbm>> -> memref<80xi32, #tpu.memory_space<hbm>>
        %dma_start3A_113 = tpu.memref_slice %arg4[%add3A_52] : memref<320000xi32, #tpu.memory_space<hbm>> -> memref<80xi32, #tpu.memory_space<hbm>>
        tpu.enqueue_dma source(%dma_start3A_113 : memref<80xi32, #tpu.memory_space<hbm>>) target(%arg16 : memref<80xi32, #tpu.memory_space<vmem>>) target_semaphore(%run_scoped3A : memref<!tpu.dma_semaphore, #tpu.memory_space<semaphore_mem>>)
        %dma_wait3A_114 = tpu.memref_slice %arg4[%add3A_52] : memref<320000xi32, #tpu.memory_space<hbm>> -> memref<80xi32, #tpu.memory_space<hbm>>
        %dma_wait3A_115 = tpu.memref_slice %arg4[%add3A_52] : memref<320000xi32, #tpu.memory_space<hbm>> -> memref<80xi32, #tpu.memory_space<hbm>>
        tpu.wait_dma2 semaphore(%run_scoped3A : memref<!tpu.dma_semaphore, #tpu.memory_space<semaphore_mem>>) src(%dma_wait3A_115 : memref<80xi32, #tpu.memory_space<hbm>>) dst(%arg16 : memref<80xi32, #tpu.memory_space<vmem>>)
        tpu.yield
      }) : () -> ()
      %dma_wait3A_53 = arith.constant 0 : i32
      %dma_wait3A_54 = tpu.memref_slice %arg10[%dma_wait3A_53] : memref<320xi32, #tpu.memory_space<vmem>> -> memref<80xi32, #tpu.memory_space<vmem>>
      %dma_wait3A_55 = arith.constant 0 : i32
      %dma_wait3A_56 = arith.constant 0 : i32
      %dma_wait3A_57 = tpu.memref_slice %arg2[%dma_wait3A_55, %dma_wait3A_56] : memref<10000x128xf32, #tpu.memory_space<hbm>> -> memref<10000x128xf32, #tpu.memory_space<hbm>>
      tpu.wait_indirect_dma semaphore(%arg13 : memref<!tpu.dma_semaphore, #tpu.memory_space<semaphore_mem>>) src(%dma_wait3A_57 : memref<10000x128xf32, #tpu.memory_space<hbm>>) dst(%arg12 : memref<80x128xf32, #tpu.memory_space<vmem>>)
      "tpu.region"() ({
        %run_scoped3A = tpu.sem_alloc : memref<!tpu.dma_semaphore, #tpu.memory_space<semaphore_mem>>
        %dma_start3A_112 = arith.constant 0 : i32
        %dma_start3A_113 = arith.constant 0 : i32
        %dma_start3A_114 = tpu.memref_slice %arg9[%dma_start3A_112, %dma_start3A_113] : memref<10000x128xf32, #tpu.memory_space<vmem_shared>> -> memref<10000x128xf32, #tpu.memory_space<vmem_shared>>
        tpu.enqueue_indirect_dma source(%arg12 : memref<80x128xf32, #tpu.memory_space<vmem>>) target(%dma_start3A_114 : memref<10000x128xf32, #tpu.memory_space<vmem_shared>>) offsets(%arg11 : memref<80xi32, #tpu.memory_space<vmem>>) semaphore(%run_scoped3A : memref<!tpu.dma_semaphore, #tpu.memory_space<semaphore_mem>>) {add = true}
        %dma_wait3A_115 = arith.constant 0 : i32
        %dma_wait3A_116 = arith.constant 0 : i32
        %dma_wait3A_117 = tpu.memref_slice %arg9[%dma_wait3A_115, %dma_wait3A_116] : memref<10000x128xf32, #tpu.memory_space<vmem_shared>> -> memref<10000x128xf32, #tpu.memory_space<vmem_shared>>
        tpu.wait_indirect_dma semaphore(%run_scoped3A : memref<!tpu.dma_semaphore, #tpu.memory_space<semaphore_mem>>) src(%arg12 : memref<80x128xf32, #tpu.memory_space<vmem>>) dst(%dma_wait3A_117 : memref<10000x128xf32, #tpu.memory_space<vmem_shared>>)
        tpu.yield
      }) : () -> ()
      %dma_start3A_58 = arith.constant 160 : i32
      %dma_start3A_59 = tpu.memref_slice %arg10[%dma_start3A_58] : memref<320xi32, #tpu.memory_space<vmem>> -> memref<80xi32, #tpu.memory_space<vmem>>
      %dma_start3A_60 = arith.constant 0 : i32
      %dma_start3A_61 = arith.constant 0 : i32
      %dma_start3A_62 = tpu.memref_slice %arg2[%dma_start3A_60, %dma_start3A_61] : memref<10000x128xf32, #tpu.memory_space<hbm>> -> memref<10000x128xf32, #tpu.memory_space<hbm>>
      tpu.enqueue_indirect_dma source(%dma_start3A_62 : memref<10000x128xf32, #tpu.memory_space<hbm>>) target(%arg12 : memref<80x128xf32, #tpu.memory_space<vmem>>) offsets(%dma_start3A_59 : memref<80xi32, #tpu.memory_space<vmem>>) semaphore(%arg13 : memref<!tpu.dma_semaphore, #tpu.memory_space<semaphore_mem>>)
      %add3A_63 = arith.constant 2 : i32
      %add3A_64 = arith.addi %mul3A_42, %add3A_63 : i32
      %mul3A_65 = arith.constant 80 : i32
      %mul3A_66 = arith.muli %add3A_64, %mul3A_65 : i32
      %add3A_67 = arith.addi %mul3A_13, %mul3A_66 : i32
      "tpu.region"() ({
        %run_scoped3A = tpu.sem_alloc : memref<!tpu.dma_semaphore, #tpu.memory_space<semaphore_mem>>
        %dma_start3A_112 = tpu.memref_slice %arg4[%add3A_67] : memref<320000xi32, #tpu.memory_space<hbm>> -> memref<80xi32, #tpu.memory_space<hbm>>
        %dma_start3A_113 = tpu.memref_slice %arg4[%add3A_67] : memref<320000xi32, #tpu.memory_space<hbm>> -> memref<80xi32, #tpu.memory_space<hbm>>
        tpu.enqueue_dma source(%dma_start3A_113 : memref<80xi32, #tpu.memory_space<hbm>>) target(%arg11 : memref<80xi32, #tpu.memory_space<vmem>>) target_semaphore(%run_scoped3A : memref<!tpu.dma_semaphore, #tpu.memory_space<semaphore_mem>>)
        %dma_wait3A_114 = tpu.memref_slice %arg4[%add3A_67] : memref<320000xi32, #tpu.memory_space<hbm>> -> memref<80xi32, #tpu.memory_space<hbm>>
        %dma_wait3A_115 = tpu.memref_slice %arg4[%add3A_67] : memref<320000xi32, #tpu.memory_space<hbm>> -> memref<80xi32, #tpu.memory_space<hbm>>
        tpu.wait_dma2 semaphore(%run_scoped3A : memref<!tpu.dma_semaphore, #tpu.memory_space<semaphore_mem>>) src(%dma_wait3A_115 : memref<80xi32, #tpu.memory_space<hbm>>) dst(%arg11 : memref<80xi32, #tpu.memory_space<vmem>>)
        tpu.yield
      }) : () -> ()
      %dma_wait3A_68 = arith.constant 80 : i32
      %dma_wait3A_69 = tpu.memref_slice %arg10[%dma_wait3A_68] : memref<320xi32, #tpu.memory_space<vmem>> -> memref<80xi32, #tpu.memory_space<vmem>>
      %dma_wait3A_70 = arith.constant 0 : i32
      %dma_wait3A_71 = arith.constant 0 : i32
      %dma_wait3A_72 = tpu.memref_slice %arg2[%dma_wait3A_70, %dma_wait3A_71] : memref<10000x128xf32, #tpu.memory_space<hbm>> -> memref<10000x128xf32, #tpu.memory_space<hbm>>
      tpu.wait_indirect_dma semaphore(%arg18 : memref<!tpu.dma_semaphore, #tpu.memory_space<semaphore_mem>>) src(%dma_wait3A_72 : memref<10000x128xf32, #tpu.memory_space<hbm>>) dst(%arg17 : memref<80x128xf32, #tpu.memory_space<vmem>>)
      "tpu.region"() ({
        %run_scoped3A = tpu.sem_alloc : memref<!tpu.dma_semaphore, #tpu.memory_space<semaphore_mem>>
        %dma_start3A_112 = arith.constant 0 : i32
        %dma_start3A_113 = arith.constant 0 : i32
        %dma_start3A_114 = tpu.memref_slice %arg9[%dma_start3A_112, %dma_start3A_113] : memref<10000x128xf32, #tpu.memory_space<vmem_shared>> -> memref<10000x128xf32, #tpu.memory_space<vmem_shared>>
        tpu.enqueue_indirect_dma source(%arg17 : memref<80x128xf32, #tpu.memory_space<vmem>>) target(%dma_start3A_114 : memref<10000x128xf32, #tpu.memory_space<vmem_shared>>) offsets(%arg16 : memref<80xi32, #tpu.memory_space<vmem>>) semaphore(%run_scoped3A : memref<!tpu.dma_semaphore, #tpu.memory_space<semaphore_mem>>) {add = true}
        %dma_wait3A_115 = arith.constant 0 : i32
        %dma_wait3A_116 = arith.constant 0 : i32
        %dma_wait3A_117 = tpu.memref_slice %arg9[%dma_wait3A_115, %dma_wait3A_116] : memref<10000x128xf32, #tpu.memory_space<vmem_shared>> -> memref<10000x128xf32, #tpu.memory_space<vmem_shared>>
        tpu.wait_indirect_dma semaphore(%run_scoped3A : memref<!tpu.dma_semaphore, #tpu.memory_space<semaphore_mem>>) src(%arg17 : memref<80x128xf32, #tpu.memory_space<vmem>>) dst(%dma_wait3A_117 : memref<10000x128xf32, #tpu.memory_space<vmem_shared>>)
        tpu.yield
      }) : () -> ()
      %dma_start3A_73 = arith.constant 240 : i32
      %dma_start3A_74 = tpu.memref_slice %arg10[%dma_start3A_73] : memref<320xi32, #tpu.memory_space<vmem>> -> memref<80xi32, #tpu.memory_space<vmem>>
      %dma_start3A_75 = arith.constant 0 : i32
      %dma_start3A_76 = arith.constant 0 : i32
      %dma_start3A_77 = tpu.memref_slice %arg2[%dma_start3A_75, %dma_start3A_76] : memref<10000x128xf32, #tpu.memory_space<hbm>> -> memref<10000x128xf32, #tpu.memory_space<hbm>>
      tpu.enqueue_indirect_dma source(%dma_start3A_77 : memref<10000x128xf32, #tpu.memory_space<hbm>>) target(%arg17 : memref<80x128xf32, #tpu.memory_space<vmem>>) offsets(%dma_start3A_74 : memref<80xi32, #tpu.memory_space<vmem>>) semaphore(%arg18 : memref<!tpu.dma_semaphore, #tpu.memory_space<semaphore_mem>>)
      %add3A_78 = arith.constant 3 : i32
      %add3A_79 = arith.addi %mul3A_42, %add3A_78 : i32
      %mul3A_80 = arith.constant 80 : i32
      %mul3A_81 = arith.muli %add3A_79, %mul3A_80 : i32
      %add3A_82 = arith.addi %mul3A_13, %mul3A_81 : i32
      "tpu.region"() ({
        %run_scoped3A = tpu.sem_alloc : memref<!tpu.dma_semaphore, #tpu.memory_space<semaphore_mem>>
        %dma_start3A_112 = tpu.memref_slice %arg4[%add3A_82] : memref<320000xi32, #tpu.memory_space<hbm>> -> memref<80xi32, #tpu.memory_space<hbm>>
        %dma_start3A_113 = tpu.memref_slice %arg4[%add3A_82] : memref<320000xi32, #tpu.memory_space<hbm>> -> memref<80xi32, #tpu.memory_space<hbm>>
        tpu.enqueue_dma source(%dma_start3A_113 : memref<80xi32, #tpu.memory_space<hbm>>) target(%arg16 : memref<80xi32, #tpu.memory_space<vmem>>) target_semaphore(%run_scoped3A : memref<!tpu.dma_semaphore, #tpu.memory_space<semaphore_mem>>)
        %dma_wait3A_114 = tpu.memref_slice %arg4[%add3A_82] : memref<320000xi32, #tpu.memory_space<hbm>> -> memref<80xi32, #tpu.memory_space<hbm>>
        %dma_wait3A_115 = tpu.memref_slice %arg4[%add3A_82] : memref<320000xi32, #tpu.memory_space<hbm>> -> memref<80xi32, #tpu.memory_space<hbm>>
        tpu.wait_dma2 semaphore(%run_scoped3A : memref<!tpu.dma_semaphore, #tpu.memory_space<semaphore_mem>>) src(%dma_wait3A_115 : memref<80xi32, #tpu.memory_space<hbm>>) dst(%arg16 : memref<80xi32, #tpu.memory_space<vmem>>)
        tpu.yield
      }) : () -> ()
      %dma_wait3A_83 = arith.constant 160 : i32
      %dma_wait3A_84 = tpu.memref_slice %arg10[%dma_wait3A_83] : memref<320xi32, #tpu.memory_space<vmem>> -> memref<80xi32, #tpu.memory_space<vmem>>
      %dma_wait3A_85 = arith.constant 0 : i32
      %dma_wait3A_86 = arith.constant 0 : i32
      %dma_wait3A_87 = tpu.memref_slice %arg2[%dma_wait3A_85, %dma_wait3A_86] : memref<10000x128xf32, #tpu.memory_space<hbm>> -> memref<10000x128xf32, #tpu.memory_space<hbm>>
      tpu.wait_indirect_dma semaphore(%arg13 : memref<!tpu.dma_semaphore, #tpu.memory_space<semaphore_mem>>) src(%dma_wait3A_87 : memref<10000x128xf32, #tpu.memory_space<hbm>>) dst(%arg12 : memref<80x128xf32, #tpu.memory_space<vmem>>)
      "tpu.region"() ({
        %run_scoped3A = tpu.sem_alloc : memref<!tpu.dma_semaphore, #tpu.memory_space<semaphore_mem>>
        %dma_start3A_112 = arith.constant 0 : i32
        %dma_start3A_113 = arith.constant 0 : i32
        %dma_start3A_114 = tpu.memref_slice %arg9[%dma_start3A_112, %dma_start3A_113] : memref<10000x128xf32, #tpu.memory_space<vmem_shared>> -> memref<10000x128xf32, #tpu.memory_space<vmem_shared>>
        tpu.enqueue_indirect_dma source(%arg12 : memref<80x128xf32, #tpu.memory_space<vmem>>) target(%dma_start3A_114 : memref<10000x128xf32, #tpu.memory_space<vmem_shared>>) offsets(%arg11 : memref<80xi32, #tpu.memory_space<vmem>>) semaphore(%run_scoped3A : memref<!tpu.dma_semaphore, #tpu.memory_space<semaphore_mem>>) {add = true}
        %dma_wait3A_115 = arith.constant 0 : i32
        %dma_wait3A_116 = arith.constant 0 : i32
        %dma_wait3A_117 = tpu.memref_slice %arg9[%dma_wait3A_115, %dma_wait3A_116] : memref<10000x128xf32, #tpu.memory_space<vmem_shared>> -> memref<10000x128xf32, #tpu.memory_space<vmem_shared>>
        tpu.wait_indirect_dma semaphore(%run_scoped3A : memref<!tpu.dma_semaphore, #tpu.memory_space<semaphore_mem>>) src(%arg12 : memref<80x128xf32, #tpu.memory_space<vmem>>) dst(%dma_wait3A_117 : memref<10000x128xf32, #tpu.memory_space<vmem_shared>>)
        tpu.yield
      }) : () -> ()
      %dma_wait3A_88 = arith.constant 240 : i32
      %dma_wait3A_89 = tpu.memref_slice %arg10[%dma_wait3A_88] : memref<320xi32, #tpu.memory_space<vmem>> -> memref<80xi32, #tpu.memory_space<vmem>>
      %dma_wait3A_90 = arith.constant 0 : i32
      %dma_wait3A_91 = arith.constant 0 : i32
      %dma_wait3A_92 = tpu.memref_slice %arg2[%dma_wait3A_90, %dma_wait3A_91] : memref<10000x128xf32, #tpu.memory_space<hbm>> -> memref<10000x128xf32, #tpu.memory_space<hbm>>
      tpu.wait_indirect_dma semaphore(%arg18 : memref<!tpu.dma_semaphore, #tpu.memory_space<semaphore_mem>>) src(%dma_wait3A_92 : memref<10000x128xf32, #tpu.memory_space<hbm>>) dst(%arg17 : memref<80x128xf32, #tpu.memory_space<vmem>>)
      "tpu.region"() ({
        %run_scoped3A = tpu.sem_alloc : memref<!tpu.dma_semaphore, #tpu.memory_space<semaphore_mem>>
        %dma_start3A_112 = arith.constant 0 : i32
        %dma_start3A_113 = arith.constant 0 : i32
        %dma_start3A_114 = tpu.memref_slice %arg9[%dma_start3A_112, %dma_start3A_113] : memref<10000x128xf32, #tpu.memory_space<vmem_shared>> -> memref<10000x128xf32, #tpu.memory_space<vmem_shared>>
        tpu.enqueue_indirect_dma source(%arg17 : memref<80x128xf32, #tpu.memory_space<vmem>>) target(%dma_start3A_114 : memref<10000x128xf32, #tpu.memory_space<vmem_shared>>) offsets(%arg16 : memref<80xi32, #tpu.memory_space<vmem>>) semaphore(%run_scoped3A : memref<!tpu.dma_semaphore, #tpu.memory_space<semaphore_mem>>) {add = true}
        %dma_wait3A_115 = arith.constant 0 : i32
        %dma_wait3A_116 = arith.constant 0 : i32
        %dma_wait3A_117 = tpu.memref_slice %arg9[%dma_wait3A_115, %dma_wait3A_116] : memref<10000x128xf32, #tpu.memory_space<vmem_shared>> -> memref<10000x128xf32, #tpu.memory_space<vmem_shared>>
        tpu.wait_indirect_dma semaphore(%run_scoped3A : memref<!tpu.dma_semaphore, #tpu.memory_space<semaphore_mem>>) src(%arg17 : memref<80x128xf32, #tpu.memory_space<vmem>>) dst(%dma_wait3A_117 : memref<10000x128xf32, #tpu.memory_space<vmem_shared>>)
        tpu.yield
      }) : () -> ()
      %add3A_93 = arith.constant 4 : i32
      %add3A_94 = arith.addi %mul3A_42, %add3A_93 : i32
      %min3A = arith.constant 121 : i32
      %min3A_95 = arith.minsi %add3A_94, %min3A : i32
      %mul3A_96 = arith.constant 80 : i32
      %mul3A_97 = arith.muli %min3A_95, %mul3A_96 : i32
      %add3A_98 = arith.addi %mul3A_13, %mul3A_97 : i32
      "tpu.region"() ({
        %run_scoped3A = tpu.sem_alloc : memref<!tpu.dma_semaphore, #tpu.memory_space<semaphore_mem>>
        %dma_start3A_112 = tpu.memref_slice %arg3[%add3A_98] : memref<320000xi32, #tpu.memory_space<hbm>> -> memref<320xi32, #tpu.memory_space<hbm>>
        %dma_start3A_113 = tpu.memref_slice %arg3[%add3A_98] : memref<320000xi32, #tpu.memory_space<hbm>> -> memref<320xi32, #tpu.memory_space<hbm>>
        tpu.enqueue_dma source(%dma_start3A_113 : memref<320xi32, #tpu.memory_space<hbm>>) target(%arg10 : memref<320xi32, #tpu.memory_space<vmem>>) target_semaphore(%run_scoped3A : memref<!tpu.dma_semaphore, #tpu.memory_space<semaphore_mem>>)
        %dma_wait3A_114 = tpu.memref_slice %arg3[%add3A_98] : memref<320000xi32, #tpu.memory_space<hbm>> -> memref<320xi32, #tpu.memory_space<hbm>>
        %dma_wait3A_115 = tpu.memref_slice %arg3[%add3A_98] : memref<320000xi32, #tpu.memory_space<hbm>> -> memref<320xi32, #tpu.memory_space<hbm>>
        tpu.wait_dma2 semaphore(%run_scoped3A : memref<!tpu.dma_semaphore, #tpu.memory_space<semaphore_mem>>) src(%dma_wait3A_115 : memref<320xi32, #tpu.memory_space<hbm>>) dst(%arg10 : memref<320xi32, #tpu.memory_space<vmem>>)
        tpu.yield
      }) : () -> ()
      %add3A_99 = arith.constant 4 : i32
      %add3A_100 = arith.addi %mul3A_42, %add3A_99 : i32
      %sub3A = arith.subi %add3A_100, %min3A_95 : i32
      %mul3A_101 = arith.constant 80 : i32
      %mul3A_102 = arith.muli %sub3A, %mul3A_101 : i32
      %add3A_103 = arith.constant 4 : i32
      %add3A_104 = arith.addi %mul3A_42, %add3A_103 : i32
      %mul3A_105 = arith.constant 80 : i32
      %mul3A_106 = arith.muli %add3A_104, %mul3A_105 : i32
      %add3A_107 = arith.addi %mul3A_13, %mul3A_106 : i32
      "tpu.region"() ({
        %run_scoped3A = tpu.sem_alloc : memref<!tpu.dma_semaphore, #tpu.memory_space<semaphore_mem>>
        %dma_start3A_112 = tpu.memref_slice %arg4[%add3A_107] : memref<320000xi32, #tpu.memory_space<hbm>> -> memref<80xi32, #tpu.memory_space<hbm>>
        %dma_start3A_113 = tpu.memref_slice %arg4[%add3A_107] : memref<320000xi32, #tpu.memory_space<hbm>> -> memref<80xi32, #tpu.memory_space<hbm>>
        tpu.enqueue_dma source(%dma_start3A_113 : memref<80xi32, #tpu.memory_space<hbm>>) target(%arg11 : memref<80xi32, #tpu.memory_space<vmem>>) target_semaphore(%run_scoped3A : memref<!tpu.dma_semaphore, #tpu.memory_space<semaphore_mem>>)
        %dma_wait3A_114 = tpu.memref_slice %arg4[%add3A_107] : memref<320000xi32, #tpu.memory_space<hbm>> -> memref<80xi32, #tpu.memory_space<hbm>>
        %dma_wait3A_115 = tpu.memref_slice %arg4[%add3A_107] : memref<320000xi32, #tpu.memory_space<hbm>> -> memref<80xi32, #tpu.memory_space<hbm>>
        tpu.wait_dma2 semaphore(%run_scoped3A : memref<!tpu.dma_semaphore, #tpu.memory_space<semaphore_mem>>) src(%dma_wait3A_115 : memref<80xi32, #tpu.memory_space<hbm>>) dst(%arg11 : memref<80xi32, #tpu.memory_space<vmem>>)
        tpu.yield
      }) : () -> ()
      %dma_start3A_108 = tpu.memref_slice %arg10[%mul3A_102] : memref<320xi32, #tpu.memory_space<vmem>> -> memref<80xi32, #tpu.memory_space<vmem>>
      %dma_start3A_109 = arith.constant 0 : i32
      %dma_start3A_110 = arith.constant 0 : i32
      %dma_start3A_111 = tpu.memref_slice %arg2[%dma_start3A_109, %dma_start3A_110] : memref<10000x128xf32, #tpu.memory_space<hbm>> -> memref<10000x128xf32, #tpu.memory_space<hbm>>
      tpu.enqueue_indirect_dma source(%dma_start3A_111 : memref<10000x128xf32, #tpu.memory_space<hbm>>) target(%arg12 : memref<80x128xf32, #tpu.memory_space<vmem>>) offsets(%dma_start3A_108 : memref<80xi32, #tpu.memory_space<vmem>>) semaphore(%arg13 : memref<!tpu.dma_semaphore, #tpu.memory_space<semaphore_mem>>)
    }
    %scan3A_24 = arith.constant 31 : i32
    %dma_wait3A = arith.constant 240 : i32
    %dma_wait3A_25 = tpu.memref_slice %arg10[%dma_wait3A] : memref<320xi32, #tpu.memory_space<vmem>> -> memref<80xi32, #tpu.memory_space<vmem>>
    %dma_wait3A_26 = arith.constant 0 : i32
    %dma_wait3A_27 = arith.constant 0 : i32
    %dma_wait3A_28 = tpu.memref_slice %arg2[%dma_wait3A_26, %dma_wait3A_27] : memref<10000x128xf32, #tpu.memory_space<hbm>> -> memref<10000x128xf32, #tpu.memory_space<hbm>>
    tpu.wait_indirect_dma semaphore(%arg13 : memref<!tpu.dma_semaphore, #tpu.memory_space<semaphore_mem>>) src(%dma_wait3A_28 : memref<10000x128xf32, #tpu.memory_space<hbm>>) dst(%arg12 : memref<80x128xf32, #tpu.memory_space<vmem>>)
    "tpu.region"() ({
      %run_scoped3A = tpu.sem_alloc : memref<!tpu.dma_semaphore, #tpu.memory_space<semaphore_mem>>
      %dma_start3A_40 = arith.constant 0 : i32
      %dma_start3A_41 = arith.constant 0 : i32
      %dma_start3A_42 = tpu.memref_slice %arg9[%dma_start3A_40, %dma_start3A_41] : memref<10000x128xf32, #tpu.memory_space<vmem_shared>> -> memref<10000x128xf32, #tpu.memory_space<vmem_shared>>
      tpu.enqueue_indirect_dma source(%arg12 : memref<80x128xf32, #tpu.memory_space<vmem>>) target(%dma_start3A_42 : memref<10000x128xf32, #tpu.memory_space<vmem_shared>>) offsets(%arg11 : memref<80xi32, #tpu.memory_space<vmem>>) semaphore(%run_scoped3A : memref<!tpu.dma_semaphore, #tpu.memory_space<semaphore_mem>>) {add = true}
      %dma_wait3A_43 = arith.constant 0 : i32
      %dma_wait3A_44 = arith.constant 0 : i32
      %dma_wait3A_45 = tpu.memref_slice %arg9[%dma_wait3A_43, %dma_wait3A_44] : memref<10000x128xf32, #tpu.memory_space<vmem_shared>> -> memref<10000x128xf32, #tpu.memory_space<vmem_shared>>
      tpu.wait_indirect_dma semaphore(%run_scoped3A : memref<!tpu.dma_semaphore, #tpu.memory_space<semaphore_mem>>) src(%arg12 : memref<80x128xf32, #tpu.memory_space<vmem>>) dst(%dma_wait3A_45 : memref<10000x128xf32, #tpu.memory_space<vmem_shared>>)
      tpu.yield
    }) : () -> ()
    %barrier3A_29 = arith.constant 0 : index
    tpu.barrier barrier_id(%barrier3A_29)
    %while3A_30 = arith.constant 0 : i32
    %while3A_31 = arith.constant 0 : i32
    %while3A_32 = arith.subi %select_n3A, %while3A_31 : i32
    %while3A_33 = arith.addi %while3A_31, %while3A_32 : i32
    %while3A_34 = arith.constant 1 : i32
    %while3A_35 = arith.divsi %while3A_32, %while3A_34 : i32
    %while3A_36 = arith.muli %while3A_35, %while3A_34 : i32
    %while3A_37 = arith.addi %while3A_31, %while3A_36 : i32
    %while3A_38 = arith.constant 1 : i32
    scf.for %while3A_40 = %while3A_31 to %while3A_37 step %while3A_38  : i32 {
      %mul3A_41 = arith.constant 8 : i32
      %mul3A_42 = arith.muli %arg1, %mul3A_41 : i32
      %add3A_43 = arith.addi %mul3A_42, %while3A_40 : i32
      %mul3A_44 = arith.constant 80 : i32
      %mul3A_45 = arith.muli %add3A_43, %mul3A_44 : i32
      "tpu.region"() ({
        %run_scoped3A = tpu.sem_alloc : memref<!tpu.dma_semaphore, #tpu.memory_space<semaphore_mem>>
        %dma_start3A_105 = tpu.memref_slice %arg7[%mul3A_45] : memref<10000xi32, #tpu.memory_space<hbm>> -> memref<80xi32, #tpu.memory_space<hbm>>
        %dma_start3A_106 = tpu.memref_slice %arg7[%mul3A_45] : memref<10000xi32, #tpu.memory_space<hbm>> -> memref<80xi32, #tpu.memory_space<hbm>>
        tpu.enqueue_dma source(%dma_start3A_106 : memref<80xi32, #tpu.memory_space<hbm>>) target(%arg14 : memref<80xi32, #tpu.memory_space<vmem>>) target_semaphore(%run_scoped3A : memref<!tpu.dma_semaphore, #tpu.memory_space<semaphore_mem>>)
        %dma_wait3A_107 = tpu.memref_slice %arg7[%mul3A_45] : memref<10000xi32, #tpu.memory_space<hbm>> -> memref<80xi32, #tpu.memory_space<hbm>>
        %dma_wait3A_108 = tpu.memref_slice %arg7[%mul3A_45] : memref<10000xi32, #tpu.memory_space<hbm>> -> memref<80xi32, #tpu.memory_space<hbm>>
        tpu.wait_dma2 semaphore(%run_scoped3A : memref<!tpu.dma_semaphore, #tpu.memory_space<semaphore_mem>>) src(%dma_wait3A_108 : memref<80xi32, #tpu.memory_space<hbm>>) dst(%arg14 : memref<80xi32, #tpu.memory_space<vmem>>)
        tpu.yield
      }) : () -> ()
      %get3A = arith.constant 0 : index
      %get3A_46 = tpu.vector_load %arg14[%get3A] {strides = array<i32>} : memref<80xi32, #tpu.memory_space<vmem>>, vector<16xi32>,
      %get3A_47 = vector.shape_cast %get3A_46 : vector<16xi32> to vector<16xi32>
      %mul3A_48 = arith.constant 10000 : i32
      %mul3A_49 = arith.muli %arg0, %mul3A_48 : i32
      %add3A_50 = vector.broadcast %mul3A_49 : i32 to vector<16xi32>
      %add3A_51 = arith.addi %get3A_47, %add3A_50 : vector<16xi32>
      %swap3A = arith.constant 0 : index
      %swap3A_52 = tpu.vector_load %arg15[%swap3A] {strides = array<i32>} : memref<80xi32, #tpu.memory_space<vmem>>, vector<16xi32>,
      %swap3A_53 = vector.shape_cast %swap3A_52 : vector<16xi32> to vector<16xi32>
      %swap3A_54 = vector.shape_cast %add3A_51 : vector<16xi32> to vector<16xi32>
      tpu.vector_store %arg15[%swap3A], %swap3A_54 {strides = array<i32>} : memref<80xi32, #tpu.memory_space<vmem>>, vector<16xi32>,
      %get3A_55 = arith.constant 16 : index
      %get3A_56 = tpu.vector_load %arg14[%get3A_55] {strides = array<i32>} : memref<80xi32, #tpu.memory_space<vmem>>, vector<16xi32>,
      %get3A_57 = vector.shape_cast %get3A_56 : vector<16xi32> to vector<16xi32>
      %mul3A_58 = arith.constant 10000 : i32
      %mul3A_59 = arith.muli %arg0, %mul3A_58 : i32
      %add3A_60 = vector.broadcast %mul3A_59 : i32 to vector<16xi32>
      %add3A_61 = arith.addi %get3A_57, %add3A_60 : vector<16xi32>
      %swap3A_62 = arith.constant 16 : index
      %swap3A_63 = tpu.vector_load %arg15[%swap3A_62] {strides = array<i32>} : memref<80xi32, #tpu.memory_space<vmem>>, vector<16xi32>,
      %swap3A_64 = vector.shape_cast %swap3A_63 : vector<16xi32> to vector<16xi32>
      %swap3A_65 = vector.shape_cast %add3A_61 : vector<16xi32> to vector<16xi32>
      tpu.vector_store %arg15[%swap3A_62], %swap3A_65 {strides = array<i32>} : memref<80xi32, #tpu.memory_space<vmem>>, vector<16xi32>,
      %get3A_66 = arith.constant 32 : index
      %get3A_67 = tpu.vector_load %arg14[%get3A_66] {strides = array<i32>} : memref<80xi32, #tpu.memory_space<vmem>>, vector<16xi32>,
      %get3A_68 = vector.shape_cast %get3A_67 : vector<16xi32> to vector<16xi32>
      %mul3A_69 = arith.constant 10000 : i32
      %mul3A_70 = arith.muli %arg0, %mul3A_69 : i32
      %add3A_71 = vector.broadcast %mul3A_70 : i32 to vector<16xi32>
      %add3A_72 = arith.addi %get3A_68, %add3A_71 : vector<16xi32>
      %swap3A_73 = arith.constant 32 : index
      %swap3A_74 = tpu.vector_load %arg15[%swap3A_73] {strides = array<i32>} : memref<80xi32, #tpu.memory_space<vmem>>, vector<16xi32>,
      %swap3A_75 = vector.shape_cast %swap3A_74 : vector<16xi32> to vector<16xi32>
      %swap3A_76 = vector.shape_cast %add3A_72 : vector<16xi32> to vector<16xi32>
      tpu.vector_store %arg15[%swap3A_73], %swap3A_76 {strides = array<i32>} : memref<80xi32, #tpu.memory_space<vmem>>, vector<16xi32>,
      %get3A_77 = arith.constant 48 : index
      %get3A_78 = tpu.vector_load %arg14[%get3A_77] {strides = array<i32>} : memref<80xi32, #tpu.memory_space<vmem>>, vector<16xi32>,
      %get3A_79 = vector.shape_cast %get3A_78 : vector<16xi32> to vector<16xi32>
      %mul3A_80 = arith.constant 10000 : i32
      %mul3A_81 = arith.muli %arg0, %mul3A_80 : i32
      %add3A_82 = vector.broadcast %mul3A_81 : i32 to vector<16xi32>
      %add3A_83 = arith.addi %get3A_79, %add3A_82 : vector<16xi32>
      %swap3A_84 = arith.constant 48 : index
      %swap3A_85 = tpu.vector_load %arg15[%swap3A_84] {strides = array<i32>} : memref<80xi32, #tpu.memory_space<vmem>>, vector<16xi32>,
      %swap3A_86 = vector.shape_cast %swap3A_85 : vector<16xi32> to vector<16xi32>
      %swap3A_87 = vector.shape_cast %add3A_83 : vector<16xi32> to vector<16xi32>
      tpu.vector_store %arg15[%swap3A_84], %swap3A_87 {strides = array<i32>} : memref<80xi32, #tpu.memory_space<vmem>>, vector<16xi32>,
      %get3A_88 = arith.constant 64 : index
      %get3A_89 = tpu.vector_load %arg14[%get3A_88] {strides = array<i32>} : memref<80xi32, #tpu.memory_space<vmem>>, vector<16xi32>,
      %get3A_90 = vector.shape_cast %get3A_89 : vector<16xi32> to vector<16xi32>
      %mul3A_91 = arith.constant 10000 : i32
      %mul3A_92 = arith.muli %arg0, %mul3A_91 : i32
      %add3A_93 = vector.broadcast %mul3A_92 : i32 to vector<16xi32>
      %add3A_94 = arith.addi %get3A_90, %add3A_93 : vector<16xi32>
      %swap3A_95 = arith.constant 64 : index
      %swap3A_96 = tpu.vector_load %arg15[%swap3A_95] {strides = array<i32>} : memref<80xi32, #tpu.memory_space<vmem>>, vector<16xi32>,
      %swap3A_97 = vector.shape_cast %swap3A_96 : vector<16xi32> to vector<16xi32>
      %swap3A_98 = vector.shape_cast %add3A_94 : vector<16xi32> to vector<16xi32>
      tpu.vector_store %arg15[%swap3A_95], %swap3A_98 {strides = array<i32>} : memref<80xi32, #tpu.memory_space<vmem>>, vector<16xi32>,
      %dma_start3A_99 = arith.constant 0 : i32
      %dma_start3A_100 = arith.constant 0 : i32
      %dma_start3A_101 = tpu.memref_slice %arg9[%dma_start3A_99, %dma_start3A_100] : memref<10000x128xf32, #tpu.memory_space<vmem_shared>> -> memref<10000x128xf32, #tpu.memory_space<vmem_shared>>
      tpu.enqueue_indirect_dma source(%dma_start3A_101 : memref<10000x128xf32, #tpu.memory_space<vmem_shared>>) target(%arg12 : memref<80x128xf32, #tpu.memory_space<vmem>>) offsets(%arg14 : memref<80xi32, #tpu.memory_space<vmem>>) semaphore(%arg13 : memref<!tpu.dma_semaphore, #tpu.memory_space<semaphore_mem>>)
      %dma_wait3A_102 = arith.constant 0 : i32
      %dma_wait3A_103 = arith.constant 0 : i32
      %dma_wait3A_104 = tpu.memref_slice %arg9[%dma_wait3A_102, %dma_wait3A_103] : memref<10000x128xf32, #tpu.memory_space<vmem_shared>> -> memref<10000x128xf32, #tpu.memory_space<vmem_shared>>
      tpu.wait_indirect_dma semaphore(%arg13 : memref<!tpu.dma_semaphore, #tpu.memory_space<semaphore_mem>>) src(%dma_wait3A_104 : memref<10000x128xf32, #tpu.memory_space<vmem_shared>>) dst(%arg12 : memref<80x128xf32, #tpu.memory_space<vmem>>)
      "tpu.region"() ({
        %run_scoped3A = tpu.sem_alloc : memref<!tpu.dma_semaphore, #tpu.memory_space<semaphore_mem>>
        %dma_start3A_105 = arith.constant 0 : i32
        %dma_start3A_106 = arith.constant 0 : i32
        %dma_start3A_107 = tpu.memref_slice %arg8[%dma_start3A_105, %dma_start3A_106] : memref<20000x128xf32, #tpu.memory_space<hbm>> -> memref<20000x128xf32, #tpu.memory_space<hbm>>
        tpu.enqueue_indirect_dma source(%arg12 : memref<80x128xf32, #tpu.memory_space<vmem>>) target(%dma_start3A_107 : memref<20000x128xf32, #tpu.memory_space<hbm>>) offsets(%arg15 : memref<80xi32, #tpu.memory_space<vmem>>) semaphore(%run_scoped3A : memref<!tpu.dma_semaphore, #tpu.memory_space<semaphore_mem>>)
        %dma_wait3A_108 = arith.constant 0 : i32
        %dma_wait3A_109 = arith.constant 0 : i32
        %dma_wait3A_110 = tpu.memref_slice %arg8[%dma_wait3A_108, %dma_wait3A_109] : memref<20000x128xf32, #tpu.memory_space<hbm>> -> memref<20000x128xf32, #tpu.memory_space<hbm>>
        tpu.wait_indirect_dma semaphore(%run_scoped3A : memref<!tpu.dma_semaphore, #tpu.memory_space<semaphore_mem>>) src(%arg12 : memref<80x128xf32, #tpu.memory_space<vmem>>) dst(%dma_wait3A_110 : memref<20000x128xf32, #tpu.memory_space<hbm>>)
        tpu.yield
      }) : () -> ()
    }
    %while3A_39 = arith.constant 1 : i32
    scf.for %while3A_40 = %while3A_37 to %while3A_33 step %while3A_39  : i32 {
      %mul3A_41 = arith.constant 8 : i32
      %mul3A_42 = arith.muli %arg1, %mul3A_41 : i32
      %add3A_43 = arith.addi %mul3A_42, %while3A_40 : i32
      %mul3A_44 = arith.constant 80 : i32
      %mul3A_45 = arith.muli %add3A_43, %mul3A_44 : i32
      "tpu.region"() ({
        %run_scoped3A = tpu.sem_alloc : memref<!tpu.dma_semaphore, #tpu.memory_space<semaphore_mem>>
        %dma_start3A_105 = tpu.memref_slice %arg7[%mul3A_45] : memref<10000xi32, #tpu.memory_space<hbm>> -> memref<80xi32, #tpu.memory_space<hbm>>
        %dma_start3A_106 = tpu.memref_slice %arg7[%mul3A_45] : memref<10000xi32, #tpu.memory_space<hbm>> -> memref<80xi32, #tpu.memory_space<hbm>>
        tpu.enqueue_dma source(%dma_start3A_106 : memref<80xi32, #tpu.memory_space<hbm>>) target(%arg14 : memref<80xi32, #tpu.memory_space<vmem>>) target_semaphore(%run_scoped3A : memref<!tpu.dma_semaphore, #tpu.memory_space<semaphore_mem>>)
        %dma_wait3A_107 = tpu.memref_slice %arg7[%mul3A_45] : memref<10000xi32, #tpu.memory_space<hbm>> -> memref<80xi32, #tpu.memory_space<hbm>>
        %dma_wait3A_108 = tpu.memref_slice %arg7[%mul3A_45] : memref<10000xi32, #tpu.memory_space<hbm>> -> memref<80xi32, #tpu.memory_space<hbm>>
        tpu.wait_dma2 semaphore(%run_scoped3A : memref<!tpu.dma_semaphore, #tpu.memory_space<semaphore_mem>>) src(%dma_wait3A_108 : memref<80xi32, #tpu.memory_space<hbm>>) dst(%arg14 : memref<80xi32, #tpu.memory_space<vmem>>)
        tpu.yield
      }) : () -> ()
      %get3A = arith.constant 0 : index
      %get3A_46 = tpu.vector_load %arg14[%get3A] {strides = array<i32>} : memref<80xi32, #tpu.memory_space<vmem>>, vector<16xi32>,
      %get3A_47 = vector.shape_cast %get3A_46 : vector<16xi32> to vector<16xi32>
      %mul3A_48 = arith.constant 10000 : i32
      %mul3A_49 = arith.muli %arg0, %mul3A_48 : i32
      %add3A_50 = vector.broadcast %mul3A_49 : i32 to vector<16xi32>
      %add3A_51 = arith.addi %get3A_47, %add3A_50 : vector<16xi32>
      %swap3A = arith.constant 0 : index
      %swap3A_52 = tpu.vector_load %arg15[%swap3A] {strides = array<i32>} : memref<80xi32, #tpu.memory_space<vmem>>, vector<16xi32>,
      %swap3A_53 = vector.shape_cast %swap3A_52 : vector<16xi32> to vector<16xi32>
      %swap3A_54 = vector.shape_cast %add3A_51 : vector<16xi32> to vector<16xi32>
      tpu.vector_store %arg15[%swap3A], %swap3A_54 {strides = array<i32>} : memref<80xi32, #tpu.memory_space<vmem>>, vector<16xi32>,
      %get3A_55 = arith.constant 16 : index
      %get3A_56 = tpu.vector_load %arg14[%get3A_55] {strides = array<i32>} : memref<80xi32, #tpu.memory_space<vmem>>, vector<16xi32>,
      %get3A_57 = vector.shape_cast %get3A_56 : vector<16xi32> to vector<16xi32>
      %mul3A_58 = arith.constant 10000 : i32
      %mul3A_59 = arith.muli %arg0, %mul3A_58 : i32
      %add3A_60 = vector.broadcast %mul3A_59 : i32 to vector<16xi32>
      %add3A_61 = arith.addi %get3A_57, %add3A_60 : vector<16xi32>
      %swap3A_62 = arith.constant 16 : index
      %swap3A_63 = tpu.vector_load %arg15[%swap3A_62] {strides = array<i32>} : memref<80xi32, #tpu.memory_space<vmem>>, vector<16xi32>,
      %swap3A_64 = vector.shape_cast %swap3A_63 : vector<16xi32> to vector<16xi32>
      %swap3A_65 = vector.shape_cast %add3A_61 : vector<16xi32> to vector<16xi32>
      tpu.vector_store %arg15[%swap3A_62], %swap3A_65 {strides = array<i32>} : memref<80xi32, #tpu.memory_space<vmem>>, vector<16xi32>,
      %get3A_66 = arith.constant 32 : index
      %get3A_67 = tpu.vector_load %arg14[%get3A_66] {strides = array<i32>} : memref<80xi32, #tpu.memory_space<vmem>>, vector<16xi32>,
      %get3A_68 = vector.shape_cast %get3A_67 : vector<16xi32> to vector<16xi32>
      %mul3A_69 = arith.constant 10000 : i32
      %mul3A_70 = arith.muli %arg0, %mul3A_69 : i32
      %add3A_71 = vector.broadcast %mul3A_70 : i32 to vector<16xi32>
      %add3A_72 = arith.addi %get3A_68, %add3A_71 : vector<16xi32>
      %swap3A_73 = arith.constant 32 : index
      %swap3A_74 = tpu.vector_load %arg15[%swap3A_73] {strides = array<i32>} : memref<80xi32, #tpu.memory_space<vmem>>, vector<16xi32>,
      %swap3A_75 = vector.shape_cast %swap3A_74 : vector<16xi32> to vector<16xi32>
      %swap3A_76 = vector.shape_cast %add3A_72 : vector<16xi32> to vector<16xi32>
      tpu.vector_store %arg15[%swap3A_73], %swap3A_76 {strides = array<i32>} : memref<80xi32, #tpu.memory_space<vmem>>, vector<16xi32>,
      %get3A_77 = arith.constant 48 : index
      %get3A_78 = tpu.vector_load %arg14[%get3A_77] {strides = array<i32>} : memref<80xi32, #tpu.memory_space<vmem>>, vector<16xi32>,
      %get3A_79 = vector.shape_cast %get3A_78 : vector<16xi32> to vector<16xi32>
      %mul3A_80 = arith.constant 10000 : i32
      %mul3A_81 = arith.muli %arg0, %mul3A_80 : i32
      %add3A_82 = vector.broadcast %mul3A_81 : i32 to vector<16xi32>
      %add3A_83 = arith.addi %get3A_79, %add3A_82 : vector<16xi32>
      %swap3A_84 = arith.constant 48 : index
      %swap3A_85 = tpu.vector_load %arg15[%swap3A_84] {strides = array<i32>} : memref<80xi32, #tpu.memory_space<vmem>>, vector<16xi32>,
      %swap3A_86 = vector.shape_cast %swap3A_85 : vector<16xi32> to vector<16xi32>
      %swap3A_87 = vector.shape_cast %add3A_83 : vector<16xi32> to vector<16xi32>
      tpu.vector_store %arg15[%swap3A_84], %swap3A_87 {strides = array<i32>} : memref<80xi32, #tpu.memory_space<vmem>>, vector<16xi32>,
      %get3A_88 = arith.constant 64 : index
      %get3A_89 = tpu.vector_load %arg14[%get3A_88] {strides = array<i32>} : memref<80xi32, #tpu.memory_space<vmem>>, vector<16xi32>,
      %get3A_90 = vector.shape_cast %get3A_89 : vector<16xi32> to vector<16xi32>
      %mul3A_91 = arith.constant 10000 : i32
      %mul3A_92 = arith.muli %arg0, %mul3A_91 : i32
      %add3A_93 = vector.broadcast %mul3A_92 : i32 to vector<16xi32>
      %add3A_94 = arith.addi %get3A_90, %add3A_93 : vector<16xi32>
      %swap3A_95 = arith.constant 64 : index
      %swap3A_96 = tpu.vector_load %arg15[%swap3A_95] {strides = array<i32>} : memref<80xi32, #tpu.memory_space<vmem>>, vector<16xi32>,
      %swap3A_97 = vector.shape_cast %swap3A_96 : vector<16xi32> to vector<16xi32>
      %swap3A_98 = vector.shape_cast %add3A_94 : vector<16xi32> to vector<16xi32>
      tpu.vector_store %arg15[%swap3A_95], %swap3A_98 {strides = array<i32>} : memref<80xi32, #tpu.memory_space<vmem>>, vector<16xi32>,
      %dma_start3A_99 = arith.constant 0 : i32
      %dma_start3A_100 = arith.constant 0 : i32
      %dma_start3A_101 = tpu.memref_slice %arg9[%dma_start3A_99, %dma_start3A_100] : memref<10000x128xf32, #tpu.memory_space<vmem_shared>> -> memref<10000x128xf32, #tpu.memory_space<vmem_shared>>
      tpu.enqueue_indirect_dma source(%dma_start3A_101 : memref<10000x128xf32, #tpu.memory_space<vmem_shared>>) target(%arg12 : memref<80x128xf32, #tpu.memory_space<vmem>>) offsets(%arg14 : memref<80xi32, #tpu.memory_space<vmem>>) semaphore(%arg13 : memref<!tpu.dma_semaphore, #tpu.memory_space<semaphore_mem>>)
      %dma_wait3A_102 = arith.constant 0 : i32
      %dma_wait3A_103 = arith.constant 0 : i32
      %dma_wait3A_104 = tpu.memref_slice %arg9[%dma_wait3A_102, %dma_wait3A_103] : memref<10000x128xf32, #tpu.memory_space<vmem_shared>> -> memref<10000x128xf32, #tpu.memory_space<vmem_shared>>
      tpu.wait_indirect_dma semaphore(%arg13 : memref<!tpu.dma_semaphore, #tpu.memory_space<semaphore_mem>>) src(%dma_wait3A_104 : memref<10000x128xf32, #tpu.memory_space<vmem_shared>>) dst(%arg12 : memref<80x128xf32, #tpu.memory_space<vmem>>)
      "tpu.region"() ({
        %run_scoped3A = tpu.sem_alloc : memref<!tpu.dma_semaphore, #tpu.memory_space<semaphore_mem>>
        %dma_start3A_105 = arith.constant 0 : i32
        %dma_start3A_106 = arith.constant 0 : i32
        %dma_start3A_107 = tpu.memref_slice %arg8[%dma_start3A_105, %dma_start3A_106] : memref<20000x128xf32, #tpu.memory_space<hbm>> -> memref<20000x128xf32, #tpu.memory_space<hbm>>
        tpu.enqueue_indirect_dma source(%arg12 : memref<80x128xf32, #tpu.memory_space<vmem>>) target(%dma_start3A_107 : memref<20000x128xf32, #tpu.memory_space<hbm>>) offsets(%arg15 : memref<80xi32, #tpu.memory_space<vmem>>) semaphore(%run_scoped3A : memref<!tpu.dma_semaphore, #tpu.memory_space<semaphore_mem>>)
        %dma_wait3A_108 = arith.constant 0 : i32
        %dma_wait3A_109 = arith.constant 0 : i32
        %dma_wait3A_110 = tpu.memref_slice %arg8[%dma_wait3A_108, %dma_wait3A_109] : memref<20000x128xf32, #tpu.memory_space<hbm>> -> memref<20000x128xf32, #tpu.memory_space<hbm>>
        tpu.wait_indirect_dma semaphore(%run_scoped3A : memref<!tpu.dma_semaphore, #tpu.memory_space<semaphore_mem>>) src(%arg12 : memref<80x128xf32, #tpu.memory_space<vmem>>) dst(%dma_wait3A_110 : memref<20000x128xf32, #tpu.memory_space<hbm>>)
        tpu.yield
      }) : () -> ()
    }
    return
  }
}

#map = affine_map<(d0, d1) -> (0, 0)>
#map1 = affine_map<(d0, d1) -> (0)>
module attributes {stable_mosaic.version = 14 : i64} {
  func.func @sc_pass(%arg0: i32, %arg1: i32, %arg2: memref<10000x128xf32, #tpu.memory_space<hbm>>, %arg3: memref<320000xi32, #tpu.memory_space<hbm>>, %arg4: memref<320000xi32, #tpu.memory_space<hbm>>, %arg5: memref<80x128xf32, #tpu.memory_space<hbm>>, %arg6: memref<80x128xf32, #tpu.memory_space<hbm>>, %arg7: memref<10000xi32, #tpu.memory_space<hbm>>, %arg8: memref<20000x128xf32, #tpu.memory_space<hbm>>, %arg9: memref<10000x128xf32, #tpu.memory_space<vmem_shared>>, %arg10: memref<320xi32, #tpu.memory_space<vmem>>, %arg11: memref<80xi32, #tpu.memory_space<vmem>>, %arg12: memref<80x128xf32, #tpu.memory_space<vmem>>, %arg13: memref<!tpu.dma_semaphore, #tpu.memory_space<semaphore_mem>>, %arg14: memref<80xi32, #tpu.memory_space<vmem>>, %arg15: memref<80xi32, #tpu.memory_space<vmem>>, %arg16: memref<80xi32, #tpu.memory_space<vmem>>, %arg17: memref<80x128xf32, #tpu.memory_space<vmem>>, %arg18: memref<!tpu.dma_semaphore, #tpu.memory_space<semaphore_mem>>) attributes {dimension_semantics = [#tpu.dimension_semantics<core_parallel>, #tpu.dimension_semantics<subcore_parallel>], iteration_bounds = array<i64: 2, 16>, scalar_prefetch = 0 : i64, scratch_operands = 10 : i64, tpu.core_type = #tpu.core_type<sc_vector_subcore>, window_params = [{transform_indices = #map}, {transform_indices = #map1}, {transform_indices = #map1}, {transform_indices = #map}, {transform_indices = #map}, {transform_indices = #map1}, {transform_indices = #map}]} {
    %mul3A = arith.constant 2 : i32
    %mul3A_0 = arith.muli %arg1, %mul3A : i32
    %add3A = arith.addi %mul3A_0, %arg0 : i32
    %eq3A = arith.constant 15 : i32
    %eq3A_1 = arith.cmpi eq, %arg1, %eq3A : i32
    %jit3A = arith.constant 5 : i32
    %jit3A_2 = arith.constant 8 : i32
    %select_n3A = arith.select %eq3A_1, %jit3A, %jit3A_2 : i32
    "tpu.region"() ({
      %run_scoped3A = tpu.sem_alloc : memref<!tpu.dma_semaphore, #tpu.memory_space<semaphore_mem>>
      tpu.enqueue_dma source(%arg6 : memref<80x128xf32, #tpu.memory_space<hbm>>) target(%arg12 : memref<80x128xf32, #tpu.memory_space<vmem>>) target_semaphore(%run_scoped3A : memref<!tpu.dma_semaphore, #tpu.memory_space<semaphore_mem>>)
      tpu.wait_dma2 semaphore(%run_scoped3A : memref<!tpu.dma_semaphore, #tpu.memory_space<semaphore_mem>>) src(%arg6 : memref<80x128xf32, #tpu.memory_space<hbm>>) dst(%arg12 : memref<80x128xf32, #tpu.memory_space<vmem>>)
      tpu.yield
    }) : () -> ()
    %while3A = arith.constant 0 : i32
    %while3A_3 = arith.constant 0 : i32
    %while3A_4 = arith.subi %select_n3A, %while3A_3 : i32
    %while3A_5 = arith.addi %while3A_3, %while3A_4 : i32
    %while3A_6 = arith.constant 1 : i32
    %while3A_7 = arith.divsi %while3A_4, %while3A_6 : i32
    %while3A_8 = arith.muli %while3A_7, %while3A_6 : i32
    %while3A_9 = arith.addi %while3A_3, %while3A_8 : i32
    %while3A_10 = arith.constant 1 : i32
    scf.for %while3A_34 = %while3A_3 to %while3A_9 step %while3A_10  : i32 {
      %mul3A_35 = arith.constant 8 : i32
      %mul3A_36 = arith.muli %arg1, %mul3A_35 : i32
      %add3A_37 = arith.addi %mul3A_36, %while3A_34 : i32
      %mul3A_38 = arith.constant 80 : i32
      %mul3A_39 = arith.muli %add3A_37, %mul3A_38 : i32
      "tpu.region"() ({
        %run_scoped3A = tpu.sem_alloc : memref<!tpu.dma_semaphore, #tpu.memory_space<semaphore_mem>>
        %dma_start3A_40 = tpu.memref_slice %arg7[%mul3A_39] : memref<10000xi32, #tpu.memory_space<hbm>> -> memref<80xi32, #tpu.memory_space<hbm>>
        %dma_start3A_41 = tpu.memref_slice %arg7[%mul3A_39] : memref<10000xi32, #tpu.memory_space<hbm>> -> memref<80xi32, #tpu.memory_space<hbm>>
        tpu.enqueue_dma source(%dma_start3A_41 : memref<80xi32, #tpu.memory_space<hbm>>) target(%arg14 : memref<80xi32, #tpu.memory_space<vmem>>) target_semaphore(%run_scoped3A : memref<!tpu.dma_semaphore, #tpu.memory_space<semaphore_mem>>)
        %dma_wait3A_42 = tpu.memref_slice %arg7[%mul3A_39] : memref<10000xi32, #tpu.memory_space<hbm>> -> memref<80xi32, #tpu.memory_space<hbm>>
        %dma_wait3A_43 = tpu.memref_slice %arg7[%mul3A_39] : memref<10000xi32, #tpu.memory_space<hbm>> -> memref<80xi32, #tpu.memory_space<hbm>>
        tpu.wait_dma2 semaphore(%run_scoped3A : memref<!tpu.dma_semaphore, #tpu.memory_space<semaphore_mem>>) src(%dma_wait3A_43 : memref<80xi32, #tpu.memory_space<hbm>>) dst(%arg14 : memref<80xi32, #tpu.memory_space<vmem>>)
        tpu.yield
      }) : () -> ()
      "tpu.region"() ({
        %run_scoped3A = tpu.sem_alloc : memref<!tpu.dma_semaphore, #tpu.memory_space<semaphore_mem>>
        %dma_start3A_40 = arith.constant 0 : i32
        %dma_start3A_41 = arith.constant 0 : i32
        %dma_start3A_42 = tpu.memref_slice %arg9[%dma_start3A_40, %dma_start3A_41] : memref<10000x128xf32, #tpu.memory_space<vmem_shared>> -> memref<10000x128xf32, #tpu.memory_space<vmem_shared>>
        tpu.enqueue_indirect_dma source(%arg12 : memref<80x128xf32, #tpu.memory_space<vmem>>) target(%dma_start3A_42 : memref<10000x128xf32, #tpu.memory_space<vmem_shared>>) offsets(%arg14 : memref<80xi32, #tpu.memory_space<vmem>>) semaphore(%run_scoped3A : memref<!tpu.dma_semaphore, #tpu.memory_space<semaphore_mem>>)
        %dma_wait3A_43 = arith.constant 0 : i32
        %dma_wait3A_44 = arith.constant 0 : i32
        %dma_wait3A_45 = tpu.memref_slice %arg9[%dma_wait3A_43, %dma_wait3A_44] : memref<10000x128xf32, #tpu.memory_space<vmem_shared>> -> memref<10000x128xf32, #tpu.memory_space<vmem_shared>>
        tpu.wait_indirect_dma semaphore(%run_scoped3A : memref<!tpu.dma_semaphore, #tpu.memory_space<semaphore_mem>>) src(%arg12 : memref<80x128xf32, #tpu.memory_space<vmem>>) dst(%dma_wait3A_45 : memref<10000x128xf32, #tpu.memory_space<vmem_shared>>)
        tpu.yield
      }) : () -> ()
    }
    %while3A_11 = arith.constant 1 : i32
    scf.for %while3A_34 = %while3A_9 to %while3A_5 step %while3A_11  : i32 {
      %mul3A_35 = arith.constant 8 : i32
      %mul3A_36 = arith.muli %arg1, %mul3A_35 : i32
      %add3A_37 = arith.addi %mul3A_36, %while3A_34 : i32
      %mul3A_38 = arith.constant 80 : i32
      %mul3A_39 = arith.muli %add3A_37, %mul3A_38 : i32
      "tpu.region"() ({
        %run_scoped3A = tpu.sem_alloc : memref<!tpu.dma_semaphore, #tpu.memory_space<semaphore_mem>>
        %dma_start3A_40 = tpu.memref_slice %arg7[%mul3A_39] : memref<10000xi32, #tpu.memory_space<hbm>> -> memref<80xi32, #tpu.memory_space<hbm>>
        %dma_start3A_41 = tpu.memref_slice %arg7[%mul3A_39] : memref<10000xi32, #tpu.memory_space<hbm>> -> memref<80xi32, #tpu.memory_space<hbm>>
        tpu.enqueue_dma source(%dma_start3A_41 : memref<80xi32, #tpu.memory_space<hbm>>) target(%arg14 : memref<80xi32, #tpu.memory_space<vmem>>) target_semaphore(%run_scoped3A : memref<!tpu.dma_semaphore, #tpu.memory_space<semaphore_mem>>)
        %dma_wait3A_42 = tpu.memref_slice %arg7[%mul3A_39] : memref<10000xi32, #tpu.memory_space<hbm>> -> memref<80xi32, #tpu.memory_space<hbm>>
        %dma_wait3A_43 = tpu.memref_slice %arg7[%mul3A_39] : memref<10000xi32, #tpu.memory_space<hbm>> -> memref<80xi32, #tpu.memory_space<hbm>>
        tpu.wait_dma2 semaphore(%run_scoped3A : memref<!tpu.dma_semaphore, #tpu.memory_space<semaphore_mem>>) src(%dma_wait3A_43 : memref<80xi32, #tpu.memory_space<hbm>>) dst(%arg14 : memref<80xi32, #tpu.memory_space<vmem>>)
        tpu.yield
      }) : () -> ()
      "tpu.region"() ({
        %run_scoped3A = tpu.sem_alloc : memref<!tpu.dma_semaphore, #tpu.memory_space<semaphore_mem>>
        %dma_start3A_40 = arith.constant 0 : i32
        %dma_start3A_41 = arith.constant 0 : i32
        %dma_start3A_42 = tpu.memref_slice %arg9[%dma_start3A_40, %dma_start3A_41] : memref<10000x128xf32, #tpu.memory_space<vmem_shared>> -> memref<10000x128xf32, #tpu.memory_space<vmem_shared>>
        tpu.enqueue_indirect_dma source(%arg12 : memref<80x128xf32, #tpu.memory_space<vmem>>) target(%dma_start3A_42 : memref<10000x128xf32, #tpu.memory_space<vmem_shared>>) offsets(%arg14 : memref<80xi32, #tpu.memory_space<vmem>>) semaphore(%run_scoped3A : memref<!tpu.dma_semaphore, #tpu.memory_space<semaphore_mem>>)
        %dma_wait3A_43 = arith.constant 0 : i32
        %dma_wait3A_44 = arith.constant 0 : i32
        %dma_wait3A_45 = tpu.memref_slice %arg9[%dma_wait3A_43, %dma_wait3A_44] : memref<10000x128xf32, #tpu.memory_space<vmem_shared>> -> memref<10000x128xf32, #tpu.memory_space<vmem_shared>>
        tpu.wait_indirect_dma semaphore(%run_scoped3A : memref<!tpu.dma_semaphore, #tpu.memory_space<semaphore_mem>>) src(%arg12 : memref<80x128xf32, #tpu.memory_space<vmem>>) dst(%dma_wait3A_45 : memref<10000x128xf32, #tpu.memory_space<vmem_shared>>)
        tpu.yield
      }) : () -> ()
    }
    "tpu.region"() ({
      %run_scoped3A = tpu.sem_alloc : memref<!tpu.dma_semaphore, #tpu.memory_space<semaphore_mem>>
      tpu.enqueue_dma source(%arg5 : memref<80x128xf32, #tpu.memory_space<hbm>>) target(%arg12 : memref<80x128xf32, #tpu.memory_space<vmem>>) target_semaphore(%run_scoped3A : memref<!tpu.dma_semaphore, #tpu.memory_space<semaphore_mem>>)
      tpu.wait_dma2 semaphore(%run_scoped3A : memref<!tpu.dma_semaphore, #tpu.memory_space<semaphore_mem>>) src(%arg5 : memref<80x128xf32, #tpu.memory_space<hbm>>) dst(%arg12 : memref<80x128xf32, #tpu.memory_space<vmem>>)
      tpu.yield
    }) : () -> ()
    %barrier3A = arith.constant 0 : index
    tpu.barrier barrier_id(%barrier3A)
    %mul3A_12 = arith.constant 10000 : i32
    %mul3A_13 = arith.muli %add3A, %mul3A_12 : i32
    "tpu.region"() ({
      %run_scoped3A = tpu.sem_alloc : memref<!tpu.dma_semaphore, #tpu.memory_space<semaphore_mem>>
      %dma_start3A_34 = tpu.memref_slice %arg4[%mul3A_13] : memref<320000xi32, #tpu.memory_space<hbm>> -> memref<80xi32, #tpu.memory_space<hbm>>
      %dma_start3A_35 = tpu.memref_slice %arg4[%mul3A_13] : memref<320000xi32, #tpu.memory_space<hbm>> -> memref<80xi32, #tpu.memory_space<hbm>>
      tpu.enqueue_dma source(%dma_start3A_35 : memref<80xi32, #tpu.memory_space<hbm>>) target(%arg11 : memref<80xi32, #tpu.memory_space<vmem>>) target_semaphore(%run_scoped3A : memref<!tpu.dma_semaphore, #tpu.memory_space<semaphore_mem>>)
      %dma_wait3A_36 = tpu.memref_slice %arg4[%mul3A_13] : memref<320000xi32, #tpu.memory_space<hbm>> -> memref<80xi32, #tpu.memory_space<hbm>>
      %dma_wait3A_37 = tpu.memref_slice %arg4[%mul3A_13] : memref<320000xi32, #tpu.memory_space<hbm>> -> memref<80xi32, #tpu.memory_space<hbm>>
      tpu.wait_dma2 semaphore(%run_scoped3A : memref<!tpu.dma_semaphore, #tpu.memory_space<semaphore_mem>>) src(%dma_wait3A_37 : memref<80xi32, #tpu.memory_space<hbm>>) dst(%arg11 : memref<80xi32, #tpu.memory_space<vmem>>)
      tpu.yield
    }) : () -> ()
    %dma_start3A = arith.constant 0 : i32
    %dma_start3A_14 = arith.constant 0 : i32
    %dma_start3A_15 = tpu.memref_slice %arg9[%dma_start3A, %dma_start3A_14] : memref<10000x128xf32, #tpu.memory_space<vmem_shared>> -> memref<10000x128xf32, #tpu.memory_space<vmem_shared>>
    tpu.enqueue_indirect_dma source(%arg12 : memref<80x128xf32, #tpu.memory_space<vmem>>) target(%dma_start3A_15 : memref<10000x128xf32, #tpu.memory_space<vmem_shared>>) offsets(%arg11 : memref<80xi32, #tpu.memory_space<vmem>>) semaphore(%arg13 : memref<!tpu.dma_semaphore, #tpu.memory_space<semaphore_mem>>) {add = true}
    %scan3A = arith.constant 0 : i32
    %scan3A_16 = arith.constant 0 : i32
    %scan3A_17 = arith.constant 62 : i32
    %scan3A_18 = arith.addi %scan3A_16, %scan3A_17 : i32
    %scan3A_19 = arith.constant 1 : i32
    scf.for %scan3A_34 = %scan3A_16 to %scan3A_18 step %scan3A_19  : i32 {
      %mul3A_35 = arith.constant 2 : i32
      %mul3A_36 = arith.muli %mul3A_35, %scan3A_34 : i32
      %add3A_37 = arith.constant 1 : i32
      %add3A_38 = arith.addi %mul3A_36, %add3A_37 : i32
      %mul3A_39 = arith.constant 80 : i32
      %mul3A_40 = arith.muli %add3A_38, %mul3A_39 : i32
      %add3A_41 = arith.addi %mul3A_13, %mul3A_40 : i32
      "tpu.region"() ({
        %run_scoped3A = tpu.sem_alloc : memref<!tpu.dma_semaphore, #tpu.memory_space<semaphore_mem>>
        %dma_start3A_59 = tpu.memref_slice %arg4[%add3A_41] : memref<320000xi32, #tpu.memory_space<hbm>> -> memref<80xi32, #tpu.memory_space<hbm>>
        %dma_start3A_60 = tpu.memref_slice %arg4[%add3A_41] : memref<320000xi32, #tpu.memory_space<hbm>> -> memref<80xi32, #tpu.memory_space<hbm>>
        tpu.enqueue_dma source(%dma_start3A_60 : memref<80xi32, #tpu.memory_space<hbm>>) target(%arg16 : memref<80xi32, #tpu.memory_space<vmem>>) target_semaphore(%run_scoped3A : memref<!tpu.dma_semaphore, #tpu.memory_space<semaphore_mem>>)
        %dma_wait3A_61 = tpu.memref_slice %arg4[%add3A_41] : memref<320000xi32, #tpu.memory_space<hbm>> -> memref<80xi32, #tpu.memory_space<hbm>>
        %dma_wait3A_62 = tpu.memref_slice %arg4[%add3A_41] : memref<320000xi32, #tpu.memory_space<hbm>> -> memref<80xi32, #tpu.memory_space<hbm>>
        tpu.wait_dma2 semaphore(%run_scoped3A : memref<!tpu.dma_semaphore, #tpu.memory_space<semaphore_mem>>) src(%dma_wait3A_62 : memref<80xi32, #tpu.memory_space<hbm>>) dst(%arg16 : memref<80xi32, #tpu.memory_space<vmem>>)
        tpu.yield
      }) : () -> ()
      %dma_start3A_42 = arith.constant 0 : i32
      %dma_start3A_43 = arith.constant 0 : i32
      %dma_start3A_44 = tpu.memref_slice %arg9[%dma_start3A_42, %dma_start3A_43] : memref<10000x128xf32, #tpu.memory_space<vmem_shared>> -> memref<10000x128xf32, #tpu.memory_space<vmem_shared>>
      tpu.enqueue_indirect_dma source(%arg12 : memref<80x128xf32, #tpu.memory_space<vmem>>) target(%dma_start3A_44 : memref<10000x128xf32, #tpu.memory_space<vmem_shared>>) offsets(%arg16 : memref<80xi32, #tpu.memory_space<vmem>>) semaphore(%arg18 : memref<!tpu.dma_semaphore, #tpu.memory_space<semaphore_mem>>) {add = true}
      %dma_wait3A_45 = arith.constant 0 : i32
      %dma_wait3A_46 = arith.constant 0 : i32
      %dma_wait3A_47 = tpu.memref_slice %arg9[%dma_wait3A_45, %dma_wait3A_46] : memref<10000x128xf32, #tpu.memory_space<vmem_shared>> -> memref<10000x128xf32, #tpu.memory_space<vmem_shared>>
      tpu.wait_indirect_dma semaphore(%arg13 : memref<!tpu.dma_semaphore, #tpu.memory_space<semaphore_mem>>) src(%arg12 : memref<80x128xf32, #tpu.memory_space<vmem>>) dst(%dma_wait3A_47 : memref<10000x128xf32, #tpu.memory_space<vmem_shared>>)
      %add3A_48 = arith.constant 2 : i32
      %add3A_49 = arith.addi %mul3A_36, %add3A_48 : i32
      %mul3A_50 = arith.constant 80 : i32
      %mul3A_51 = arith.muli %add3A_49, %mul3A_50 : i32
      %add3A_52 = arith.addi %mul3A_13, %mul3A_51 : i32
      "tpu.region"() ({
        %run_scoped3A = tpu.sem_alloc : memref<!tpu.dma_semaphore, #tpu.memory_space<semaphore_mem>>
        %dma_start3A_59 = tpu.memref_slice %arg4[%add3A_52] : memref<320000xi32, #tpu.memory_space<hbm>> -> memref<80xi32, #tpu.memory_space<hbm>>
        %dma_start3A_60 = tpu.memref_slice %arg4[%add3A_52] : memref<320000xi32, #tpu.memory_space<hbm>> -> memref<80xi32, #tpu.memory_space<hbm>>
        tpu.enqueue_dma source(%dma_start3A_60 : memref<80xi32, #tpu.memory_space<hbm>>) target(%arg11 : memref<80xi32, #tpu.memory_space<vmem>>) target_semaphore(%run_scoped3A : memref<!tpu.dma_semaphore, #tpu.memory_space<semaphore_mem>>)
        %dma_wait3A_61 = tpu.memref_slice %arg4[%add3A_52] : memref<320000xi32, #tpu.memory_space<hbm>> -> memref<80xi32, #tpu.memory_space<hbm>>
        %dma_wait3A_62 = tpu.memref_slice %arg4[%add3A_52] : memref<320000xi32, #tpu.memory_space<hbm>> -> memref<80xi32, #tpu.memory_space<hbm>>
        tpu.wait_dma2 semaphore(%run_scoped3A : memref<!tpu.dma_semaphore, #tpu.memory_space<semaphore_mem>>) src(%dma_wait3A_62 : memref<80xi32, #tpu.memory_space<hbm>>) dst(%arg11 : memref<80xi32, #tpu.memory_space<vmem>>)
        tpu.yield
      }) : () -> ()
      %dma_start3A_53 = arith.constant 0 : i32
      %dma_start3A_54 = arith.constant 0 : i32
      %dma_start3A_55 = tpu.memref_slice %arg9[%dma_start3A_53, %dma_start3A_54] : memref<10000x128xf32, #tpu.memory_space<vmem_shared>> -> memref<10000x128xf32, #tpu.memory_space<vmem_shared>>
      tpu.enqueue_indirect_dma source(%arg12 : memref<80x128xf32, #tpu.memory_space<vmem>>) target(%dma_start3A_55 : memref<10000x128xf32, #tpu.memory_space<vmem_shared>>) offsets(%arg11 : memref<80xi32, #tpu.memory_space<vmem>>) semaphore(%arg13 : memref<!tpu.dma_semaphore, #tpu.memory_space<semaphore_mem>>) {add = true}
      %dma_wait3A_56 = arith.constant 0 : i32
      %dma_wait3A_57 = arith.constant 0 : i32
      %dma_wait3A_58 = tpu.memref_slice %arg9[%dma_wait3A_56, %dma_wait3A_57] : memref<10000x128xf32, #tpu.memory_space<vmem_shared>> -> memref<10000x128xf32, #tpu.memory_space<vmem_shared>>
      tpu.wait_indirect_dma semaphore(%arg18 : memref<!tpu.dma_semaphore, #tpu.memory_space<semaphore_mem>>) src(%arg12 : memref<80x128xf32, #tpu.memory_space<vmem>>) dst(%dma_wait3A_58 : memref<10000x128xf32, #tpu.memory_space<vmem_shared>>)
    }
    %scan3A_20 = arith.constant 62 : i32
    %dma_wait3A = arith.constant 0 : i32
    %dma_wait3A_21 = arith.constant 0 : i32
    %dma_wait3A_22 = tpu.memref_slice %arg9[%dma_wait3A, %dma_wait3A_21] : memref<10000x128xf32, #tpu.memory_space<vmem_shared>> -> memref<10000x128xf32, #tpu.memory_space<vmem_shared>>
    tpu.wait_indirect_dma semaphore(%arg13 : memref<!tpu.dma_semaphore, #tpu.memory_space<semaphore_mem>>) src(%arg12 : memref<80x128xf32, #tpu.memory_space<vmem>>) dst(%dma_wait3A_22 : memref<10000x128xf32, #tpu.memory_space<vmem_shared>>)
    %barrier3A_23 = arith.constant 0 : index
    tpu.barrier barrier_id(%barrier3A_23)
    %while3A_24 = arith.constant 0 : i32
    %while3A_25 = arith.constant 0 : i32
    %while3A_26 = arith.subi %select_n3A, %while3A_25 : i32
    %while3A_27 = arith.addi %while3A_25, %while3A_26 : i32
    %while3A_28 = arith.constant 1 : i32
    %while3A_29 = arith.divsi %while3A_26, %while3A_28 : i32
    %while3A_30 = arith.muli %while3A_29, %while3A_28 : i32
    %while3A_31 = arith.addi %while3A_25, %while3A_30 : i32
    %while3A_32 = arith.constant 1 : i32
    scf.for %while3A_34 = %while3A_25 to %while3A_31 step %while3A_32  : i32 {
      %mul3A_35 = arith.constant 8 : i32
      %mul3A_36 = arith.muli %arg1, %mul3A_35 : i32
      %add3A_37 = arith.addi %mul3A_36, %while3A_34 : i32
      %mul3A_38 = arith.constant 80 : i32
      %mul3A_39 = arith.muli %add3A_37, %mul3A_38 : i32
      "tpu.region"() ({
        %run_scoped3A = tpu.sem_alloc : memref<!tpu.dma_semaphore, #tpu.memory_space<semaphore_mem>>
        %dma_start3A_99 = tpu.memref_slice %arg7[%mul3A_39] : memref<10000xi32, #tpu.memory_space<hbm>> -> memref<80xi32, #tpu.memory_space<hbm>>
        %dma_start3A_100 = tpu.memref_slice %arg7[%mul3A_39] : memref<10000xi32, #tpu.memory_space<hbm>> -> memref<80xi32, #tpu.memory_space<hbm>>
        tpu.enqueue_dma source(%dma_start3A_100 : memref<80xi32, #tpu.memory_space<hbm>>) target(%arg14 : memref<80xi32, #tpu.memory_space<vmem>>) target_semaphore(%run_scoped3A : memref<!tpu.dma_semaphore, #tpu.memory_space<semaphore_mem>>)
        %dma_wait3A_101 = tpu.memref_slice %arg7[%mul3A_39] : memref<10000xi32, #tpu.memory_space<hbm>> -> memref<80xi32, #tpu.memory_space<hbm>>
        %dma_wait3A_102 = tpu.memref_slice %arg7[%mul3A_39] : memref<10000xi32, #tpu.memory_space<hbm>> -> memref<80xi32, #tpu.memory_space<hbm>>
        tpu.wait_dma2 semaphore(%run_scoped3A : memref<!tpu.dma_semaphore, #tpu.memory_space<semaphore_mem>>) src(%dma_wait3A_102 : memref<80xi32, #tpu.memory_space<hbm>>) dst(%arg14 : memref<80xi32, #tpu.memory_space<vmem>>)
        tpu.yield
      }) : () -> ()
      %get3A = arith.constant 0 : index
      %get3A_40 = tpu.vector_load %arg14[%get3A] {strides = array<i32>} : memref<80xi32, #tpu.memory_space<vmem>>, vector<16xi32>,
      %get3A_41 = vector.shape_cast %get3A_40 : vector<16xi32> to vector<16xi32>
      %mul3A_42 = arith.constant 10000 : i32
      %mul3A_43 = arith.muli %arg0, %mul3A_42 : i32
      %add3A_44 = vector.broadcast %mul3A_43 : i32 to vector<16xi32>
      %add3A_45 = arith.addi %get3A_41, %add3A_44 : vector<16xi32>
      %swap3A = arith.constant 0 : index
      %swap3A_46 = tpu.vector_load %arg15[%swap3A] {strides = array<i32>} : memref<80xi32, #tpu.memory_space<vmem>>, vector<16xi32>,
      %swap3A_47 = vector.shape_cast %swap3A_46 : vector<16xi32> to vector<16xi32>
      %swap3A_48 = vector.shape_cast %add3A_45 : vector<16xi32> to vector<16xi32>
      tpu.vector_store %arg15[%swap3A], %swap3A_48 {strides = array<i32>} : memref<80xi32, #tpu.memory_space<vmem>>, vector<16xi32>,
      %get3A_49 = arith.constant 16 : index
      %get3A_50 = tpu.vector_load %arg14[%get3A_49] {strides = array<i32>} : memref<80xi32, #tpu.memory_space<vmem>>, vector<16xi32>,
      %get3A_51 = vector.shape_cast %get3A_50 : vector<16xi32> to vector<16xi32>
      %mul3A_52 = arith.constant 10000 : i32
      %mul3A_53 = arith.muli %arg0, %mul3A_52 : i32
      %add3A_54 = vector.broadcast %mul3A_53 : i32 to vector<16xi32>
      %add3A_55 = arith.addi %get3A_51, %add3A_54 : vector<16xi32>
      %swap3A_56 = arith.constant 16 : index
      %swap3A_57 = tpu.vector_load %arg15[%swap3A_56] {strides = array<i32>} : memref<80xi32, #tpu.memory_space<vmem>>, vector<16xi32>,
      %swap3A_58 = vector.shape_cast %swap3A_57 : vector<16xi32> to vector<16xi32>
      %swap3A_59 = vector.shape_cast %add3A_55 : vector<16xi32> to vector<16xi32>
      tpu.vector_store %arg15[%swap3A_56], %swap3A_59 {strides = array<i32>} : memref<80xi32, #tpu.memory_space<vmem>>, vector<16xi32>,
      %get3A_60 = arith.constant 32 : index
      %get3A_61 = tpu.vector_load %arg14[%get3A_60] {strides = array<i32>} : memref<80xi32, #tpu.memory_space<vmem>>, vector<16xi32>,
      %get3A_62 = vector.shape_cast %get3A_61 : vector<16xi32> to vector<16xi32>
      %mul3A_63 = arith.constant 10000 : i32
      %mul3A_64 = arith.muli %arg0, %mul3A_63 : i32
      %add3A_65 = vector.broadcast %mul3A_64 : i32 to vector<16xi32>
      %add3A_66 = arith.addi %get3A_62, %add3A_65 : vector<16xi32>
      %swap3A_67 = arith.constant 32 : index
      %swap3A_68 = tpu.vector_load %arg15[%swap3A_67] {strides = array<i32>} : memref<80xi32, #tpu.memory_space<vmem>>, vector<16xi32>,
      %swap3A_69 = vector.shape_cast %swap3A_68 : vector<16xi32> to vector<16xi32>
      %swap3A_70 = vector.shape_cast %add3A_66 : vector<16xi32> to vector<16xi32>
      tpu.vector_store %arg15[%swap3A_67], %swap3A_70 {strides = array<i32>} : memref<80xi32, #tpu.memory_space<vmem>>, vector<16xi32>,
      %get3A_71 = arith.constant 48 : index
      %get3A_72 = tpu.vector_load %arg14[%get3A_71] {strides = array<i32>} : memref<80xi32, #tpu.memory_space<vmem>>, vector<16xi32>,
      %get3A_73 = vector.shape_cast %get3A_72 : vector<16xi32> to vector<16xi32>
      %mul3A_74 = arith.constant 10000 : i32
      %mul3A_75 = arith.muli %arg0, %mul3A_74 : i32
      %add3A_76 = vector.broadcast %mul3A_75 : i32 to vector<16xi32>
      %add3A_77 = arith.addi %get3A_73, %add3A_76 : vector<16xi32>
      %swap3A_78 = arith.constant 48 : index
      %swap3A_79 = tpu.vector_load %arg15[%swap3A_78] {strides = array<i32>} : memref<80xi32, #tpu.memory_space<vmem>>, vector<16xi32>,
      %swap3A_80 = vector.shape_cast %swap3A_79 : vector<16xi32> to vector<16xi32>
      %swap3A_81 = vector.shape_cast %add3A_77 : vector<16xi32> to vector<16xi32>
      tpu.vector_store %arg15[%swap3A_78], %swap3A_81 {strides = array<i32>} : memref<80xi32, #tpu.memory_space<vmem>>, vector<16xi32>,
      %get3A_82 = arith.constant 64 : index
      %get3A_83 = tpu.vector_load %arg14[%get3A_82] {strides = array<i32>} : memref<80xi32, #tpu.memory_space<vmem>>, vector<16xi32>,
      %get3A_84 = vector.shape_cast %get3A_83 : vector<16xi32> to vector<16xi32>
      %mul3A_85 = arith.constant 10000 : i32
      %mul3A_86 = arith.muli %arg0, %mul3A_85 : i32
      %add3A_87 = vector.broadcast %mul3A_86 : i32 to vector<16xi32>
      %add3A_88 = arith.addi %get3A_84, %add3A_87 : vector<16xi32>
      %swap3A_89 = arith.constant 64 : index
      %swap3A_90 = tpu.vector_load %arg15[%swap3A_89] {strides = array<i32>} : memref<80xi32, #tpu.memory_space<vmem>>, vector<16xi32>,
      %swap3A_91 = vector.shape_cast %swap3A_90 : vector<16xi32> to vector<16xi32>
      %swap3A_92 = vector.shape_cast %add3A_88 : vector<16xi32> to vector<16xi32>
      tpu.vector_store %arg15[%swap3A_89], %swap3A_92 {strides = array<i32>} : memref<80xi32, #tpu.memory_space<vmem>>, vector<16xi32>,
      %dma_start3A_93 = arith.constant 0 : i32
      %dma_start3A_94 = arith.constant 0 : i32
      %dma_start3A_95 = tpu.memref_slice %arg9[%dma_start3A_93, %dma_start3A_94] : memref<10000x128xf32, #tpu.memory_space<vmem_shared>> -> memref<10000x128xf32, #tpu.memory_space<vmem_shared>>
      tpu.enqueue_indirect_dma source(%dma_start3A_95 : memref<10000x128xf32, #tpu.memory_space<vmem_shared>>) target(%arg12 : memref<80x128xf32, #tpu.memory_space<vmem>>) offsets(%arg14 : memref<80xi32, #tpu.memory_space<vmem>>) semaphore(%arg13 : memref<!tpu.dma_semaphore, #tpu.memory_space<semaphore_mem>>)
      %dma_wait3A_96 = arith.constant 0 : i32
      %dma_wait3A_97 = arith.constant 0 : i32
      %dma_wait3A_98 = tpu.memref_slice %arg9[%dma_wait3A_96, %dma_wait3A_97] : memref<10000x128xf32, #tpu.memory_space<vmem_shared>> -> memref<10000x128xf32, #tpu.memory_space<vmem_shared>>
      tpu.wait_indirect_dma semaphore(%arg13 : memref<!tpu.dma_semaphore, #tpu.memory_space<semaphore_mem>>) src(%dma_wait3A_98 : memref<10000x128xf32, #tpu.memory_space<vmem_shared>>) dst(%arg12 : memref<80x128xf32, #tpu.memory_space<vmem>>)
      "tpu.region"() ({
        %run_scoped3A = tpu.sem_alloc : memref<!tpu.dma_semaphore, #tpu.memory_space<semaphore_mem>>
        %dma_start3A_99 = arith.constant 0 : i32
        %dma_start3A_100 = arith.constant 0 : i32
        %dma_start3A_101 = tpu.memref_slice %arg8[%dma_start3A_99, %dma_start3A_100] : memref<20000x128xf32, #tpu.memory_space<hbm>> -> memref<20000x128xf32, #tpu.memory_space<hbm>>
        tpu.enqueue_indirect_dma source(%arg12 : memref<80x128xf32, #tpu.memory_space<vmem>>) target(%dma_start3A_101 : memref<20000x128xf32, #tpu.memory_space<hbm>>) offsets(%arg15 : memref<80xi32, #tpu.memory_space<vmem>>) semaphore(%run_scoped3A : memref<!tpu.dma_semaphore, #tpu.memory_space<semaphore_mem>>)
        %dma_wait3A_102 = arith.constant 0 : i32
        %dma_wait3A_103 = arith.constant 0 : i32
        %dma_wait3A_104 = tpu.memref_slice %arg8[%dma_wait3A_102, %dma_wait3A_103] : memref<20000x128xf32, #tpu.memory_space<hbm>> -> memref<20000x128xf32, #tpu.memory_space<hbm>>
        tpu.wait_indirect_dma semaphore(%run_scoped3A : memref<!tpu.dma_semaphore, #tpu.memory_space<semaphore_mem>>) src(%arg12 : memref<80x128xf32, #tpu.memory_space<vmem>>) dst(%dma_wait3A_104 : memref<20000x128xf32, #tpu.memory_space<hbm>>)
        tpu.yield
      }) : () -> ()
    }
    %while3A_33 = arith.constant 1 : i32
    scf.for %while3A_34 = %while3A_31 to %while3A_27 step %while3A_33  : i32 {
      %mul3A_35 = arith.constant 8 : i32
      %mul3A_36 = arith.muli %arg1, %mul3A_35 : i32
      %add3A_37 = arith.addi %mul3A_36, %while3A_34 : i32
      %mul3A_38 = arith.constant 80 : i32
      %mul3A_39 = arith.muli %add3A_37, %mul3A_38 : i32
      "tpu.region"() ({
        %run_scoped3A = tpu.sem_alloc : memref<!tpu.dma_semaphore, #tpu.memory_space<semaphore_mem>>
        %dma_start3A_99 = tpu.memref_slice %arg7[%mul3A_39] : memref<10000xi32, #tpu.memory_space<hbm>> -> memref<80xi32, #tpu.memory_space<hbm>>
        %dma_start3A_100 = tpu.memref_slice %arg7[%mul3A_39] : memref<10000xi32, #tpu.memory_space<hbm>> -> memref<80xi32, #tpu.memory_space<hbm>>
        tpu.enqueue_dma source(%dma_start3A_100 : memref<80xi32, #tpu.memory_space<hbm>>) target(%arg14 : memref<80xi32, #tpu.memory_space<vmem>>) target_semaphore(%run_scoped3A : memref<!tpu.dma_semaphore, #tpu.memory_space<semaphore_mem>>)
        %dma_wait3A_101 = tpu.memref_slice %arg7[%mul3A_39] : memref<10000xi32, #tpu.memory_space<hbm>> -> memref<80xi32, #tpu.memory_space<hbm>>
        %dma_wait3A_102 = tpu.memref_slice %arg7[%mul3A_39] : memref<10000xi32, #tpu.memory_space<hbm>> -> memref<80xi32, #tpu.memory_space<hbm>>
        tpu.wait_dma2 semaphore(%run_scoped3A : memref<!tpu.dma_semaphore, #tpu.memory_space<semaphore_mem>>) src(%dma_wait3A_102 : memref<80xi32, #tpu.memory_space<hbm>>) dst(%arg14 : memref<80xi32, #tpu.memory_space<vmem>>)
        tpu.yield
      }) : () -> ()
      %get3A = arith.constant 0 : index
      %get3A_40 = tpu.vector_load %arg14[%get3A] {strides = array<i32>} : memref<80xi32, #tpu.memory_space<vmem>>, vector<16xi32>,
      %get3A_41 = vector.shape_cast %get3A_40 : vector<16xi32> to vector<16xi32>
      %mul3A_42 = arith.constant 10000 : i32
      %mul3A_43 = arith.muli %arg0, %mul3A_42 : i32
      %add3A_44 = vector.broadcast %mul3A_43 : i32 to vector<16xi32>
      %add3A_45 = arith.addi %get3A_41, %add3A_44 : vector<16xi32>
      %swap3A = arith.constant 0 : index
      %swap3A_46 = tpu.vector_load %arg15[%swap3A] {strides = array<i32>} : memref<80xi32, #tpu.memory_space<vmem>>, vector<16xi32>,
      %swap3A_47 = vector.shape_cast %swap3A_46 : vector<16xi32> to vector<16xi32>
      %swap3A_48 = vector.shape_cast %add3A_45 : vector<16xi32> to vector<16xi32>
      tpu.vector_store %arg15[%swap3A], %swap3A_48 {strides = array<i32>} : memref<80xi32, #tpu.memory_space<vmem>>, vector<16xi32>,
      %get3A_49 = arith.constant 16 : index
      %get3A_50 = tpu.vector_load %arg14[%get3A_49] {strides = array<i32>} : memref<80xi32, #tpu.memory_space<vmem>>, vector<16xi32>,
      %get3A_51 = vector.shape_cast %get3A_50 : vector<16xi32> to vector<16xi32>
      %mul3A_52 = arith.constant 10000 : i32
      %mul3A_53 = arith.muli %arg0, %mul3A_52 : i32
      %add3A_54 = vector.broadcast %mul3A_53 : i32 to vector<16xi32>
      %add3A_55 = arith.addi %get3A_51, %add3A_54 : vector<16xi32>
      %swap3A_56 = arith.constant 16 : index
      %swap3A_57 = tpu.vector_load %arg15[%swap3A_56] {strides = array<i32>} : memref<80xi32, #tpu.memory_space<vmem>>, vector<16xi32>,
      %swap3A_58 = vector.shape_cast %swap3A_57 : vector<16xi32> to vector<16xi32>
      %swap3A_59 = vector.shape_cast %add3A_55 : vector<16xi32> to vector<16xi32>
      tpu.vector_store %arg15[%swap3A_56], %swap3A_59 {strides = array<i32>} : memref<80xi32, #tpu.memory_space<vmem>>, vector<16xi32>,
      %get3A_60 = arith.constant 32 : index
      %get3A_61 = tpu.vector_load %arg14[%get3A_60] {strides = array<i32>} : memref<80xi32, #tpu.memory_space<vmem>>, vector<16xi32>,
      %get3A_62 = vector.shape_cast %get3A_61 : vector<16xi32> to vector<16xi32>
      %mul3A_63 = arith.constant 10000 : i32
      %mul3A_64 = arith.muli %arg0, %mul3A_63 : i32
      %add3A_65 = vector.broadcast %mul3A_64 : i32 to vector<16xi32>
      %add3A_66 = arith.addi %get3A_62, %add3A_65 : vector<16xi32>
      %swap3A_67 = arith.constant 32 : index
      %swap3A_68 = tpu.vector_load %arg15[%swap3A_67] {strides = array<i32>} : memref<80xi32, #tpu.memory_space<vmem>>, vector<16xi32>,
      %swap3A_69 = vector.shape_cast %swap3A_68 : vector<16xi32> to vector<16xi32>
      %swap3A_70 = vector.shape_cast %add3A_66 : vector<16xi32> to vector<16xi32>
      tpu.vector_store %arg15[%swap3A_67], %swap3A_70 {strides = array<i32>} : memref<80xi32, #tpu.memory_space<vmem>>, vector<16xi32>,
      %get3A_71 = arith.constant 48 : index
      %get3A_72 = tpu.vector_load %arg14[%get3A_71] {strides = array<i32>} : memref<80xi32, #tpu.memory_space<vmem>>, vector<16xi32>,
      %get3A_73 = vector.shape_cast %get3A_72 : vector<16xi32> to vector<16xi32>
      %mul3A_74 = arith.constant 10000 : i32
      %mul3A_75 = arith.muli %arg0, %mul3A_74 : i32
      %add3A_76 = vector.broadcast %mul3A_75 : i32 to vector<16xi32>
      %add3A_77 = arith.addi %get3A_73, %add3A_76 : vector<16xi32>
      %swap3A_78 = arith.constant 48 : index
      %swap3A_79 = tpu.vector_load %arg15[%swap3A_78] {strides = array<i32>} : memref<80xi32, #tpu.memory_space<vmem>>, vector<16xi32>,
      %swap3A_80 = vector.shape_cast %swap3A_79 : vector<16xi32> to vector<16xi32>
      %swap3A_81 = vector.shape_cast %add3A_77 : vector<16xi32> to vector<16xi32>
      tpu.vector_store %arg15[%swap3A_78], %swap3A_81 {strides = array<i32>} : memref<80xi32, #tpu.memory_space<vmem>>, vector<16xi32>,
      %get3A_82 = arith.constant 64 : index
      %get3A_83 = tpu.vector_load %arg14[%get3A_82] {strides = array<i32>} : memref<80xi32, #tpu.memory_space<vmem>>, vector<16xi32>,
      %get3A_84 = vector.shape_cast %get3A_83 : vector<16xi32> to vector<16xi32>
      %mul3A_85 = arith.constant 10000 : i32
      %mul3A_86 = arith.muli %arg0, %mul3A_85 : i32
      %add3A_87 = vector.broadcast %mul3A_86 : i32 to vector<16xi32>
      %add3A_88 = arith.addi %get3A_84, %add3A_87 : vector<16xi32>
      %swap3A_89 = arith.constant 64 : index
      %swap3A_90 = tpu.vector_load %arg15[%swap3A_89] {strides = array<i32>} : memref<80xi32, #tpu.memory_space<vmem>>, vector<16xi32>,
      %swap3A_91 = vector.shape_cast %swap3A_90 : vector<16xi32> to vector<16xi32>
      %swap3A_92 = vector.shape_cast %add3A_88 : vector<16xi32> to vector<16xi32>
      tpu.vector_store %arg15[%swap3A_89], %swap3A_92 {strides = array<i32>} : memref<80xi32, #tpu.memory_space<vmem>>, vector<16xi32>,
      %dma_start3A_93 = arith.constant 0 : i32
      %dma_start3A_94 = arith.constant 0 : i32
      %dma_start3A_95 = tpu.memref_slice %arg9[%dma_start3A_93, %dma_start3A_94] : memref<10000x128xf32, #tpu.memory_space<vmem_shared>> -> memref<10000x128xf32, #tpu.memory_space<vmem_shared>>
      tpu.enqueue_indirect_dma source(%dma_start3A_95 : memref<10000x128xf32, #tpu.memory_space<vmem_shared>>) target(%arg12 : memref<80x128xf32, #tpu.memory_space<vmem>>) offsets(%arg14 : memref<80xi32, #tpu.memory_space<vmem>>) semaphore(%arg13 : memref<!tpu.dma_semaphore, #tpu.memory_space<semaphore_mem>>)
      %dma_wait3A_96 = arith.constant 0 : i32
      %dma_wait3A_97 = arith.constant 0 : i32
      %dma_wait3A_98 = tpu.memref_slice %arg9[%dma_wait3A_96, %dma_wait3A_97] : memref<10000x128xf32, #tpu.memory_space<vmem_shared>> -> memref<10000x128xf32, #tpu.memory_space<vmem_shared>>
      tpu.wait_indirect_dma semaphore(%arg13 : memref<!tpu.dma_semaphore, #tpu.memory_space<semaphore_mem>>) src(%dma_wait3A_98 : memref<10000x128xf32, #tpu.memory_space<vmem_shared>>) dst(%arg12 : memref<80x128xf32, #tpu.memory_space<vmem>>)
      "tpu.region"() ({
        %run_scoped3A = tpu.sem_alloc : memref<!tpu.dma_semaphore, #tpu.memory_space<semaphore_mem>>
        %dma_start3A_99 = arith.constant 0 : i32
        %dma_start3A_100 = arith.constant 0 : i32
        %dma_start3A_101 = tpu.memref_slice %arg8[%dma_start3A_99, %dma_start3A_100] : memref<20000x128xf32, #tpu.memory_space<hbm>> -> memref<20000x128xf32, #tpu.memory_space<hbm>>
        tpu.enqueue_indirect_dma source(%arg12 : memref<80x128xf32, #tpu.memory_space<vmem>>) target(%dma_start3A_101 : memref<20000x128xf32, #tpu.memory_space<hbm>>) offsets(%arg15 : memref<80xi32, #tpu.memory_space<vmem>>) semaphore(%run_scoped3A : memref<!tpu.dma_semaphore, #tpu.memory_space<semaphore_mem>>)
        %dma_wait3A_102 = arith.constant 0 : i32
        %dma_wait3A_103 = arith.constant 0 : i32
        %dma_wait3A_104 = tpu.memref_slice %arg8[%dma_wait3A_102, %dma_wait3A_103] : memref<20000x128xf32, #tpu.memory_space<hbm>> -> memref<20000x128xf32, #tpu.memory_space<hbm>>
        tpu.wait_indirect_dma semaphore(%run_scoped3A : memref<!tpu.dma_semaphore, #tpu.memory_space<semaphore_mem>>) src(%arg12 : memref<80x128xf32, #tpu.memory_space<vmem>>) dst(%dma_wait3A_104 : memref<20000x128xf32, #tpu.memory_space<hbm>>)
        tpu.yield
      }) : () -> ()
    }
    return
  }
}

#map = affine_map<(d0, d1) -> (0, 0)>
#map1 = affine_map<(d0, d1) -> (0)>
module attributes {stable_mosaic.version = 14 : i64} {
  func.func @sc_pass(%arg0: i32, %arg1: i32, %arg2: memref<10000x128xf32, #tpu.memory_space<hbm>>, %arg3: memref<320000xi32, #tpu.memory_space<hbm>>, %arg4: memref<320000xi32, #tpu.memory_space<hbm>>, %arg5: memref<80x128xf32, #tpu.memory_space<hbm>>, %arg6: memref<80x128xf32, #tpu.memory_space<hbm>>, %arg7: memref<10000xi32, #tpu.memory_space<hbm>>, %arg8: memref<20000x128xf32, #tpu.memory_space<hbm>>, %arg9: memref<10000x128xf32, #tpu.memory_space<vmem_shared>>, %arg10: memref<320xi32, #tpu.memory_space<vmem>>, %arg11: memref<80xi32, #tpu.memory_space<vmem>>, %arg12: memref<80x128xf32, #tpu.memory_space<vmem>>, %arg13: memref<!tpu.dma_semaphore, #tpu.memory_space<semaphore_mem>>, %arg14: memref<80xi32, #tpu.memory_space<vmem>>, %arg15: memref<80xi32, #tpu.memory_space<vmem>>, %arg16: memref<80xi32, #tpu.memory_space<vmem>>, %arg17: memref<80x128xf32, #tpu.memory_space<vmem>>, %arg18: memref<!tpu.dma_semaphore, #tpu.memory_space<semaphore_mem>>) attributes {dimension_semantics = [#tpu.dimension_semantics<core_parallel>, #tpu.dimension_semantics<subcore_parallel>], iteration_bounds = array<i64: 2, 16>, scalar_prefetch = 0 : i64, scratch_operands = 10 : i64, tpu.core_type = #tpu.core_type<sc_vector_subcore>, window_params = [{transform_indices = #map}, {transform_indices = #map1}, {transform_indices = #map1}, {transform_indices = #map}, {transform_indices = #map}, {transform_indices = #map1}, {transform_indices = #map}]} {
    %mul3A = arith.constant 2 : i32
    %mul3A_0 = arith.muli %arg1, %mul3A : i32
    %add3A = arith.addi %mul3A_0, %arg0 : i32
    %eq3A = arith.constant 15 : i32
    %eq3A_1 = arith.cmpi eq, %arg1, %eq3A : i32
    %jit3A = arith.constant 5 : i32
    %jit3A_2 = arith.constant 8 : i32
    %select_n3A = arith.select %eq3A_1, %jit3A, %jit3A_2 : i32
    "tpu.region"() ({
      %run_scoped3A = tpu.sem_alloc : memref<!tpu.dma_semaphore, #tpu.memory_space<semaphore_mem>>
      tpu.enqueue_dma source(%arg6 : memref<80x128xf32, #tpu.memory_space<hbm>>) target(%arg12 : memref<80x128xf32, #tpu.memory_space<vmem>>) target_semaphore(%run_scoped3A : memref<!tpu.dma_semaphore, #tpu.memory_space<semaphore_mem>>)
      tpu.wait_dma2 semaphore(%run_scoped3A : memref<!tpu.dma_semaphore, #tpu.memory_space<semaphore_mem>>) src(%arg6 : memref<80x128xf32, #tpu.memory_space<hbm>>) dst(%arg12 : memref<80x128xf32, #tpu.memory_space<vmem>>)
      tpu.yield
    }) : () -> ()
    %while3A = arith.constant 0 : i32
    %while3A_3 = arith.constant 0 : i32
    %while3A_4 = arith.subi %select_n3A, %while3A_3 : i32
    %while3A_5 = arith.addi %while3A_3, %while3A_4 : i32
    %while3A_6 = arith.constant 1 : i32
    %while3A_7 = arith.divsi %while3A_4, %while3A_6 : i32
    %while3A_8 = arith.muli %while3A_7, %while3A_6 : i32
    %while3A_9 = arith.addi %while3A_3, %while3A_8 : i32
    %while3A_10 = arith.constant 1 : i32
    scf.for %while3A_40 = %while3A_3 to %while3A_9 step %while3A_10  : i32 {
      %mul3A_41 = arith.constant 8 : i32
      %mul3A_42 = arith.muli %arg1, %mul3A_41 : i32
      %add3A_43 = arith.addi %mul3A_42, %while3A_40 : i32
      %mul3A_44 = arith.constant 80 : i32
      %mul3A_45 = arith.muli %add3A_43, %mul3A_44 : i32
      "tpu.region"() ({
        %run_scoped3A = tpu.sem_alloc : memref<!tpu.dma_semaphore, #tpu.memory_space<semaphore_mem>>
        %dma_start3A_46 = tpu.memref_slice %arg7[%mul3A_45] : memref<10000xi32, #tpu.memory_space<hbm>> -> memref<80xi32, #tpu.memory_space<hbm>>
        %dma_start3A_47 = tpu.memref_slice %arg7[%mul3A_45] : memref<10000xi32, #tpu.memory_space<hbm>> -> memref<80xi32, #tpu.memory_space<hbm>>
        tpu.enqueue_dma source(%dma_start3A_47 : memref<80xi32, #tpu.memory_space<hbm>>) target(%arg14 : memref<80xi32, #tpu.memory_space<vmem>>) target_semaphore(%run_scoped3A : memref<!tpu.dma_semaphore, #tpu.memory_space<semaphore_mem>>)
        %dma_wait3A_48 = tpu.memref_slice %arg7[%mul3A_45] : memref<10000xi32, #tpu.memory_space<hbm>> -> memref<80xi32, #tpu.memory_space<hbm>>
        %dma_wait3A_49 = tpu.memref_slice %arg7[%mul3A_45] : memref<10000xi32, #tpu.memory_space<hbm>> -> memref<80xi32, #tpu.memory_space<hbm>>
        tpu.wait_dma2 semaphore(%run_scoped3A : memref<!tpu.dma_semaphore, #tpu.memory_space<semaphore_mem>>) src(%dma_wait3A_49 : memref<80xi32, #tpu.memory_space<hbm>>) dst(%arg14 : memref<80xi32, #tpu.memory_space<vmem>>)
        tpu.yield
      }) : () -> ()
      "tpu.region"() ({
        %run_scoped3A = tpu.sem_alloc : memref<!tpu.dma_semaphore, #tpu.memory_space<semaphore_mem>>
        %dma_start3A_46 = arith.constant 0 : i32
        %dma_start3A_47 = arith.constant 0 : i32
        %dma_start3A_48 = tpu.memref_slice %arg9[%dma_start3A_46, %dma_start3A_47] : memref<10000x128xf32, #tpu.memory_space<vmem_shared>> -> memref<10000x128xf32, #tpu.memory_space<vmem_shared>>
        tpu.enqueue_indirect_dma source(%arg12 : memref<80x128xf32, #tpu.memory_space<vmem>>) target(%dma_start3A_48 : memref<10000x128xf32, #tpu.memory_space<vmem_shared>>) offsets(%arg14 : memref<80xi32, #tpu.memory_space<vmem>>) semaphore(%run_scoped3A : memref<!tpu.dma_semaphore, #tpu.memory_space<semaphore_mem>>)
        %dma_wait3A_49 = arith.constant 0 : i32
        %dma_wait3A_50 = arith.constant 0 : i32
        %dma_wait3A_51 = tpu.memref_slice %arg9[%dma_wait3A_49, %dma_wait3A_50] : memref<10000x128xf32, #tpu.memory_space<vmem_shared>> -> memref<10000x128xf32, #tpu.memory_space<vmem_shared>>
        tpu.wait_indirect_dma semaphore(%run_scoped3A : memref<!tpu.dma_semaphore, #tpu.memory_space<semaphore_mem>>) src(%arg12 : memref<80x128xf32, #tpu.memory_space<vmem>>) dst(%dma_wait3A_51 : memref<10000x128xf32, #tpu.memory_space<vmem_shared>>)
        tpu.yield
      }) : () -> ()
    }
    %while3A_11 = arith.constant 1 : i32
    scf.for %while3A_40 = %while3A_9 to %while3A_5 step %while3A_11  : i32 {
      %mul3A_41 = arith.constant 8 : i32
      %mul3A_42 = arith.muli %arg1, %mul3A_41 : i32
      %add3A_43 = arith.addi %mul3A_42, %while3A_40 : i32
      %mul3A_44 = arith.constant 80 : i32
      %mul3A_45 = arith.muli %add3A_43, %mul3A_44 : i32
      "tpu.region"() ({
        %run_scoped3A = tpu.sem_alloc : memref<!tpu.dma_semaphore, #tpu.memory_space<semaphore_mem>>
        %dma_start3A_46 = tpu.memref_slice %arg7[%mul3A_45] : memref<10000xi32, #tpu.memory_space<hbm>> -> memref<80xi32, #tpu.memory_space<hbm>>
        %dma_start3A_47 = tpu.memref_slice %arg7[%mul3A_45] : memref<10000xi32, #tpu.memory_space<hbm>> -> memref<80xi32, #tpu.memory_space<hbm>>
        tpu.enqueue_dma source(%dma_start3A_47 : memref<80xi32, #tpu.memory_space<hbm>>) target(%arg14 : memref<80xi32, #tpu.memory_space<vmem>>) target_semaphore(%run_scoped3A : memref<!tpu.dma_semaphore, #tpu.memory_space<semaphore_mem>>)
        %dma_wait3A_48 = tpu.memref_slice %arg7[%mul3A_45] : memref<10000xi32, #tpu.memory_space<hbm>> -> memref<80xi32, #tpu.memory_space<hbm>>
        %dma_wait3A_49 = tpu.memref_slice %arg7[%mul3A_45] : memref<10000xi32, #tpu.memory_space<hbm>> -> memref<80xi32, #tpu.memory_space<hbm>>
        tpu.wait_dma2 semaphore(%run_scoped3A : memref<!tpu.dma_semaphore, #tpu.memory_space<semaphore_mem>>) src(%dma_wait3A_49 : memref<80xi32, #tpu.memory_space<hbm>>) dst(%arg14 : memref<80xi32, #tpu.memory_space<vmem>>)
        tpu.yield
      }) : () -> ()
      "tpu.region"() ({
        %run_scoped3A = tpu.sem_alloc : memref<!tpu.dma_semaphore, #tpu.memory_space<semaphore_mem>>
        %dma_start3A_46 = arith.constant 0 : i32
        %dma_start3A_47 = arith.constant 0 : i32
        %dma_start3A_48 = tpu.memref_slice %arg9[%dma_start3A_46, %dma_start3A_47] : memref<10000x128xf32, #tpu.memory_space<vmem_shared>> -> memref<10000x128xf32, #tpu.memory_space<vmem_shared>>
        tpu.enqueue_indirect_dma source(%arg12 : memref<80x128xf32, #tpu.memory_space<vmem>>) target(%dma_start3A_48 : memref<10000x128xf32, #tpu.memory_space<vmem_shared>>) offsets(%arg14 : memref<80xi32, #tpu.memory_space<vmem>>) semaphore(%run_scoped3A : memref<!tpu.dma_semaphore, #tpu.memory_space<semaphore_mem>>)
        %dma_wait3A_49 = arith.constant 0 : i32
        %dma_wait3A_50 = arith.constant 0 : i32
        %dma_wait3A_51 = tpu.memref_slice %arg9[%dma_wait3A_49, %dma_wait3A_50] : memref<10000x128xf32, #tpu.memory_space<vmem_shared>> -> memref<10000x128xf32, #tpu.memory_space<vmem_shared>>
        tpu.wait_indirect_dma semaphore(%run_scoped3A : memref<!tpu.dma_semaphore, #tpu.memory_space<semaphore_mem>>) src(%arg12 : memref<80x128xf32, #tpu.memory_space<vmem>>) dst(%dma_wait3A_51 : memref<10000x128xf32, #tpu.memory_space<vmem_shared>>)
        tpu.yield
      }) : () -> ()
    }
    %barrier3A = arith.constant 0 : index
    tpu.barrier barrier_id(%barrier3A)
    %mul3A_12 = arith.constant 10000 : i32
    %mul3A_13 = arith.muli %add3A, %mul3A_12 : i32
    "tpu.region"() ({
      %run_scoped3A = tpu.sem_alloc : memref<!tpu.dma_semaphore, #tpu.memory_space<semaphore_mem>>
      %dma_start3A_40 = tpu.memref_slice %arg3[%mul3A_13] : memref<320000xi32, #tpu.memory_space<hbm>> -> memref<320xi32, #tpu.memory_space<hbm>>
      %dma_start3A_41 = tpu.memref_slice %arg3[%mul3A_13] : memref<320000xi32, #tpu.memory_space<hbm>> -> memref<320xi32, #tpu.memory_space<hbm>>
      tpu.enqueue_dma source(%dma_start3A_41 : memref<320xi32, #tpu.memory_space<hbm>>) target(%arg10 : memref<320xi32, #tpu.memory_space<vmem>>) target_semaphore(%run_scoped3A : memref<!tpu.dma_semaphore, #tpu.memory_space<semaphore_mem>>)
      %dma_wait3A_42 = tpu.memref_slice %arg3[%mul3A_13] : memref<320000xi32, #tpu.memory_space<hbm>> -> memref<320xi32, #tpu.memory_space<hbm>>
      %dma_wait3A_43 = tpu.memref_slice %arg3[%mul3A_13] : memref<320000xi32, #tpu.memory_space<hbm>> -> memref<320xi32, #tpu.memory_space<hbm>>
      tpu.wait_dma2 semaphore(%run_scoped3A : memref<!tpu.dma_semaphore, #tpu.memory_space<semaphore_mem>>) src(%dma_wait3A_43 : memref<320xi32, #tpu.memory_space<hbm>>) dst(%arg10 : memref<320xi32, #tpu.memory_space<vmem>>)
      tpu.yield
    }) : () -> ()
    %add3A_14 = arith.constant 0 : i32
    %add3A_15 = arith.addi %mul3A_13, %add3A_14 : i32
    "tpu.region"() ({
      %run_scoped3A = tpu.sem_alloc : memref<!tpu.dma_semaphore, #tpu.memory_space<semaphore_mem>>
      %dma_start3A_40 = tpu.memref_slice %arg4[%add3A_15] : memref<320000xi32, #tpu.memory_space<hbm>> -> memref<80xi32, #tpu.memory_space<hbm>>
      %dma_start3A_41 = tpu.memref_slice %arg4[%add3A_15] : memref<320000xi32, #tpu.memory_space<hbm>> -> memref<80xi32, #tpu.memory_space<hbm>>
      tpu.enqueue_dma source(%dma_start3A_41 : memref<80xi32, #tpu.memory_space<hbm>>) target(%arg11 : memref<80xi32, #tpu.memory_space<vmem>>) target_semaphore(%run_scoped3A : memref<!tpu.dma_semaphore, #tpu.memory_space<semaphore_mem>>)
      %dma_wait3A_42 = tpu.memref_slice %arg4[%add3A_15] : memref<320000xi32, #tpu.memory_space<hbm>> -> memref<80xi32, #tpu.memory_space<hbm>>
      %dma_wait3A_43 = tpu.memref_slice %arg4[%add3A_15] : memref<320000xi32, #tpu.memory_space<hbm>> -> memref<80xi32, #tpu.memory_space<hbm>>
      tpu.wait_dma2 semaphore(%run_scoped3A : memref<!tpu.dma_semaphore, #tpu.memory_space<semaphore_mem>>) src(%dma_wait3A_43 : memref<80xi32, #tpu.memory_space<hbm>>) dst(%arg11 : memref<80xi32, #tpu.memory_space<vmem>>)
      tpu.yield
    }) : () -> ()
    %dma_start3A = arith.constant 0 : i32
    %dma_start3A_16 = tpu.memref_slice %arg10[%dma_start3A] : memref<320xi32, #tpu.memory_space<vmem>> -> memref<80xi32, #tpu.memory_space<vmem>>
    %dma_start3A_17 = arith.constant 0 : i32
    %dma_start3A_18 = arith.constant 0 : i32
    %dma_start3A_19 = tpu.memref_slice %arg2[%dma_start3A_17, %dma_start3A_18] : memref<10000x128xf32, #tpu.memory_space<hbm>> -> memref<10000x128xf32, #tpu.memory_space<hbm>>
    tpu.enqueue_indirect_dma source(%dma_start3A_19 : memref<10000x128xf32, #tpu.memory_space<hbm>>) target(%arg12 : memref<80x128xf32, #tpu.memory_space<vmem>>) offsets(%dma_start3A_16 : memref<80xi32, #tpu.memory_space<vmem>>) semaphore(%arg13 : memref<!tpu.dma_semaphore, #tpu.memory_space<semaphore_mem>>)
    %scan3A = arith.constant 0 : i32
    %scan3A_20 = arith.constant 0 : i32
    %scan3A_21 = arith.constant 31 : i32
    %scan3A_22 = arith.addi %scan3A_20, %scan3A_21 : i32
    %scan3A_23 = arith.constant 1 : i32
    scf.for %scan3A_40 = %scan3A_20 to %scan3A_22 step %scan3A_23  : i32 {
      %mul3A_41 = arith.constant 4 : i32
      %mul3A_42 = arith.muli %mul3A_41, %scan3A_40 : i32
      %dma_start3A_43 = arith.constant 80 : i32
      %dma_start3A_44 = tpu.memref_slice %arg10[%dma_start3A_43] : memref<320xi32, #tpu.memory_space<vmem>> -> memref<80xi32, #tpu.memory_space<vmem>>
      %dma_start3A_45 = arith.constant 0 : i32
      %dma_start3A_46 = arith.constant 0 : i32
      %dma_start3A_47 = tpu.memref_slice %arg2[%dma_start3A_45, %dma_start3A_46] : memref<10000x128xf32, #tpu.memory_space<hbm>> -> memref<10000x128xf32, #tpu.memory_space<hbm>>
      tpu.enqueue_indirect_dma source(%dma_start3A_47 : memref<10000x128xf32, #tpu.memory_space<hbm>>) target(%arg17 : memref<80x128xf32, #tpu.memory_space<vmem>>) offsets(%dma_start3A_44 : memref<80xi32, #tpu.memory_space<vmem>>) semaphore(%arg18 : memref<!tpu.dma_semaphore, #tpu.memory_space<semaphore_mem>>)
      %add3A_48 = arith.constant 1 : i32
      %add3A_49 = arith.addi %mul3A_42, %add3A_48 : i32
      %mul3A_50 = arith.constant 80 : i32
      %mul3A_51 = arith.muli %add3A_49, %mul3A_50 : i32
      %add3A_52 = arith.addi %mul3A_13, %mul3A_51 : i32
      "tpu.region"() ({
        %run_scoped3A = tpu.sem_alloc : memref<!tpu.dma_semaphore, #tpu.memory_space<semaphore_mem>>
        %dma_start3A_112 = tpu.memref_slice %arg4[%add3A_52] : memref<320000xi32, #tpu.memory_space<hbm>> -> memref<80xi32, #tpu.memory_space<hbm>>
        %dma_start3A_113 = tpu.memref_slice %arg4[%add3A_52] : memref<320000xi32, #tpu.memory_space<hbm>> -> memref<80xi32, #tpu.memory_space<hbm>>
        tpu.enqueue_dma source(%dma_start3A_113 : memref<80xi32, #tpu.memory_space<hbm>>) target(%arg16 : memref<80xi32, #tpu.memory_space<vmem>>) target_semaphore(%run_scoped3A : memref<!tpu.dma_semaphore, #tpu.memory_space<semaphore_mem>>)
        %dma_wait3A_114 = tpu.memref_slice %arg4[%add3A_52] : memref<320000xi32, #tpu.memory_space<hbm>> -> memref<80xi32, #tpu.memory_space<hbm>>
        %dma_wait3A_115 = tpu.memref_slice %arg4[%add3A_52] : memref<320000xi32, #tpu.memory_space<hbm>> -> memref<80xi32, #tpu.memory_space<hbm>>
        tpu.wait_dma2 semaphore(%run_scoped3A : memref<!tpu.dma_semaphore, #tpu.memory_space<semaphore_mem>>) src(%dma_wait3A_115 : memref<80xi32, #tpu.memory_space<hbm>>) dst(%arg16 : memref<80xi32, #tpu.memory_space<vmem>>)
        tpu.yield
      }) : () -> ()
      %dma_wait3A_53 = arith.constant 0 : i32
      %dma_wait3A_54 = tpu.memref_slice %arg10[%dma_wait3A_53] : memref<320xi32, #tpu.memory_space<vmem>> -> memref<80xi32, #tpu.memory_space<vmem>>
      %dma_wait3A_55 = arith.constant 0 : i32
      %dma_wait3A_56 = arith.constant 0 : i32
      %dma_wait3A_57 = tpu.memref_slice %arg2[%dma_wait3A_55, %dma_wait3A_56] : memref<10000x128xf32, #tpu.memory_space<hbm>> -> memref<10000x128xf32, #tpu.memory_space<hbm>>
      tpu.wait_indirect_dma semaphore(%arg13 : memref<!tpu.dma_semaphore, #tpu.memory_space<semaphore_mem>>) src(%dma_wait3A_57 : memref<10000x128xf32, #tpu.memory_space<hbm>>) dst(%arg12 : memref<80x128xf32, #tpu.memory_space<vmem>>)
      "tpu.region"() ({
        %run_scoped3A = tpu.sem_alloc : memref<!tpu.dma_semaphore, #tpu.memory_space<semaphore_mem>>
        %dma_start3A_112 = arith.constant 0 : i32
        %dma_start3A_113 = arith.constant 0 : i32
        %dma_start3A_114 = tpu.memref_slice %arg9[%dma_start3A_112, %dma_start3A_113] : memref<10000x128xf32, #tpu.memory_space<vmem_shared>> -> memref<10000x128xf32, #tpu.memory_space<vmem_shared>>
        tpu.enqueue_indirect_dma source(%arg12 : memref<80x128xf32, #tpu.memory_space<vmem>>) target(%dma_start3A_114 : memref<10000x128xf32, #tpu.memory_space<vmem_shared>>) offsets(%arg11 : memref<80xi32, #tpu.memory_space<vmem>>) semaphore(%run_scoped3A : memref<!tpu.dma_semaphore, #tpu.memory_space<semaphore_mem>>) {add = true}
        %dma_wait3A_115 = arith.constant 0 : i32
        %dma_wait3A_116 = arith.constant 0 : i32
        %dma_wait3A_117 = tpu.memref_slice %arg9[%dma_wait3A_115, %dma_wait3A_116] : memref<10000x128xf32, #tpu.memory_space<vmem_shared>> -> memref<10000x128xf32, #tpu.memory_space<vmem_shared>>
        tpu.wait_indirect_dma semaphore(%run_scoped3A : memref<!tpu.dma_semaphore, #tpu.memory_space<semaphore_mem>>) src(%arg12 : memref<80x128xf32, #tpu.memory_space<vmem>>) dst(%dma_wait3A_117 : memref<10000x128xf32, #tpu.memory_space<vmem_shared>>)
        tpu.yield
      }) : () -> ()
      %dma_start3A_58 = arith.constant 160 : i32
      %dma_start3A_59 = tpu.memref_slice %arg10[%dma_start3A_58] : memref<320xi32, #tpu.memory_space<vmem>> -> memref<80xi32, #tpu.memory_space<vmem>>
      %dma_start3A_60 = arith.constant 0 : i32
      %dma_start3A_61 = arith.constant 0 : i32
      %dma_start3A_62 = tpu.memref_slice %arg2[%dma_start3A_60, %dma_start3A_61] : memref<10000x128xf32, #tpu.memory_space<hbm>> -> memref<10000x128xf32, #tpu.memory_space<hbm>>
      tpu.enqueue_indirect_dma source(%dma_start3A_62 : memref<10000x128xf32, #tpu.memory_space<hbm>>) target(%arg12 : memref<80x128xf32, #tpu.memory_space<vmem>>) offsets(%dma_start3A_59 : memref<80xi32, #tpu.memory_space<vmem>>) semaphore(%arg13 : memref<!tpu.dma_semaphore, #tpu.memory_space<semaphore_mem>>)
      %add3A_63 = arith.constant 2 : i32
      %add3A_64 = arith.addi %mul3A_42, %add3A_63 : i32
      %mul3A_65 = arith.constant 80 : i32
      %mul3A_66 = arith.muli %add3A_64, %mul3A_65 : i32
      %add3A_67 = arith.addi %mul3A_13, %mul3A_66 : i32
      "tpu.region"() ({
        %run_scoped3A = tpu.sem_alloc : memref<!tpu.dma_semaphore, #tpu.memory_space<semaphore_mem>>
        %dma_start3A_112 = tpu.memref_slice %arg4[%add3A_67] : memref<320000xi32, #tpu.memory_space<hbm>> -> memref<80xi32, #tpu.memory_space<hbm>>
        %dma_start3A_113 = tpu.memref_slice %arg4[%add3A_67] : memref<320000xi32, #tpu.memory_space<hbm>> -> memref<80xi32, #tpu.memory_space<hbm>>
        tpu.enqueue_dma source(%dma_start3A_113 : memref<80xi32, #tpu.memory_space<hbm>>) target(%arg11 : memref<80xi32, #tpu.memory_space<vmem>>) target_semaphore(%run_scoped3A : memref<!tpu.dma_semaphore, #tpu.memory_space<semaphore_mem>>)
        %dma_wait3A_114 = tpu.memref_slice %arg4[%add3A_67] : memref<320000xi32, #tpu.memory_space<hbm>> -> memref<80xi32, #tpu.memory_space<hbm>>
        %dma_wait3A_115 = tpu.memref_slice %arg4[%add3A_67] : memref<320000xi32, #tpu.memory_space<hbm>> -> memref<80xi32, #tpu.memory_space<hbm>>
        tpu.wait_dma2 semaphore(%run_scoped3A : memref<!tpu.dma_semaphore, #tpu.memory_space<semaphore_mem>>) src(%dma_wait3A_115 : memref<80xi32, #tpu.memory_space<hbm>>) dst(%arg11 : memref<80xi32, #tpu.memory_space<vmem>>)
        tpu.yield
      }) : () -> ()
      %dma_wait3A_68 = arith.constant 80 : i32
      %dma_wait3A_69 = tpu.memref_slice %arg10[%dma_wait3A_68] : memref<320xi32, #tpu.memory_space<vmem>> -> memref<80xi32, #tpu.memory_space<vmem>>
      %dma_wait3A_70 = arith.constant 0 : i32
      %dma_wait3A_71 = arith.constant 0 : i32
      %dma_wait3A_72 = tpu.memref_slice %arg2[%dma_wait3A_70, %dma_wait3A_71] : memref<10000x128xf32, #tpu.memory_space<hbm>> -> memref<10000x128xf32, #tpu.memory_space<hbm>>
      tpu.wait_indirect_dma semaphore(%arg18 : memref<!tpu.dma_semaphore, #tpu.memory_space<semaphore_mem>>) src(%dma_wait3A_72 : memref<10000x128xf32, #tpu.memory_space<hbm>>) dst(%arg17 : memref<80x128xf32, #tpu.memory_space<vmem>>)
      "tpu.region"() ({
        %run_scoped3A = tpu.sem_alloc : memref<!tpu.dma_semaphore, #tpu.memory_space<semaphore_mem>>
        %dma_start3A_112 = arith.constant 0 : i32
        %dma_start3A_113 = arith.constant 0 : i32
        %dma_start3A_114 = tpu.memref_slice %arg9[%dma_start3A_112, %dma_start3A_113] : memref<10000x128xf32, #tpu.memory_space<vmem_shared>> -> memref<10000x128xf32, #tpu.memory_space<vmem_shared>>
        tpu.enqueue_indirect_dma source(%arg17 : memref<80x128xf32, #tpu.memory_space<vmem>>) target(%dma_start3A_114 : memref<10000x128xf32, #tpu.memory_space<vmem_shared>>) offsets(%arg16 : memref<80xi32, #tpu.memory_space<vmem>>) semaphore(%run_scoped3A : memref<!tpu.dma_semaphore, #tpu.memory_space<semaphore_mem>>) {add = true}
        %dma_wait3A_115 = arith.constant 0 : i32
        %dma_wait3A_116 = arith.constant 0 : i32
        %dma_wait3A_117 = tpu.memref_slice %arg9[%dma_wait3A_115, %dma_wait3A_116] : memref<10000x128xf32, #tpu.memory_space<vmem_shared>> -> memref<10000x128xf32, #tpu.memory_space<vmem_shared>>
        tpu.wait_indirect_dma semaphore(%run_scoped3A : memref<!tpu.dma_semaphore, #tpu.memory_space<semaphore_mem>>) src(%arg17 : memref<80x128xf32, #tpu.memory_space<vmem>>) dst(%dma_wait3A_117 : memref<10000x128xf32, #tpu.memory_space<vmem_shared>>)
        tpu.yield
      }) : () -> ()
      %dma_start3A_73 = arith.constant 240 : i32
      %dma_start3A_74 = tpu.memref_slice %arg10[%dma_start3A_73] : memref<320xi32, #tpu.memory_space<vmem>> -> memref<80xi32, #tpu.memory_space<vmem>>
      %dma_start3A_75 = arith.constant 0 : i32
      %dma_start3A_76 = arith.constant 0 : i32
      %dma_start3A_77 = tpu.memref_slice %arg2[%dma_start3A_75, %dma_start3A_76] : memref<10000x128xf32, #tpu.memory_space<hbm>> -> memref<10000x128xf32, #tpu.memory_space<hbm>>
      tpu.enqueue_indirect_dma source(%dma_start3A_77 : memref<10000x128xf32, #tpu.memory_space<hbm>>) target(%arg17 : memref<80x128xf32, #tpu.memory_space<vmem>>) offsets(%dma_start3A_74 : memref<80xi32, #tpu.memory_space<vmem>>) semaphore(%arg18 : memref<!tpu.dma_semaphore, #tpu.memory_space<semaphore_mem>>)
      %add3A_78 = arith.constant 3 : i32
      %add3A_79 = arith.addi %mul3A_42, %add3A_78 : i32
      %mul3A_80 = arith.constant 80 : i32
      %mul3A_81 = arith.muli %add3A_79, %mul3A_80 : i32
      %add3A_82 = arith.addi %mul3A_13, %mul3A_81 : i32
      "tpu.region"() ({
        %run_scoped3A = tpu.sem_alloc : memref<!tpu.dma_semaphore, #tpu.memory_space<semaphore_mem>>
        %dma_start3A_112 = tpu.memref_slice %arg4[%add3A_82] : memref<320000xi32, #tpu.memory_space<hbm>> -> memref<80xi32, #tpu.memory_space<hbm>>
        %dma_start3A_113 = tpu.memref_slice %arg4[%add3A_82] : memref<320000xi32, #tpu.memory_space<hbm>> -> memref<80xi32, #tpu.memory_space<hbm>>
        tpu.enqueue_dma source(%dma_start3A_113 : memref<80xi32, #tpu.memory_space<hbm>>) target(%arg16 : memref<80xi32, #tpu.memory_space<vmem>>) target_semaphore(%run_scoped3A : memref<!tpu.dma_semaphore, #tpu.memory_space<semaphore_mem>>)
        %dma_wait3A_114 = tpu.memref_slice %arg4[%add3A_82] : memref<320000xi32, #tpu.memory_space<hbm>> -> memref<80xi32, #tpu.memory_space<hbm>>
        %dma_wait3A_115 = tpu.memref_slice %arg4[%add3A_82] : memref<320000xi32, #tpu.memory_space<hbm>> -> memref<80xi32, #tpu.memory_space<hbm>>
        tpu.wait_dma2 semaphore(%run_scoped3A : memref<!tpu.dma_semaphore, #tpu.memory_space<semaphore_mem>>) src(%dma_wait3A_115 : memref<80xi32, #tpu.memory_space<hbm>>) dst(%arg16 : memref<80xi32, #tpu.memory_space<vmem>>)
        tpu.yield
      }) : () -> ()
      %dma_wait3A_83 = arith.constant 160 : i32
      %dma_wait3A_84 = tpu.memref_slice %arg10[%dma_wait3A_83] : memref<320xi32, #tpu.memory_space<vmem>> -> memref<80xi32, #tpu.memory_space<vmem>>
      %dma_wait3A_85 = arith.constant 0 : i32
      %dma_wait3A_86 = arith.constant 0 : i32
      %dma_wait3A_87 = tpu.memref_slice %arg2[%dma_wait3A_85, %dma_wait3A_86] : memref<10000x128xf32, #tpu.memory_space<hbm>> -> memref<10000x128xf32, #tpu.memory_space<hbm>>
      tpu.wait_indirect_dma semaphore(%arg13 : memref<!tpu.dma_semaphore, #tpu.memory_space<semaphore_mem>>) src(%dma_wait3A_87 : memref<10000x128xf32, #tpu.memory_space<hbm>>) dst(%arg12 : memref<80x128xf32, #tpu.memory_space<vmem>>)
      "tpu.region"() ({
        %run_scoped3A = tpu.sem_alloc : memref<!tpu.dma_semaphore, #tpu.memory_space<semaphore_mem>>
        %dma_start3A_112 = arith.constant 0 : i32
        %dma_start3A_113 = arith.constant 0 : i32
        %dma_start3A_114 = tpu.memref_slice %arg9[%dma_start3A_112, %dma_start3A_113] : memref<10000x128xf32, #tpu.memory_space<vmem_shared>> -> memref<10000x128xf32, #tpu.memory_space<vmem_shared>>
        tpu.enqueue_indirect_dma source(%arg12 : memref<80x128xf32, #tpu.memory_space<vmem>>) target(%dma_start3A_114 : memref<10000x128xf32, #tpu.memory_space<vmem_shared>>) offsets(%arg11 : memref<80xi32, #tpu.memory_space<vmem>>) semaphore(%run_scoped3A : memref<!tpu.dma_semaphore, #tpu.memory_space<semaphore_mem>>) {add = true}
        %dma_wait3A_115 = arith.constant 0 : i32
        %dma_wait3A_116 = arith.constant 0 : i32
        %dma_wait3A_117 = tpu.memref_slice %arg9[%dma_wait3A_115, %dma_wait3A_116] : memref<10000x128xf32, #tpu.memory_space<vmem_shared>> -> memref<10000x128xf32, #tpu.memory_space<vmem_shared>>
        tpu.wait_indirect_dma semaphore(%run_scoped3A : memref<!tpu.dma_semaphore, #tpu.memory_space<semaphore_mem>>) src(%arg12 : memref<80x128xf32, #tpu.memory_space<vmem>>) dst(%dma_wait3A_117 : memref<10000x128xf32, #tpu.memory_space<vmem_shared>>)
        tpu.yield
      }) : () -> ()
      %dma_wait3A_88 = arith.constant 240 : i32
      %dma_wait3A_89 = tpu.memref_slice %arg10[%dma_wait3A_88] : memref<320xi32, #tpu.memory_space<vmem>> -> memref<80xi32, #tpu.memory_space<vmem>>
      %dma_wait3A_90 = arith.constant 0 : i32
      %dma_wait3A_91 = arith.constant 0 : i32
      %dma_wait3A_92 = tpu.memref_slice %arg2[%dma_wait3A_90, %dma_wait3A_91] : memref<10000x128xf32, #tpu.memory_space<hbm>> -> memref<10000x128xf32, #tpu.memory_space<hbm>>
      tpu.wait_indirect_dma semaphore(%arg18 : memref<!tpu.dma_semaphore, #tpu.memory_space<semaphore_mem>>) src(%dma_wait3A_92 : memref<10000x128xf32, #tpu.memory_space<hbm>>) dst(%arg17 : memref<80x128xf32, #tpu.memory_space<vmem>>)
      "tpu.region"() ({
        %run_scoped3A = tpu.sem_alloc : memref<!tpu.dma_semaphore, #tpu.memory_space<semaphore_mem>>
        %dma_start3A_112 = arith.constant 0 : i32
        %dma_start3A_113 = arith.constant 0 : i32
        %dma_start3A_114 = tpu.memref_slice %arg9[%dma_start3A_112, %dma_start3A_113] : memref<10000x128xf32, #tpu.memory_space<vmem_shared>> -> memref<10000x128xf32, #tpu.memory_space<vmem_shared>>
        tpu.enqueue_indirect_dma source(%arg17 : memref<80x128xf32, #tpu.memory_space<vmem>>) target(%dma_start3A_114 : memref<10000x128xf32, #tpu.memory_space<vmem_shared>>) offsets(%arg16 : memref<80xi32, #tpu.memory_space<vmem>>) semaphore(%run_scoped3A : memref<!tpu.dma_semaphore, #tpu.memory_space<semaphore_mem>>) {add = true}
        %dma_wait3A_115 = arith.constant 0 : i32
        %dma_wait3A_116 = arith.constant 0 : i32
        %dma_wait3A_117 = tpu.memref_slice %arg9[%dma_wait3A_115, %dma_wait3A_116] : memref<10000x128xf32, #tpu.memory_space<vmem_shared>> -> memref<10000x128xf32, #tpu.memory_space<vmem_shared>>
        tpu.wait_indirect_dma semaphore(%run_scoped3A : memref<!tpu.dma_semaphore, #tpu.memory_space<semaphore_mem>>) src(%arg17 : memref<80x128xf32, #tpu.memory_space<vmem>>) dst(%dma_wait3A_117 : memref<10000x128xf32, #tpu.memory_space<vmem_shared>>)
        tpu.yield
      }) : () -> ()
      %add3A_93 = arith.constant 4 : i32
      %add3A_94 = arith.addi %mul3A_42, %add3A_93 : i32
      %min3A = arith.constant 121 : i32
      %min3A_95 = arith.minsi %add3A_94, %min3A : i32
      %mul3A_96 = arith.constant 80 : i32
      %mul3A_97 = arith.muli %min3A_95, %mul3A_96 : i32
      %add3A_98 = arith.addi %mul3A_13, %mul3A_97 : i32
      "tpu.region"() ({
        %run_scoped3A = tpu.sem_alloc : memref<!tpu.dma_semaphore, #tpu.memory_space<semaphore_mem>>
        %dma_start3A_112 = tpu.memref_slice %arg3[%add3A_98] : memref<320000xi32, #tpu.memory_space<hbm>> -> memref<320xi32, #tpu.memory_space<hbm>>
        %dma_start3A_113 = tpu.memref_slice %arg3[%add3A_98] : memref<320000xi32, #tpu.memory_space<hbm>> -> memref<320xi32, #tpu.memory_space<hbm>>
        tpu.enqueue_dma source(%dma_start3A_113 : memref<320xi32, #tpu.memory_space<hbm>>) target(%arg10 : memref<320xi32, #tpu.memory_space<vmem>>) target_semaphore(%run_scoped3A : memref<!tpu.dma_semaphore, #tpu.memory_space<semaphore_mem>>)
        %dma_wait3A_114 = tpu.memref_slice %arg3[%add3A_98] : memref<320000xi32, #tpu.memory_space<hbm>> -> memref<320xi32, #tpu.memory_space<hbm>>
        %dma_wait3A_115 = tpu.memref_slice %arg3[%add3A_98] : memref<320000xi32, #tpu.memory_space<hbm>> -> memref<320xi32, #tpu.memory_space<hbm>>
        tpu.wait_dma2 semaphore(%run_scoped3A : memref<!tpu.dma_semaphore, #tpu.memory_space<semaphore_mem>>) src(%dma_wait3A_115 : memref<320xi32, #tpu.memory_space<hbm>>) dst(%arg10 : memref<320xi32, #tpu.memory_space<vmem>>)
        tpu.yield
      }) : () -> ()
      %add3A_99 = arith.constant 4 : i32
      %add3A_100 = arith.addi %mul3A_42, %add3A_99 : i32
      %sub3A = arith.subi %add3A_100, %min3A_95 : i32
      %mul3A_101 = arith.constant 80 : i32
      %mul3A_102 = arith.muli %sub3A, %mul3A_101 : i32
      %add3A_103 = arith.constant 4 : i32
      %add3A_104 = arith.addi %mul3A_42, %add3A_103 : i32
      %mul3A_105 = arith.constant 80 : i32
      %mul3A_106 = arith.muli %add3A_104, %mul3A_105 : i32
      %add3A_107 = arith.addi %mul3A_13, %mul3A_106 : i32
      "tpu.region"() ({
        %run_scoped3A = tpu.sem_alloc : memref<!tpu.dma_semaphore, #tpu.memory_space<semaphore_mem>>
        %dma_start3A_112 = tpu.memref_slice %arg4[%add3A_107] : memref<320000xi32, #tpu.memory_space<hbm>> -> memref<80xi32, #tpu.memory_space<hbm>>
        %dma_start3A_113 = tpu.memref_slice %arg4[%add3A_107] : memref<320000xi32, #tpu.memory_space<hbm>> -> memref<80xi32, #tpu.memory_space<hbm>>
        tpu.enqueue_dma source(%dma_start3A_113 : memref<80xi32, #tpu.memory_space<hbm>>) target(%arg11 : memref<80xi32, #tpu.memory_space<vmem>>) target_semaphore(%run_scoped3A : memref<!tpu.dma_semaphore, #tpu.memory_space<semaphore_mem>>)
        %dma_wait3A_114 = tpu.memref_slice %arg4[%add3A_107] : memref<320000xi32, #tpu.memory_space<hbm>> -> memref<80xi32, #tpu.memory_space<hbm>>
        %dma_wait3A_115 = tpu.memref_slice %arg4[%add3A_107] : memref<320000xi32, #tpu.memory_space<hbm>> -> memref<80xi32, #tpu.memory_space<hbm>>
        tpu.wait_dma2 semaphore(%run_scoped3A : memref<!tpu.dma_semaphore, #tpu.memory_space<semaphore_mem>>) src(%dma_wait3A_115 : memref<80xi32, #tpu.memory_space<hbm>>) dst(%arg11 : memref<80xi32, #tpu.memory_space<vmem>>)
        tpu.yield
      }) : () -> ()
      %dma_start3A_108 = tpu.memref_slice %arg10[%mul3A_102] : memref<320xi32, #tpu.memory_space<vmem>> -> memref<80xi32, #tpu.memory_space<vmem>>
      %dma_start3A_109 = arith.constant 0 : i32
      %dma_start3A_110 = arith.constant 0 : i32
      %dma_start3A_111 = tpu.memref_slice %arg2[%dma_start3A_109, %dma_start3A_110] : memref<10000x128xf32, #tpu.memory_space<hbm>> -> memref<10000x128xf32, #tpu.memory_space<hbm>>
      tpu.enqueue_indirect_dma source(%dma_start3A_111 : memref<10000x128xf32, #tpu.memory_space<hbm>>) target(%arg12 : memref<80x128xf32, #tpu.memory_space<vmem>>) offsets(%dma_start3A_108 : memref<80xi32, #tpu.memory_space<vmem>>) semaphore(%arg13 : memref<!tpu.dma_semaphore, #tpu.memory_space<semaphore_mem>>)
    }
    %scan3A_24 = arith.constant 31 : i32
    %dma_wait3A = arith.constant 240 : i32
    %dma_wait3A_25 = tpu.memref_slice %arg10[%dma_wait3A] : memref<320xi32, #tpu.memory_space<vmem>> -> memref<80xi32, #tpu.memory_space<vmem>>
    %dma_wait3A_26 = arith.constant 0 : i32
    %dma_wait3A_27 = arith.constant 0 : i32
    %dma_wait3A_28 = tpu.memref_slice %arg2[%dma_wait3A_26, %dma_wait3A_27] : memref<10000x128xf32, #tpu.memory_space<hbm>> -> memref<10000x128xf32, #tpu.memory_space<hbm>>
    tpu.wait_indirect_dma semaphore(%arg13 : memref<!tpu.dma_semaphore, #tpu.memory_space<semaphore_mem>>) src(%dma_wait3A_28 : memref<10000x128xf32, #tpu.memory_space<hbm>>) dst(%arg12 : memref<80x128xf32, #tpu.memory_space<vmem>>)
    "tpu.region"() ({
      %run_scoped3A = tpu.sem_alloc : memref<!tpu.dma_semaphore, #tpu.memory_space<semaphore_mem>>
      %dma_start3A_40 = arith.constant 0 : i32
      %dma_start3A_41 = arith.constant 0 : i32
      %dma_start3A_42 = tpu.memref_slice %arg9[%dma_start3A_40, %dma_start3A_41] : memref<10000x128xf32, #tpu.memory_space<vmem_shared>> -> memref<10000x128xf32, #tpu.memory_space<vmem_shared>>
      tpu.enqueue_indirect_dma source(%arg12 : memref<80x128xf32, #tpu.memory_space<vmem>>) target(%dma_start3A_42 : memref<10000x128xf32, #tpu.memory_space<vmem_shared>>) offsets(%arg11 : memref<80xi32, #tpu.memory_space<vmem>>) semaphore(%run_scoped3A : memref<!tpu.dma_semaphore, #tpu.memory_space<semaphore_mem>>) {add = true}
      %dma_wait3A_43 = arith.constant 0 : i32
      %dma_wait3A_44 = arith.constant 0 : i32
      %dma_wait3A_45 = tpu.memref_slice %arg9[%dma_wait3A_43, %dma_wait3A_44] : memref<10000x128xf32, #tpu.memory_space<vmem_shared>> -> memref<10000x128xf32, #tpu.memory_space<vmem_shared>>
      tpu.wait_indirect_dma semaphore(%run_scoped3A : memref<!tpu.dma_semaphore, #tpu.memory_space<semaphore_mem>>) src(%arg12 : memref<80x128xf32, #tpu.memory_space<vmem>>) dst(%dma_wait3A_45 : memref<10000x128xf32, #tpu.memory_space<vmem_shared>>)
      tpu.yield
    }) : () -> ()
    %barrier3A_29 = arith.constant 0 : index
    tpu.barrier barrier_id(%barrier3A_29)
    %while3A_30 = arith.constant 0 : i32
    %while3A_31 = arith.constant 0 : i32
    %while3A_32 = arith.subi %select_n3A, %while3A_31 : i32
    %while3A_33 = arith.addi %while3A_31, %while3A_32 : i32
    %while3A_34 = arith.constant 1 : i32
    %while3A_35 = arith.divsi %while3A_32, %while3A_34 : i32
    %while3A_36 = arith.muli %while3A_35, %while3A_34 : i32
    %while3A_37 = arith.addi %while3A_31, %while3A_36 : i32
    %while3A_38 = arith.constant 1 : i32
    scf.for %while3A_40 = %while3A_31 to %while3A_37 step %while3A_38  : i32 {
      %mul3A_41 = arith.constant 8 : i32
      %mul3A_42 = arith.muli %arg1, %mul3A_41 : i32
      %add3A_43 = arith.addi %mul3A_42, %while3A_40 : i32
      %mul3A_44 = arith.constant 80 : i32
      %mul3A_45 = arith.muli %add3A_43, %mul3A_44 : i32
      "tpu.region"() ({
        %run_scoped3A = tpu.sem_alloc : memref<!tpu.dma_semaphore, #tpu.memory_space<semaphore_mem>>
        %dma_start3A_105 = tpu.memref_slice %arg7[%mul3A_45] : memref<10000xi32, #tpu.memory_space<hbm>> -> memref<80xi32, #tpu.memory_space<hbm>>
        %dma_start3A_106 = tpu.memref_slice %arg7[%mul3A_45] : memref<10000xi32, #tpu.memory_space<hbm>> -> memref<80xi32, #tpu.memory_space<hbm>>
        tpu.enqueue_dma source(%dma_start3A_106 : memref<80xi32, #tpu.memory_space<hbm>>) target(%arg14 : memref<80xi32, #tpu.memory_space<vmem>>) target_semaphore(%run_scoped3A : memref<!tpu.dma_semaphore, #tpu.memory_space<semaphore_mem>>)
        %dma_wait3A_107 = tpu.memref_slice %arg7[%mul3A_45] : memref<10000xi32, #tpu.memory_space<hbm>> -> memref<80xi32, #tpu.memory_space<hbm>>
        %dma_wait3A_108 = tpu.memref_slice %arg7[%mul3A_45] : memref<10000xi32, #tpu.memory_space<hbm>> -> memref<80xi32, #tpu.memory_space<hbm>>
        tpu.wait_dma2 semaphore(%run_scoped3A : memref<!tpu.dma_semaphore, #tpu.memory_space<semaphore_mem>>) src(%dma_wait3A_108 : memref<80xi32, #tpu.memory_space<hbm>>) dst(%arg14 : memref<80xi32, #tpu.memory_space<vmem>>)
        tpu.yield
      }) : () -> ()
      %get3A = arith.constant 0 : index
      %get3A_46 = tpu.vector_load %arg14[%get3A] {strides = array<i32>} : memref<80xi32, #tpu.memory_space<vmem>>, vector<16xi32>,
      %get3A_47 = vector.shape_cast %get3A_46 : vector<16xi32> to vector<16xi32>
      %mul3A_48 = arith.constant 10000 : i32
      %mul3A_49 = arith.muli %arg0, %mul3A_48 : i32
      %add3A_50 = vector.broadcast %mul3A_49 : i32 to vector<16xi32>
      %add3A_51 = arith.addi %get3A_47, %add3A_50 : vector<16xi32>
      %swap3A = arith.constant 0 : index
      %swap3A_52 = tpu.vector_load %arg15[%swap3A] {strides = array<i32>} : memref<80xi32, #tpu.memory_space<vmem>>, vector<16xi32>,
      %swap3A_53 = vector.shape_cast %swap3A_52 : vector<16xi32> to vector<16xi32>
      %swap3A_54 = vector.shape_cast %add3A_51 : vector<16xi32> to vector<16xi32>
      tpu.vector_store %arg15[%swap3A], %swap3A_54 {strides = array<i32>} : memref<80xi32, #tpu.memory_space<vmem>>, vector<16xi32>,
      %get3A_55 = arith.constant 16 : index
      %get3A_56 = tpu.vector_load %arg14[%get3A_55] {strides = array<i32>} : memref<80xi32, #tpu.memory_space<vmem>>, vector<16xi32>,
      %get3A_57 = vector.shape_cast %get3A_56 : vector<16xi32> to vector<16xi32>
      %mul3A_58 = arith.constant 10000 : i32
      %mul3A_59 = arith.muli %arg0, %mul3A_58 : i32
      %add3A_60 = vector.broadcast %mul3A_59 : i32 to vector<16xi32>
      %add3A_61 = arith.addi %get3A_57, %add3A_60 : vector<16xi32>
      %swap3A_62 = arith.constant 16 : index
      %swap3A_63 = tpu.vector_load %arg15[%swap3A_62] {strides = array<i32>} : memref<80xi32, #tpu.memory_space<vmem>>, vector<16xi32>,
      %swap3A_64 = vector.shape_cast %swap3A_63 : vector<16xi32> to vector<16xi32>
      %swap3A_65 = vector.shape_cast %add3A_61 : vector<16xi32> to vector<16xi32>
      tpu.vector_store %arg15[%swap3A_62], %swap3A_65 {strides = array<i32>} : memref<80xi32, #tpu.memory_space<vmem>>, vector<16xi32>,
      %get3A_66 = arith.constant 32 : index
      %get3A_67 = tpu.vector_load %arg14[%get3A_66] {strides = array<i32>} : memref<80xi32, #tpu.memory_space<vmem>>, vector<16xi32>,
      %get3A_68 = vector.shape_cast %get3A_67 : vector<16xi32> to vector<16xi32>
      %mul3A_69 = arith.constant 10000 : i32
      %mul3A_70 = arith.muli %arg0, %mul3A_69 : i32
      %add3A_71 = vector.broadcast %mul3A_70 : i32 to vector<16xi32>
      %add3A_72 = arith.addi %get3A_68, %add3A_71 : vector<16xi32>
      %swap3A_73 = arith.constant 32 : index
      %swap3A_74 = tpu.vector_load %arg15[%swap3A_73] {strides = array<i32>} : memref<80xi32, #tpu.memory_space<vmem>>, vector<16xi32>,
      %swap3A_75 = vector.shape_cast %swap3A_74 : vector<16xi32> to vector<16xi32>
      %swap3A_76 = vector.shape_cast %add3A_72 : vector<16xi32> to vector<16xi32>
      tpu.vector_store %arg15[%swap3A_73], %swap3A_76 {strides = array<i32>} : memref<80xi32, #tpu.memory_space<vmem>>, vector<16xi32>,
      %get3A_77 = arith.constant 48 : index
      %get3A_78 = tpu.vector_load %arg14[%get3A_77] {strides = array<i32>} : memref<80xi32, #tpu.memory_space<vmem>>, vector<16xi32>,
      %get3A_79 = vector.shape_cast %get3A_78 : vector<16xi32> to vector<16xi32>
      %mul3A_80 = arith.constant 10000 : i32
      %mul3A_81 = arith.muli %arg0, %mul3A_80 : i32
      %add3A_82 = vector.broadcast %mul3A_81 : i32 to vector<16xi32>
      %add3A_83 = arith.addi %get3A_79, %add3A_82 : vector<16xi32>
      %swap3A_84 = arith.constant 48 : index
      %swap3A_85 = tpu.vector_load %arg15[%swap3A_84] {strides = array<i32>} : memref<80xi32, #tpu.memory_space<vmem>>, vector<16xi32>,
      %swap3A_86 = vector.shape_cast %swap3A_85 : vector<16xi32> to vector<16xi32>
      %swap3A_87 = vector.shape_cast %add3A_83 : vector<16xi32> to vector<16xi32>
      tpu.vector_store %arg15[%swap3A_84], %swap3A_87 {strides = array<i32>} : memref<80xi32, #tpu.memory_space<vmem>>, vector<16xi32>,
      %get3A_88 = arith.constant 64 : index
      %get3A_89 = tpu.vector_load %arg14[%get3A_88] {strides = array<i32>} : memref<80xi32, #tpu.memory_space<vmem>>, vector<16xi32>,
      %get3A_90 = vector.shape_cast %get3A_89 : vector<16xi32> to vector<16xi32>
      %mul3A_91 = arith.constant 10000 : i32
      %mul3A_92 = arith.muli %arg0, %mul3A_91 : i32
      %add3A_93 = vector.broadcast %mul3A_92 : i32 to vector<16xi32>
      %add3A_94 = arith.addi %get3A_90, %add3A_93 : vector<16xi32>
      %swap3A_95 = arith.constant 64 : index
      %swap3A_96 = tpu.vector_load %arg15[%swap3A_95] {strides = array<i32>} : memref<80xi32, #tpu.memory_space<vmem>>, vector<16xi32>,
      %swap3A_97 = vector.shape_cast %swap3A_96 : vector<16xi32> to vector<16xi32>
      %swap3A_98 = vector.shape_cast %add3A_94 : vector<16xi32> to vector<16xi32>
      tpu.vector_store %arg15[%swap3A_95], %swap3A_98 {strides = array<i32>} : memref<80xi32, #tpu.memory_space<vmem>>, vector<16xi32>,
      %dma_start3A_99 = arith.constant 0 : i32
      %dma_start3A_100 = arith.constant 0 : i32
      %dma_start3A_101 = tpu.memref_slice %arg9[%dma_start3A_99, %dma_start3A_100] : memref<10000x128xf32, #tpu.memory_space<vmem_shared>> -> memref<10000x128xf32, #tpu.memory_space<vmem_shared>>
      tpu.enqueue_indirect_dma source(%dma_start3A_101 : memref<10000x128xf32, #tpu.memory_space<vmem_shared>>) target(%arg12 : memref<80x128xf32, #tpu.memory_space<vmem>>) offsets(%arg14 : memref<80xi32, #tpu.memory_space<vmem>>) semaphore(%arg13 : memref<!tpu.dma_semaphore, #tpu.memory_space<semaphore_mem>>)
      %dma_wait3A_102 = arith.constant 0 : i32
      %dma_wait3A_103 = arith.constant 0 : i32
      %dma_wait3A_104 = tpu.memref_slice %arg9[%dma_wait3A_102, %dma_wait3A_103] : memref<10000x128xf32, #tpu.memory_space<vmem_shared>> -> memref<10000x128xf32, #tpu.memory_space<vmem_shared>>
      tpu.wait_indirect_dma semaphore(%arg13 : memref<!tpu.dma_semaphore, #tpu.memory_space<semaphore_mem>>) src(%dma_wait3A_104 : memref<10000x128xf32, #tpu.memory_space<vmem_shared>>) dst(%arg12 : memref<80x128xf32, #tpu.memory_space<vmem>>)
      "tpu.region"() ({
        %run_scoped3A = tpu.sem_alloc : memref<!tpu.dma_semaphore, #tpu.memory_space<semaphore_mem>>
        %dma_start3A_105 = arith.constant 0 : i32
        %dma_start3A_106 = arith.constant 0 : i32
        %dma_start3A_107 = tpu.memref_slice %arg8[%dma_start3A_105, %dma_start3A_106] : memref<20000x128xf32, #tpu.memory_space<hbm>> -> memref<20000x128xf32, #tpu.memory_space<hbm>>
        tpu.enqueue_indirect_dma source(%arg12 : memref<80x128xf32, #tpu.memory_space<vmem>>) target(%dma_start3A_107 : memref<20000x128xf32, #tpu.memory_space<hbm>>) offsets(%arg15 : memref<80xi32, #tpu.memory_space<vmem>>) semaphore(%run_scoped3A : memref<!tpu.dma_semaphore, #tpu.memory_space<semaphore_mem>>)
        %dma_wait3A_108 = arith.constant 0 : i32
        %dma_wait3A_109 = arith.constant 0 : i32
        %dma_wait3A_110 = tpu.memref_slice %arg8[%dma_wait3A_108, %dma_wait3A_109] : memref<20000x128xf32, #tpu.memory_space<hbm>> -> memref<20000x128xf32, #tpu.memory_space<hbm>>
        tpu.wait_indirect_dma semaphore(%run_scoped3A : memref<!tpu.dma_semaphore, #tpu.memory_space<semaphore_mem>>) src(%arg12 : memref<80x128xf32, #tpu.memory_space<vmem>>) dst(%dma_wait3A_110 : memref<20000x128xf32, #tpu.memory_space<hbm>>)
        tpu.yield
      }) : () -> ()
    }
    %while3A_39 = arith.constant 1 : i32
    scf.for %while3A_40 = %while3A_37 to %while3A_33 step %while3A_39  : i32 {
      %mul3A_41 = arith.constant 8 : i32
      %mul3A_42 = arith.muli %arg1, %mul3A_41 : i32
      %add3A_43 = arith.addi %mul3A_42, %while3A_40 : i32
      %mul3A_44 = arith.constant 80 : i32
      %mul3A_45 = arith.muli %add3A_43, %mul3A_44 : i32
      "tpu.region"() ({
        %run_scoped3A = tpu.sem_alloc : memref<!tpu.dma_semaphore, #tpu.memory_space<semaphore_mem>>
        %dma_start3A_105 = tpu.memref_slice %arg7[%mul3A_45] : memref<10000xi32, #tpu.memory_space<hbm>> -> memref<80xi32, #tpu.memory_space<hbm>>
        %dma_start3A_106 = tpu.memref_slice %arg7[%mul3A_45] : memref<10000xi32, #tpu.memory_space<hbm>> -> memref<80xi32, #tpu.memory_space<hbm>>
        tpu.enqueue_dma source(%dma_start3A_106 : memref<80xi32, #tpu.memory_space<hbm>>) target(%arg14 : memref<80xi32, #tpu.memory_space<vmem>>) target_semaphore(%run_scoped3A : memref<!tpu.dma_semaphore, #tpu.memory_space<semaphore_mem>>)
        %dma_wait3A_107 = tpu.memref_slice %arg7[%mul3A_45] : memref<10000xi32, #tpu.memory_space<hbm>> -> memref<80xi32, #tpu.memory_space<hbm>>
        %dma_wait3A_108 = tpu.memref_slice %arg7[%mul3A_45] : memref<10000xi32, #tpu.memory_space<hbm>> -> memref<80xi32, #tpu.memory_space<hbm>>
        tpu.wait_dma2 semaphore(%run_scoped3A : memref<!tpu.dma_semaphore, #tpu.memory_space<semaphore_mem>>) src(%dma_wait3A_108 : memref<80xi32, #tpu.memory_space<hbm>>) dst(%arg14 : memref<80xi32, #tpu.memory_space<vmem>>)
        tpu.yield
      }) : () -> ()
      %get3A = arith.constant 0 : index
      %get3A_46 = tpu.vector_load %arg14[%get3A] {strides = array<i32>} : memref<80xi32, #tpu.memory_space<vmem>>, vector<16xi32>,
      %get3A_47 = vector.shape_cast %get3A_46 : vector<16xi32> to vector<16xi32>
      %mul3A_48 = arith.constant 10000 : i32
      %mul3A_49 = arith.muli %arg0, %mul3A_48 : i32
      %add3A_50 = vector.broadcast %mul3A_49 : i32 to vector<16xi32>
      %add3A_51 = arith.addi %get3A_47, %add3A_50 : vector<16xi32>
      %swap3A = arith.constant 0 : index
      %swap3A_52 = tpu.vector_load %arg15[%swap3A] {strides = array<i32>} : memref<80xi32, #tpu.memory_space<vmem>>, vector<16xi32>,
      %swap3A_53 = vector.shape_cast %swap3A_52 : vector<16xi32> to vector<16xi32>
      %swap3A_54 = vector.shape_cast %add3A_51 : vector<16xi32> to vector<16xi32>
      tpu.vector_store %arg15[%swap3A], %swap3A_54 {strides = array<i32>} : memref<80xi32, #tpu.memory_space<vmem>>, vector<16xi32>,
      %get3A_55 = arith.constant 16 : index
      %get3A_56 = tpu.vector_load %arg14[%get3A_55] {strides = array<i32>} : memref<80xi32, #tpu.memory_space<vmem>>, vector<16xi32>,
      %get3A_57 = vector.shape_cast %get3A_56 : vector<16xi32> to vector<16xi32>
      %mul3A_58 = arith.constant 10000 : i32
      %mul3A_59 = arith.muli %arg0, %mul3A_58 : i32
      %add3A_60 = vector.broadcast %mul3A_59 : i32 to vector<16xi32>
      %add3A_61 = arith.addi %get3A_57, %add3A_60 : vector<16xi32>
      %swap3A_62 = arith.constant 16 : index
      %swap3A_63 = tpu.vector_load %arg15[%swap3A_62] {strides = array<i32>} : memref<80xi32, #tpu.memory_space<vmem>>, vector<16xi32>,
      %swap3A_64 = vector.shape_cast %swap3A_63 : vector<16xi32> to vector<16xi32>
      %swap3A_65 = vector.shape_cast %add3A_61 : vector<16xi32> to vector<16xi32>
      tpu.vector_store %arg15[%swap3A_62], %swap3A_65 {strides = array<i32>} : memref<80xi32, #tpu.memory_space<vmem>>, vector<16xi32>,
      %get3A_66 = arith.constant 32 : index
      %get3A_67 = tpu.vector_load %arg14[%get3A_66] {strides = array<i32>} : memref<80xi32, #tpu.memory_space<vmem>>, vector<16xi32>,
      %get3A_68 = vector.shape_cast %get3A_67 : vector<16xi32> to vector<16xi32>
      %mul3A_69 = arith.constant 10000 : i32
      %mul3A_70 = arith.muli %arg0, %mul3A_69 : i32
      %add3A_71 = vector.broadcast %mul3A_70 : i32 to vector<16xi32>
      %add3A_72 = arith.addi %get3A_68, %add3A_71 : vector<16xi32>
      %swap3A_73 = arith.constant 32 : index
      %swap3A_74 = tpu.vector_load %arg15[%swap3A_73] {strides = array<i32>} : memref<80xi32, #tpu.memory_space<vmem>>, vector<16xi32>,
      %swap3A_75 = vector.shape_cast %swap3A_74 : vector<16xi32> to vector<16xi32>
      %swap3A_76 = vector.shape_cast %add3A_72 : vector<16xi32> to vector<16xi32>
      tpu.vector_store %arg15[%swap3A_73], %swap3A_76 {strides = array<i32>} : memref<80xi32, #tpu.memory_space<vmem>>, vector<16xi32>,
      %get3A_77 = arith.constant 48 : index
      %get3A_78 = tpu.vector_load %arg14[%get3A_77] {strides = array<i32>} : memref<80xi32, #tpu.memory_space<vmem>>, vector<16xi32>,
      %get3A_79 = vector.shape_cast %get3A_78 : vector<16xi32> to vector<16xi32>
      %mul3A_80 = arith.constant 10000 : i32
      %mul3A_81 = arith.muli %arg0, %mul3A_80 : i32
      %add3A_82 = vector.broadcast %mul3A_81 : i32 to vector<16xi32>
      %add3A_83 = arith.addi %get3A_79, %add3A_82 : vector<16xi32>
      %swap3A_84 = arith.constant 48 : index
      %swap3A_85 = tpu.vector_load %arg15[%swap3A_84] {strides = array<i32>} : memref<80xi32, #tpu.memory_space<vmem>>, vector<16xi32>,
      %swap3A_86 = vector.shape_cast %swap3A_85 : vector<16xi32> to vector<16xi32>
      %swap3A_87 = vector.shape_cast %add3A_83 : vector<16xi32> to vector<16xi32>
      tpu.vector_store %arg15[%swap3A_84], %swap3A_87 {strides = array<i32>} : memref<80xi32, #tpu.memory_space<vmem>>, vector<16xi32>,
      %get3A_88 = arith.constant 64 : index
      %get3A_89 = tpu.vector_load %arg14[%get3A_88] {strides = array<i32>} : memref<80xi32, #tpu.memory_space<vmem>>, vector<16xi32>,
      %get3A_90 = vector.shape_cast %get3A_89 : vector<16xi32> to vector<16xi32>
      %mul3A_91 = arith.constant 10000 : i32
      %mul3A_92 = arith.muli %arg0, %mul3A_91 : i32
      %add3A_93 = vector.broadcast %mul3A_92 : i32 to vector<16xi32>
      %add3A_94 = arith.addi %get3A_90, %add3A_93 : vector<16xi32>
      %swap3A_95 = arith.constant 64 : index
      %swap3A_96 = tpu.vector_load %arg15[%swap3A_95] {strides = array<i32>} : memref<80xi32, #tpu.memory_space<vmem>>, vector<16xi32>,
      %swap3A_97 = vector.shape_cast %swap3A_96 : vector<16xi32> to vector<16xi32>
      %swap3A_98 = vector.shape_cast %add3A_94 : vector<16xi32> to vector<16xi32>
      tpu.vector_store %arg15[%swap3A_95], %swap3A_98 {strides = array<i32>} : memref<80xi32, #tpu.memory_space<vmem>>, vector<16xi32>,
      %dma_start3A_99 = arith.constant 0 : i32
      %dma_start3A_100 = arith.constant 0 : i32
      %dma_start3A_101 = tpu.memref_slice %arg9[%dma_start3A_99, %dma_start3A_100] : memref<10000x128xf32, #tpu.memory_space<vmem_shared>> -> memref<10000x128xf32, #tpu.memory_space<vmem_shared>>
      tpu.enqueue_indirect_dma source(%dma_start3A_101 : memref<10000x128xf32, #tpu.memory_space<vmem_shared>>) target(%arg12 : memref<80x128xf32, #tpu.memory_space<vmem>>) offsets(%arg14 : memref<80xi32, #tpu.memory_space<vmem>>) semaphore(%arg13 : memref<!tpu.dma_semaphore, #tpu.memory_space<semaphore_mem>>)
      %dma_wait3A_102 = arith.constant 0 : i32
      %dma_wait3A_103 = arith.constant 0 : i32
      %dma_wait3A_104 = tpu.memref_slice %arg9[%dma_wait3A_102, %dma_wait3A_103] : memref<10000x128xf32, #tpu.memory_space<vmem_shared>> -> memref<10000x128xf32, #tpu.memory_space<vmem_shared>>
      tpu.wait_indirect_dma semaphore(%arg13 : memref<!tpu.dma_semaphore, #tpu.memory_space<semaphore_mem>>) src(%dma_wait3A_104 : memref<10000x128xf32, #tpu.memory_space<vmem_shared>>) dst(%arg12 : memref<80x128xf32, #tpu.memory_space<vmem>>)
      "tpu.region"() ({
        %run_scoped3A = tpu.sem_alloc : memref<!tpu.dma_semaphore, #tpu.memory_space<semaphore_mem>>
        %dma_start3A_105 = arith.constant 0 : i32
        %dma_start3A_106 = arith.constant 0 : i32
        %dma_start3A_107 = tpu.memref_slice %arg8[%dma_start3A_105, %dma_start3A_106] : memref<20000x128xf32, #tpu.memory_space<hbm>> -> memref<20000x128xf32, #tpu.memory_space<hbm>>
        tpu.enqueue_indirect_dma source(%arg12 : memref<80x128xf32, #tpu.memory_space<vmem>>) target(%dma_start3A_107 : memref<20000x128xf32, #tpu.memory_space<hbm>>) offsets(%arg15 : memref<80xi32, #tpu.memory_space<vmem>>) semaphore(%run_scoped3A : memref<!tpu.dma_semaphore, #tpu.memory_space<semaphore_mem>>)
        %dma_wait3A_108 = arith.constant 0 : i32
        %dma_wait3A_109 = arith.constant 0 : i32
        %dma_wait3A_110 = tpu.memref_slice %arg8[%dma_wait3A_108, %dma_wait3A_109] : memref<20000x128xf32, #tpu.memory_space<hbm>> -> memref<20000x128xf32, #tpu.memory_space<hbm>>
        tpu.wait_indirect_dma semaphore(%run_scoped3A : memref<!tpu.dma_semaphore, #tpu.memory_space<semaphore_mem>>) src(%arg12 : memref<80x128xf32, #tpu.memory_space<vmem>>) dst(%dma_wait3A_110 : memref<20000x128xf32, #tpu.memory_space<hbm>>)
        tpu.yield
      }) : () -> ()
    }
    return
  }
}

#map = affine_map<(d0, d1) -> (0, 0)>
#map1 = affine_map<(d0, d1) -> (0)>
module attributes {stable_mosaic.version = 14 : i64} {
  func.func @sc_pass(%arg0: i32, %arg1: i32, %arg2: memref<10000x128xf32, #tpu.memory_space<hbm>>, %arg3: memref<320000xi32, #tpu.memory_space<hbm>>, %arg4: memref<320000xi32, #tpu.memory_space<hbm>>, %arg5: memref<80x128xf32, #tpu.memory_space<hbm>>, %arg6: memref<80x128xf32, #tpu.memory_space<hbm>>, %arg7: memref<10000xi32, #tpu.memory_space<hbm>>, %arg8: memref<20000x128xf32, #tpu.memory_space<hbm>>, %arg9: memref<10000x128xf32, #tpu.memory_space<vmem_shared>>, %arg10: memref<320xi32, #tpu.memory_space<vmem>>, %arg11: memref<80xi32, #tpu.memory_space<vmem>>, %arg12: memref<80x128xf32, #tpu.memory_space<vmem>>, %arg13: memref<!tpu.dma_semaphore, #tpu.memory_space<semaphore_mem>>, %arg14: memref<80xi32, #tpu.memory_space<vmem>>, %arg15: memref<80xi32, #tpu.memory_space<vmem>>, %arg16: memref<80xi32, #tpu.memory_space<vmem>>, %arg17: memref<80x128xf32, #tpu.memory_space<vmem>>, %arg18: memref<!tpu.dma_semaphore, #tpu.memory_space<semaphore_mem>>) attributes {dimension_semantics = [#tpu.dimension_semantics<core_parallel>, #tpu.dimension_semantics<subcore_parallel>], iteration_bounds = array<i64: 2, 16>, scalar_prefetch = 0 : i64, scratch_operands = 10 : i64, tpu.core_type = #tpu.core_type<sc_vector_subcore>, window_params = [{transform_indices = #map}, {transform_indices = #map1}, {transform_indices = #map1}, {transform_indices = #map}, {transform_indices = #map}, {transform_indices = #map1}, {transform_indices = #map}]} {
    %mul3A = arith.constant 2 : i32
    %mul3A_0 = arith.muli %arg1, %mul3A : i32
    %add3A = arith.addi %mul3A_0, %arg0 : i32
    %eq3A = arith.constant 15 : i32
    %eq3A_1 = arith.cmpi eq, %arg1, %eq3A : i32
    %jit3A = arith.constant 5 : i32
    %jit3A_2 = arith.constant 8 : i32
    %select_n3A = arith.select %eq3A_1, %jit3A, %jit3A_2 : i32
    "tpu.region"() ({
      %run_scoped3A = tpu.sem_alloc : memref<!tpu.dma_semaphore, #tpu.memory_space<semaphore_mem>>
      tpu.enqueue_dma source(%arg6 : memref<80x128xf32, #tpu.memory_space<hbm>>) target(%arg12 : memref<80x128xf32, #tpu.memory_space<vmem>>) target_semaphore(%run_scoped3A : memref<!tpu.dma_semaphore, #tpu.memory_space<semaphore_mem>>)
      tpu.wait_dma2 semaphore(%run_scoped3A : memref<!tpu.dma_semaphore, #tpu.memory_space<semaphore_mem>>) src(%arg6 : memref<80x128xf32, #tpu.memory_space<hbm>>) dst(%arg12 : memref<80x128xf32, #tpu.memory_space<vmem>>)
      tpu.yield
    }) : () -> ()
    %while3A = arith.constant 0 : i32
    %while3A_3 = arith.constant 0 : i32
    %while3A_4 = arith.subi %select_n3A, %while3A_3 : i32
    %while3A_5 = arith.addi %while3A_3, %while3A_4 : i32
    %while3A_6 = arith.constant 1 : i32
    %while3A_7 = arith.divsi %while3A_4, %while3A_6 : i32
    %while3A_8 = arith.muli %while3A_7, %while3A_6 : i32
    %while3A_9 = arith.addi %while3A_3, %while3A_8 : i32
    %while3A_10 = arith.constant 1 : i32
    scf.for %while3A_40 = %while3A_3 to %while3A_9 step %while3A_10  : i32 {
      %mul3A_41 = arith.constant 8 : i32
      %mul3A_42 = arith.muli %arg1, %mul3A_41 : i32
      %add3A_43 = arith.addi %mul3A_42, %while3A_40 : i32
      %mul3A_44 = arith.constant 80 : i32
      %mul3A_45 = arith.muli %add3A_43, %mul3A_44 : i32
      "tpu.region"() ({
        %run_scoped3A = tpu.sem_alloc : memref<!tpu.dma_semaphore, #tpu.memory_space<semaphore_mem>>
        %dma_start3A_46 = tpu.memref_slice %arg7[%mul3A_45] : memref<10000xi32, #tpu.memory_space<hbm>> -> memref<80xi32, #tpu.memory_space<hbm>>
        %dma_start3A_47 = tpu.memref_slice %arg7[%mul3A_45] : memref<10000xi32, #tpu.memory_space<hbm>> -> memref<80xi32, #tpu.memory_space<hbm>>
        tpu.enqueue_dma source(%dma_start3A_47 : memref<80xi32, #tpu.memory_space<hbm>>) target(%arg14 : memref<80xi32, #tpu.memory_space<vmem>>) target_semaphore(%run_scoped3A : memref<!tpu.dma_semaphore, #tpu.memory_space<semaphore_mem>>)
        %dma_wait3A_48 = tpu.memref_slice %arg7[%mul3A_45] : memref<10000xi32, #tpu.memory_space<hbm>> -> memref<80xi32, #tpu.memory_space<hbm>>
        %dma_wait3A_49 = tpu.memref_slice %arg7[%mul3A_45] : memref<10000xi32, #tpu.memory_space<hbm>> -> memref<80xi32, #tpu.memory_space<hbm>>
        tpu.wait_dma2 semaphore(%run_scoped3A : memref<!tpu.dma_semaphore, #tpu.memory_space<semaphore_mem>>) src(%dma_wait3A_49 : memref<80xi32, #tpu.memory_space<hbm>>) dst(%arg14 : memref<80xi32, #tpu.memory_space<vmem>>)
        tpu.yield
      }) : () -> ()
      "tpu.region"() ({
        %run_scoped3A = tpu.sem_alloc : memref<!tpu.dma_semaphore, #tpu.memory_space<semaphore_mem>>
        %dma_start3A_46 = arith.constant 0 : i32
        %dma_start3A_47 = arith.constant 0 : i32
        %dma_start3A_48 = tpu.memref_slice %arg9[%dma_start3A_46, %dma_start3A_47] : memref<10000x128xf32, #tpu.memory_space<vmem_shared>> -> memref<10000x128xf32, #tpu.memory_space<vmem_shared>>
        tpu.enqueue_indirect_dma source(%arg12 : memref<80x128xf32, #tpu.memory_space<vmem>>) target(%dma_start3A_48 : memref<10000x128xf32, #tpu.memory_space<vmem_shared>>) offsets(%arg14 : memref<80xi32, #tpu.memory_space<vmem>>) semaphore(%run_scoped3A : memref<!tpu.dma_semaphore, #tpu.memory_space<semaphore_mem>>)
        %dma_wait3A_49 = arith.constant 0 : i32
        %dma_wait3A_50 = arith.constant 0 : i32
        %dma_wait3A_51 = tpu.memref_slice %arg9[%dma_wait3A_49, %dma_wait3A_50] : memref<10000x128xf32, #tpu.memory_space<vmem_shared>> -> memref<10000x128xf32, #tpu.memory_space<vmem_shared>>
        tpu.wait_indirect_dma semaphore(%run_scoped3A : memref<!tpu.dma_semaphore, #tpu.memory_space<semaphore_mem>>) src(%arg12 : memref<80x128xf32, #tpu.memory_space<vmem>>) dst(%dma_wait3A_51 : memref<10000x128xf32, #tpu.memory_space<vmem_shared>>)
        tpu.yield
      }) : () -> ()
    }
    %while3A_11 = arith.constant 1 : i32
    scf.for %while3A_40 = %while3A_9 to %while3A_5 step %while3A_11  : i32 {
      %mul3A_41 = arith.constant 8 : i32
      %mul3A_42 = arith.muli %arg1, %mul3A_41 : i32
      %add3A_43 = arith.addi %mul3A_42, %while3A_40 : i32
      %mul3A_44 = arith.constant 80 : i32
      %mul3A_45 = arith.muli %add3A_43, %mul3A_44 : i32
      "tpu.region"() ({
        %run_scoped3A = tpu.sem_alloc : memref<!tpu.dma_semaphore, #tpu.memory_space<semaphore_mem>>
        %dma_start3A_46 = tpu.memref_slice %arg7[%mul3A_45] : memref<10000xi32, #tpu.memory_space<hbm>> -> memref<80xi32, #tpu.memory_space<hbm>>
        %dma_start3A_47 = tpu.memref_slice %arg7[%mul3A_45] : memref<10000xi32, #tpu.memory_space<hbm>> -> memref<80xi32, #tpu.memory_space<hbm>>
        tpu.enqueue_dma source(%dma_start3A_47 : memref<80xi32, #tpu.memory_space<hbm>>) target(%arg14 : memref<80xi32, #tpu.memory_space<vmem>>) target_semaphore(%run_scoped3A : memref<!tpu.dma_semaphore, #tpu.memory_space<semaphore_mem>>)
        %dma_wait3A_48 = tpu.memref_slice %arg7[%mul3A_45] : memref<10000xi32, #tpu.memory_space<hbm>> -> memref<80xi32, #tpu.memory_space<hbm>>
        %dma_wait3A_49 = tpu.memref_slice %arg7[%mul3A_45] : memref<10000xi32, #tpu.memory_space<hbm>> -> memref<80xi32, #tpu.memory_space<hbm>>
        tpu.wait_dma2 semaphore(%run_scoped3A : memref<!tpu.dma_semaphore, #tpu.memory_space<semaphore_mem>>) src(%dma_wait3A_49 : memref<80xi32, #tpu.memory_space<hbm>>) dst(%arg14 : memref<80xi32, #tpu.memory_space<vmem>>)
        tpu.yield
      }) : () -> ()
      "tpu.region"() ({
        %run_scoped3A = tpu.sem_alloc : memref<!tpu.dma_semaphore, #tpu.memory_space<semaphore_mem>>
        %dma_start3A_46 = arith.constant 0 : i32
        %dma_start3A_47 = arith.constant 0 : i32
        %dma_start3A_48 = tpu.memref_slice %arg9[%dma_start3A_46, %dma_start3A_47] : memref<10000x128xf32, #tpu.memory_space<vmem_shared>> -> memref<10000x128xf32, #tpu.memory_space<vmem_shared>>
        tpu.enqueue_indirect_dma source(%arg12 : memref<80x128xf32, #tpu.memory_space<vmem>>) target(%dma_start3A_48 : memref<10000x128xf32, #tpu.memory_space<vmem_shared>>) offsets(%arg14 : memref<80xi32, #tpu.memory_space<vmem>>) semaphore(%run_scoped3A : memref<!tpu.dma_semaphore, #tpu.memory_space<semaphore_mem>>)
        %dma_wait3A_49 = arith.constant 0 : i32
        %dma_wait3A_50 = arith.constant 0 : i32
        %dma_wait3A_51 = tpu.memref_slice %arg9[%dma_wait3A_49, %dma_wait3A_50] : memref<10000x128xf32, #tpu.memory_space<vmem_shared>> -> memref<10000x128xf32, #tpu.memory_space<vmem_shared>>
        tpu.wait_indirect_dma semaphore(%run_scoped3A : memref<!tpu.dma_semaphore, #tpu.memory_space<semaphore_mem>>) src(%arg12 : memref<80x128xf32, #tpu.memory_space<vmem>>) dst(%dma_wait3A_51 : memref<10000x128xf32, #tpu.memory_space<vmem_shared>>)
        tpu.yield
      }) : () -> ()
    }
    %barrier3A = arith.constant 0 : index
    tpu.barrier barrier_id(%barrier3A)
    %mul3A_12 = arith.constant 10000 : i32
    %mul3A_13 = arith.muli %add3A, %mul3A_12 : i32
    "tpu.region"() ({
      %run_scoped3A = tpu.sem_alloc : memref<!tpu.dma_semaphore, #tpu.memory_space<semaphore_mem>>
      %dma_start3A_40 = tpu.memref_slice %arg3[%mul3A_13] : memref<320000xi32, #tpu.memory_space<hbm>> -> memref<320xi32, #tpu.memory_space<hbm>>
      %dma_start3A_41 = tpu.memref_slice %arg3[%mul3A_13] : memref<320000xi32, #tpu.memory_space<hbm>> -> memref<320xi32, #tpu.memory_space<hbm>>
      tpu.enqueue_dma source(%dma_start3A_41 : memref<320xi32, #tpu.memory_space<hbm>>) target(%arg10 : memref<320xi32, #tpu.memory_space<vmem>>) target_semaphore(%run_scoped3A : memref<!tpu.dma_semaphore, #tpu.memory_space<semaphore_mem>>)
      %dma_wait3A_42 = tpu.memref_slice %arg3[%mul3A_13] : memref<320000xi32, #tpu.memory_space<hbm>> -> memref<320xi32, #tpu.memory_space<hbm>>
      %dma_wait3A_43 = tpu.memref_slice %arg3[%mul3A_13] : memref<320000xi32, #tpu.memory_space<hbm>> -> memref<320xi32, #tpu.memory_space<hbm>>
      tpu.wait_dma2 semaphore(%run_scoped3A : memref<!tpu.dma_semaphore, #tpu.memory_space<semaphore_mem>>) src(%dma_wait3A_43 : memref<320xi32, #tpu.memory_space<hbm>>) dst(%arg10 : memref<320xi32, #tpu.memory_space<vmem>>)
      tpu.yield
    }) : () -> ()
    %add3A_14 = arith.constant 0 : i32
    %add3A_15 = arith.addi %mul3A_13, %add3A_14 : i32
    "tpu.region"() ({
      %run_scoped3A = tpu.sem_alloc : memref<!tpu.dma_semaphore, #tpu.memory_space<semaphore_mem>>
      %dma_start3A_40 = tpu.memref_slice %arg4[%add3A_15] : memref<320000xi32, #tpu.memory_space<hbm>> -> memref<80xi32, #tpu.memory_space<hbm>>
      %dma_start3A_41 = tpu.memref_slice %arg4[%add3A_15] : memref<320000xi32, #tpu.memory_space<hbm>> -> memref<80xi32, #tpu.memory_space<hbm>>
      tpu.enqueue_dma source(%dma_start3A_41 : memref<80xi32, #tpu.memory_space<hbm>>) target(%arg11 : memref<80xi32, #tpu.memory_space<vmem>>) target_semaphore(%run_scoped3A : memref<!tpu.dma_semaphore, #tpu.memory_space<semaphore_mem>>)
      %dma_wait3A_42 = tpu.memref_slice %arg4[%add3A_15] : memref<320000xi32, #tpu.memory_space<hbm>> -> memref<80xi32, #tpu.memory_space<hbm>>
      %dma_wait3A_43 = tpu.memref_slice %arg4[%add3A_15] : memref<320000xi32, #tpu.memory_space<hbm>> -> memref<80xi32, #tpu.memory_space<hbm>>
      tpu.wait_dma2 semaphore(%run_scoped3A : memref<!tpu.dma_semaphore, #tpu.memory_space<semaphore_mem>>) src(%dma_wait3A_43 : memref<80xi32, #tpu.memory_space<hbm>>) dst(%arg11 : memref<80xi32, #tpu.memory_space<vmem>>)
      tpu.yield
    }) : () -> ()
    %dma_start3A = arith.constant 0 : i32
    %dma_start3A_16 = tpu.memref_slice %arg10[%dma_start3A] : memref<320xi32, #tpu.memory_space<vmem>> -> memref<80xi32, #tpu.memory_space<vmem>>
    %dma_start3A_17 = arith.constant 0 : i32
    %dma_start3A_18 = arith.constant 0 : i32
    %dma_start3A_19 = tpu.memref_slice %arg2[%dma_start3A_17, %dma_start3A_18] : memref<10000x128xf32, #tpu.memory_space<hbm>> -> memref<10000x128xf32, #tpu.memory_space<hbm>>
    tpu.enqueue_indirect_dma source(%dma_start3A_19 : memref<10000x128xf32, #tpu.memory_space<hbm>>) target(%arg12 : memref<80x128xf32, #tpu.memory_space<vmem>>) offsets(%dma_start3A_16 : memref<80xi32, #tpu.memory_space<vmem>>) semaphore(%arg13 : memref<!tpu.dma_semaphore, #tpu.memory_space<semaphore_mem>>)
    %scan3A = arith.constant 0 : i32
    %scan3A_20 = arith.constant 0 : i32
    %scan3A_21 = arith.constant 31 : i32
    %scan3A_22 = arith.addi %scan3A_20, %scan3A_21 : i32
    %scan3A_23 = arith.constant 1 : i32
    scf.for %scan3A_40 = %scan3A_20 to %scan3A_22 step %scan3A_23  : i32 {
      %mul3A_41 = arith.constant 4 : i32
      %mul3A_42 = arith.muli %mul3A_41, %scan3A_40 : i32
      %dma_start3A_43 = arith.constant 80 : i32
      %dma_start3A_44 = tpu.memref_slice %arg10[%dma_start3A_43] : memref<320xi32, #tpu.memory_space<vmem>> -> memref<80xi32, #tpu.memory_space<vmem>>
      %dma_start3A_45 = arith.constant 0 : i32
      %dma_start3A_46 = arith.constant 0 : i32
      %dma_start3A_47 = tpu.memref_slice %arg2[%dma_start3A_45, %dma_start3A_46] : memref<10000x128xf32, #tpu.memory_space<hbm>> -> memref<10000x128xf32, #tpu.memory_space<hbm>>
      tpu.enqueue_indirect_dma source(%dma_start3A_47 : memref<10000x128xf32, #tpu.memory_space<hbm>>) target(%arg17 : memref<80x128xf32, #tpu.memory_space<vmem>>) offsets(%dma_start3A_44 : memref<80xi32, #tpu.memory_space<vmem>>) semaphore(%arg18 : memref<!tpu.dma_semaphore, #tpu.memory_space<semaphore_mem>>)
      %add3A_48 = arith.constant 1 : i32
      %add3A_49 = arith.addi %mul3A_42, %add3A_48 : i32
      %mul3A_50 = arith.constant 80 : i32
      %mul3A_51 = arith.muli %add3A_49, %mul3A_50 : i32
      %add3A_52 = arith.addi %mul3A_13, %mul3A_51 : i32
      "tpu.region"() ({
        %run_scoped3A = tpu.sem_alloc : memref<!tpu.dma_semaphore, #tpu.memory_space<semaphore_mem>>
        %dma_start3A_112 = tpu.memref_slice %arg4[%add3A_52] : memref<320000xi32, #tpu.memory_space<hbm>> -> memref<80xi32, #tpu.memory_space<hbm>>
        %dma_start3A_113 = tpu.memref_slice %arg4[%add3A_52] : memref<320000xi32, #tpu.memory_space<hbm>> -> memref<80xi32, #tpu.memory_space<hbm>>
        tpu.enqueue_dma source(%dma_start3A_113 : memref<80xi32, #tpu.memory_space<hbm>>) target(%arg16 : memref<80xi32, #tpu.memory_space<vmem>>) target_semaphore(%run_scoped3A : memref<!tpu.dma_semaphore, #tpu.memory_space<semaphore_mem>>)
        %dma_wait3A_114 = tpu.memref_slice %arg4[%add3A_52] : memref<320000xi32, #tpu.memory_space<hbm>> -> memref<80xi32, #tpu.memory_space<hbm>>
        %dma_wait3A_115 = tpu.memref_slice %arg4[%add3A_52] : memref<320000xi32, #tpu.memory_space<hbm>> -> memref<80xi32, #tpu.memory_space<hbm>>
        tpu.wait_dma2 semaphore(%run_scoped3A : memref<!tpu.dma_semaphore, #tpu.memory_space<semaphore_mem>>) src(%dma_wait3A_115 : memref<80xi32, #tpu.memory_space<hbm>>) dst(%arg16 : memref<80xi32, #tpu.memory_space<vmem>>)
        tpu.yield
      }) : () -> ()
      %dma_wait3A_53 = arith.constant 0 : i32
      %dma_wait3A_54 = tpu.memref_slice %arg10[%dma_wait3A_53] : memref<320xi32, #tpu.memory_space<vmem>> -> memref<80xi32, #tpu.memory_space<vmem>>
      %dma_wait3A_55 = arith.constant 0 : i32
      %dma_wait3A_56 = arith.constant 0 : i32
      %dma_wait3A_57 = tpu.memref_slice %arg2[%dma_wait3A_55, %dma_wait3A_56] : memref<10000x128xf32, #tpu.memory_space<hbm>> -> memref<10000x128xf32, #tpu.memory_space<hbm>>
      tpu.wait_indirect_dma semaphore(%arg13 : memref<!tpu.dma_semaphore, #tpu.memory_space<semaphore_mem>>) src(%dma_wait3A_57 : memref<10000x128xf32, #tpu.memory_space<hbm>>) dst(%arg12 : memref<80x128xf32, #tpu.memory_space<vmem>>)
      "tpu.region"() ({
        %run_scoped3A = tpu.sem_alloc : memref<!tpu.dma_semaphore, #tpu.memory_space<semaphore_mem>>
        %dma_start3A_112 = arith.constant 0 : i32
        %dma_start3A_113 = arith.constant 0 : i32
        %dma_start3A_114 = tpu.memref_slice %arg9[%dma_start3A_112, %dma_start3A_113] : memref<10000x128xf32, #tpu.memory_space<vmem_shared>> -> memref<10000x128xf32, #tpu.memory_space<vmem_shared>>
        tpu.enqueue_indirect_dma source(%arg12 : memref<80x128xf32, #tpu.memory_space<vmem>>) target(%dma_start3A_114 : memref<10000x128xf32, #tpu.memory_space<vmem_shared>>) offsets(%arg11 : memref<80xi32, #tpu.memory_space<vmem>>) semaphore(%run_scoped3A : memref<!tpu.dma_semaphore, #tpu.memory_space<semaphore_mem>>) {add = true}
        %dma_wait3A_115 = arith.constant 0 : i32
        %dma_wait3A_116 = arith.constant 0 : i32
        %dma_wait3A_117 = tpu.memref_slice %arg9[%dma_wait3A_115, %dma_wait3A_116] : memref<10000x128xf32, #tpu.memory_space<vmem_shared>> -> memref<10000x128xf32, #tpu.memory_space<vmem_shared>>
        tpu.wait_indirect_dma semaphore(%run_scoped3A : memref<!tpu.dma_semaphore, #tpu.memory_space<semaphore_mem>>) src(%arg12 : memref<80x128xf32, #tpu.memory_space<vmem>>) dst(%dma_wait3A_117 : memref<10000x128xf32, #tpu.memory_space<vmem_shared>>)
        tpu.yield
      }) : () -> ()
      %dma_start3A_58 = arith.constant 160 : i32
      %dma_start3A_59 = tpu.memref_slice %arg10[%dma_start3A_58] : memref<320xi32, #tpu.memory_space<vmem>> -> memref<80xi32, #tpu.memory_space<vmem>>
      %dma_start3A_60 = arith.constant 0 : i32
      %dma_start3A_61 = arith.constant 0 : i32
      %dma_start3A_62 = tpu.memref_slice %arg2[%dma_start3A_60, %dma_start3A_61] : memref<10000x128xf32, #tpu.memory_space<hbm>> -> memref<10000x128xf32, #tpu.memory_space<hbm>>
      tpu.enqueue_indirect_dma source(%dma_start3A_62 : memref<10000x128xf32, #tpu.memory_space<hbm>>) target(%arg12 : memref<80x128xf32, #tpu.memory_space<vmem>>) offsets(%dma_start3A_59 : memref<80xi32, #tpu.memory_space<vmem>>) semaphore(%arg13 : memref<!tpu.dma_semaphore, #tpu.memory_space<semaphore_mem>>)
      %add3A_63 = arith.constant 2 : i32
      %add3A_64 = arith.addi %mul3A_42, %add3A_63 : i32
      %mul3A_65 = arith.constant 80 : i32
      %mul3A_66 = arith.muli %add3A_64, %mul3A_65 : i32
      %add3A_67 = arith.addi %mul3A_13, %mul3A_66 : i32
      "tpu.region"() ({
        %run_scoped3A = tpu.sem_alloc : memref<!tpu.dma_semaphore, #tpu.memory_space<semaphore_mem>>
        %dma_start3A_112 = tpu.memref_slice %arg4[%add3A_67] : memref<320000xi32, #tpu.memory_space<hbm>> -> memref<80xi32, #tpu.memory_space<hbm>>
        %dma_start3A_113 = tpu.memref_slice %arg4[%add3A_67] : memref<320000xi32, #tpu.memory_space<hbm>> -> memref<80xi32, #tpu.memory_space<hbm>>
        tpu.enqueue_dma source(%dma_start3A_113 : memref<80xi32, #tpu.memory_space<hbm>>) target(%arg11 : memref<80xi32, #tpu.memory_space<vmem>>) target_semaphore(%run_scoped3A : memref<!tpu.dma_semaphore, #tpu.memory_space<semaphore_mem>>)
        %dma_wait3A_114 = tpu.memref_slice %arg4[%add3A_67] : memref<320000xi32, #tpu.memory_space<hbm>> -> memref<80xi32, #tpu.memory_space<hbm>>
        %dma_wait3A_115 = tpu.memref_slice %arg4[%add3A_67] : memref<320000xi32, #tpu.memory_space<hbm>> -> memref<80xi32, #tpu.memory_space<hbm>>
        tpu.wait_dma2 semaphore(%run_scoped3A : memref<!tpu.dma_semaphore, #tpu.memory_space<semaphore_mem>>) src(%dma_wait3A_115 : memref<80xi32, #tpu.memory_space<hbm>>) dst(%arg11 : memref<80xi32, #tpu.memory_space<vmem>>)
        tpu.yield
      }) : () -> ()
      %dma_wait3A_68 = arith.constant 80 : i32
      %dma_wait3A_69 = tpu.memref_slice %arg10[%dma_wait3A_68] : memref<320xi32, #tpu.memory_space<vmem>> -> memref<80xi32, #tpu.memory_space<vmem>>
      %dma_wait3A_70 = arith.constant 0 : i32
      %dma_wait3A_71 = arith.constant 0 : i32
      %dma_wait3A_72 = tpu.memref_slice %arg2[%dma_wait3A_70, %dma_wait3A_71] : memref<10000x128xf32, #tpu.memory_space<hbm>> -> memref<10000x128xf32, #tpu.memory_space<hbm>>
      tpu.wait_indirect_dma semaphore(%arg18 : memref<!tpu.dma_semaphore, #tpu.memory_space<semaphore_mem>>) src(%dma_wait3A_72 : memref<10000x128xf32, #tpu.memory_space<hbm>>) dst(%arg17 : memref<80x128xf32, #tpu.memory_space<vmem>>)
      "tpu.region"() ({
        %run_scoped3A = tpu.sem_alloc : memref<!tpu.dma_semaphore, #tpu.memory_space<semaphore_mem>>
        %dma_start3A_112 = arith.constant 0 : i32
        %dma_start3A_113 = arith.constant 0 : i32
        %dma_start3A_114 = tpu.memref_slice %arg9[%dma_start3A_112, %dma_start3A_113] : memref<10000x128xf32, #tpu.memory_space<vmem_shared>> -> memref<10000x128xf32, #tpu.memory_space<vmem_shared>>
        tpu.enqueue_indirect_dma source(%arg17 : memref<80x128xf32, #tpu.memory_space<vmem>>) target(%dma_start3A_114 : memref<10000x128xf32, #tpu.memory_space<vmem_shared>>) offsets(%arg16 : memref<80xi32, #tpu.memory_space<vmem>>) semaphore(%run_scoped3A : memref<!tpu.dma_semaphore, #tpu.memory_space<semaphore_mem>>) {add = true}
        %dma_wait3A_115 = arith.constant 0 : i32
        %dma_wait3A_116 = arith.constant 0 : i32
        %dma_wait3A_117 = tpu.memref_slice %arg9[%dma_wait3A_115, %dma_wait3A_116] : memref<10000x128xf32, #tpu.memory_space<vmem_shared>> -> memref<10000x128xf32, #tpu.memory_space<vmem_shared>>
        tpu.wait_indirect_dma semaphore(%run_scoped3A : memref<!tpu.dma_semaphore, #tpu.memory_space<semaphore_mem>>) src(%arg17 : memref<80x128xf32, #tpu.memory_space<vmem>>) dst(%dma_wait3A_117 : memref<10000x128xf32, #tpu.memory_space<vmem_shared>>)
        tpu.yield
      }) : () -> ()
      %dma_start3A_73 = arith.constant 240 : i32
      %dma_start3A_74 = tpu.memref_slice %arg10[%dma_start3A_73] : memref<320xi32, #tpu.memory_space<vmem>> -> memref<80xi32, #tpu.memory_space<vmem>>
      %dma_start3A_75 = arith.constant 0 : i32
      %dma_start3A_76 = arith.constant 0 : i32
      %dma_start3A_77 = tpu.memref_slice %arg2[%dma_start3A_75, %dma_start3A_76] : memref<10000x128xf32, #tpu.memory_space<hbm>> -> memref<10000x128xf32, #tpu.memory_space<hbm>>
      tpu.enqueue_indirect_dma source(%dma_start3A_77 : memref<10000x128xf32, #tpu.memory_space<hbm>>) target(%arg17 : memref<80x128xf32, #tpu.memory_space<vmem>>) offsets(%dma_start3A_74 : memref<80xi32, #tpu.memory_space<vmem>>) semaphore(%arg18 : memref<!tpu.dma_semaphore, #tpu.memory_space<semaphore_mem>>)
      %add3A_78 = arith.constant 3 : i32
      %add3A_79 = arith.addi %mul3A_42, %add3A_78 : i32
      %mul3A_80 = arith.constant 80 : i32
      %mul3A_81 = arith.muli %add3A_79, %mul3A_80 : i32
      %add3A_82 = arith.addi %mul3A_13, %mul3A_81 : i32
      "tpu.region"() ({
        %run_scoped3A = tpu.sem_alloc : memref<!tpu.dma_semaphore, #tpu.memory_space<semaphore_mem>>
        %dma_start3A_112 = tpu.memref_slice %arg4[%add3A_82] : memref<320000xi32, #tpu.memory_space<hbm>> -> memref<80xi32, #tpu.memory_space<hbm>>
        %dma_start3A_113 = tpu.memref_slice %arg4[%add3A_82] : memref<320000xi32, #tpu.memory_space<hbm>> -> memref<80xi32, #tpu.memory_space<hbm>>
        tpu.enqueue_dma source(%dma_start3A_113 : memref<80xi32, #tpu.memory_space<hbm>>) target(%arg16 : memref<80xi32, #tpu.memory_space<vmem>>) target_semaphore(%run_scoped3A : memref<!tpu.dma_semaphore, #tpu.memory_space<semaphore_mem>>)
        %dma_wait3A_114 = tpu.memref_slice %arg4[%add3A_82] : memref<320000xi32, #tpu.memory_space<hbm>> -> memref<80xi32, #tpu.memory_space<hbm>>
        %dma_wait3A_115 = tpu.memref_slice %arg4[%add3A_82] : memref<320000xi32, #tpu.memory_space<hbm>> -> memref<80xi32, #tpu.memory_space<hbm>>
        tpu.wait_dma2 semaphore(%run_scoped3A : memref<!tpu.dma_semaphore, #tpu.memory_space<semaphore_mem>>) src(%dma_wait3A_115 : memref<80xi32, #tpu.memory_space<hbm>>) dst(%arg16 : memref<80xi32, #tpu.memory_space<vmem>>)
        tpu.yield
      }) : () -> ()
      %dma_wait3A_83 = arith.constant 160 : i32
      %dma_wait3A_84 = tpu.memref_slice %arg10[%dma_wait3A_83] : memref<320xi32, #tpu.memory_space<vmem>> -> memref<80xi32, #tpu.memory_space<vmem>>
      %dma_wait3A_85 = arith.constant 0 : i32
      %dma_wait3A_86 = arith.constant 0 : i32
      %dma_wait3A_87 = tpu.memref_slice %arg2[%dma_wait3A_85, %dma_wait3A_86] : memref<10000x128xf32, #tpu.memory_space<hbm>> -> memref<10000x128xf32, #tpu.memory_space<hbm>>
      tpu.wait_indirect_dma semaphore(%arg13 : memref<!tpu.dma_semaphore, #tpu.memory_space<semaphore_mem>>) src(%dma_wait3A_87 : memref<10000x128xf32, #tpu.memory_space<hbm>>) dst(%arg12 : memref<80x128xf32, #tpu.memory_space<vmem>>)
      "tpu.region"() ({
        %run_scoped3A = tpu.sem_alloc : memref<!tpu.dma_semaphore, #tpu.memory_space<semaphore_mem>>
        %dma_start3A_112 = arith.constant 0 : i32
        %dma_start3A_113 = arith.constant 0 : i32
        %dma_start3A_114 = tpu.memref_slice %arg9[%dma_start3A_112, %dma_start3A_113] : memref<10000x128xf32, #tpu.memory_space<vmem_shared>> -> memref<10000x128xf32, #tpu.memory_space<vmem_shared>>
        tpu.enqueue_indirect_dma source(%arg12 : memref<80x128xf32, #tpu.memory_space<vmem>>) target(%dma_start3A_114 : memref<10000x128xf32, #tpu.memory_space<vmem_shared>>) offsets(%arg11 : memref<80xi32, #tpu.memory_space<vmem>>) semaphore(%run_scoped3A : memref<!tpu.dma_semaphore, #tpu.memory_space<semaphore_mem>>) {add = true}
        %dma_wait3A_115 = arith.constant 0 : i32
        %dma_wait3A_116 = arith.constant 0 : i32
        %dma_wait3A_117 = tpu.memref_slice %arg9[%dma_wait3A_115, %dma_wait3A_116] : memref<10000x128xf32, #tpu.memory_space<vmem_shared>> -> memref<10000x128xf32, #tpu.memory_space<vmem_shared>>
        tpu.wait_indirect_dma semaphore(%run_scoped3A : memref<!tpu.dma_semaphore, #tpu.memory_space<semaphore_mem>>) src(%arg12 : memref<80x128xf32, #tpu.memory_space<vmem>>) dst(%dma_wait3A_117 : memref<10000x128xf32, #tpu.memory_space<vmem_shared>>)
        tpu.yield
      }) : () -> ()
      %dma_wait3A_88 = arith.constant 240 : i32
      %dma_wait3A_89 = tpu.memref_slice %arg10[%dma_wait3A_88] : memref<320xi32, #tpu.memory_space<vmem>> -> memref<80xi32, #tpu.memory_space<vmem>>
      %dma_wait3A_90 = arith.constant 0 : i32
      %dma_wait3A_91 = arith.constant 0 : i32
      %dma_wait3A_92 = tpu.memref_slice %arg2[%dma_wait3A_90, %dma_wait3A_91] : memref<10000x128xf32, #tpu.memory_space<hbm>> -> memref<10000x128xf32, #tpu.memory_space<hbm>>
      tpu.wait_indirect_dma semaphore(%arg18 : memref<!tpu.dma_semaphore, #tpu.memory_space<semaphore_mem>>) src(%dma_wait3A_92 : memref<10000x128xf32, #tpu.memory_space<hbm>>) dst(%arg17 : memref<80x128xf32, #tpu.memory_space<vmem>>)
      "tpu.region"() ({
        %run_scoped3A = tpu.sem_alloc : memref<!tpu.dma_semaphore, #tpu.memory_space<semaphore_mem>>
        %dma_start3A_112 = arith.constant 0 : i32
        %dma_start3A_113 = arith.constant 0 : i32
        %dma_start3A_114 = tpu.memref_slice %arg9[%dma_start3A_112, %dma_start3A_113] : memref<10000x128xf32, #tpu.memory_space<vmem_shared>> -> memref<10000x128xf32, #tpu.memory_space<vmem_shared>>
        tpu.enqueue_indirect_dma source(%arg17 : memref<80x128xf32, #tpu.memory_space<vmem>>) target(%dma_start3A_114 : memref<10000x128xf32, #tpu.memory_space<vmem_shared>>) offsets(%arg16 : memref<80xi32, #tpu.memory_space<vmem>>) semaphore(%run_scoped3A : memref<!tpu.dma_semaphore, #tpu.memory_space<semaphore_mem>>) {add = true}
        %dma_wait3A_115 = arith.constant 0 : i32
        %dma_wait3A_116 = arith.constant 0 : i32
        %dma_wait3A_117 = tpu.memref_slice %arg9[%dma_wait3A_115, %dma_wait3A_116] : memref<10000x128xf32, #tpu.memory_space<vmem_shared>> -> memref<10000x128xf32, #tpu.memory_space<vmem_shared>>
        tpu.wait_indirect_dma semaphore(%run_scoped3A : memref<!tpu.dma_semaphore, #tpu.memory_space<semaphore_mem>>) src(%arg17 : memref<80x128xf32, #tpu.memory_space<vmem>>) dst(%dma_wait3A_117 : memref<10000x128xf32, #tpu.memory_space<vmem_shared>>)
        tpu.yield
      }) : () -> ()
      %add3A_93 = arith.constant 4 : i32
      %add3A_94 = arith.addi %mul3A_42, %add3A_93 : i32
      %min3A = arith.constant 121 : i32
      %min3A_95 = arith.minsi %add3A_94, %min3A : i32
      %mul3A_96 = arith.constant 80 : i32
      %mul3A_97 = arith.muli %min3A_95, %mul3A_96 : i32
      %add3A_98 = arith.addi %mul3A_13, %mul3A_97 : i32
      "tpu.region"() ({
        %run_scoped3A = tpu.sem_alloc : memref<!tpu.dma_semaphore, #tpu.memory_space<semaphore_mem>>
        %dma_start3A_112 = tpu.memref_slice %arg3[%add3A_98] : memref<320000xi32, #tpu.memory_space<hbm>> -> memref<320xi32, #tpu.memory_space<hbm>>
        %dma_start3A_113 = tpu.memref_slice %arg3[%add3A_98] : memref<320000xi32, #tpu.memory_space<hbm>> -> memref<320xi32, #tpu.memory_space<hbm>>
        tpu.enqueue_dma source(%dma_start3A_113 : memref<320xi32, #tpu.memory_space<hbm>>) target(%arg10 : memref<320xi32, #tpu.memory_space<vmem>>) target_semaphore(%run_scoped3A : memref<!tpu.dma_semaphore, #tpu.memory_space<semaphore_mem>>)
        %dma_wait3A_114 = tpu.memref_slice %arg3[%add3A_98] : memref<320000xi32, #tpu.memory_space<hbm>> -> memref<320xi32, #tpu.memory_space<hbm>>
        %dma_wait3A_115 = tpu.memref_slice %arg3[%add3A_98] : memref<320000xi32, #tpu.memory_space<hbm>> -> memref<320xi32, #tpu.memory_space<hbm>>
        tpu.wait_dma2 semaphore(%run_scoped3A : memref<!tpu.dma_semaphore, #tpu.memory_space<semaphore_mem>>) src(%dma_wait3A_115 : memref<320xi32, #tpu.memory_space<hbm>>) dst(%arg10 : memref<320xi32, #tpu.memory_space<vmem>>)
        tpu.yield
      }) : () -> ()
      %add3A_99 = arith.constant 4 : i32
      %add3A_100 = arith.addi %mul3A_42, %add3A_99 : i32
      %sub3A = arith.subi %add3A_100, %min3A_95 : i32
      %mul3A_101 = arith.constant 80 : i32
      %mul3A_102 = arith.muli %sub3A, %mul3A_101 : i32
      %add3A_103 = arith.constant 4 : i32
      %add3A_104 = arith.addi %mul3A_42, %add3A_103 : i32
      %mul3A_105 = arith.constant 80 : i32
      %mul3A_106 = arith.muli %add3A_104, %mul3A_105 : i32
      %add3A_107 = arith.addi %mul3A_13, %mul3A_106 : i32
      "tpu.region"() ({
        %run_scoped3A = tpu.sem_alloc : memref<!tpu.dma_semaphore, #tpu.memory_space<semaphore_mem>>
        %dma_start3A_112 = tpu.memref_slice %arg4[%add3A_107] : memref<320000xi32, #tpu.memory_space<hbm>> -> memref<80xi32, #tpu.memory_space<hbm>>
        %dma_start3A_113 = tpu.memref_slice %arg4[%add3A_107] : memref<320000xi32, #tpu.memory_space<hbm>> -> memref<80xi32, #tpu.memory_space<hbm>>
        tpu.enqueue_dma source(%dma_start3A_113 : memref<80xi32, #tpu.memory_space<hbm>>) target(%arg11 : memref<80xi32, #tpu.memory_space<vmem>>) target_semaphore(%run_scoped3A : memref<!tpu.dma_semaphore, #tpu.memory_space<semaphore_mem>>)
        %dma_wait3A_114 = tpu.memref_slice %arg4[%add3A_107] : memref<320000xi32, #tpu.memory_space<hbm>> -> memref<80xi32, #tpu.memory_space<hbm>>
        %dma_wait3A_115 = tpu.memref_slice %arg4[%add3A_107] : memref<320000xi32, #tpu.memory_space<hbm>> -> memref<80xi32, #tpu.memory_space<hbm>>
        tpu.wait_dma2 semaphore(%run_scoped3A : memref<!tpu.dma_semaphore, #tpu.memory_space<semaphore_mem>>) src(%dma_wait3A_115 : memref<80xi32, #tpu.memory_space<hbm>>) dst(%arg11 : memref<80xi32, #tpu.memory_space<vmem>>)
        tpu.yield
      }) : () -> ()
      %dma_start3A_108 = tpu.memref_slice %arg10[%mul3A_102] : memref<320xi32, #tpu.memory_space<vmem>> -> memref<80xi32, #tpu.memory_space<vmem>>
      %dma_start3A_109 = arith.constant 0 : i32
      %dma_start3A_110 = arith.constant 0 : i32
      %dma_start3A_111 = tpu.memref_slice %arg2[%dma_start3A_109, %dma_start3A_110] : memref<10000x128xf32, #tpu.memory_space<hbm>> -> memref<10000x128xf32, #tpu.memory_space<hbm>>
      tpu.enqueue_indirect_dma source(%dma_start3A_111 : memref<10000x128xf32, #tpu.memory_space<hbm>>) target(%arg12 : memref<80x128xf32, #tpu.memory_space<vmem>>) offsets(%dma_start3A_108 : memref<80xi32, #tpu.memory_space<vmem>>) semaphore(%arg13 : memref<!tpu.dma_semaphore, #tpu.memory_space<semaphore_mem>>)
    }
    %scan3A_24 = arith.constant 31 : i32
    %dma_wait3A = arith.constant 240 : i32
    %dma_wait3A_25 = tpu.memref_slice %arg10[%dma_wait3A] : memref<320xi32, #tpu.memory_space<vmem>> -> memref<80xi32, #tpu.memory_space<vmem>>
    %dma_wait3A_26 = arith.constant 0 : i32
    %dma_wait3A_27 = arith.constant 0 : i32
    %dma_wait3A_28 = tpu.memref_slice %arg2[%dma_wait3A_26, %dma_wait3A_27] : memref<10000x128xf32, #tpu.memory_space<hbm>> -> memref<10000x128xf32, #tpu.memory_space<hbm>>
    tpu.wait_indirect_dma semaphore(%arg13 : memref<!tpu.dma_semaphore, #tpu.memory_space<semaphore_mem>>) src(%dma_wait3A_28 : memref<10000x128xf32, #tpu.memory_space<hbm>>) dst(%arg12 : memref<80x128xf32, #tpu.memory_space<vmem>>)
    "tpu.region"() ({
      %run_scoped3A = tpu.sem_alloc : memref<!tpu.dma_semaphore, #tpu.memory_space<semaphore_mem>>
      %dma_start3A_40 = arith.constant 0 : i32
      %dma_start3A_41 = arith.constant 0 : i32
      %dma_start3A_42 = tpu.memref_slice %arg9[%dma_start3A_40, %dma_start3A_41] : memref<10000x128xf32, #tpu.memory_space<vmem_shared>> -> memref<10000x128xf32, #tpu.memory_space<vmem_shared>>
      tpu.enqueue_indirect_dma source(%arg12 : memref<80x128xf32, #tpu.memory_space<vmem>>) target(%dma_start3A_42 : memref<10000x128xf32, #tpu.memory_space<vmem_shared>>) offsets(%arg11 : memref<80xi32, #tpu.memory_space<vmem>>) semaphore(%run_scoped3A : memref<!tpu.dma_semaphore, #tpu.memory_space<semaphore_mem>>) {add = true}
      %dma_wait3A_43 = arith.constant 0 : i32
      %dma_wait3A_44 = arith.constant 0 : i32
      %dma_wait3A_45 = tpu.memref_slice %arg9[%dma_wait3A_43, %dma_wait3A_44] : memref<10000x128xf32, #tpu.memory_space<vmem_shared>> -> memref<10000x128xf32, #tpu.memory_space<vmem_shared>>
      tpu.wait_indirect_dma semaphore(%run_scoped3A : memref<!tpu.dma_semaphore, #tpu.memory_space<semaphore_mem>>) src(%arg12 : memref<80x128xf32, #tpu.memory_space<vmem>>) dst(%dma_wait3A_45 : memref<10000x128xf32, #tpu.memory_space<vmem_shared>>)
      tpu.yield
    }) : () -> ()
    %barrier3A_29 = arith.constant 0 : index
    tpu.barrier barrier_id(%barrier3A_29)
    %while3A_30 = arith.constant 0 : i32
    %while3A_31 = arith.constant 0 : i32
    %while3A_32 = arith.subi %select_n3A, %while3A_31 : i32
    %while3A_33 = arith.addi %while3A_31, %while3A_32 : i32
    %while3A_34 = arith.constant 1 : i32
    %while3A_35 = arith.divsi %while3A_32, %while3A_34 : i32
    %while3A_36 = arith.muli %while3A_35, %while3A_34 : i32
    %while3A_37 = arith.addi %while3A_31, %while3A_36 : i32
    %while3A_38 = arith.constant 1 : i32
    scf.for %while3A_40 = %while3A_31 to %while3A_37 step %while3A_38  : i32 {
      %mul3A_41 = arith.constant 8 : i32
      %mul3A_42 = arith.muli %arg1, %mul3A_41 : i32
      %add3A_43 = arith.addi %mul3A_42, %while3A_40 : i32
      %mul3A_44 = arith.constant 80 : i32
      %mul3A_45 = arith.muli %add3A_43, %mul3A_44 : i32
      "tpu.region"() ({
        %run_scoped3A = tpu.sem_alloc : memref<!tpu.dma_semaphore, #tpu.memory_space<semaphore_mem>>
        %dma_start3A_105 = tpu.memref_slice %arg7[%mul3A_45] : memref<10000xi32, #tpu.memory_space<hbm>> -> memref<80xi32, #tpu.memory_space<hbm>>
        %dma_start3A_106 = tpu.memref_slice %arg7[%mul3A_45] : memref<10000xi32, #tpu.memory_space<hbm>> -> memref<80xi32, #tpu.memory_space<hbm>>
        tpu.enqueue_dma source(%dma_start3A_106 : memref<80xi32, #tpu.memory_space<hbm>>) target(%arg14 : memref<80xi32, #tpu.memory_space<vmem>>) target_semaphore(%run_scoped3A : memref<!tpu.dma_semaphore, #tpu.memory_space<semaphore_mem>>)
        %dma_wait3A_107 = tpu.memref_slice %arg7[%mul3A_45] : memref<10000xi32, #tpu.memory_space<hbm>> -> memref<80xi32, #tpu.memory_space<hbm>>
        %dma_wait3A_108 = tpu.memref_slice %arg7[%mul3A_45] : memref<10000xi32, #tpu.memory_space<hbm>> -> memref<80xi32, #tpu.memory_space<hbm>>
        tpu.wait_dma2 semaphore(%run_scoped3A : memref<!tpu.dma_semaphore, #tpu.memory_space<semaphore_mem>>) src(%dma_wait3A_108 : memref<80xi32, #tpu.memory_space<hbm>>) dst(%arg14 : memref<80xi32, #tpu.memory_space<vmem>>)
        tpu.yield
      }) : () -> ()
      %get3A = arith.constant 0 : index
      %get3A_46 = tpu.vector_load %arg14[%get3A] {strides = array<i32>} : memref<80xi32, #tpu.memory_space<vmem>>, vector<16xi32>,
      %get3A_47 = vector.shape_cast %get3A_46 : vector<16xi32> to vector<16xi32>
      %mul3A_48 = arith.constant 10000 : i32
      %mul3A_49 = arith.muli %arg0, %mul3A_48 : i32
      %add3A_50 = vector.broadcast %mul3A_49 : i32 to vector<16xi32>
      %add3A_51 = arith.addi %get3A_47, %add3A_50 : vector<16xi32>
      %swap3A = arith.constant 0 : index
      %swap3A_52 = tpu.vector_load %arg15[%swap3A] {strides = array<i32>} : memref<80xi32, #tpu.memory_space<vmem>>, vector<16xi32>,
      %swap3A_53 = vector.shape_cast %swap3A_52 : vector<16xi32> to vector<16xi32>
      %swap3A_54 = vector.shape_cast %add3A_51 : vector<16xi32> to vector<16xi32>
      tpu.vector_store %arg15[%swap3A], %swap3A_54 {strides = array<i32>} : memref<80xi32, #tpu.memory_space<vmem>>, vector<16xi32>,
      %get3A_55 = arith.constant 16 : index
      %get3A_56 = tpu.vector_load %arg14[%get3A_55] {strides = array<i32>} : memref<80xi32, #tpu.memory_space<vmem>>, vector<16xi32>,
      %get3A_57 = vector.shape_cast %get3A_56 : vector<16xi32> to vector<16xi32>
      %mul3A_58 = arith.constant 10000 : i32
      %mul3A_59 = arith.muli %arg0, %mul3A_58 : i32
      %add3A_60 = vector.broadcast %mul3A_59 : i32 to vector<16xi32>
      %add3A_61 = arith.addi %get3A_57, %add3A_60 : vector<16xi32>
      %swap3A_62 = arith.constant 16 : index
      %swap3A_63 = tpu.vector_load %arg15[%swap3A_62] {strides = array<i32>} : memref<80xi32, #tpu.memory_space<vmem>>, vector<16xi32>,
      %swap3A_64 = vector.shape_cast %swap3A_63 : vector<16xi32> to vector<16xi32>
      %swap3A_65 = vector.shape_cast %add3A_61 : vector<16xi32> to vector<16xi32>
      tpu.vector_store %arg15[%swap3A_62], %swap3A_65 {strides = array<i32>} : memref<80xi32, #tpu.memory_space<vmem>>, vector<16xi32>,
      %get3A_66 = arith.constant 32 : index
      %get3A_67 = tpu.vector_load %arg14[%get3A_66] {strides = array<i32>} : memref<80xi32, #tpu.memory_space<vmem>>, vector<16xi32>,
      %get3A_68 = vector.shape_cast %get3A_67 : vector<16xi32> to vector<16xi32>
      %mul3A_69 = arith.constant 10000 : i32
      %mul3A_70 = arith.muli %arg0, %mul3A_69 : i32
      %add3A_71 = vector.broadcast %mul3A_70 : i32 to vector<16xi32>
      %add3A_72 = arith.addi %get3A_68, %add3A_71 : vector<16xi32>
      %swap3A_73 = arith.constant 32 : index
      %swap3A_74 = tpu.vector_load %arg15[%swap3A_73] {strides = array<i32>} : memref<80xi32, #tpu.memory_space<vmem>>, vector<16xi32>,
      %swap3A_75 = vector.shape_cast %swap3A_74 : vector<16xi32> to vector<16xi32>
      %swap3A_76 = vector.shape_cast %add3A_72 : vector<16xi32> to vector<16xi32>
      tpu.vector_store %arg15[%swap3A_73], %swap3A_76 {strides = array<i32>} : memref<80xi32, #tpu.memory_space<vmem>>, vector<16xi32>,
      %get3A_77 = arith.constant 48 : index
      %get3A_78 = tpu.vector_load %arg14[%get3A_77] {strides = array<i32>} : memref<80xi32, #tpu.memory_space<vmem>>, vector<16xi32>,
      %get3A_79 = vector.shape_cast %get3A_78 : vector<16xi32> to vector<16xi32>
      %mul3A_80 = arith.constant 10000 : i32
      %mul3A_81 = arith.muli %arg0, %mul3A_80 : i32
      %add3A_82 = vector.broadcast %mul3A_81 : i32 to vector<16xi32>
      %add3A_83 = arith.addi %get3A_79, %add3A_82 : vector<16xi32>
      %swap3A_84 = arith.constant 48 : index
      %swap3A_85 = tpu.vector_load %arg15[%swap3A_84] {strides = array<i32>} : memref<80xi32, #tpu.memory_space<vmem>>, vector<16xi32>,
      %swap3A_86 = vector.shape_cast %swap3A_85 : vector<16xi32> to vector<16xi32>
      %swap3A_87 = vector.shape_cast %add3A_83 : vector<16xi32> to vector<16xi32>
      tpu.vector_store %arg15[%swap3A_84], %swap3A_87 {strides = array<i32>} : memref<80xi32, #tpu.memory_space<vmem>>, vector<16xi32>,
      %get3A_88 = arith.constant 64 : index
      %get3A_89 = tpu.vector_load %arg14[%get3A_88] {strides = array<i32>} : memref<80xi32, #tpu.memory_space<vmem>>, vector<16xi32>,
      %get3A_90 = vector.shape_cast %get3A_89 : vector<16xi32> to vector<16xi32>
      %mul3A_91 = arith.constant 10000 : i32
      %mul3A_92 = arith.muli %arg0, %mul3A_91 : i32
      %add3A_93 = vector.broadcast %mul3A_92 : i32 to vector<16xi32>
      %add3A_94 = arith.addi %get3A_90, %add3A_93 : vector<16xi32>
      %swap3A_95 = arith.constant 64 : index
      %swap3A_96 = tpu.vector_load %arg15[%swap3A_95] {strides = array<i32>} : memref<80xi32, #tpu.memory_space<vmem>>, vector<16xi32>,
      %swap3A_97 = vector.shape_cast %swap3A_96 : vector<16xi32> to vector<16xi32>
      %swap3A_98 = vector.shape_cast %add3A_94 : vector<16xi32> to vector<16xi32>
      tpu.vector_store %arg15[%swap3A_95], %swap3A_98 {strides = array<i32>} : memref<80xi32, #tpu.memory_space<vmem>>, vector<16xi32>,
      %dma_start3A_99 = arith.constant 0 : i32
      %dma_start3A_100 = arith.constant 0 : i32
      %dma_start3A_101 = tpu.memref_slice %arg9[%dma_start3A_99, %dma_start3A_100] : memref<10000x128xf32, #tpu.memory_space<vmem_shared>> -> memref<10000x128xf32, #tpu.memory_space<vmem_shared>>
      tpu.enqueue_indirect_dma source(%dma_start3A_101 : memref<10000x128xf32, #tpu.memory_space<vmem_shared>>) target(%arg12 : memref<80x128xf32, #tpu.memory_space<vmem>>) offsets(%arg14 : memref<80xi32, #tpu.memory_space<vmem>>) semaphore(%arg13 : memref<!tpu.dma_semaphore, #tpu.memory_space<semaphore_mem>>)
      %dma_wait3A_102 = arith.constant 0 : i32
      %dma_wait3A_103 = arith.constant 0 : i32
      %dma_wait3A_104 = tpu.memref_slice %arg9[%dma_wait3A_102, %dma_wait3A_103] : memref<10000x128xf32, #tpu.memory_space<vmem_shared>> -> memref<10000x128xf32, #tpu.memory_space<vmem_shared>>
      tpu.wait_indirect_dma semaphore(%arg13 : memref<!tpu.dma_semaphore, #tpu.memory_space<semaphore_mem>>) src(%dma_wait3A_104 : memref<10000x128xf32, #tpu.memory_space<vmem_shared>>) dst(%arg12 : memref<80x128xf32, #tpu.memory_space<vmem>>)
      "tpu.region"() ({
        %run_scoped3A = tpu.sem_alloc : memref<!tpu.dma_semaphore, #tpu.memory_space<semaphore_mem>>
        %dma_start3A_105 = arith.constant 0 : i32
        %dma_start3A_106 = arith.constant 0 : i32
        %dma_start3A_107 = tpu.memref_slice %arg8[%dma_start3A_105, %dma_start3A_106] : memref<20000x128xf32, #tpu.memory_space<hbm>> -> memref<20000x128xf32, #tpu.memory_space<hbm>>
        tpu.enqueue_indirect_dma source(%arg12 : memref<80x128xf32, #tpu.memory_space<vmem>>) target(%dma_start3A_107 : memref<20000x128xf32, #tpu.memory_space<hbm>>) offsets(%arg15 : memref<80xi32, #tpu.memory_space<vmem>>) semaphore(%run_scoped3A : memref<!tpu.dma_semaphore, #tpu.memory_space<semaphore_mem>>)
        %dma_wait3A_108 = arith.constant 0 : i32
        %dma_wait3A_109 = arith.constant 0 : i32
        %dma_wait3A_110 = tpu.memref_slice %arg8[%dma_wait3A_108, %dma_wait3A_109] : memref<20000x128xf32, #tpu.memory_space<hbm>> -> memref<20000x128xf32, #tpu.memory_space<hbm>>
        tpu.wait_indirect_dma semaphore(%run_scoped3A : memref<!tpu.dma_semaphore, #tpu.memory_space<semaphore_mem>>) src(%arg12 : memref<80x128xf32, #tpu.memory_space<vmem>>) dst(%dma_wait3A_110 : memref<20000x128xf32, #tpu.memory_space<hbm>>)
        tpu.yield
      }) : () -> ()
    }
    %while3A_39 = arith.constant 1 : i32
    scf.for %while3A_40 = %while3A_37 to %while3A_33 step %while3A_39  : i32 {
      %mul3A_41 = arith.constant 8 : i32
      %mul3A_42 = arith.muli %arg1, %mul3A_41 : i32
      %add3A_43 = arith.addi %mul3A_42, %while3A_40 : i32
      %mul3A_44 = arith.constant 80 : i32
      %mul3A_45 = arith.muli %add3A_43, %mul3A_44 : i32
      "tpu.region"() ({
        %run_scoped3A = tpu.sem_alloc : memref<!tpu.dma_semaphore, #tpu.memory_space<semaphore_mem>>
        %dma_start3A_105 = tpu.memref_slice %arg7[%mul3A_45] : memref<10000xi32, #tpu.memory_space<hbm>> -> memref<80xi32, #tpu.memory_space<hbm>>
        %dma_start3A_106 = tpu.memref_slice %arg7[%mul3A_45] : memref<10000xi32, #tpu.memory_space<hbm>> -> memref<80xi32, #tpu.memory_space<hbm>>
        tpu.enqueue_dma source(%dma_start3A_106 : memref<80xi32, #tpu.memory_space<hbm>>) target(%arg14 : memref<80xi32, #tpu.memory_space<vmem>>) target_semaphore(%run_scoped3A : memref<!tpu.dma_semaphore, #tpu.memory_space<semaphore_mem>>)
        %dma_wait3A_107 = tpu.memref_slice %arg7[%mul3A_45] : memref<10000xi32, #tpu.memory_space<hbm>> -> memref<80xi32, #tpu.memory_space<hbm>>
        %dma_wait3A_108 = tpu.memref_slice %arg7[%mul3A_45] : memref<10000xi32, #tpu.memory_space<hbm>> -> memref<80xi32, #tpu.memory_space<hbm>>
        tpu.wait_dma2 semaphore(%run_scoped3A : memref<!tpu.dma_semaphore, #tpu.memory_space<semaphore_mem>>) src(%dma_wait3A_108 : memref<80xi32, #tpu.memory_space<hbm>>) dst(%arg14 : memref<80xi32, #tpu.memory_space<vmem>>)
        tpu.yield
      }) : () -> ()
      %get3A = arith.constant 0 : index
      %get3A_46 = tpu.vector_load %arg14[%get3A] {strides = array<i32>} : memref<80xi32, #tpu.memory_space<vmem>>, vector<16xi32>,
      %get3A_47 = vector.shape_cast %get3A_46 : vector<16xi32> to vector<16xi32>
      %mul3A_48 = arith.constant 10000 : i32
      %mul3A_49 = arith.muli %arg0, %mul3A_48 : i32
      %add3A_50 = vector.broadcast %mul3A_49 : i32 to vector<16xi32>
      %add3A_51 = arith.addi %get3A_47, %add3A_50 : vector<16xi32>
      %swap3A = arith.constant 0 : index
      %swap3A_52 = tpu.vector_load %arg15[%swap3A] {strides = array<i32>} : memref<80xi32, #tpu.memory_space<vmem>>, vector<16xi32>,
      %swap3A_53 = vector.shape_cast %swap3A_52 : vector<16xi32> to vector<16xi32>
      %swap3A_54 = vector.shape_cast %add3A_51 : vector<16xi32> to vector<16xi32>
      tpu.vector_store %arg15[%swap3A], %swap3A_54 {strides = array<i32>} : memref<80xi32, #tpu.memory_space<vmem>>, vector<16xi32>,
      %get3A_55 = arith.constant 16 : index
      %get3A_56 = tpu.vector_load %arg14[%get3A_55] {strides = array<i32>} : memref<80xi32, #tpu.memory_space<vmem>>, vector<16xi32>,
      %get3A_57 = vector.shape_cast %get3A_56 : vector<16xi32> to vector<16xi32>
      %mul3A_58 = arith.constant 10000 : i32
      %mul3A_59 = arith.muli %arg0, %mul3A_58 : i32
      %add3A_60 = vector.broadcast %mul3A_59 : i32 to vector<16xi32>
      %add3A_61 = arith.addi %get3A_57, %add3A_60 : vector<16xi32>
      %swap3A_62 = arith.constant 16 : index
      %swap3A_63 = tpu.vector_load %arg15[%swap3A_62] {strides = array<i32>} : memref<80xi32, #tpu.memory_space<vmem>>, vector<16xi32>,
      %swap3A_64 = vector.shape_cast %swap3A_63 : vector<16xi32> to vector<16xi32>
      %swap3A_65 = vector.shape_cast %add3A_61 : vector<16xi32> to vector<16xi32>
      tpu.vector_store %arg15[%swap3A_62], %swap3A_65 {strides = array<i32>} : memref<80xi32, #tpu.memory_space<vmem>>, vector<16xi32>,
      %get3A_66 = arith.constant 32 : index
      %get3A_67 = tpu.vector_load %arg14[%get3A_66] {strides = array<i32>} : memref<80xi32, #tpu.memory_space<vmem>>, vector<16xi32>,
      %get3A_68 = vector.shape_cast %get3A_67 : vector<16xi32> to vector<16xi32>
      %mul3A_69 = arith.constant 10000 : i32
      %mul3A_70 = arith.muli %arg0, %mul3A_69 : i32
      %add3A_71 = vector.broadcast %mul3A_70 : i32 to vector<16xi32>
      %add3A_72 = arith.addi %get3A_68, %add3A_71 : vector<16xi32>
      %swap3A_73 = arith.constant 32 : index
      %swap3A_74 = tpu.vector_load %arg15[%swap3A_73] {strides = array<i32>} : memref<80xi32, #tpu.memory_space<vmem>>, vector<16xi32>,
      %swap3A_75 = vector.shape_cast %swap3A_74 : vector<16xi32> to vector<16xi32>
      %swap3A_76 = vector.shape_cast %add3A_72 : vector<16xi32> to vector<16xi32>
      tpu.vector_store %arg15[%swap3A_73], %swap3A_76 {strides = array<i32>} : memref<80xi32, #tpu.memory_space<vmem>>, vector<16xi32>,
      %get3A_77 = arith.constant 48 : index
      %get3A_78 = tpu.vector_load %arg14[%get3A_77] {strides = array<i32>} : memref<80xi32, #tpu.memory_space<vmem>>, vector<16xi32>,
      %get3A_79 = vector.shape_cast %get3A_78 : vector<16xi32> to vector<16xi32>
      %mul3A_80 = arith.constant 10000 : i32
      %mul3A_81 = arith.muli %arg0, %mul3A_80 : i32
      %add3A_82 = vector.broadcast %mul3A_81 : i32 to vector<16xi32>
      %add3A_83 = arith.addi %get3A_79, %add3A_82 : vector<16xi32>
      %swap3A_84 = arith.constant 48 : index
      %swap3A_85 = tpu.vector_load %arg15[%swap3A_84] {strides = array<i32>} : memref<80xi32, #tpu.memory_space<vmem>>, vector<16xi32>,
      %swap3A_86 = vector.shape_cast %swap3A_85 : vector<16xi32> to vector<16xi32>
      %swap3A_87 = vector.shape_cast %add3A_83 : vector<16xi32> to vector<16xi32>
      tpu.vector_store %arg15[%swap3A_84], %swap3A_87 {strides = array<i32>} : memref<80xi32, #tpu.memory_space<vmem>>, vector<16xi32>,
      %get3A_88 = arith.constant 64 : index
      %get3A_89 = tpu.vector_load %arg14[%get3A_88] {strides = array<i32>} : memref<80xi32, #tpu.memory_space<vmem>>, vector<16xi32>,
      %get3A_90 = vector.shape_cast %get3A_89 : vector<16xi32> to vector<16xi32>
      %mul3A_91 = arith.constant 10000 : i32
      %mul3A_92 = arith.muli %arg0, %mul3A_91 : i32
      %add3A_93 = vector.broadcast %mul3A_92 : i32 to vector<16xi32>
      %add3A_94 = arith.addi %get3A_90, %add3A_93 : vector<16xi32>
      %swap3A_95 = arith.constant 64 : index
      %swap3A_96 = tpu.vector_load %arg15[%swap3A_95] {strides = array<i32>} : memref<80xi32, #tpu.memory_space<vmem>>, vector<16xi32>,
      %swap3A_97 = vector.shape_cast %swap3A_96 : vector<16xi32> to vector<16xi32>
      %swap3A_98 = vector.shape_cast %add3A_94 : vector<16xi32> to vector<16xi32>
      tpu.vector_store %arg15[%swap3A_95], %swap3A_98 {strides = array<i32>} : memref<80xi32, #tpu.memory_space<vmem>>, vector<16xi32>,
      %dma_start3A_99 = arith.constant 0 : i32
      %dma_start3A_100 = arith.constant 0 : i32
      %dma_start3A_101 = tpu.memref_slice %arg9[%dma_start3A_99, %dma_start3A_100] : memref<10000x128xf32, #tpu.memory_space<vmem_shared>> -> memref<10000x128xf32, #tpu.memory_space<vmem_shared>>
      tpu.enqueue_indirect_dma source(%dma_start3A_101 : memref<10000x128xf32, #tpu.memory_space<vmem_shared>>) target(%arg12 : memref<80x128xf32, #tpu.memory_space<vmem>>) offsets(%arg14 : memref<80xi32, #tpu.memory_space<vmem>>) semaphore(%arg13 : memref<!tpu.dma_semaphore, #tpu.memory_space<semaphore_mem>>)
      %dma_wait3A_102 = arith.constant 0 : i32
      %dma_wait3A_103 = arith.constant 0 : i32
      %dma_wait3A_104 = tpu.memref_slice %arg9[%dma_wait3A_102, %dma_wait3A_103] : memref<10000x128xf32, #tpu.memory_space<vmem_shared>> -> memref<10000x128xf32, #tpu.memory_space<vmem_shared>>
      tpu.wait_indirect_dma semaphore(%arg13 : memref<!tpu.dma_semaphore, #tpu.memory_space<semaphore_mem>>) src(%dma_wait3A_104 : memref<10000x128xf32, #tpu.memory_space<vmem_shared>>) dst(%arg12 : memref<80x128xf32, #tpu.memory_space<vmem>>)
      "tpu.region"() ({
        %run_scoped3A = tpu.sem_alloc : memref<!tpu.dma_semaphore, #tpu.memory_space<semaphore_mem>>
        %dma_start3A_105 = arith.constant 0 : i32
        %dma_start3A_106 = arith.constant 0 : i32
        %dma_start3A_107 = tpu.memref_slice %arg8[%dma_start3A_105, %dma_start3A_106] : memref<20000x128xf32, #tpu.memory_space<hbm>> -> memref<20000x128xf32, #tpu.memory_space<hbm>>
        tpu.enqueue_indirect_dma source(%arg12 : memref<80x128xf32, #tpu.memory_space<vmem>>) target(%dma_start3A_107 : memref<20000x128xf32, #tpu.memory_space<hbm>>) offsets(%arg15 : memref<80xi32, #tpu.memory_space<vmem>>) semaphore(%run_scoped3A : memref<!tpu.dma_semaphore, #tpu.memory_space<semaphore_mem>>)
        %dma_wait3A_108 = arith.constant 0 : i32
        %dma_wait3A_109 = arith.constant 0 : i32
        %dma_wait3A_110 = tpu.memref_slice %arg8[%dma_wait3A_108, %dma_wait3A_109] : memref<20000x128xf32, #tpu.memory_space<hbm>> -> memref<20000x128xf32, #tpu.memory_space<hbm>>
        tpu.wait_indirect_dma semaphore(%run_scoped3A : memref<!tpu.dma_semaphore, #tpu.memory_space<semaphore_mem>>) src(%arg12 : memref<80x128xf32, #tpu.memory_space<vmem>>) dst(%dma_wait3A_110 : memref<20000x128xf32, #tpu.memory_space<hbm>>)
        tpu.yield
      }) : () -> ()
    }
    return
  }
}

module attributes {stable_mosaic.version = 14 : i64} {
  func.func @_tc_lin_body(%arg0: i32, %arg1: memref<2x400x128xf32, #tpu.memory_space<vmem>>, %arg2: memref<2x400x128xf32, #tpu.memory_space<vmem>>, %arg3: memref<400x128xf32, #tpu.memory_space<vmem>>, %arg4: memref<128x128xf32, #tpu.memory_space<vmem>>, %arg5: memref<128x128xf32, #tpu.memory_space<vmem>>, %arg6: memref<1x128xf32, #tpu.memory_space<vmem>>, %arg7: memref<400x128xf32, #tpu.memory_space<vmem>>, %arg8: memref<8x128xf32, #tpu.memory_space<vmem>>, %arg9: memref<8x128xf32, #tpu.memory_space<vmem>>) attributes {dimension_semantics = [#tpu.dimension_semantics<arbitrary>], iteration_bounds = array<i64: 25>, scalar_prefetch = 0 : i64, scratch_operands = 1 : i64, tpu.core_type = #tpu.core_type<tc>, window_params = [{transform_indices = @transform_0, window_bounds = array<i64: 2, 400, 128>}, {transform_indices = @transform_1, window_bounds = array<i64: 2, 400, 128>}, {transform_indices = @transform_2, window_bounds = array<i64: 400, 128>}, {pipeline_mode = #tpu.pipeline_mode<synchronous>, transform_indices = @transform_3, window_bounds = array<i64: 128, 128>}, {pipeline_mode = #tpu.pipeline_mode<synchronous>, transform_indices = @transform_4, window_bounds = array<i64: 128, 128>}, {pipeline_mode = #tpu.pipeline_mode<synchronous>, transform_indices = @transform_5, window_bounds = array<i64: 1, 128>}, {transform_indices = @transform_6, window_bounds = array<i64: 400, 128>}, {pipeline_mode = #tpu.pipeline_mode<synchronous>, transform_indices = @transform_7, window_bounds = array<i64: 8, 128>}]} {
    %get3A = arith.constant 0 : index
    %get3A_0 = arith.constant 0 : index
    %get3A_1 = arith.constant 0 : index
    %get3A_2 = vector.load %arg2[%get3A, %get3A_0, %get3A_1] : memref<2x400x128xf32, #tpu.memory_space<vmem>>, vector<1x400x1xf32>
    %get3A_3 = vector.shape_cast %get3A_2 : vector<1x400x1xf32> to vector<400x1xf32>
    %get3A_4 = arith.constant 1 : index
    %get3A_5 = arith.constant 0 : index
    %get3A_6 = arith.constant 0 : index
    %get3A_7 = vector.load %arg2[%get3A_4, %get3A_5, %get3A_6] : memref<2x400x128xf32, #tpu.memory_space<vmem>>, vector<1x400x1xf32>
    %get3A_8 = vector.shape_cast %get3A_7 : vector<1x400x1xf32> to vector<400x1xf32>
    %add3A = arith.addf %get3A_3, %get3A_8 : vector<400x1xf32>
    %max3A = arith.constant 1.000000e+00 : f32
    %max3A_9 = vector.broadcast %max3A : f32 to vector<400x1xf32>
    %max3A_10 = arith.maximumf %add3A, %max3A_9 : vector<400x1xf32>
    %get3A_11 = arith.constant 0 : index
    %get3A_12 = arith.constant 0 : index
    %get3A_13 = arith.constant 0 : index
    %get3A_14 = vector.load %arg1[%get3A_11, %get3A_12, %get3A_13] : memref<2x400x128xf32, #tpu.memory_space<vmem>>, vector<1x400x128xf32>
    %get3A_15 = vector.shape_cast %get3A_14 : vector<1x400x128xf32> to vector<400x128xf32>
    %get3A_16 = arith.constant 1 : index
    %get3A_17 = arith.constant 0 : index
    %get3A_18 = arith.constant 0 : index
    %get3A_19 = vector.load %arg1[%get3A_16, %get3A_17, %get3A_18] : memref<2x400x128xf32, #tpu.memory_space<vmem>>, vector<1x400x128xf32>
    %get3A_20 = vector.shape_cast %get3A_19 : vector<1x400x128xf32> to vector<400x128xf32>
    %add3A_21 = arith.addf %get3A_15, %get3A_20 : vector<400x128xf32>
    %div3A = vector.broadcast %max3A_10 : vector<400x1xf32> to vector<400x128xf32>
    %div3A_22 = arith.divf %add3A_21, %div3A : vector<400x128xf32>
    %get3A_23 = arith.constant 0 : index
    %get3A_24 = arith.constant 0 : index
    %get3A_25 = vector.load %arg4[%get3A_23, %get3A_24] : memref<128x128xf32, #tpu.memory_space<vmem>>, vector<128x128xf32>
    %dot_general3A = arith.constant dense<0.000000e+00> : vector<400x128xf32>
    %dot_general3A_26 = tpu.matmul %div3A_22, %get3A_25, %dot_general3A {dimension_numbers = #tpu.dot_dimension_numbers<[1], [0], [0], [1], [0, 0, 1, 1], [], []>, precision = #tpu.contract_precision<fp32>, transpose_lhs_hint = false} : vector<400x128xf32>, vector<128x128xf32>, vector<400x128xf32> -> vector<400x128xf32>
    %get3A_27 = arith.constant 0 : index
    %get3A_28 = arith.constant 0 : index
    %get3A_29 = vector.load %arg3[%get3A_27, %get3A_28] : memref<400x128xf32, #tpu.memory_space<vmem>>, vector<400x128xf32>
    %get3A_30 = arith.constant 0 : index
    %get3A_31 = arith.constant 0 : index
    %get3A_32 = vector.load %arg5[%get3A_30, %get3A_31] : memref<128x128xf32, #tpu.memory_space<vmem>>, vector<128x128xf32>
    %dot_general3A_33 = arith.constant dense<0.000000e+00> : vector<400x128xf32>
    %dot_general3A_34 = tpu.matmul %get3A_29, %get3A_32, %dot_general3A_33 {dimension_numbers = #tpu.dot_dimension_numbers<[1], [0], [0], [1], [0, 0, 1, 1], [], []>, precision = #tpu.contract_precision<fp32>, transpose_lhs_hint = false} : vector<400x128xf32>, vector<128x128xf32>, vector<400x128xf32> -> vector<400x128xf32>
    %add3A_35 = arith.addf %dot_general3A_26, %dot_general3A_34 : vector<400x128xf32>
    %get3A_36 = arith.constant 0 : index
    %get3A_37 = arith.constant 0 : index
    %get3A_38 = vector.load %arg6[%get3A_36, %get3A_37] : memref<1x128xf32, #tpu.memory_space<vmem>>, vector<1x128xf32>
    %add3A_39 = vector.broadcast %get3A_38 : vector<1x128xf32> to vector<400x128xf32>
    %add3A_40 = arith.addf %add3A_35, %add3A_39 : vector<400x128xf32>
    %swap3A = arith.constant 0 : index
    %swap3A_41 = arith.constant 0 : index
    %swap3A_42 = vector.load %arg7[%swap3A, %swap3A_41] : memref<400x128xf32, #tpu.memory_space<vmem>>, vector<400x128xf32>
    tpu.vector_store %arg7[%swap3A, %swap3A_41], %add3A_40 {strides = array<i32>} : memref<400x128xf32, #tpu.memory_space<vmem>>, vector<400x128xf32>,
    %eq3A = arith.constant 0 : i32
    %eq3A_43 = arith.cmpi eq, %arg0, %eq3A : i32
    %convert_element_type3A = arith.extui %eq3A_43 : i1 to i32
    %cond3A = arith.constant 0 : i32
    %cond3A_44 = arith.cmpi ne, %convert_element_type3A, %cond3A : i32
    scf.if %cond3A_44 {
      %broadcast_in_dim3A_68 = arith.constant 0.000000e+00 : f32
      %broadcast_in_dim3A_69 = vector.broadcast %broadcast_in_dim3A_68 : f32 to vector<8x128xf32>
      %swap3A_70 = arith.constant 0 : index
      %swap3A_71 = arith.constant 0 : index
      %swap3A_72 = vector.load %arg9[%swap3A_70, %swap3A_71] : memref<8x128xf32, #tpu.memory_space<vmem>>, vector<8x128xf32>
      tpu.vector_store %arg9[%swap3A_70, %swap3A_71], %broadcast_in_dim3A_69 {strides = array<i32>} : memref<8x128xf32, #tpu.memory_space<vmem>>, vector<8x128xf32>,
    } else {
    }
    %get3A_45 = arith.constant 0 : index
    %get3A_46 = arith.constant 0 : index
    %get3A_47 = vector.load %arg9[%get3A_45, %get3A_46] : memref<8x128xf32, #tpu.memory_space<vmem>>, vector<1x128xf32>
    %reduce_sum3A = arith.constant dense<0.000000e+00> : vector<128xf32>
    %reduce_sum3A_48 = vector.multi_reduction <add>, %add3A_40, %reduce_sum3A [0] : vector<400x128xf32> to vector<128xf32>
    %broadcast_in_dim3A = vector.shape_cast %reduce_sum3A_48 : vector<128xf32> to vector<1x128xf32>
    %add3A_49 = arith.addf %get3A_47, %broadcast_in_dim3A : vector<1x128xf32>
    %swap3A_50 = arith.constant 0 : index
    %swap3A_51 = arith.constant 0 : index
    %swap3A_52 = vector.load %arg9[%swap3A_50, %swap3A_51] : memref<8x128xf32, #tpu.memory_space<vmem>>, vector<1x128xf32>
    tpu.vector_store %arg9[%swap3A_50, %swap3A_51], %add3A_49 {strides = array<i32>} : memref<8x128xf32, #tpu.memory_space<vmem>>, vector<1x128xf32>,
    %get3A_53 = arith.constant 1 : index
    %get3A_54 = arith.constant 0 : index
    %get3A_55 = vector.load %arg9[%get3A_53, %get3A_54] : memref<8x128xf32, #tpu.memory_space<vmem>>, vector<1x128xf32>
    %mul3A = arith.mulf %add3A_40, %add3A_40 : vector<400x128xf32>
    %reduce_sum3A_56 = arith.constant dense<0.000000e+00> : vector<128xf32>
    %reduce_sum3A_57 = vector.multi_reduction <add>, %mul3A, %reduce_sum3A_56 [0] : vector<400x128xf32> to vector<128xf32>
    %broadcast_in_dim3A_58 = vector.shape_cast %reduce_sum3A_57 : vector<128xf32> to vector<1x128xf32>
    %add3A_59 = arith.addf %get3A_55, %broadcast_in_dim3A_58 : vector<1x128xf32>
    %swap3A_60 = arith.constant 1 : index
    %swap3A_61 = arith.constant 0 : index
    %swap3A_62 = vector.load %arg9[%swap3A_60, %swap3A_61] : memref<8x128xf32, #tpu.memory_space<vmem>>, vector<1x128xf32>
    tpu.vector_store %arg9[%swap3A_60, %swap3A_61], %add3A_59 {strides = array<i32>} : memref<8x128xf32, #tpu.memory_space<vmem>>, vector<1x128xf32>,
    %eq3A_63 = arith.constant 24 : i32
    %eq3A_64 = arith.cmpi eq, %arg0, %eq3A_63 : i32
    %convert_element_type3A_65 = arith.extui %eq3A_64 : i1 to i32
    %cond3A_66 = arith.constant 0 : i32
    %cond3A_67 = arith.cmpi ne, %convert_element_type3A_65, %cond3A_66 : i32
    scf.if %cond3A_67 {
      %get3A_68 = arith.constant 0 : index
      %get3A_69 = arith.constant 0 : index
      %get3A_70 = vector.load %arg9[%get3A_68, %get3A_69] : memref<8x128xf32, #tpu.memory_space<vmem>>, vector<8x128xf32>
      %swap3A_71 = arith.constant 0 : index
      %swap3A_72 = arith.constant 0 : index
      %swap3A_73 = vector.load %arg8[%swap3A_71, %swap3A_72] : memref<8x128xf32, #tpu.memory_space<vmem>>, vector<8x128xf32>
      tpu.vector_store %arg8[%swap3A_71, %swap3A_72], %get3A_70 {strides = array<i32>} : memref<8x128xf32, #tpu.memory_space<vmem>>, vector<8x128xf32>,
    } else {
    }
    return
  }
  func.func @transform_0(%arg0: i32) -> (i32, i32, i32) {
    %c0_i32 = arith.constant 0 : i32
    %c0_i32_0 = arith.constant 0 : i32
    %c0_i32_1 = arith.constant 0 : i32
    return %c0_i32, %arg0, %c0_i32_0 : i32, i32, i32
  }
  func.func @transform_1(%arg0: i32) -> (i32, i32, i32) {
    %c0_i32 = arith.constant 0 : i32
    %c0_i32_0 = arith.constant 0 : i32
    %c0_i32_1 = arith.constant 0 : i32
    return %c0_i32, %arg0, %c0_i32_0 : i32, i32, i32
  }
  func.func @transform_2(%arg0: i32) -> (i32, i32) {
    %c0_i32 = arith.constant 0 : i32
    %c0_i32_0 = arith.constant 0 : i32
    return %arg0, %c0_i32 : i32, i32
  }
  func.func @transform_3(%arg0: i32) -> (i32, i32) {
    %c0_i32 = arith.constant 0 : i32
    %c0_i32_0 = arith.constant 0 : i32
    %c0_i32_1 = arith.constant 0 : i32
    return %c0_i32, %c0_i32_0 : i32, i32
  }
  func.func @transform_4(%arg0: i32) -> (i32, i32) {
    %c0_i32 = arith.constant 0 : i32
    %c0_i32_0 = arith.constant 0 : i32
    %c0_i32_1 = arith.constant 0 : i32
    return %c0_i32, %c0_i32_0 : i32, i32
  }
  func.func @transform_5(%arg0: i32) -> (i32, i32) {
    %c0_i32 = arith.constant 0 : i32
    %c0_i32_0 = arith.constant 0 : i32
    %c0_i32_1 = arith.constant 0 : i32
    return %c0_i32, %c0_i32_0 : i32, i32
  }
  func.func @transform_6(%arg0: i32) -> (i32, i32) {
    %c0_i32 = arith.constant 0 : i32
    %c0_i32_0 = arith.constant 0 : i32
    return %arg0, %c0_i32 : i32, i32
  }
  func.func @transform_7(%arg0: i32) -> (i32, i32) {
    %c0_i32 = arith.constant 0 : i32
    %c0_i32_0 = arith.constant 0 : i32
    %c0_i32_1 = arith.constant 0 : i32
    return %c0_i32, %c0_i32_0 : i32, i32
  }
}

module attributes {stable_mosaic.version = 14 : i64} {
  func.func @_tc_bn_body(%arg0: i32, %arg1: memref<400x128xf32, #tpu.memory_space<vmem>>, %arg2: memref<8x128xf32, #tpu.memory_space<vmem>>, %arg3: memref<1x128xf32, #tpu.memory_space<vmem>>, %arg4: memref<1x128xf32, #tpu.memory_space<vmem>>, %arg5: memref<400x128xf32, #tpu.memory_space<vmem>>) attributes {dimension_semantics = [#tpu.dimension_semantics<arbitrary>], iteration_bounds = array<i64: 25>, scalar_prefetch = 0 : i64, scratch_operands = 0 : i64, tpu.core_type = #tpu.core_type<tc>, window_params = [{transform_indices = @transform_0, window_bounds = array<i64: 400, 128>}, {pipeline_mode = #tpu.pipeline_mode<synchronous>, transform_indices = @transform_1, window_bounds = array<i64: 8, 128>}, {pipeline_mode = #tpu.pipeline_mode<synchronous>, transform_indices = @transform_2, window_bounds = array<i64: 1, 128>}, {pipeline_mode = #tpu.pipeline_mode<synchronous>, transform_indices = @transform_3, window_bounds = array<i64: 1, 128>}, {transform_indices = @transform_4, window_bounds = array<i64: 400, 128>}]} {
    %get3A = arith.constant 0 : index
    %get3A_0 = arith.constant 0 : index
    %get3A_1 = vector.load %arg2[%get3A, %get3A_0] : memref<8x128xf32, #tpu.memory_space<vmem>>, vector<1x128xf32>
    %mul3A = arith.constant 9.99999974E-5 : f32
    %mul3A_2 = vector.broadcast %mul3A : f32 to vector<1x128xf32>
    %mul3A_3 = arith.mulf %get3A_1, %mul3A_2 : vector<1x128xf32>
    %get3A_4 = arith.constant 1 : index
    %get3A_5 = arith.constant 0 : index
    %get3A_6 = vector.load %arg2[%get3A_4, %get3A_5] : memref<8x128xf32, #tpu.memory_space<vmem>>, vector<1x128xf32>
    %mul3A_7 = arith.constant 9.99999974E-5 : f32
    %mul3A_8 = vector.broadcast %mul3A_7 : f32 to vector<1x128xf32>
    %mul3A_9 = arith.mulf %get3A_6, %mul3A_8 : vector<1x128xf32>
    %mul3A_10 = arith.mulf %mul3A_3, %mul3A_3 : vector<1x128xf32>
    %sub3A = arith.subf %mul3A_9, %mul3A_10 : vector<1x128xf32>
    %get3A_11 = arith.constant 0 : index
    %get3A_12 = arith.constant 0 : index
    %get3A_13 = vector.load %arg1[%get3A_11, %get3A_12] : memref<400x128xf32, #tpu.memory_space<vmem>>, vector<400x128xf32>
    %sub3A_14 = vector.broadcast %mul3A_3 : vector<1x128xf32> to vector<400x128xf32>
    %sub3A_15 = arith.subf %get3A_13, %sub3A_14 : vector<400x128xf32>
    %add3A = arith.constant 9.99999974E-6 : f32
    %add3A_16 = vector.broadcast %add3A : f32 to vector<1x128xf32>
    %add3A_17 = arith.addf %sub3A, %add3A_16 : vector<1x128xf32>
    %rsqrt3A = math.rsqrt %add3A_17 : vector<1x128xf32>
    %mul3A_18 = vector.broadcast %rsqrt3A : vector<1x128xf32> to vector<400x128xf32>
    %mul3A_19 = arith.mulf %sub3A_15, %mul3A_18 : vector<400x128xf32>
    %get3A_20 = arith.constant 0 : index
    %get3A_21 = arith.constant 0 : index
    %get3A_22 = vector.load %arg3[%get3A_20, %get3A_21] : memref<1x128xf32, #tpu.memory_space<vmem>>, vector<1x128xf32>
    %mul3A_23 = vector.broadcast %get3A_22 : vector<1x128xf32> to vector<400x128xf32>
    %mul3A_24 = arith.mulf %mul3A_19, %mul3A_23 : vector<400x128xf32>
    %get3A_25 = arith.constant 0 : index
    %get3A_26 = arith.constant 0 : index
    %get3A_27 = vector.load %arg4[%get3A_25, %get3A_26] : memref<1x128xf32, #tpu.memory_space<vmem>>, vector<1x128xf32>
    %add3A_28 = vector.broadcast %get3A_27 : vector<1x128xf32> to vector<400x128xf32>
    %add3A_29 = arith.addf %mul3A_24, %add3A_28 : vector<400x128xf32>
    %max3A = arith.constant 0.000000e+00 : f32
    %max3A_30 = vector.broadcast %max3A : f32 to vector<400x128xf32>
    %max3A_31 = arith.maximumf %add3A_29, %max3A_30 : vector<400x128xf32>
    %swap3A = arith.constant 0 : index
    %swap3A_32 = arith.constant 0 : index
    %swap3A_33 = vector.load %arg5[%swap3A, %swap3A_32] : memref<400x128xf32, #tpu.memory_space<vmem>>, vector<400x128xf32>
    tpu.vector_store %arg5[%swap3A, %swap3A_32], %max3A_31 {strides = array<i32>} : memref<400x128xf32, #tpu.memory_space<vmem>>, vector<400x128xf32>,
    return
  }
  func.func @transform_0(%arg0: i32) -> (i32, i32) {
    %c0_i32 = arith.constant 0 : i32
    %c0_i32_0 = arith.constant 0 : i32
    return %arg0, %c0_i32 : i32, i32
  }
  func.func @transform_1(%arg0: i32) -> (i32, i32) {
    %c0_i32 = arith.constant 0 : i32
    %c0_i32_0 = arith.constant 0 : i32
    %c0_i32_1 = arith.constant 0 : i32
    return %c0_i32, %c0_i32_0 : i32, i32
  }
  func.func @transform_2(%arg0: i32) -> (i32, i32) {
    %c0_i32 = arith.constant 0 : i32
    %c0_i32_0 = arith.constant 0 : i32
    %c0_i32_1 = arith.constant 0 : i32
    return %c0_i32, %c0_i32_0 : i32, i32
  }
  func.func @transform_3(%arg0: i32) -> (i32, i32) {
    %c0_i32 = arith.constant 0 : i32
    %c0_i32_0 = arith.constant 0 : i32
    %c0_i32_1 = arith.constant 0 : i32
    return %c0_i32, %c0_i32_0 : i32, i32
  }
  func.func @transform_4(%arg0: i32) -> (i32, i32) {
    %c0_i32 = arith.constant 0 : i32
    %c0_i32_0 = arith.constant 0 : i32
    return %arg0, %c0_i32 : i32, i32
  }
}

module attributes {stable_mosaic.version = 14 : i64} {
  func.func @_tc_lin_body(%arg0: i32, %arg1: memref<2x400x128xf32, #tpu.memory_space<vmem>>, %arg2: memref<2x400x128xf32, #tpu.memory_space<vmem>>, %arg3: memref<400x128xf32, #tpu.memory_space<vmem>>, %arg4: memref<128x128xf32, #tpu.memory_space<vmem>>, %arg5: memref<128x128xf32, #tpu.memory_space<vmem>>, %arg6: memref<1x128xf32, #tpu.memory_space<vmem>>, %arg7: memref<400x128xf32, #tpu.memory_space<vmem>>, %arg8: memref<8x128xf32, #tpu.memory_space<vmem>>, %arg9: memref<8x128xf32, #tpu.memory_space<vmem>>) attributes {dimension_semantics = [#tpu.dimension_semantics<arbitrary>], iteration_bounds = array<i64: 25>, scalar_prefetch = 0 : i64, scratch_operands = 1 : i64, tpu.core_type = #tpu.core_type<tc>, window_params = [{transform_indices = @transform_0, window_bounds = array<i64: 2, 400, 128>}, {transform_indices = @transform_1, window_bounds = array<i64: 2, 400, 128>}, {transform_indices = @transform_2, window_bounds = array<i64: 400, 128>}, {pipeline_mode = #tpu.pipeline_mode<synchronous>, transform_indices = @transform_3, window_bounds = array<i64: 128, 128>}, {pipeline_mode = #tpu.pipeline_mode<synchronous>, transform_indices = @transform_4, window_bounds = array<i64: 128, 128>}, {pipeline_mode = #tpu.pipeline_mode<synchronous>, transform_indices = @transform_5, window_bounds = array<i64: 1, 128>}, {transform_indices = @transform_6, window_bounds = array<i64: 400, 128>}, {pipeline_mode = #tpu.pipeline_mode<synchronous>, transform_indices = @transform_7, window_bounds = array<i64: 8, 128>}]} {
    %get3A = arith.constant 0 : index
    %get3A_0 = arith.constant 0 : index
    %get3A_1 = arith.constant 0 : index
    %get3A_2 = vector.load %arg2[%get3A, %get3A_0, %get3A_1] : memref<2x400x128xf32, #tpu.memory_space<vmem>>, vector<1x400x1xf32>
    %get3A_3 = vector.shape_cast %get3A_2 : vector<1x400x1xf32> to vector<400x1xf32>
    %get3A_4 = arith.constant 1 : index
    %get3A_5 = arith.constant 0 : index
    %get3A_6 = arith.constant 0 : index
    %get3A_7 = vector.load %arg2[%get3A_4, %get3A_5, %get3A_6] : memref<2x400x128xf32, #tpu.memory_space<vmem>>, vector<1x400x1xf32>
    %get3A_8 = vector.shape_cast %get3A_7 : vector<1x400x1xf32> to vector<400x1xf32>
    %add3A = arith.addf %get3A_3, %get3A_8 : vector<400x1xf32>
    %max3A = arith.constant 1.000000e+00 : f32
    %max3A_9 = vector.broadcast %max3A : f32 to vector<400x1xf32>
    %max3A_10 = arith.maximumf %add3A, %max3A_9 : vector<400x1xf32>
    %get3A_11 = arith.constant 0 : index
    %get3A_12 = arith.constant 0 : index
    %get3A_13 = arith.constant 0 : index
    %get3A_14 = vector.load %arg1[%get3A_11, %get3A_12, %get3A_13] : memref<2x400x128xf32, #tpu.memory_space<vmem>>, vector<1x400x128xf32>
    %get3A_15 = vector.shape_cast %get3A_14 : vector<1x400x128xf32> to vector<400x128xf32>
    %get3A_16 = arith.constant 1 : index
    %get3A_17 = arith.constant 0 : index
    %get3A_18 = arith.constant 0 : index
    %get3A_19 = vector.load %arg1[%get3A_16, %get3A_17, %get3A_18] : memref<2x400x128xf32, #tpu.memory_space<vmem>>, vector<1x400x128xf32>
    %get3A_20 = vector.shape_cast %get3A_19 : vector<1x400x128xf32> to vector<400x128xf32>
    %add3A_21 = arith.addf %get3A_15, %get3A_20 : vector<400x128xf32>
    %div3A = vector.broadcast %max3A_10 : vector<400x1xf32> to vector<400x128xf32>
    %div3A_22 = arith.divf %add3A_21, %div3A : vector<400x128xf32>
    %get3A_23 = arith.constant 0 : index
    %get3A_24 = arith.constant 0 : index
    %get3A_25 = vector.load %arg4[%get3A_23, %get3A_24] : memref<128x128xf32, #tpu.memory_space<vmem>>, vector<128x128xf32>
    %dot_general3A = arith.constant dense<0.000000e+00> : vector<400x128xf32>
    %dot_general3A_26 = tpu.matmul %div3A_22, %get3A_25, %dot_general3A {dimension_numbers = #tpu.dot_dimension_numbers<[1], [0], [0], [1], [0, 0, 1, 1], [], []>, precision = #tpu.contract_precision<fp32>, transpose_lhs_hint = false} : vector<400x128xf32>, vector<128x128xf32>, vector<400x128xf32> -> vector<400x128xf32>
    %get3A_27 = arith.constant 0 : index
    %get3A_28 = arith.constant 0 : index
    %get3A_29 = vector.load %arg3[%get3A_27, %get3A_28] : memref<400x128xf32, #tpu.memory_space<vmem>>, vector<400x128xf32>
    %get3A_30 = arith.constant 0 : index
    %get3A_31 = arith.constant 0 : index
    %get3A_32 = vector.load %arg5[%get3A_30, %get3A_31] : memref<128x128xf32, #tpu.memory_space<vmem>>, vector<128x128xf32>
    %dot_general3A_33 = arith.constant dense<0.000000e+00> : vector<400x128xf32>
    %dot_general3A_34 = tpu.matmul %get3A_29, %get3A_32, %dot_general3A_33 {dimension_numbers = #tpu.dot_dimension_numbers<[1], [0], [0], [1], [0, 0, 1, 1], [], []>, precision = #tpu.contract_precision<fp32>, transpose_lhs_hint = false} : vector<400x128xf32>, vector<128x128xf32>, vector<400x128xf32> -> vector<400x128xf32>
    %add3A_35 = arith.addf %dot_general3A_26, %dot_general3A_34 : vector<400x128xf32>
    %get3A_36 = arith.constant 0 : index
    %get3A_37 = arith.constant 0 : index
    %get3A_38 = vector.load %arg6[%get3A_36, %get3A_37] : memref<1x128xf32, #tpu.memory_space<vmem>>, vector<1x128xf32>
    %add3A_39 = vector.broadcast %get3A_38 : vector<1x128xf32> to vector<400x128xf32>
    %add3A_40 = arith.addf %add3A_35, %add3A_39 : vector<400x128xf32>
    %swap3A = arith.constant 0 : index
    %swap3A_41 = arith.constant 0 : index
    %swap3A_42 = vector.load %arg7[%swap3A, %swap3A_41] : memref<400x128xf32, #tpu.memory_space<vmem>>, vector<400x128xf32>
    tpu.vector_store %arg7[%swap3A, %swap3A_41], %add3A_40 {strides = array<i32>} : memref<400x128xf32, #tpu.memory_space<vmem>>, vector<400x128xf32>,
    return
  }
  func.func @transform_0(%arg0: i32) -> (i32, i32, i32) {
    %c0_i32 = arith.constant 0 : i32
    %c0_i32_0 = arith.constant 0 : i32
    %c0_i32_1 = arith.constant 0 : i32
    return %c0_i32, %arg0, %c0_i32_0 : i32, i32, i32
  }
  func.func @transform_1(%arg0: i32) -> (i32, i32, i32) {
    %c0_i32 = arith.constant 0 : i32
    %c0_i32_0 = arith.constant 0 : i32
    %c0_i32_1 = arith.constant 0 : i32
    return %c0_i32, %arg0, %c0_i32_0 : i32, i32, i32
  }
  func.func @transform_2(%arg0: i32) -> (i32, i32) {
    %c0_i32 = arith.constant 0 : i32
    %c0_i32_0 = arith.constant 0 : i32
    return %arg0, %c0_i32 : i32, i32
  }
  func.func @transform_3(%arg0: i32) -> (i32, i32) {
    %c0_i32 = arith.constant 0 : i32
    %c0_i32_0 = arith.constant 0 : i32
    %c0_i32_1 = arith.constant 0 : i32
    return %c0_i32, %c0_i32_0 : i32, i32
  }
  func.func @transform_4(%arg0: i32) -> (i32, i32) {
    %c0_i32 = arith.constant 0 : i32
    %c0_i32_0 = arith.constant 0 : i32
    %c0_i32_1 = arith.constant 0 : i32
    return %c0_i32, %c0_i32_0 : i32, i32
  }
  func.func @transform_5(%arg0: i32) -> (i32, i32) {
    %c0_i32 = arith.constant 0 : i32
    %c0_i32_0 = arith.constant 0 : i32
    %c0_i32_1 = arith.constant 0 : i32
    return %c0_i32, %c0_i32_0 : i32, i32
  }
  func.func @transform_6(%arg0: i32) -> (i32, i32) {
    %c0_i32 = arith.constant 0 : i32
    %c0_i32_0 = arith.constant 0 : i32
    return %arg0, %c0_i32 : i32, i32
  }
  func.func @transform_7(%arg0: i32) -> (i32, i32) {
    %c0_i32 = arith.constant 0 : i32
    %c0_i32_0 = arith.constant 0 : i32
    %c0_i32_1 = arith.constant 0 : i32
    return %c0_i32, %c0_i32_0 : i32, i32
  }
}

</mosaic_0001>

<sc_bundles>
// kernel: kernel.11.cloned.1.call-start
scs
__scs_entry_jumppad:
0x0: {  	(pc) =	sbr.rel $0x88, $3  }
0x1: {  	(tag) =	ssettag $0x0;
	lr =	simm.s32 $0x1  }
0x2: {  	[smem:$0x3F92] =	sst lr;
	_ =	strace $0xD0000000  }
0x3: {  	_ = 	snop  }
0x4: {  	_ = 	snop  }
0x5: {  	_ = 	snop  }
0x6: {  	_ = 	snop  }
0x7: {  	_ = 	snop  }
__scs_overlays_trampoline_lowered:
0x8: {  	[smem:$0x3FA1] =	sst s0  }
0x9: {  	[smem:$0x3FA2] =	sst s1  }
0xa: {  	[smem:$0x3FA3] =	sst s2  }
0xb: {  	[smem:$0x3FA4] =	sst s3  }
0xc: {  	[smem:$0x3FA5] =	sst s4  }
0xd: {  	[smem:$0x3FA6] =	sst s5  }
0xe: {  	[smem:$0x3FA7] =	sst s6  }
0xf: {  	[smem:$0x3FA8] =	sst s7  }
0x10: {  	[smem:$0x3FA9] =	sst s8  }
0x11: {  	[smem:$0x3FAA] =	sst s9;
	s0 =	simm.s32 @!p0 $0x0  }
0x12: {  	s1 =	sld [smem:$0x3F90];
	s0 =	simm.s32 @p0 $0x1  }
0x13: {  	[smem:$0x3FAB] =	sst s0;
	s0 =	simm.s32 @!p1 $0x0  }
0x14: {  	s2 =	sld [smem:$0x3F8F];
	s0 =	simm.s32 @p1 $0x1  }
0x15: {  	[smem:$0x3FAC] =	sst s0;
	s0 =	simm.s32 @!p2 $0x0  }
0x16: {  	s3 =	sld [smem:$0x3FDB];
	s0 =	simm.s32 @p2 $0x1  }
0x17: {  	s4 =	simm.s32 $0x1BF5;
	[smem:$0x3FAE] =	sst s0  }
0x18: {  	s0 =	sld [smem:$0x3F91];
	_ =	swait.ge [sflag:s4], $0x0  }
0x19: {  	s7 =	sld [smem:$0x3F92]  }
0x1a: {  	s8 =	sadd.s32 $0xFFFFE003, lr  }
0x1b: {  	s9 =	sadd.s32 $0xFFFFFEF7, lr;
	s5 =	simm.s32 $0xFFFFFFFF;
	p2 =	slt.u32 s8, $0xFFFFF086  }
0x1c: {  	p1 =	slt.u32 s9, $0xF7A;
	s5 =	simm.s32 @!p2 $0x0  }
0x1d: {  	s5 =	simm.s32 @p1 $0x1;
	p0 =	seq.s32 s7, s2  }
0x1e: {  	s7 =	smul.u32 @!p0 $0xF7A, s2;
	p2 =	seq.s32 @!p0 s5, $0x0  }
0x1f: {  	s9 =	smul.u32 $0xF7A, s1;
	s8 =	simm.s32 @!p0 $0x1BF5;
	p2 =	por !p2, p0  }
0x20: {  	[sflag:s8] =	ssyncset.s32 @!p0 $0xFFFFF086;
	s6 =	sadd.s32 @!p0 s3, s7;
	s7 =	simm.s32 @!p0 $0x108  }
0x21: {  	s3 =	sadd.s32 s3, s9;
	s6 =	sadd.s32 @!p0 $0x88, s6;
	s7 =	simm.s32 @p2 $0x1082  }
0x22: {  	[simem:s7], [sflag:s8] =	dma.local @!p0 [hbm:s6], $0xF7A  }
0x23: {  	s9 =	sor.u32 $0xD0000000, s2;
	s6 =	simm.s32 $0x108;
	_ =	swait.ge @!p0 [sflag:s8], $0x0  }
0x24: {  	s3 =	sadd.s32 $0x88, s3;
	s6 =	simm.s32 @!p1 $0x1082;
	[sflag:s4] =	ssyncset.s32 $0xFFFFF086  }
0x25: {  	[simem:s6], [sflag:s4] =	dma.local [hbm:s3], $0xF7A  }
0x26: {  	[smem:$0x3F92] =	sst s1;
	(tag) =	ssettag s2;
	_ =	strace s9  }
0x27: {  	s1 =	sld [smem:$0x3FA2]  }
0x28: {  	s2 =	sld [smem:$0x3FA3]  }
0x29: {  	s4 =	sld [smem:$0x3FA5]  }
0x2a: {  	p0 =	seq.s32 s5, $0x0;
	s5 =	sld [smem:$0x3FA6]  }
0x2b: {  	s6 =	sld [smem:$0x3FA7]  }
0x2c: {  	s7 =	sld [smem:$0x3FA8]  }
0x2d: {  	s3 =	simm.s32 $0x108;
	s8 =	sld [smem:$0x3FA9]  }
0x2e: {  	s3 =	simm.s32 @!p0 $0x1082;
	s9 =	sld [smem:$0x3FAA]  }
0x2f: {  	lr =	sadd.s32 s0, s3;
	s0 =	sld [smem:$0x3FA1]  }
0x30: {  	s3 =	sld [smem:$0x3FA4]  }
0x31: {  	[smem:$0x3FAD] =	sst s10  }
0x32: {  	s10 =	sld [smem:$0x3FAB];
	_ =	sdelay $0x3  }
0x33: {  	p0 =	seq.s32 s10, $0x1;
	s10 =	sld [smem:$0x3FAD];
	_ =	sdelay $0x3  }
0x34: {  	[smem:$0x3FAD] =	sst s10  }
0x35: {  	s10 =	sld [smem:$0x3FAC];
	_ =	sdelay $0x3  }
0x36: {  	p1 =	seq.s32 s10, $0x1;
	s10 =	sld [smem:$0x3FAD];
	_ =	sdelay $0x3  }
0x37: {  	[smem:$0x3FAD] =	sst s10  }
0x38: {  	s10 =	sld [smem:$0x3FAE]  }
0x39: {  	_ = 	snop;
	(pc) =	sbr.ind lr, $3  }
0x3a: {  	_ = 	snop  }
0x3b: {  	_ = 	snop  }
0x3c: {  	p2 =	seq.s32 s10, $0x1;
	s10 =	sld [smem:$0x3FAD]  }
0x3d: {  	_ =	shalt  }
0x3e: {  	_ =	shalt  }
0x3f: {  	_ =	shalt  }
0x40: {  	_ =	shalt  }
0x41: {  	_ =	shalt  }
0x42: {  	_ =	shalt  }
0x43: {  	_ =	shalt  }
0x44: {  	_ =	shalt  }
0x45: {  	_ =	shalt  }
0x46: {  	_ =	shalt  }
0x47: {  	_ =	shalt  }
0x48: {  	_ =	shalt  }
0x49: {  	_ =	shalt  }
0x4a: {  	_ =	shalt  }
0x4b: {  	_ =	shalt  }
0x4c: {  	_ =	shalt  }
0x4d: {  	_ =	shalt  }
0x4e: {  	_ =	shalt  }
0x4f: {  	_ =	shalt  }
0x50: {  	_ =	shalt  }
0x51: {  	_ =	shalt  }
0x52: {  	_ =	shalt  }
0x53: {  	_ =	shalt  }
0x54: {  	_ =	shalt  }
0x55: {  	_ =	shalt  }
0x56: {  	_ =	shalt  }
0x57: {  	_ =	shalt  }
0x58: {  	_ =	shalt  }
0x59: {  	_ =	shalt  }
0x5a: {  	_ =	shalt  }
0x5b: {  	_ =	shalt  }
0x5c: {  	_ =	shalt  }
0x5d: {  	_ =	shalt  }
0x5e: {  	_ =	shalt  }
0x5f: {  	_ =	shalt  }
0x60: {  	_ =	shalt  }
0x61: {  	_ =	shalt  }
0x62: {  	_ =	shalt  }
0x63: {  	_ =	shalt  }
0x64: {  	_ =	shalt  }
0x65: {  	_ =	shalt  }
0x66: {  	_ =	shalt  }
0x67: {  	_ =	shalt  }
0x68: {  	_ =	shalt  }
0x69: {  	_ =	shalt  }
0x6a: {  	_ =	shalt  }
0x6b: {  	_ =	shalt  }
0x6c: {  	_ =	shalt  }
0x6d: {  	_ =	shalt  }
0x6e: {  	_ =	shalt  }
0x6f: {  	_ =	shalt  }
0x70: {  	_ =	shalt  }
0x71: {  	_ =	shalt  }
0x72: {  	_ =	shalt  }
0x73: {  	_ =	shalt  }
0x74: {  	_ =	shalt  }
0x75: {  	_ =	shalt  }
0x76: {  	_ =	shalt  }
0x77: {  	_ =	shalt  }
0x78: {  	_ =	shalt  }
0x79: {  	_ =	shalt  }
0x7a: {  	_ =	shalt  }
0x7b: {  	_ =	shalt  }
0x7c: {  	_ =	shalt  }
0x7d: {  	_ =	shalt  }
0x7e: {  	_ =	shalt  }
0x7f: {  	_ =	shalt  }
0x80: {  	_ =	shalt  }
0x81: {  	_ =	shalt  }
0x82: {  	_ =	shalt  }
0x83: {  	_ =	shalt  }
0x84: {  	_ =	shalt  }
0x85: {  	_ =	shalt  }
0x86: {  	_ =	shalt  }
0x87: {  	_ =	shalt  }
.Lfunc_end0:
.L_simem_size_0:
called_computation_lowered:
.L_overlay_start_0:
0x88: {  	s2 =	sld [smem:$0x3FD9]  }
0x89: {  	s3 =	sld [smem:$0x3FFE];
	_ =	sdelay $0x1  }
0x8a: {  	s1 =	srdreg.scid  }
0x8b: {  	s0 =	sand.u32 $0x1, s1  }
0x8c: {  	s16 =	sshll.u32 s0, $0xA;
	s2 =	sadd.s32 s3, s2  }
0x8d: {  	s2 =	sadd.s32 s2, s16  }
0x8e: {  	[smem:$0x3FB9] =	sst s2  }
0x8f: {  	_ = 	snop  }
0x90: {  	(tm) =	ssettm $0x1  }
0x91: {  	s17 =	sld [smem:$0x3FFB];
	_ =	sdelay $0x3  }
0x92: {  	_ =	strace s17  }
0x93: {  	s2 =	sld [smem:$0x3FFC];
	_ =	sdelay $0x3  }
0x94: {  	_ =	strace s2  }
0x95: {  	s2 =	sld [smem:$0x3FFD];
	_ =	sdelay $0x3  }
0x96: {  	_ =	strace s2  }
0x97: {  	_ =	strace $0x8FFFFFFF  }
0x98: {  	s18 =	sld [smem:$0x3FDB];
	_ =	sdelay $0x1  }
0x99: {  	s19 =	simm.s32 $_scs_section_size  }
0x9a: {  	s4 =	simm.s32 $_size__tile_overlayer_lowered;
	s5 =	simm.s32 $_tile_overlayer_lowered  }
0x9b: {  	s22 =	simm.s32 $0x1BFF;
	s21 =	sshll.u32 s5, $0x1;
	s2 =	sadd.s32 s19, s18  }
0x9c: {  	s6 =	simm.s32 $0x0;
	s20 =	sshll.u32 s4, $0x1;
	s4 =	sadd.s32 s21, s2  }
0x9d: {  	[timem:s6], [sflag:s22] =	dma.local [hbm:s4], s20  }
0x9e: {  	_ =	swait.ge [sflag:s22], s20  }
0x9f: {  	s3 =	ssub.s32 $0x0, s20;
	[sflag:s22] =	ssyncset.done $0x0  }
0xa0: {  	[sflag:s22] =	ssyncadd.s32 s3;
	_ =	sdelay $0x1  }
0xa1: {  	s23 =	simm.s32 $0x1B8B  }
0xa2: {  	_ =	swait.ge [sflag:s23], $0x1  }
0xa3: {  	[sflag:s23] =	ssyncset.done $0x0  }
0xa4: {  	s25 =	simm.s32 $0x1B8E;
	s24 =	sld [smem:$0x3FFE];
	[sflag:s23] =	ssyncadd.s32 $0xFFFFFFFF  }
0xa5: {  	s26 =	simm.s32 $execute0_lowered;
	[smem:$0x3FD2] =	sst s25  }
0xa6: {  	s4 =	sshll.u32 s26, $0x1;
	_ =	strace $0x80000046;
	[dreg:$0x1] =	wrdreg $0xFFFFFFFF  }
0xa7: {  	s28 =	simm.s32 $_size_execute0_lowered;
	s2 =	sadd.s32 s2, s4;
	[dreg:$0x0] =	wrdreg $0x0  }
0xa8: {  	s4 =	sshll.u32 s28, $0x1;
	[dreg:$0x2] =	wrdreg s2  }
0xa9: {  	[dreg:$0x3] =	wrdreg s4  }
0xaa: {  	[dreg:$0x4] =	wrdreg $0xC0  }
0xab: {  	_ =	task [dreg:s6], $0x5FFFF  }
0xac: {  	[dreg:$0x1] =	wrdreg $0xFFFFFFFF  }
0xad: {  	[dreg:$0x0] =	wrdreg $0x60  }
0xae: {  	[dreg:$0x2] =	wrdreg s24  }
0xaf: {  	[dreg:$0x3] =	wrdreg $0x0  }
0xb0: {  	[dreg:$0x4] =	wrdreg $0x9  }
0xb1: {  	_ =	task.clear_ibuf [dreg:s6], $0x5FFFF;
	_ =	strace $0x90000046  }
0xb2: {  	s29 =	simm.s32 $0x9;
	_ =	strace $0x80000048  }
0xb3: {  	_ =	swait.ge [sflag:s29], $0x1  }
0xb4: {  	[sflag:s29] =	ssyncadd.s32 $0xFFFFFFFF  }
0xb5: {  	_ =	strace $0x90000048  }
0xb6: {  	_ =	sfence  }
0xb7: {  	s30 =	sld [smem:$0x0];
	_ =	sdelay $0x2  }
0xb8: {  	s31 =	sshll.u32 s1, $0xD;
	s1 =	sshrl.u32 s1, $0x2  }
0xb9: {  	s3 =	sand.u32 $0x4000, s31;
	s1 =	sadd.s32 s1, s30  }
0xba: {  	s0 =	sor.u32 s3, s0;
	s1 =	sshll.u32 s1, $0x11  }
0xbb: {  	s0 =	sor.u32 s1, s0  }
0xbc: {  	s0 =	sadd.s32 $0x8F2B, s0  }
0xbd: {  	[sflag:s0] =	ssyncadd.remote.s32 $0x1  }
0xbe: {  	_ =	sfence.sel $0xFFFF  }
0xbf: {  	[dreg:$0x0] =	wrdreg $0xFFFFFFFF;
	(pc) =	sbr.abs _section_cstart, $3  }
0xc0: {  	[dreg:$0x1] =	wrdreg $0xFFFFFFFF  }
0xc1: {  	_ =	task.clear_ibuf [dreg:s6], $0x2FFFF;
	_ =	strace $0x9FFFFFFF  }
0xc2: {  	(tm) =	ssettm $0x7FFFFFFF  }
0xc3: {  	_ =	shalt  }
tec
execute0_lowered:
.L_overlay_start_1:
0x0: {  	(tag) =	ssettag $0x1  }
0x1: {  	s7 =	rddreg [dreg:$0x0]  }
0x2: {  	s2 =	rddreg [dreg:$0x1]  }
0x3: {  	s0 =	rddreg [dreg:$0x2]  }
0x4: {  	s3 =	simm.s32 $0x0;
	s1 =	stileid.u32;
	s4 =	srdreg.scid  }
0x5: {  	s15 =	simm.s32 $0x3;
	s16 =	simm.s32 $0x16100;
	s17 =	simm.s32 $0x50  }
0x6: {  	s18 =	simm.s32 $0x13880;
	s19 =	simm.s32 $0x16200;
	s20 =	simm.s32 $0x1  }
0x7: {  	s22 =	simm.s32 $0x16180;
	s23 =	simm.s32 $0x0;
	[smem:$0x7FF] =	sst s3  }
0x8: {  	s8 =	sand.u32 $0x1, s4;
	s29 =	sshll.u32 s1, $0x1;
	s9 =	smul.u32 $0x50, s1  }
0x9: {  	s4 =	sadd.s32 $0x3E00, s7;
	s5 =	sadd.s32 $0x18600, s7;
	s31 =	smul.u32 $0x4E20, s1  }
0xa: {  	p0 =	seq.s32 s1, $0xF;
	_ =	strace $0x80000047;
	s6 =	sor.u32 s8, s29  }
0xb: {  	s11 =	ssub.s32 $0x2, s8;
	s21 =	smul.u32 $0x2710, s8;
	s8 =	simm.s32 $0x5  }
0xc: {  	s10 =	smul.u32 $0x2710, s6;
	s6 =	sadd.s32 $0x18000, s7;
	s12 =	sadd.s32 s9, s7  }
0xd: {  	s30 =	sshrl.u32 s11, $0x1;
	s7 =	sadd.s32 $0x18C00, s7;
	s8 =	simm.s32 @!p0 $0x8  }
0xe: {  	s11 =	ssub.s32 s11, s30;
	s13 =	sadd.s32 s21, s31;
	s10 =	sshrl.u32 s10, $0x3  }
0xf: {  	v0 =	vmov s21;
	s21 =	simm.s32 $0x2;
	s14 =	sadd.s32 $0x50, s13;
	s9 =	sadd.s32 s4, s10  }
0x10: {  	s10 =	smax.u32 s11, $0x1;
	s11 =	sadd.s32 $0x17A00, s12;
	s14 =	sshrl.u32 s14, $0x3  }
0x11: {  	s12 =	sadd.s32 $0xA0, s13;
	s13 =	sadd.s32 s14, s4;
	s14 =	simm.s32 $0x13900  }
.LBB2_1:
0x12: {  	[tilespmem:s14], [sflag:$0x3] =	stream.linear.gather [hbm4b:s6+s3], $0x2800, $0x38;
	[tilespmem:$0x16280] =	vst v63  }
0x13: {  	_ =	swait.ge [sflag:s15], $0x2800  }
0x14: {  	[sflag:s15] =	ssyncset.done $0x0  }
0x15: {  	[sflag:s15] =	ssyncadd.s32 $0xFFFFD800  }
0x16: {  	[tilespmem:s16], [sflag:$0x3] =	stream.linear.gather [hbm4b:s11+s3], $0x50, $0x38;
	[tilespmem:$0x16280] =	vst v63  }
0x17: {  	p0 =	sne.s32 s8, $0x1;
	_ =	swait.ge [sflag:s15], $0x50  }
.Ltmp0:
0x18: {  	[sflag:s15] =	ssyncset.done $0x0;
	(pc) =	sbr.rel @!p0 .LBB2_3-.Ltmp0, $4  }
0x19: {  	[sflag:s15] =	ssyncadd.s32 $0xFFFFFFB0  }
0x1a: {  	[spmem:s2] =	stream.indirect.scatter [tilespmem:s14], [sflag:$0x3], $0x80, s16, s17, $0xb8;
	[tilespmem:$0x16280] =	vst v63  }
0x1b: {  	_ =	swait.ge [sflag:s15], $0x2800  }
0x1c: {  	s24 =	sadd.s32 $0xFFFFFFFF, s8;
	s25 =	smov.u32 s11;
	[sflag:s15] =	ssyncset.done $0x0  }
.LBB2_2:
0x1d: {  	p1 =	sne.s32 s24, $0x1;
	[sflag:s15] =	ssyncadd.s32 $0xFFFFD800;
	s25 =	sadd.s32 $0xA, s25  }
0x1e: {  	[tilespmem:s16], [sflag:$0x3] =	stream.linear.gather [hbm4b:s25+s3], $0x50, $0x38;
	[tilespmem:$0x16280] =	vst v63  }
0x1f: {  	s24 =	sadd.s32 $0xFFFFFFFF, s24;
	_ =	swait.ge [sflag:s15], $0x50  }
.Ltmp1:
0x20: {  	[sflag:s15] =	ssyncset.done $0x0;
	(pc) =	sbr.rel @p1 .LBB2_2-.Ltmp1, $4  }
0x21: {  	[sflag:s15] =	ssyncadd.s32 $0xFFFFFFB0  }
0x22: {  	[spmem:s2] =	stream.indirect.scatter [tilespmem:s14], [sflag:$0x3], $0x80, s16, s17, $0xb8;
	[tilespmem:$0x16280] =	vst v63  }
0x23: {  	_ =	swait.ge [sflag:s15], $0x2800  }
0x24: {  	[sflag:s15] =	ssyncset.done $0x0  }
.LBB2_3:
0x25: {  	[sflag:s15] =	ssyncadd.s32 $0xFFFFD800;
	s24 =	simm.s32 $0x0  }
0x26: {  	[tilespmem:s14], [sflag:$0x3] =	stream.linear.gather [hbm4b:s5+s24], $0x2800, $0x38;
	[tilespmem:$0x16280] =	vst v63  }
0x27: {  	_ =	swait.ge [sflag:s15], $0x2800  }
0x28: {  	[sflag:s15] =	ssyncset.done $0x0  }
0x29: {  	[sflag:s15] =	ssyncadd.s32 $0xFFFFD800  }
0x2a: {  	[bflag:$0x0] =	sbarrier.arrive $0xFFFF  }
0x2b: {  	[tilespmem:s18], [sflag:$0x3] =	stream.linear.gather [hbm4b:s9+s24], $0x50, $0x38;
	[tilespmem:$0x16280] =	vst v63  }
0x2c: {  	_ =	swait.ge [sflag:s15], $0x50  }
0x2d: {  	[sflag:s15] =	ssyncset.done $0x0  }
0x2e: {  	[sflag:s15] =	ssyncadd.s32 $0xFFFFFFB0  }
0x2f: {  	[spmem:s2] =	stream.indirect.scatter.add.f32 [tilespmem:s14], [sflag:$0x1], $0x80, s18, s17, $0xb8;
	[tilespmem:$0x16280] =	vst v63  }
0x30: {  	s30 =	sadd.s32 $0x0, s13  }
0x31: {  	[tilespmem:s19], [sflag:$0x3] =	stream.linear.gather [hbm4b:s30+s3], $0x50, $0x38;
	[tilespmem:$0x16280] =	vst v63  }
0x32: {  	_ =	swait.ge [sflag:s15], $0x50  }
0x33: {  	[sflag:s15] =	ssyncset.done $0x0  }
0x34: {  	[sflag:s15] =	ssyncadd.s32 $0xFFFFFFB0  }
0x35: {  	[spmem:s2] =	stream.indirect.scatter.add.f32 [tilespmem:s14], [sflag:$0x2], $0x80, s19, s17, $0xb8;
	[tilespmem:$0x16280] =	vst v63  }
0x36: {  	_ =	swait.ge [sflag:s20], $0x2800  }
0x37: {  	s31 =	sshrl.u32 s12, $0x3;
	[sflag:s20] =	ssyncset.done $0x0  }
0x38: {  	s24 =	sadd.s32 s4, s31;
	[sflag:s20] =	ssyncadd.s32 $0xFFFFD800  }
0x39: {  	[tilespmem:s18], [sflag:$0x3] =	stream.linear.gather [hbm4b:s24+s3], $0x50, $0x38;
	[tilespmem:$0x16280] =	vst v63  }
0x3a: {  	_ =	swait.ge [sflag:s15], $0x50  }
0x3b: {  	[sflag:s15] =	ssyncset.done $0x0  }
0x3c: {  	[sflag:s15] =	ssyncadd.s32 $0xFFFFFFB0  }
0x3d: {  	[spmem:s2] =	stream.indirect.scatter.add.f32 [tilespmem:s14], [sflag:$0x1], $0x80, s18, s17, $0xb8;
	[tilespmem:$0x16280] =	vst v63  }
0x3e: {  	s25 =	simm.s32 $0x14;
	_ =	swait.ge [sflag:s21], $0x2800  }
0x3f: {  	s26 =	simm.s32 $0x28;
	s24 =	sadd.s32 $0xA0, s12;
	[sflag:s21] =	ssyncset.done $0x0  }
.LBB2_4:
0x40: {  	s28 =	sadd.s32 s25, s13  }
0x41: {  	[sflag:s21] =	ssyncadd.s32 $0xFFFFD800;
	s25 =	smov.u32 s26;
	s29 =	sadd.s32 $0x14, s26  }
0x42: {  	[tilespmem:s19], [sflag:$0x3] =	stream.linear.gather [hbm4b:s28+s3], $0x50, $0x38;
	[tilespmem:$0x16280] =	vst v63  }
0x43: {  	p1 =	sne.s32 s26, $0x4C4;
	_ =	swait.ge [sflag:s15], $0x50  }
0x44: {  	[sflag:s15] =	ssyncset.done $0x0  }
0x45: {  	[sflag:s15] =	ssyncadd.s32 $0xFFFFFFB0  }
0x46: {  	[spmem:s2] =	stream.indirect.scatter.add.f32 [tilespmem:s14], [sflag:$0x2], $0x80, s19, s17, $0xb8;
	[tilespmem:$0x16280] =	vst v63  }
0x47: {  	_ =	swait.ge [sflag:s20], $0x2800  }
0x48: {  	s26 =	sshrl.u32 s24, $0x3;
	[sflag:s20] =	ssyncset.done $0x0  }
0x49: {  	s26 =	sadd.s32 s4, s26;
	[sflag:s20] =	ssyncadd.s32 $0xFFFFD800  }
0x4a: {  	[tilespmem:s18], [sflag:$0x3] =	stream.linear.gather [hbm4b:s26+s3], $0x50, $0x38;
	[tilespmem:$0x16280] =	vst v63  }
0x4b: {  	_ =	swait.ge [sflag:s15], $0x50  }
.Ltmp2:
0x4c: {  	[sflag:s15] =	ssyncset.done $0x0;
	(pc) =	sbr.rel @p1 .LBB2_4-.Ltmp2, $4  }
0x4d: {  	[sflag:s15] =	ssyncadd.s32 $0xFFFFFFB0  }
0x4e: {  	[spmem:s2] =	stream.indirect.scatter.add.f32 [tilespmem:s14], [sflag:$0x1], $0x80, s18, s17, $0xb8;
	[tilespmem:$0x16280] =	vst v63  }
0x4f: {  	_ =	swait.ge [sflag:s21], $0x2800  }
0x50: {  	s24 =	sadd.s32 $0xA0, s24;
	s26 =	smov.u32 s29;
	[sflag:s21] =	ssyncset.done $0x0  }
0x51: {  	s25 =	sadd.s32 s25, s13;
	[sflag:s21] =	ssyncadd.s32 $0xFFFFD800  }
0x52: {  	[tilespmem:s19], [sflag:$0x3] =	stream.linear.gather [hbm4b:s25+s3], $0x50, $0x38;
	[tilespmem:$0x16280] =	vst v63  }
0x53: {  	_ =	swait.ge [sflag:s15], $0x50  }
0x54: {  	[sflag:s15] =	ssyncset.done $0x0  }
0x55: {  	[sflag:s15] =	ssyncadd.s32 $0xFFFFFFB0  }
0x56: {  	[spmem:s2] =	stream.indirect.scatter.add.f32 [tilespmem:s14], [sflag:$0x2], $0x80, s19, s17, $0xb8;
	[tilespmem:$0x16280] =	vst v63  }
0x57: {  	_ =	swait.ge [sflag:s20], $0x2800  }
0x58: {  	s24 =	sshrl.u32 s24, $0x3;
	[sflag:s20] =	ssyncset.done $0x0  }
0x59: {  	s24 =	sadd.s32 s4, s24;
	[sflag:s20] =	ssyncadd.s32 $0xFFFFD800  }
0x5a: {  	[tilespmem:s18], [sflag:$0x3] =	stream.linear.gather [hbm4b:s24+s3], $0x50, $0x38;
	[tilespmem:$0x16280] =	vst v63  }
0x5b: {  	_ =	swait.ge [sflag:s15], $0x50  }
0x5c: {  	[sflag:s15] =	ssyncset.done $0x0  }
0x5d: {  	[sflag:s15] =	ssyncadd.s32 $0xFFFFFFB0  }
0x5e: {  	[spmem:s2] =	stream.indirect.scatter.add.f32 [tilespmem:s14], [sflag:$0x1], $0x80, s18, s17, $0xb8;
	[tilespmem:$0x16280] =	vst v63  }
0x5f: {  	_ =	swait.ge [sflag:s21], $0x2800  }
0x60: {  	[sflag:s21] =	ssyncset.done $0x0  }
0x61: {  	[sflag:s21] =	ssyncadd.s32 $0xFFFFD800  }
0x62: {  	_ =	swait.ge [sflag:s20], $0x2800  }
0x63: {  	[sflag:s20] =	ssyncset.done $0x0  }
0x64: {  	[sflag:s20] =	ssyncadd.s32 $0xFFFFD800  }
0x65: {  	[bflag:$0x0] =	sbarrier.arrive $0xFFFF  }
0x66: {  	[tilespmem:s16], [sflag:$0x3] =	stream.linear.gather [hbm4b:s11+s3], $0x50, $0x38;
	[tilespmem:$0x16280] =	vst v63  }
0x67: {  	_ =	swait.ge [sflag:s15], $0x50  }
0x68: {  	[sflag:s15] =	ssyncset.done $0x0  }
0x69: {  	[sflag:s15] =	ssyncadd.s32 $0xFFFFFFB0  }
0x6a: {  	v1 =	vld [tilespmem:$0x16140]  }
0x6b: {  	v2 =	vld [tilespmem:$0x16120]  }
0x6c: {  	v3 =	vld [tilespmem:$0x16130]  }
0x6d: {  	v4 =	vld [tilespmem:$0x16100]  }
0x6e: {  	v5 =	vld [tilespmem:$0x16110]  }
0x6f: {  	v1 =	vadd.s32 v0, v1  }
0x70: {  	v2 =	vadd.s32 v0, v2;
	[tilespmem:$0x161C0] =	vst v1  }
0x71: {  	[tilespmem:$0x161A0] =	vst v2;
	v1 =	vadd.s32 v0, v3  }
0x72: {  	v2 =	vadd.s32 v0, v4;
	[tilespmem:$0x161B0] =	vst v1  }
.Ltmp3:
0x73: {  	[tilespmem:$0x16180] =	vst v2;
	v1 =	vadd.s32 v0, v5;
	(pc) =	sbr.rel @!p0 .LBB2_7-.Ltmp3, $4  }
0x74: {  	[tilespmem:$0x16190] =	vst v1  }
0x75: {  	[tilespmem:s14], [sflag:$0x1] =	stream.indirect.gather [spmem:s2], $0x80, s16, s17, $0xb8;
	[tilespmem:$0x16280] =	vst v63  }
0x76: {  	_ =	swait.ge [sflag:s20], $0x2800  }
0x77: {  	s25 =	smov.u32 s11;
	s24 =	sadd.s32 $0xFFFFFFFF, s8;
	[sflag:s20] =	ssyncset.done $0x0  }
.LBB2_6:
0x78: {  	p0 =	sne.s32 s24, $0x1;
	[sflag:s20] =	ssyncadd.s32 $0xFFFFD800;
	s25 =	sadd.s32 $0xA, s25  }
0x79: {  	[hbm4b:s7+s17] =	stream.indirect.scatter [tilespmem:s14], [sflag:$0x3], $0x80, s22, s17, $0xb8;
	[tilespmem:$0x16280] =	vst v63  }
0x7a: {  	s24 =	sadd.s32 $0xFFFFFFFF, s24;
	_ =	swait.ge [sflag:s15], $0x2800  }
0x7b: {  	[sflag:s15] =	ssyncset.done $0x0  }
0x7c: {  	[sflag:s15] =	ssyncadd.s32 $0xFFFFD800  }
0x7d: {  	[tilespmem:s16], [sflag:$0x3] =	stream.linear.gather [hbm4b:s25+s3], $0x50, $0x38;
	[tilespmem:$0x16280] =	vst v63  }
0x7e: {  	_ =	swait.ge [sflag:s15], $0x50  }
0x7f: {  	[sflag:s15] =	ssyncset.done $0x0  }
0x80: {  	[sflag:s15] =	ssyncadd.s32 $0xFFFFFFB0  }
0x81: {  	v1 =	vld [tilespmem:$0x16140]  }
0x82: {  	v2 =	vld [tilespmem:$0x16120]  }
0x83: {  	v3 =	vld [tilespmem:$0x16130]  }
0x84: {  	v4 =	vld [tilespmem:$0x16100]  }
0x85: {  	v5 =	vld [tilespmem:$0x16110]  }
0x86: {  	v1 =	vadd.s32 v0, v1  }
0x87: {  	v2 =	vadd.s32 v0, v2;
	[tilespmem:$0x161C0] =	vst v1  }
0x88: {  	[tilespmem:$0x161A0] =	vst v2;
	v1 =	vadd.s32 v0, v3  }
0x89: {  	v2 =	vadd.s32 v0, v4;
	[tilespmem:$0x161B0] =	vst v1  }
.Ltmp4:
0x8a: {  	[tilespmem:$0x16180] =	vst v2;
	v1 =	vadd.s32 v0, v5;
	(pc) =	sbr.rel @p0 .LBB2_6-.Ltmp4, $4  }
0x8b: {  	[tilespmem:$0x16190] =	vst v1  }
0x8c: {  	[tilespmem:s14], [sflag:$0x1] =	stream.indirect.gather [spmem:s2], $0x80, s16, s17, $0xb8;
	[tilespmem:$0x16280] =	vst v63  }
0x8d: {  	_ =	swait.ge [sflag:s20], $0x2800  }
0x8e: {  	[sflag:s20] =	ssyncset.done $0x0  }
.LBB2_7:
0x8f: {  	s23 =	sadd.s32 $0x1, s23  }
0x90: {  	p0 =	sne.s32 s23, s10  }
.Ltmp5:
0x91: {  	[sflag:s20] =	ssyncadd.s32 $0xFFFFD800;
	(pc) =	sbr.rel @p0 .LBB2_1-.Ltmp5, $4  }
0x92: {  	[hbm4b:s7+s17] =	stream.indirect.scatter [tilespmem:s14], [sflag:$0x3], $0x80, s22, s17, $0xb8;
	[tilespmem:$0x16280] =	vst v63  }
0x93: {  	_ =	swait.ge [sflag:s15], $0x2800  }
0x94: {  	[sflag:s15] =	ssyncset.done $0x0  }
0x95: {  	[sflag:s15] =	ssyncadd.s32 $0xFFFFD800  }
0x96: {  	_ =	sfence.sel $0x180000  }
0x97: {  	[bflag:$0x0] =	sbarrier.arrive $0xFFFF  }
0x98: {  	p0 =	sne.s32 s1, $0x0;
	_ =	strace $0x90000047  }
0x99: {  	s0 =	sadd.s32 @!p0 $0x100000, s0;
	[bflag:$0x2] =	sbarrier.arrive $0xFFFF  }
0x9a: {  	[sflag:s0] =	ssyncadd.tile.s32 @!p0 $0x1;
	_ =	shalt  }
.Lfunc_end2:
_tile_overlayer_lowered:
.L_overlay_start_2:
0x9b: {  	(tag) =	ssettag $0x2  }
0x9c: {  	s0 =	rddreg [dreg:$0x0];
	s2 =	stileid.u32  }
0x9d: {  	s1 =	rddreg [dreg:$0x1];
	p0 =	sne.s32 s2, $0x0  }
0x9e: {  	s3 =	rddreg [dreg:$0x2];
	[bflag:$0x3] =	sbarrier.arrive $0xFFFF;
	s2 =	simm.s32 @!p0 $0x1C03  }
0x9f: {  	[timem:s3], [sflag:s2] =	dma.local @!p0 [hbm:s0], s1  }
0xa0: {  	s0 =	simm.s32 @!p0 $0x3  }
0xa1: {  	_ =	swait.ge @!p0 [sflag:s0], s1  }
0xa2: {  	s1 =	ssub.s32 @!p0 $0x0, s1;
	[sflag:s0] =	ssyncset.done @!p0 $0x0  }
0xa3: {  	[sflag:s0] =	ssyncadd.s32 @!p0 s1  }
0xa4: {  	[bflag:$0x3] =	sbarrier.arrive $0xFFFF  }
0xa5: {  	_ =	shalt  }

// kernel: kernel.14.cloned.1.call-start
scs
__scs_entry_jumppad:
0x0: {  	(pc) =	sbr.rel $0x88, $3  }
0x1: {  	(tag) =	ssettag $0x0;
	lr =	simm.s32 $0x1  }
0x2: {  	[smem:$0x3F92] =	sst lr;
	_ =	strace $0xD0000000  }
0x3: {  	_ = 	snop  }
0x4: {  	_ = 	snop  }
0x5: {  	_ = 	snop  }
0x6: {  	_ = 	snop  }
0x7: {  	_ = 	snop  }
__scs_overlays_trampoline_lowered:
0x8: {  	[smem:$0x3FA1] =	sst s0  }
0x9: {  	[smem:$0x3FA2] =	sst s1  }
0xa: {  	[smem:$0x3FA3] =	sst s2  }
0xb: {  	[smem:$0x3FA4] =	sst s3  }
0xc: {  	[smem:$0x3FA5] =	sst s4  }
0xd: {  	[smem:$0x3FA6] =	sst s5  }
0xe: {  	[smem:$0x3FA7] =	sst s6  }
0xf: {  	[smem:$0x3FA8] =	sst s7  }
0x10: {  	[smem:$0x3FA9] =	sst s8  }
0x11: {  	[smem:$0x3FAA] =	sst s9;
	s0 =	simm.s32 @!p0 $0x0  }
0x12: {  	s1 =	sld [smem:$0x3F90];
	s0 =	simm.s32 @p0 $0x1  }
0x13: {  	[smem:$0x3FAB] =	sst s0;
	s0 =	simm.s32 @!p1 $0x0  }
0x14: {  	s2 =	sld [smem:$0x3F8F];
	s0 =	simm.s32 @p1 $0x1  }
0x15: {  	[smem:$0x3FAC] =	sst s0;
	s0 =	simm.s32 @!p2 $0x0  }
0x16: {  	s3 =	sld [smem:$0x3FDB];
	s0 =	simm.s32 @p2 $0x1  }
0x17: {  	s4 =	simm.s32 $0x1BF5;
	[smem:$0x3FAE] =	sst s0  }
0x18: {  	s0 =	sld [smem:$0x3F91];
	_ =	swait.ge [sflag:s4], $0x0  }
0x19: {  	s7 =	sld [smem:$0x3F92]  }
0x1a: {  	s8 =	sadd.s32 $0xFFFFE003, lr  }
0x1b: {  	s9 =	sadd.s32 $0xFFFFFEF7, lr;
	s5 =	simm.s32 $0xFFFFFFFF;
	p2 =	slt.u32 s8, $0xFFFFF086  }
0x1c: {  	p1 =	slt.u32 s9, $0xF7A;
	s5 =	simm.s32 @!p2 $0x0  }
0x1d: {  	s5 =	simm.s32 @p1 $0x1;
	p0 =	seq.s32 s7, s2  }
0x1e: {  	s7 =	smul.u32 @!p0 $0xF7A, s2;
	p2 =	seq.s32 @!p0 s5, $0x0  }
0x1f: {  	s9 =	smul.u32 $0xF7A, s1;
	s8 =	simm.s32 @!p0 $0x1BF5;
	p2 =	por !p2, p0  }
0x20: {  	[sflag:s8] =	ssyncset.s32 @!p0 $0xFFFFF086;
	s6 =	sadd.s32 @!p0 s3, s7;
	s7 =	simm.s32 @!p0 $0x108  }
0x21: {  	s3 =	sadd.s32 s3, s9;
	s6 =	sadd.s32 @!p0 $0x88, s6;
	s7 =	simm.s32 @p2 $0x1082  }
0x22: {  	[simem:s7], [sflag:s8] =	dma.local @!p0 [hbm:s6], $0xF7A  }
0x23: {  	s9 =	sor.u32 $0xD0000000, s2;
	s6 =	simm.s32 $0x108;
	_ =	swait.ge @!p0 [sflag:s8], $0x0  }
0x24: {  	s3 =	sadd.s32 $0x88, s3;
	s6 =	simm.s32 @!p1 $0x1082;
	[sflag:s4] =	ssyncset.s32 $0xFFFFF086  }
0x25: {  	[simem:s6], [sflag:s4] =	dma.local [hbm:s3], $0xF7A  }
0x26: {  	[smem:$0x3F92] =	sst s1;
	(tag) =	ssettag s2;
	_ =	strace s9  }
0x27: {  	s1 =	sld [smem:$0x3FA2]  }
0x28: {  	s2 =	sld [smem:$0x3FA3]  }
0x29: {  	s4 =	sld [smem:$0x3FA5]  }
0x2a: {  	p0 =	seq.s32 s5, $0x0;
	s5 =	sld [smem:$0x3FA6]  }
0x2b: {  	s6 =	sld [smem:$0x3FA7]  }
0x2c: {  	s7 =	sld [smem:$0x3FA8]  }
0x2d: {  	s3 =	simm.s32 $0x108;
	s8 =	sld [smem:$0x3FA9]  }
0x2e: {  	s3 =	simm.s32 @!p0 $0x1082;
	s9 =	sld [smem:$0x3FAA]  }
0x2f: {  	lr =	sadd.s32 s0, s3;
	s0 =	sld [smem:$0x3FA1]  }
0x30: {  	s3 =	sld [smem:$0x3FA4]  }
0x31: {  	[smem:$0x3FAD] =	sst s10  }
0x32: {  	s10 =	sld [smem:$0x3FAB];
	_ =	sdelay $0x3  }
0x33: {  	p0 =	seq.s32 s10, $0x1;
	s10 =	sld [smem:$0x3FAD];
	_ =	sdelay $0x3  }
0x34: {  	[smem:$0x3FAD] =	sst s10  }
0x35: {  	s10 =	sld [smem:$0x3FAC];
	_ =	sdelay $0x3  }
0x36: {  	p1 =	seq.s32 s10, $0x1;
	s10 =	sld [smem:$0x3FAD];
	_ =	sdelay $0x3  }
0x37: {  	[smem:$0x3FAD] =	sst s10  }
0x38: {  	s10 =	sld [smem:$0x3FAE]  }
0x39: {  	_ = 	snop;
	(pc) =	sbr.ind lr, $3  }
0x3a: {  	_ = 	snop  }
0x3b: {  	_ = 	snop  }
0x3c: {  	p2 =	seq.s32 s10, $0x1;
	s10 =	sld [smem:$0x3FAD]  }
0x3d: {  	_ =	shalt  }
0x3e: {  	_ =	shalt  }
0x3f: {  	_ =	shalt  }
0x40: {  	_ =	shalt  }
0x41: {  	_ =	shalt  }
0x42: {  	_ =	shalt  }
0x43: {  	_ =	shalt  }
0x44: {  	_ =	shalt  }
0x45: {  	_ =	shalt  }
0x46: {  	_ =	shalt  }
0x47: {  	_ =	shalt  }
0x48: {  	_ =	shalt  }
0x49: {  	_ =	shalt  }
0x4a: {  	_ =	shalt  }
0x4b: {  	_ =	shalt  }
0x4c: {  	_ =	shalt  }
0x4d: {  	_ =	shalt  }
0x4e: {  	_ =	shalt  }
0x4f: {  	_ =	shalt  }
0x50: {  	_ =	shalt  }
0x51: {  	_ =	shalt  }
0x52: {  	_ =	shalt  }
0x53: {  	_ =	shalt  }
0x54: {  	_ =	shalt  }
0x55: {  	_ =	shalt  }
0x56: {  	_ =	shalt  }
0x57: {  	_ =	shalt  }
0x58: {  	_ =	shalt  }
0x59: {  	_ =	shalt  }
0x5a: {  	_ =	shalt  }
0x5b: {  	_ =	shalt  }
0x5c: {  	_ =	shalt  }
0x5d: {  	_ =	shalt  }
0x5e: {  	_ =	shalt  }
0x5f: {  	_ =	shalt  }
0x60: {  	_ =	shalt  }
0x61: {  	_ =	shalt  }
0x62: {  	_ =	shalt  }
0x63: {  	_ =	shalt  }
0x64: {  	_ =	shalt  }
0x65: {  	_ =	shalt  }
0x66: {  	_ =	shalt  }
0x67: {  	_ =	shalt  }
0x68: {  	_ =	shalt  }
0x69: {  	_ =	shalt  }
0x6a: {  	_ =	shalt  }
0x6b: {  	_ =	shalt  }
0x6c: {  	_ =	shalt  }
0x6d: {  	_ =	shalt  }
0x6e: {  	_ =	shalt  }
0x6f: {  	_ =	shalt  }
0x70: {  	_ =	shalt  }
0x71: {  	_ =	shalt  }
0x72: {  	_ =	shalt  }
0x73: {  	_ =	shalt  }
0x74: {  	_ =	shalt  }
0x75: {  	_ =	shalt  }
0x76: {  	_ =	shalt  }
0x77: {  	_ =	shalt  }
0x78: {  	_ =	shalt  }
0x79: {  	_ =	shalt  }
0x7a: {  	_ =	shalt  }
0x7b: {  	_ =	shalt  }
0x7c: {  	_ =	shalt  }
0x7d: {  	_ =	shalt  }
0x7e: {  	_ =	shalt  }
0x7f: {  	_ =	shalt  }
0x80: {  	_ =	shalt  }
0x81: {  	_ =	shalt  }
0x82: {  	_ =	shalt  }
0x83: {  	_ =	shalt  }
0x84: {  	_ =	shalt  }
0x85: {  	_ =	shalt  }
0x86: {  	_ =	shalt  }
0x87: {  	_ =	shalt  }
.Lfunc_end0:
.L_simem_size_0:
called_computation.1_lowered:
.L_overlay_start_0:
0x88: {  	s2 =	sld [smem:$0x3FD9]  }
0x89: {  	s3 =	sld [smem:$0x3FFE];
	_ =	sdelay $0x1  }
0x8a: {  	s1 =	srdreg.scid  }
0x8b: {  	s0 =	sand.u32 $0x1, s1  }
0x8c: {  	s17 =	sshll.u32 s0, $0xA;
	s2 =	sadd.s32 s3, s2  }
0x8d: {  	s2 =	sadd.s32 s2, s17  }
0x8e: {  	[smem:$0x3FB9] =	sst s2  }
0x8f: {  	_ = 	snop  }
0x90: {  	s18 =	sld [smem:$0x3FC9];
	(tm) =	ssettm $0x1  }
0x91: {  	s19 =	sld [smem:$0x3FFB];
	_ =	sdelay $0x3  }
0x92: {  	_ =	strace s19  }
0x93: {  	s2 =	sld [smem:$0x3FFC];
	_ =	sdelay $0x3  }
0x94: {  	_ =	strace s2  }
0x95: {  	s2 =	sld [smem:$0x3FFD];
	_ =	sdelay $0x3  }
0x96: {  	_ =	strace s2  }
0x97: {  	_ =	strace $0x8FFFFFFF  }
0x98: {  	s20 =	sld [smem:$0x3FDB];
	_ =	sdelay $0x1  }
0x99: {  	s4 =	simm.s32 $_scs_section_size  }
0x9a: {  	s5 =	simm.s32 $_size__tile_overlayer_lowered;
	s6 =	simm.s32 $_tile_overlayer_lowered  }
0x9b: {  	s7 =	simm.s32 $0x1BFF;
	s21 =	sshll.u32 s6, $0x1;
	s4 =	sadd.s32 s4, s20  }
0x9c: {  	s22 =	simm.s32 $0x0;
	s5 =	sshll.u32 s5, $0x1;
	s6 =	sadd.s32 s21, s4  }
0x9d: {  	[timem:s22], [sflag:s7] =	dma.local [hbm:s6], s5  }
0x9e: {  	_ =	swait.ge [sflag:s7], s5  }
0x9f: {  	s5 =	ssub.s32 $0x0, s5;
	[sflag:s7] =	ssyncset.done $0x0  }
0xa0: {  	[sflag:s7] =	ssyncadd.s32 s5;
	_ =	sdelay $0x1  }
0xa1: {  	s23 =	simm.s32 $0x1B8B  }
0xa2: {  	_ =	swait.ge [sflag:s23], $0x1  }
0xa3: {  	[sflag:s23] =	ssyncset.done $0x0  }
0xa4: {  	[sflag:s23] =	ssyncadd.s32 $0xFFFFFFFF  }
0xa5: {  	s5 =	sld [smem:$0x0]  }
0xa6: {  	s6 =	sand.u32 $0xFFFFFFFE, s1  }
0xa7: {  	p0 =	sne.s32 s1, s6  }
0xa8: {  	s6 =	sshll.u32 @p0 s6, $0xE  }
0xa9: {  	s6 =	sadd.s32 @p0 $0x11B8D, s6;
	s7 =	sshll.u32 @p0 s5, $0x11  }
0xaa: {  	s6 =	sor.u32 @p0 s7, s6  }
0xab: {  	[sflag:s6] =	ssyncadd.remote.s32 @p0 $0x1;
	_ =	sdelay $0x1  }
0xac: {  	s6 =	simm.s32 @p0 $0x1B8D  }
0xad: {  	_ =	swait.eq @p0 [sflag:s6], $0x1  }
0xae: {  	[sflag:s6] =	ssyncadd.s32 @p0 $0xFFFFFFFF  }
0xaf: {  	s7 =	sshll.u32 @!p0 s1, $0xE  }
0xb0: {  	s7 =	sor.u32 @!p0 $0x4000, s7;
	s6 =	simm.s32 @!p0 $0x1B8D  }
0xb1: {  	s5 =	sshll.u32 @!p0 s5, $0x11;
	s7 =	sadd.s32 @!p0 $0x11B8D, s7;
	_ =	swait.eq @!p0 [sflag:s6], $0x1  }
0xb2: {  	s5 =	sor.u32 @!p0 s5, s7;
	[sflag:s6] =	ssyncadd.s32 @!p0 $0xFFFFFFFF  }
0xb3: {  	s25 =	simm.s32 $0x1B8E;
	s24 =	sld [smem:$0x3FFE];
	[sflag:s5] =	ssyncadd.remote.s32 @!p0 $0x1  }
0xb4: {  	s26 =	simm.s32 $execute0_lowered;
	[smem:$0x3FD2] =	sst s25  }
0xb5: {  	s6 =	sshll.u32 s26, $0x1;
	_ =	strace $0x80000049;
	[dreg:$0x1] =	wrdreg $0xFFFFFFFF  }
0xb6: {  	s28 =	simm.s32 $_size_execute0_lowered;
	s4 =	sadd.s32 s4, s6;
	[dreg:$0x0] =	wrdreg $0x0  }
0xb7: {  	s6 =	sshll.u32 s28, $0x1;
	[dreg:$0x2] =	wrdreg s4  }
0xb8: {  	[dreg:$0x3] =	wrdreg s6  }
0xb9: {  	[dreg:$0x4] =	wrdreg $0xC0  }
0xba: {  	_ =	task [dreg:s22], $0x5FFFF  }
0xbb: {  	[dreg:$0x1] =	wrdreg $0xFFFFFFFF  }
0xbc: {  	[dreg:$0x0] =	wrdreg $0x60  }
0xbd: {  	[dreg:$0x2] =	wrdreg s18  }
0xbe: {  	[dreg:$0x3] =	wrdreg s24  }
0xbf: {  	[dreg:$0x4] =	wrdreg $0x0  }
0xc0: {  	[dreg:$0x5] =	wrdreg $0xA  }
0xc1: {  	_ =	task.clear_ibuf [dreg:s22], $0x6FFFF;
	_ =	strace $0x90000049  }
0xc2: {  	s29 =	simm.s32 $0xA;
	_ =	strace $0x8000004B  }
0xc3: {  	_ =	swait.ge [sflag:s29], $0x1  }
0xc4: {  	[sflag:s29] =	ssyncadd.s32 $0xFFFFFFFF  }
0xc5: {  	_ =	strace $0x9000004B  }
0xc6: {  	_ =	sfence  }
0xc7: {  	s30 =	sld [smem:$0x0];
	_ =	sdelay $0x2  }
0xc8: {  	s31 =	sshll.u32 s1, $0xD;
	s1 =	sshrl.u32 s1, $0x2  }
0xc9: {  	s4 =	sand.u32 $0x4000, s31;
	s1 =	sadd.s32 s1, s30  }
0xca: {  	s0 =	sor.u32 s4, s0;
	s1 =	sshll.u32 s1, $0x11  }
0xcb: {  	s0 =	sor.u32 s1, s0  }
0xcc: {  	s0 =	sadd.s32 $0x8F2B, s0  }
0xcd: {  	[sflag:s0] =	ssyncadd.remote.s32 $0x1  }
0xce: {  	_ =	sfence.sel $0xFFFF  }
0xcf: {  	[dreg:$0x0] =	wrdreg $0xFFFFFFFF;
	(pc) =	sbr.abs _section_cstart, $3  }
0xd0: {  	[dreg:$0x1] =	wrdreg $0xFFFFFFFF  }
0xd1: {  	_ =	task.clear_ibuf [dreg:s22], $0x2FFFF;
	_ =	strace $0x9FFFFFFF  }
0xd2: {  	(tm) =	ssettm $0x7FFFFFFF  }
0xd3: {  	_ =	shalt  }
tec
execute0_lowered:
.L_overlay_start_1:
0x0: {  	(tag) =	ssettag $0x1  }
0x1: {  	s1 =	rddreg [dreg:$0x0]  }
0x2: {  	s0 =	rddreg [dreg:$0x1]  }
0x3: {  	s3 =	rddreg [dreg:$0x2];
	s4 =	simm.s32 $0x0  }
0x4: {  	s13 =	stileid.u32;
	s2 =	srdreg.scid;
	s16 =	simm.s32 $0x13A80  }
0x5: {  	s17 =	simm.s32 $0x3;
	s29 =	simm.s32 $0x138D0;
	s30 =	simm.s32 $0x13920  }
0x6: {  	s31 =	simm.s32 $0x13970;
	s28 =	simm.s32 $0x0;
	[smem:$0x7FF] =	sst s4  }
0x7: {  	s2 =	sand.u32 $0x1, s2;
	s5 =	sshll.u32 s13, $0x1;
	s8 =	smul.u32 $0x50, s13  }
0x8: {  	s6 =	sadd.s32 $0x3E00, s0;
	s9 =	sadd.s32 $0x18000, s0;
	s12 =	smul.u32 $0x4E20, s13  }
0x9: {  	p0 =	seq.s32 s13, $0xF;
	_ =	strace $0x8000004A;
	s7 =	sor.u32 s2, s5  }
0xa: {  	s5 =	sadd.s32 $0xDC00, s0;
	[dreg:$0xa] =	wrdreg s9;
	s10 =	ssub.s32 $0x2, s2  }
0xb: {  	s2 =	smul.u32 $0x2710, s2;
	s9 =	sadd.s32 $0x66E00, s0;
	[dreg:$0x7] =	wrdreg s29  }
0xc: {  	[dreg:$0x8] =	wrdreg s30;
	s7 =	smul.u32 $0x2710, s7;
	s11 =	sshrl.u32 s10, $0x1  }
0xd: {  	[dreg:$0x9] =	wrdreg s31;
	s8 =	sadd.s32 s8, s0;
	s18 =	ssub.s32 s10, s11  }
0xe: {  	s10 =	simm.s32 $0x5;
	s12 =	sadd.s32 s2, s12;
	s19 =	sshrl.u32 s7, $0x3  }
0xf: {  	s10 =	simm.s32 @!p0 $0x8;
	s21 =	sadd.s32 $0xF0, s12;
	s23 =	sadd.s32 $0xA0, s12  }
0x10: {  	s14 =	sadd.s32 $0x50, s12;
	s0 =	smax.u32 s18, $0x1;
	s15 =	sadd.s32 $0x140, s12  }
0x11: {  	s18 =	simm.s32 $0x16280;
	s20 =	sadd.s32 s5, s19;
	s11 =	sadd.s32 s6, s19  }
0x12: {  	s22 =	sshrl.u32 s21, $0x3;
	s13 =	sshrl.u32 s23, $0x3;
	s25 =	sshrl.u32 s14, $0x3  }
0x13: {  	[dreg:$0xd] =	wrdreg s0;
	s14 =	sadd.s32 $0x17A00, s8;
	s19 =	simm.s32 $0x50  }
0x14: {  	s21 =	simm.s32 $0x13A00;
	s23 =	simm.s32 $0x16380;
	[dreg:$0xb] =	wrdreg s20  }
0x15: {  	[dreg:$0xc] =	wrdreg s11;
	s11 =	sadd.s32 s22, s6;
	s24 =	sadd.s32 s13, s6  }
0x16: {  	s26 =	sadd.s32 s25, s6;
	s20 =	simm.s32 $0x13880;
	[dreg:$0x4] =	wrdreg s11  }
0x17: {  	s22 =	simm.s32 $0x16400;
	s25 =	simm.s32 $0x2;
	[dreg:$0x5] =	wrdreg s24  }
0x18: {  	v0 =	vmov s2;
	[dreg:$0x6] =	wrdreg s26;
	s24 =	simm.s32 $0x1;
	s26 =	simm.s32 $0x16300  }
.LBB2_1:
0x19: {  	s0 =	rddreg [dreg:$0xa]  }
0x1a: {  	[tilespmem:s16], [sflag:$0x3] =	stream.linear.gather [hbm4b:s0+s4], $0x2800, $0x38;
	[tilespmem:$0x18C00] =	vst v63  }
0x1b: {  	_ =	swait.ge [sflag:s17], $0x2800  }
0x1c: {  	[sflag:s17] =	ssyncset.done $0x0  }
0x1d: {  	[sflag:s17] =	ssyncadd.s32 $0xFFFFD800  }
0x1e: {  	[tilespmem:s18], [sflag:$0x3] =	stream.linear.gather [hbm4b:s14+s4], $0x50, $0x38;
	[tilespmem:$0x18C00] =	vst v63  }
0x1f: {  	p0 =	sne.s32 s10, $0x1;
	_ =	swait.ge [sflag:s17], $0x50  }
.Ltmp0:
0x20: {  	[sflag:s17] =	ssyncset.done $0x0;
	(pc) =	sbr.rel @!p0 .LBB2_3-.Ltmp0, $4  }
0x21: {  	[sflag:s17] =	ssyncadd.s32 $0xFFFFFFB0  }
0x22: {  	[spmem:s3] =	stream.indirect.scatter [tilespmem:s16], [sflag:$0x3], $0x80, s18, s19, $0xb8;
	[tilespmem:$0x18C00] =	vst v63  }
0x23: {  	_ =	swait.ge [sflag:s17], $0x2800  }
0x24: {  	s2 =	smov.u32 s14;
	s0 =	sadd.s32 $0xFFFFFFFF, s10;
	[sflag:s17] =	ssyncset.done $0x0  }
.LBB2_2:
0x25: {  	p1 =	sne.s32 s0, $0x1;
	[sflag:s17] =	ssyncadd.s32 $0xFFFFD800;
	s2 =	sadd.s32 $0xA, s2  }
0x26: {  	[tilespmem:s18], [sflag:$0x3] =	stream.linear.gather [hbm4b:s2+s4], $0x50, $0x38;
	[tilespmem:$0x18C00] =	vst v63  }
0x27: {  	s0 =	sadd.s32 $0xFFFFFFFF, s0;
	_ =	swait.ge [sflag:s17], $0x50  }
.Ltmp1:
0x28: {  	[sflag:s17] =	ssyncset.done $0x0;
	(pc) =	sbr.rel @p1 .LBB2_2-.Ltmp1, $4  }
0x29: {  	[sflag:s17] =	ssyncadd.s32 $0xFFFFFFB0  }
0x2a: {  	[spmem:s3] =	stream.indirect.scatter [tilespmem:s16], [sflag:$0x3], $0x80, s18, s19, $0xb8;
	[tilespmem:$0x18C00] =	vst v63  }
0x2b: {  	_ =	swait.ge [sflag:s17], $0x2800  }
0x2c: {  	[sflag:s17] =	ssyncset.done $0x0  }
.LBB2_3:
0x2d: {  	[sflag:s17] =	ssyncadd.s32 $0xFFFFD800  }
0x2e: {  	[bflag:$0x0] =	sbarrier.arrive $0xFFFF  }
0x2f: {  	s0 =	simm.s32 $0x0;
	s2 =	rddreg [dreg:$0xb]  }
0x30: {  	[tilespmem:s20], [sflag:$0x3] =	stream.linear.gather [hbm4b:s2+s0], $0x140, $0x38;
	[tilespmem:$0x18C00] =	vst v63  }
0x31: {  	_ =	swait.ge [sflag:s17], $0x140  }
0x32: {  	[sflag:s17] =	ssyncset.done $0x0  }
0x33: {  	s8 =	rddreg [dreg:$0xc];
	[sflag:s17] =	ssyncadd.s32 $0xFFFFFEC0  }
0x34: {  	[tilespmem:s21], [sflag:$0x3] =	stream.linear.gather [hbm4b:s8+s0], $0x50, $0x38;
	[tilespmem:$0x18C00] =	vst v63  }
0x35: {  	_ =	swait.ge [sflag:s17], $0x50  }
0x36: {  	[sflag:s17] =	ssyncset.done $0x0  }
0x37: {  	s11 =	rddreg [dreg:$0x7];
	[sflag:s17] =	ssyncadd.s32 $0xFFFFFFB0  }
0x38: {  	[tilespmem:s16], [sflag:$0x1] =	stream.indirect.gather [hbm4b:s1+s19], $0x80, s20, s19, $0xb8;
	[tilespmem:$0x18C00] =	vst v63  }
0x39: {  	s12 =	rddreg [dreg:$0x6]  }
0x3a: {  	[tilespmem:s22], [sflag:$0x2] =	stream.indirect.gather [hbm4b:s1+s19], $0x80, s11, s19, $0xb8;
	[tilespmem:$0x18C00] =	vst v63  }
0x3b: {  	s13 =	sadd.s32 $0x0, s12  }
0x3c: {  	[tilespmem:s23], [sflag:$0x3] =	stream.linear.gather [hbm4b:s13+s4], $0x50, $0x38;
	[tilespmem:$0x18C00] =	vst v63  }
0x3d: {  	_ =	swait.ge [sflag:s17], $0x50  }
0x3e: {  	[sflag:s17] =	ssyncset.done $0x0  }
0x3f: {  	[sflag:s17] =	ssyncadd.s32 $0xFFFFFFB0  }
0x40: {  	_ =	swait.ge [sflag:s24], $0x2800  }
0x41: {  	[sflag:s24] =	ssyncset.done $0x0  }
0x42: {  	[sflag:s24] =	ssyncadd.s32 $0xFFFFD800  }
0x43: {  	[spmem:s3] =	stream.indirect.scatter.add.f32 [tilespmem:s16], [sflag:$0x3], $0x80, s21, s19, $0xb8;
	[tilespmem:$0x18C00] =	vst v63  }
0x44: {  	_ =	swait.ge [sflag:s17], $0x2800  }
0x45: {  	s2 =	rddreg [dreg:$0x8];
	[sflag:s17] =	ssyncset.done $0x0  }
0x46: {  	s8 =	rddreg [dreg:$0x5];
	[sflag:s17] =	ssyncadd.s32 $0xFFFFD800  }
0x47: {  	[tilespmem:s16], [sflag:$0x1] =	stream.indirect.gather [hbm4b:s1+s19], $0x80, s2, s19, $0xb8;
	[tilespmem:$0x18C00] =	vst v63  }
0x48: {  	s11 =	sadd.s32 $0x0, s8  }
0x49: {  	[tilespmem:s21], [sflag:$0x3] =	stream.linear.gather [hbm4b:s11+s4], $0x50, $0x38;
	[tilespmem:$0x18C00] =	vst v63  }
0x4a: {  	_ =	swait.ge [sflag:s17], $0x50  }
0x4b: {  	[sflag:s17] =	ssyncset.done $0x0  }
0x4c: {  	[sflag:s17] =	ssyncadd.s32 $0xFFFFFFB0  }
0x4d: {  	_ =	swait.ge [sflag:s25], $0x2800  }
0x4e: {  	[sflag:s25] =	ssyncset.done $0x0  }
0x4f: {  	[sflag:s25] =	ssyncadd.s32 $0xFFFFD800  }
0x50: {  	[spmem:s3] =	stream.indirect.scatter.add.f32 [tilespmem:s22], [sflag:$0x3], $0x80, s23, s19, $0xb8;
	[tilespmem:$0x18C00] =	vst v63  }
0x51: {  	_ =	swait.ge [sflag:s17], $0x2800  }
0x52: {  	s12 =	rddreg [dreg:$0x9];
	[sflag:s17] =	ssyncset.done $0x0  }
0x53: {  	s13 =	rddreg [dreg:$0x4];
	[sflag:s17] =	ssyncadd.s32 $0xFFFFD800  }
0x54: {  	[tilespmem:s22], [sflag:$0x2] =	stream.indirect.gather [hbm4b:s1+s19], $0x80, s12, s19, $0xb8;
	[tilespmem:$0x18C00] =	vst v63  }
0x55: {  	s8 =	sadd.s32 $0x0, s13  }
0x56: {  	[tilespmem:s23], [sflag:$0x3] =	stream.linear.gather [hbm4b:s8+s4], $0x50, $0x38;
	[tilespmem:$0x18C00] =	vst v63  }
0x57: {  	_ =	swait.ge [sflag:s17], $0x50  }
0x58: {  	[sflag:s17] =	ssyncset.done $0x0  }
0x59: {  	[sflag:s17] =	ssyncadd.s32 $0xFFFFFFB0  }
0x5a: {  	_ =	swait.ge [sflag:s24], $0x2800  }
0x5b: {  	[sflag:s24] =	ssyncset.done $0x0  }
0x5c: {  	[sflag:s24] =	ssyncadd.s32 $0xFFFFD800  }
0x5d: {  	[spmem:s3] =	stream.indirect.scatter.add.f32 [tilespmem:s16], [sflag:$0x3], $0x80, s21, s19, $0xb8;
	[tilespmem:$0x18C00] =	vst v63  }
0x5e: {  	_ =	swait.ge [sflag:s17], $0x2800  }
0x5f: {  	[sflag:s17] =	ssyncset.done $0x0  }
0x60: {  	[sflag:s17] =	ssyncadd.s32 $0xFFFFD800  }
0x61: {  	s11 =	simm.s32 $0x4;
	_ =	swait.ge [sflag:s25], $0x2800  }
0x62: {  	s0 =	smin.u32 s11, $0x79;
	[sflag:s25] =	ssyncset.done $0x0  }
0x63: {  	s12 =	smul.u32 $0x50, s0;
	[sflag:s25] =	ssyncadd.s32 $0xFFFFD800  }
0x64: {  	[spmem:s3] =	stream.indirect.scatter.add.f32 [tilespmem:s22], [sflag:$0x3], $0x80, s23, s19, $0xb8;
	[tilespmem:$0x18C00] =	vst v63  }
0x65: {  	s2 =	sadd.s32 s7, s12;
	_ =	swait.ge [sflag:s17], $0x2800  }
0x66: {  	s2 =	sshrl.u32 s2, $0x3;
	[sflag:s17] =	ssyncset.done $0x0  }
0x67: {  	s2 =	sadd.s32 s5, s2;
	[sflag:s17] =	ssyncadd.s32 $0xFFFFD800  }
0x68: {  	[tilespmem:s20], [sflag:$0x3] =	stream.linear.gather [hbm4b:s2+s4], $0x140, $0x38;
	[tilespmem:$0x18C00] =	vst v63  }
0x69: {  	s31 =	simm.s32 $0x28;
	s30 =	sadd.s32 $0x140, s15;
	_ =	swait.ge [sflag:s17], $0x140  }
0x6a: {  	s29 =	simm.s32 $0x13B00;
	s8 =	sshrl.u32 s15, $0x3;
	[sflag:s17] =	ssyncset.done $0x0  }
0x6b: {  	s0 =	smul.u32 $0xFFFFFEC0, s0;
	s13 =	sadd.s32 s6, s8;
	[sflag:s17] =	ssyncadd.s32 $0xFFFFFEC0  }
0x6c: {  	[tilespmem:s21], [sflag:$0x3] =	stream.linear.gather [hbm4b:s13+s4], $0x50, $0x38;
	[tilespmem:$0x18C00] =	vst v63  }
0x6d: {  	s11 =	sshra.s32 s0, $0x2;
	s0 =	simm.s32 $0x8;
	_ =	swait.ge [sflag:s17], $0x50  }
0x6e: {  	s8 =	sadd.s32 $0x139C0, s11;
	s12 =	rddreg [dreg:$0x6];
	[sflag:s17] =	ssyncset.done $0x0  }
0x6f: {  	s2 =	simm.s32 $0x50;
	s13 =	rddreg [dreg:$0x7];
	[sflag:s17] =	ssyncadd.s32 $0xFFFFFFB0  }
.LBB2_4:
0x70: {  	[tilespmem:s16], [sflag:$0x1] =	stream.indirect.gather [hbm4b:s1+s19], $0x80, s8, s19, $0xb8;
	[tilespmem:$0x18C00] =	vst v63  }
0x71: {  	_ = 	snop  }
0x72: {  	[tilespmem:s22], [sflag:$0x2] =	stream.indirect.gather [hbm4b:s1+s19], $0x80, s13, s19, $0xb8;
	[tilespmem:$0x18C00] =	vst v63  }
0x73: {  	s12 =	sadd.s32 s31, s12  }
0x74: {  	[tilespmem:s23], [sflag:$0x3] =	stream.linear.gather [hbm4b:s12+s4], $0x50, $0x38;
	[tilespmem:$0x18C00] =	vst v63  }
0x75: {  	_ =	swait.ge [sflag:s17], $0x50  }
0x76: {  	[sflag:s17] =	ssyncset.done $0x0  }
0x77: {  	[sflag:s17] =	ssyncadd.s32 $0xFFFFFFB0  }
0x78: {  	_ =	swait.ge [sflag:s24], $0x2800  }
0x79: {  	[sflag:s24] =	ssyncset.done $0x0  }
0x7a: {  	[sflag:s24] =	ssyncadd.s32 $0xFFFFD800  }
0x7b: {  	[spmem:s3] =	stream.indirect.scatter.add.f32 [tilespmem:s16], [sflag:$0x3], $0x80, s21, s19, $0xb8;
	[tilespmem:$0x18C00] =	vst v63  }
0x7c: {  	_ =	swait.ge [sflag:s17], $0x2800  }
0x7d: {  	s12 =	rddreg [dreg:$0x8];
	[sflag:s17] =	ssyncset.done $0x0  }
0x7e: {  	s13 =	rddreg [dreg:$0x5];
	[sflag:s17] =	ssyncadd.s32 $0xFFFFD800  }
0x7f: {  	[tilespmem:s16], [sflag:$0x1] =	stream.indirect.gather [hbm4b:s1+s19], $0x80, s12, s19, $0xb8;
	[tilespmem:$0x18C00] =	vst v63  }
0x80: {  	s13 =	sadd.s32 s31, s13  }
0x81: {  	[tilespmem:s21], [sflag:$0x3] =	stream.linear.gather [hbm4b:s13+s4], $0x50, $0x38;
	[tilespmem:$0x18C00] =	vst v63  }
0x82: {  	_ =	swait.ge [sflag:s17], $0x50  }
0x83: {  	[sflag:s17] =	ssyncset.done $0x0  }
0x84: {  	[sflag:s17] =	ssyncadd.s32 $0xFFFFFFB0  }
0x85: {  	_ =	swait.ge [sflag:s25], $0x2800  }
0x86: {  	[sflag:s25] =	ssyncset.done $0x0  }
0x87: {  	[sflag:s25] =	ssyncadd.s32 $0xFFFFD800  }
0x88: {  	[spmem:s3] =	stream.indirect.scatter.add.f32 [tilespmem:s22], [sflag:$0x3], $0x80, s23, s19, $0xb8;
	[tilespmem:$0x18C00] =	vst v63  }
0x89: {  	_ =	swait.ge [sflag:s17], $0x2800  }
0x8a: {  	s12 =	rddreg [dreg:$0x9];
	[sflag:s17] =	ssyncset.done $0x0  }
0x8b: {  	s13 =	rddreg [dreg:$0x4];
	[sflag:s17] =	ssyncadd.s32 $0xFFFFD800  }
0x8c: {  	[tilespmem:s22], [sflag:$0x2] =	stream.indirect.gather [hbm4b:s1+s19], $0x80, s12, s19, $0xb8;
	[tilespmem:$0x18C00] =	vst v63  }
0x8d: {  	s13 =	sadd.s32 s31, s13  }
0x8e: {  	[tilespmem:s23], [sflag:$0x3] =	stream.linear.gather [hbm4b:s13+s4], $0x50, $0x38;
	[tilespmem:$0x18C00] =	vst v63  }
0x8f: {  	_ =	swait.ge [sflag:s17], $0x50  }
0x90: {  	[sflag:s17] =	ssyncset.done $0x0  }
0x91: {  	[sflag:s17] =	ssyncadd.s32 $0xFFFFFFB0  }
0x92: {  	_ =	swait.ge [sflag:s24], $0x2800  }
0x93: {  	[sflag:s24] =	ssyncset.done $0x0  }
0x94: {  	[sflag:s24] =	ssyncadd.s32 $0xFFFFD800  }
0x95: {  	[spmem:s3] =	stream.indirect.scatter.add.f32 [tilespmem:s16], [sflag:$0x3], $0x80, s21, s19, $0xb8;
	[tilespmem:$0x18C00] =	vst v63  }
0x96: {  	_ =	swait.ge [sflag:s17], $0x2800  }
0x97: {  	[sflag:s17] =	ssyncset.done $0x0  }
0x98: {  	[sflag:s17] =	ssyncadd.s32 $0xFFFFD800  }
0x99: {  	_ =	swait.ge [sflag:s25], $0x2800  }
0x9a: {  	s11 =	smov.u32 s2;
	s12 =	smin.u32 s0, $0x79;
	[sflag:s25] =	ssyncset.done $0x0  }
0x9b: {  	s31 =	smov.u32 s11;
	s13 =	smul.u32 $0x50, s12;
	[sflag:s25] =	ssyncadd.s32 $0xFFFFD800  }
0x9c: {  	[spmem:s3] =	stream.indirect.scatter.add.f32 [tilespmem:s22], [sflag:$0x3], $0x80, s23, s19, $0xb8;
	[tilespmem:$0x18C00] =	vst v63  }
0x9d: {  	s11 =	smul.u32 $0xFFFFFEC0, s12;
	s12 =	sadd.s32 s7, s13;
	_ =	swait.ge [sflag:s17], $0x2800  }
0x9e: {  	s12 =	sshrl.u32 s12, $0x3;
	[sflag:s17] =	ssyncset.done $0x0  }
0x9f: {  	p1 =	sne.s32 s2, $0x4B0;
	s12 =	sadd.s32 s5, s12;
	[sflag:s17] =	ssyncadd.s32 $0xFFFFD800  }
0xa0: {  	[tilespmem:s20], [sflag:$0x3] =	stream.linear.gather [hbm4b:s12+s4], $0x140, $0x38;
	[tilespmem:$0x18C00] =	vst v63  }
0xa1: {  	s2 =	sadd.s32 $0x28, s2;
	s8 =	smov.u32 s29;
	_ =	swait.ge [sflag:s17], $0x140  }
0xa2: {  	s29 =	sadd.s32 $0x140, s29;
	s13 =	sshrl.u32 s30, $0x3;
	[sflag:s17] =	ssyncset.done $0x0  }
.Ltmp2:
0xa3: {  	s12 =	sadd.s32 s6, s13;
	[sflag:s17] =	ssyncadd.s32 $0xFFFFFEC0;
	(pc) =	sbr.rel @p1 .LBB2_4-.Ltmp2, $4  }
0xa4: {  	[tilespmem:s21], [sflag:$0x3] =	stream.linear.gather [hbm4b:s12+s4], $0x50, $0x38;
	[tilespmem:$0x18C00] =	vst v63  }
0xa5: {  	s0 =	sadd.s32 $0x4, s0;
	s11 =	sshra.s32 s11, $0x2;
	_ =	swait.ge [sflag:s17], $0x50  }
0xa6: {  	s30 =	sadd.s32 $0x140, s30;
	s12 =	rddreg [dreg:$0x6];
	[sflag:s17] =	ssyncset.done $0x0  }
0xa7: {  	s8 =	sadd.s32 s11, s8;
	s13 =	rddreg [dreg:$0x7];
	[sflag:s17] =	ssyncadd.s32 $0xFFFFFFB0  }
0xa8: {  	[tilespmem:s16], [sflag:$0x1] =	stream.indirect.gather [hbm4b:s1+s19], $0x80, s8, s19, $0xb8;
	[tilespmem:$0x18C00] =	vst v63  }
0xa9: {  	_ = 	snop  }
0xaa: {  	[tilespmem:s22], [sflag:$0x2] =	stream.indirect.gather [hbm4b:s1+s19], $0x80, s13, s19, $0xb8;
	[tilespmem:$0x18C00] =	vst v63  }
0xab: {  	s2 =	sadd.s32 s31, s12  }
0xac: {  	[tilespmem:s23], [sflag:$0x3] =	stream.linear.gather [hbm4b:s2+s4], $0x50, $0x38;
	[tilespmem:$0x18C00] =	vst v63  }
0xad: {  	_ =	swait.ge [sflag:s17], $0x50  }
0xae: {  	[sflag:s17] =	ssyncset.done $0x0  }
0xaf: {  	[sflag:s17] =	ssyncadd.s32 $0xFFFFFFB0  }
0xb0: {  	_ =	swait.ge [sflag:s24], $0x2800  }
0xb1: {  	[sflag:s24] =	ssyncset.done $0x0  }
0xb2: {  	[sflag:s24] =	ssyncadd.s32 $0xFFFFD800  }
0xb3: {  	[spmem:s3] =	stream.indirect.scatter.add.f32 [tilespmem:s16], [sflag:$0x3], $0x80, s21, s19, $0xb8;
	[tilespmem:$0x18C00] =	vst v63  }
0xb4: {  	_ =	swait.ge [sflag:s17], $0x2800  }
0xb5: {  	s11 =	rddreg [dreg:$0x8];
	[sflag:s17] =	ssyncset.done $0x0  }
0xb6: {  	s12 =	rddreg [dreg:$0x5];
	[sflag:s17] =	ssyncadd.s32 $0xFFFFD800  }
0xb7: {  	[tilespmem:s16], [sflag:$0x1] =	stream.indirect.gather [hbm4b:s1+s19], $0x80, s11, s19, $0xb8;
	[tilespmem:$0x18C00] =	vst v63  }
0xb8: {  	s13 =	sadd.s32 s31, s12  }
0xb9: {  	[tilespmem:s21], [sflag:$0x3] =	stream.linear.gather [hbm4b:s13+s4], $0x50, $0x38;
	[tilespmem:$0x18C00] =	vst v63  }
0xba: {  	_ =	swait.ge [sflag:s17], $0x50  }
0xbb: {  	[sflag:s17] =	ssyncset.done $0x0  }
0xbc: {  	[sflag:s17] =	ssyncadd.s32 $0xFFFFFFB0  }
0xbd: {  	_ =	swait.ge [sflag:s25], $0x2800  }
0xbe: {  	[sflag:s25] =	ssyncset.done $0x0  }
0xbf: {  	[sflag:s25] =	ssyncadd.s32 $0xFFFFD800  }
0xc0: {  	[spmem:s3] =	stream.indirect.scatter.add.f32 [tilespmem:s22], [sflag:$0x3], $0x80, s23, s19, $0xb8;
	[tilespmem:$0x18C00] =	vst v63  }
0xc1: {  	_ =	swait.ge [sflag:s17], $0x2800  }
0xc2: {  	s8 =	rddreg [dreg:$0x9];
	[sflag:s17] =	ssyncset.done $0x0  }
0xc3: {  	s11 =	rddreg [dreg:$0x4];
	[sflag:s17] =	ssyncadd.s32 $0xFFFFD800  }
0xc4: {  	[tilespmem:s22], [sflag:$0x2] =	stream.indirect.gather [hbm4b:s1+s19], $0x80, s8, s19, $0xb8;
	[tilespmem:$0x18C00] =	vst v63  }
0xc5: {  	s12 =	sadd.s32 s31, s11  }
0xc6: {  	[tilespmem:s23], [sflag:$0x3] =	stream.linear.gather [hbm4b:s12+s4], $0x50, $0x38;
	[tilespmem:$0x18C00] =	vst v63  }
0xc7: {  	_ =	swait.ge [sflag:s17], $0x50  }
0xc8: {  	[sflag:s17] =	ssyncset.done $0x0  }
0xc9: {  	[sflag:s17] =	ssyncadd.s32 $0xFFFFFFB0  }
0xca: {  	_ =	swait.ge [sflag:s24], $0x2800  }
0xcb: {  	[sflag:s24] =	ssyncset.done $0x0  }
0xcc: {  	[sflag:s24] =	ssyncadd.s32 $0xFFFFD800  }
0xcd: {  	[spmem:s3] =	stream.indirect.scatter.add.f32 [tilespmem:s16], [sflag:$0x3], $0x80, s21, s19, $0xb8;
	[tilespmem:$0x18C00] =	vst v63  }
0xce: {  	_ =	swait.ge [sflag:s17], $0x2800  }
0xcf: {  	[sflag:s17] =	ssyncset.done $0x0  }
0xd0: {  	[sflag:s17] =	ssyncadd.s32 $0xFFFFD800  }
0xd1: {  	_ =	swait.ge [sflag:s25], $0x2800  }
0xd2: {  	s0 =	smin.u32 s0, $0x79;
	[sflag:s25] =	ssyncset.done $0x0  }
0xd3: {  	s13 =	smul.u32 $0x50, s0;
	[sflag:s25] =	ssyncadd.s32 $0xFFFFD800  }
0xd4: {  	[spmem:s3] =	stream.indirect.scatter.add.f32 [tilespmem:s22], [sflag:$0x3], $0x80, s23, s19, $0xb8;
	[tilespmem:$0x18C00] =	vst v63  }
0xd5: {  	s2 =	sadd.s32 s7, s13;
	_ =	swait.ge [sflag:s17], $0x2800  }
0xd6: {  	s2 =	sshrl.u32 s2, $0x3;
	[sflag:s17] =	ssyncset.done $0x0  }
0xd7: {  	s2 =	sadd.s32 s5, s2;
	[sflag:s17] =	ssyncadd.s32 $0xFFFFD800  }
0xd8: {  	[tilespmem:s20], [sflag:$0x3] =	stream.linear.gather [hbm4b:s2+s4], $0x140, $0x38;
	[tilespmem:$0x18C00] =	vst v63  }
0xd9: {  	_ =	swait.ge [sflag:s17], $0x140  }
0xda: {  	s31 =	sshrl.u32 s30, $0x3;
	[sflag:s17] =	ssyncset.done $0x0  }
0xdb: {  	s0 =	smul.u32 $0xFFFFFEC0, s0;
	s2 =	sadd.s32 s6, s31;
	[sflag:s17] =	ssyncadd.s32 $0xFFFFFEC0  }
0xdc: {  	[tilespmem:s21], [sflag:$0x3] =	stream.linear.gather [hbm4b:s2+s4], $0x50, $0x38;
	[tilespmem:$0x18C00] =	vst v63  }
0xdd: {  	_ =	swait.ge [sflag:s17], $0x50  }
0xde: {  	s0 =	sshra.s32 s0, $0x2;
	[sflag:s17] =	ssyncset.done $0x0  }
0xdf: {  	s0 =	sadd.s32 s0, s29;
	[sflag:s17] =	ssyncadd.s32 $0xFFFFFFB0  }
0xe0: {  	[tilespmem:s16], [sflag:$0x1] =	stream.indirect.gather [hbm4b:s1+s19], $0x80, s0, s19, $0xb8;
	[tilespmem:$0x18C00] =	vst v63  }
0xe1: {  	_ =	swait.ge [sflag:s24], $0x2800  }
0xe2: {  	[sflag:s24] =	ssyncset.done $0x0  }
0xe3: {  	[sflag:s24] =	ssyncadd.s32 $0xFFFFD800  }
0xe4: {  	[spmem:s3] =	stream.indirect.scatter.add.f32 [tilespmem:s16], [sflag:$0x3], $0x80, s21, s19, $0xb8;
	[tilespmem:$0x18C00] =	vst v63  }
0xe5: {  	_ =	swait.ge [sflag:s17], $0x2800  }
0xe6: {  	[sflag:s17] =	ssyncset.done $0x0  }
0xe7: {  	[sflag:s17] =	ssyncadd.s32 $0xFFFFD800  }
0xe8: {  	[bflag:$0x0] =	sbarrier.arrive $0xFFFF  }
0xe9: {  	[tilespmem:s18], [sflag:$0x3] =	stream.linear.gather [hbm4b:s14+s4], $0x50, $0x38;
	[tilespmem:$0x18C00] =	vst v63  }
0xea: {  	_ =	swait.ge [sflag:s17], $0x50  }
0xeb: {  	[sflag:s17] =	ssyncset.done $0x0  }
0xec: {  	[sflag:s17] =	ssyncadd.s32 $0xFFFFFFB0  }
0xed: {  	v1 =	vld [tilespmem:$0x162C0]  }
0xee: {  	v2 =	vld [tilespmem:$0x162A0]  }
0xef: {  	v3 =	vld [tilespmem:$0x162B0]  }
0xf0: {  	v4 =	vld [tilespmem:$0x16280]  }
0xf1: {  	v5 =	vld [tilespmem:$0x16290]  }
0xf2: {  	v1 =	vadd.s32 v0, v1  }
0xf3: {  	v2 =	vadd.s32 v0, v2;
	[tilespmem:$0x16340] =	vst v1  }
0xf4: {  	[tilespmem:$0x16320] =	vst v2;
	v1 =	vadd.s32 v0, v3  }
0xf5: {  	v2 =	vadd.s32 v0, v4;
	[tilespmem:$0x16330] =	vst v1  }
.Ltmp3:
0xf6: {  	[tilespmem:$0x16300] =	vst v2;
	v1 =	vadd.s32 v0, v5;
	(pc) =	sbr.rel @!p0 .LBB2_7-.Ltmp3, $4  }
0xf7: {  	[tilespmem:$0x16310] =	vst v1  }
0xf8: {  	[tilespmem:s16], [sflag:$0x1] =	stream.indirect.gather [spmem:s3], $0x80, s18, s19, $0xb8;
	[tilespmem:$0x18C00] =	vst v63  }
0xf9: {  	_ =	swait.ge [sflag:s24], $0x2800  }
0xfa: {  	s2 =	smov.u32 s14;
	s0 =	sadd.s32 $0xFFFFFFFF, s10;
	[sflag:s24] =	ssyncset.done $0x0  }
.LBB2_6:
0xfb: {  	p0 =	sne.s32 s0, $0x1;
	[sflag:s24] =	ssyncadd.s32 $0xFFFFD800;
	s2 =	sadd.s32 $0xA, s2  }
0xfc: {  	[hbm4b:s9+s19] =	stream.indirect.scatter [tilespmem:s16], [sflag:$0x3], $0x80, s26, s19, $0xb8;
	[tilespmem:$0x18C00] =	vst v63  }
0xfd: {  	s0 =	sadd.s32 $0xFFFFFFFF, s0;
	_ =	swait.ge [sflag:s17], $0x2800  }
0xfe: {  	[sflag:s17] =	ssyncset.done $0x0  }
0xff: {  	[sflag:s17] =	ssyncadd.s32 $0xFFFFD800  }
0x100: {  	[tilespmem:s18], [sflag:$0x3] =	stream.linear.gather [hbm4b:s2+s4], $0x50, $0x38;
	[tilespmem:$0x18C00] =	vst v63  }
0x101: {  	_ =	swait.ge [sflag:s17], $0x50  }
0x102: {  	[sflag:s17] =	ssyncset.done $0x0  }
0x103: {  	[sflag:s17] =	ssyncadd.s32 $0xFFFFFFB0  }
0x104: {  	v1 =	vld [tilespmem:$0x162C0]  }
0x105: {  	v2 =	vld [tilespmem:$0x162A0]  }
0x106: {  	v3 =	vld [tilespmem:$0x162B0]  }
0x107: {  	v4 =	vld [tilespmem:$0x16280]  }
0x108: {  	v5 =	vld [tilespmem:$0x16290]  }
0x109: {  	v1 =	vadd.s32 v0, v1  }
0x10a: {  	v2 =	vadd.s32 v0, v2;
	[tilespmem:$0x16340] =	vst v1  }
0x10b: {  	[tilespmem:$0x16320] =	vst v2;
	v1 =	vadd.s32 v0, v3  }
0x10c: {  	v2 =	vadd.s32 v0, v4;
	[tilespmem:$0x16330] =	vst v1  }
.Ltmp4:
0x10d: {  	[tilespmem:$0x16300] =	vst v2;
	v1 =	vadd.s32 v0, v5;
	(pc) =	sbr.rel @p0 .LBB2_6-.Ltmp4, $4  }
0x10e: {  	[tilespmem:$0x16310] =	vst v1  }
0x10f: {  	[tilespmem:s16], [sflag:$0x1] =	stream.indirect.gather [spmem:s3], $0x80, s18, s19, $0xb8;
	[tilespmem:$0x18C00] =	vst v63  }
0x110: {  	_ =	swait.ge [sflag:s24], $0x2800  }
0x111: {  	[sflag:s24] =	ssyncset.done $0x0  }
.LBB2_7:
0x112: {  	[sflag:s24] =	ssyncadd.s32 $0xFFFFD800  }
0x113: {  	[hbm4b:s9+s19] =	stream.indirect.scatter [tilespmem:s16], [sflag:$0x3], $0x80, s26, s19, $0xb8;
	[tilespmem:$0x18C00] =	vst v63  }
0x114: {  	_ =	swait.ge [sflag:s17], $0x2800  }
0x115: {  	s28 =	sadd.s32 $0x1, s28;
	s0 =	rddreg [dreg:$0xd]  }
0x116: {  	p0 =	sne.s32 s28, s0  }
.Ltmp5:
0x117: {  	_ = 	snop;
	(pc) =	sbr.rel @p0 .LBB2_1-.Ltmp5, $3  }
0x118: {  	_ =	sdelay $0x1  }
0x119: {  	[sflag:s17] =	ssyncset.done $0x0  }
0x11a: {  	[sflag:s17] =	ssyncadd.s32 $0xFFFFD800  }
0x11b: {  	_ =	sfence.sel $0x180000  }
0x11c: {  	[bflag:$0x0] =	sbarrier.arrive $0xFFFF  }
0x11d: {  	_ =	strace $0x9000004A  }
0x11e: {  	s0 =	stileid.u32;
	[bflag:$0x2] =	sbarrier.arrive $0xFFFF  }
0x11f: {  	p0 =	sne.s32 s0, $0x0;
	s0 =	rddreg [dreg:$0x3]  }
0x120: {  	s0 =	sadd.s32 @!p0 $0x100000, s0  }
0x121: {  	[sflag:s0] =	ssyncadd.tile.s32 @!p0 $0x1;
	_ =	shalt  }
.Lfunc_end2:
_tile_overlayer_lowered:
.L_overlay_start_2:
0x122: {  	(tag) =	ssettag $0x2  }
0x123: {  	s0 =	rddreg [dreg:$0x0];
	s2 =	stileid.u32  }
0x124: {  	s1 =	rddreg [dreg:$0x1];
	p0 =	sne.s32 s2, $0x0  }
0x125: {  	s3 =	rddreg [dreg:$0x2];
	[bflag:$0x3] =	sbarrier.arrive $0xFFFF;
	s2 =	simm.s32 @!p0 $0x1C03  }
0x126: {  	[timem:s3], [sflag:s2] =	dma.local @!p0 [hbm:s0], s1  }
0x127: {  	s0 =	simm.s32 @!p0 $0x3  }
0x128: {  	_ =	swait.ge @!p0 [sflag:s0], s1  }
0x129: {  	s1 =	ssub.s32 @!p0 $0x0, s1;
	[sflag:s0] =	ssyncset.done @!p0 $0x0  }
0x12a: {  	[sflag:s0] =	ssyncadd.s32 @!p0 s1  }
0x12b: {  	[bflag:$0x3] =	sbarrier.arrive $0xFFFF  }
0x12c: {  	_ =	shalt  }

// kernel: kernel.17.cloned.1.call-start
scs
__scs_entry_jumppad:
0x0: {  	(pc) =	sbr.rel $0x88, $3  }
0x1: {  	(tag) =	ssettag $0x0;
	lr =	simm.s32 $0x1  }
0x2: {  	[smem:$0x3F92] =	sst lr;
	_ =	strace $0xD0000000  }
0x3: {  	_ = 	snop  }
0x4: {  	_ = 	snop  }
0x5: {  	_ = 	snop  }
0x6: {  	_ = 	snop  }
0x7: {  	_ = 	snop  }
__scs_overlays_trampoline_lowered:
0x8: {  	[smem:$0x3FA1] =	sst s0  }
0x9: {  	[smem:$0x3FA2] =	sst s1  }
0xa: {  	[smem:$0x3FA3] =	sst s2  }
0xb: {  	[smem:$0x3FA4] =	sst s3  }
0xc: {  	[smem:$0x3FA5] =	sst s4  }
0xd: {  	[smem:$0x3FA6] =	sst s5  }
0xe: {  	[smem:$0x3FA7] =	sst s6  }
0xf: {  	[smem:$0x3FA8] =	sst s7  }
0x10: {  	[smem:$0x3FA9] =	sst s8  }
0x11: {  	[smem:$0x3FAA] =	sst s9;
	s0 =	simm.s32 @!p0 $0x0  }
0x12: {  	s1 =	sld [smem:$0x3F90];
	s0 =	simm.s32 @p0 $0x1  }
0x13: {  	[smem:$0x3FAB] =	sst s0;
	s0 =	simm.s32 @!p1 $0x0  }
0x14: {  	s2 =	sld [smem:$0x3F8F];
	s0 =	simm.s32 @p1 $0x1  }
0x15: {  	[smem:$0x3FAC] =	sst s0;
	s0 =	simm.s32 @!p2 $0x0  }
0x16: {  	s3 =	sld [smem:$0x3FDB];
	s0 =	simm.s32 @p2 $0x1  }
0x17: {  	s4 =	simm.s32 $0x1BF5;
	[smem:$0x3FAE] =	sst s0  }
0x18: {  	s0 =	sld [smem:$0x3F91];
	_ =	swait.ge [sflag:s4], $0x0  }
0x19: {  	s7 =	sld [smem:$0x3F92]  }
0x1a: {  	s8 =	sadd.s32 $0xFFFFE003, lr  }
0x1b: {  	s9 =	sadd.s32 $0xFFFFFEF7, lr;
	s5 =	simm.s32 $0xFFFFFFFF;
	p2 =	slt.u32 s8, $0xFFFFF086  }
0x1c: {  	p1 =	slt.u32 s9, $0xF7A;
	s5 =	simm.s32 @!p2 $0x0  }
0x1d: {  	s5 =	simm.s32 @p1 $0x1;
	p0 =	seq.s32 s7, s2  }
0x1e: {  	s7 =	smul.u32 @!p0 $0xF7A, s2;
	p2 =	seq.s32 @!p0 s5, $0x0  }
0x1f: {  	s9 =	smul.u32 $0xF7A, s1;
	s8 =	simm.s32 @!p0 $0x1BF5;
	p2 =	por !p2, p0  }
0x20: {  	[sflag:s8] =	ssyncset.s32 @!p0 $0xFFFFF086;
	s6 =	sadd.s32 @!p0 s3, s7;
	s7 =	simm.s32 @!p0 $0x108  }
0x21: {  	s3 =	sadd.s32 s3, s9;
	s6 =	sadd.s32 @!p0 $0x88, s6;
	s7 =	simm.s32 @p2 $0x1082  }
0x22: {  	[simem:s7], [sflag:s8] =	dma.local @!p0 [hbm:s6], $0xF7A  }
0x23: {  	s9 =	sor.u32 $0xD0000000, s2;
	s6 =	simm.s32 $0x108;
	_ =	swait.ge @!p0 [sflag:s8], $0x0  }
0x24: {  	s3 =	sadd.s32 $0x88, s3;
	s6 =	simm.s32 @!p1 $0x1082;
	[sflag:s4] =	ssyncset.s32 $0xFFFFF086  }
0x25: {  	[simem:s6], [sflag:s4] =	dma.local [hbm:s3], $0xF7A  }
0x26: {  	[smem:$0x3F92] =	sst s1;
	(tag) =	ssettag s2;
	_ =	strace s9  }
0x27: {  	s1 =	sld [smem:$0x3FA2]  }
0x28: {  	s2 =	sld [smem:$0x3FA3]  }
0x29: {  	s4 =	sld [smem:$0x3FA5]  }
0x2a: {  	p0 =	seq.s32 s5, $0x0;
	s5 =	sld [smem:$0x3FA6]  }
0x2b: {  	s6 =	sld [smem:$0x3FA7]  }
0x2c: {  	s7 =	sld [smem:$0x3FA8]  }
0x2d: {  	s3 =	simm.s32 $0x108;
	s8 =	sld [smem:$0x3FA9]  }
0x2e: {  	s3 =	simm.s32 @!p0 $0x1082;
	s9 =	sld [smem:$0x3FAA]  }
0x2f: {  	lr =	sadd.s32 s0, s3;
	s0 =	sld [smem:$0x3FA1]  }
0x30: {  	s3 =	sld [smem:$0x3FA4]  }
0x31: {  	[smem:$0x3FAD] =	sst s10  }
0x32: {  	s10 =	sld [smem:$0x3FAB];
	_ =	sdelay $0x3  }
0x33: {  	p0 =	seq.s32 s10, $0x1;
	s10 =	sld [smem:$0x3FAD];
	_ =	sdelay $0x3  }
0x34: {  	[smem:$0x3FAD] =	sst s10  }
0x35: {  	s10 =	sld [smem:$0x3FAC];
	_ =	sdelay $0x3  }
0x36: {  	p1 =	seq.s32 s10, $0x1;
	s10 =	sld [smem:$0x3FAD];
	_ =	sdelay $0x3  }
0x37: {  	[smem:$0x3FAD] =	sst s10  }
0x38: {  	s10 =	sld [smem:$0x3FAE]  }
0x39: {  	_ = 	snop;
	(pc) =	sbr.ind lr, $3  }
0x3a: {  	_ = 	snop  }
0x3b: {  	_ = 	snop  }
0x3c: {  	p2 =	seq.s32 s10, $0x1;
	s10 =	sld [smem:$0x3FAD]  }
0x3d: {  	_ =	shalt  }
0x3e: {  	_ =	shalt  }
0x3f: {  	_ =	shalt  }
0x40: {  	_ =	shalt  }
0x41: {  	_ =	shalt  }
0x42: {  	_ =	shalt  }
0x43: {  	_ =	shalt  }
0x44: {  	_ =	shalt  }
0x45: {  	_ =	shalt  }
0x46: {  	_ =	shalt  }
0x47: {  	_ =	shalt  }
0x48: {  	_ =	shalt  }
0x49: {  	_ =	shalt  }
0x4a: {  	_ =	shalt  }
0x4b: {  	_ =	shalt  }
0x4c: {  	_ =	shalt  }
0x4d: {  	_ =	shalt  }
0x4e: {  	_ =	shalt  }
0x4f: {  	_ =	shalt  }
0x50: {  	_ =	shalt  }
0x51: {  	_ =	shalt  }
0x52: {  	_ =	shalt  }
0x53: {  	_ =	shalt  }
0x54: {  	_ =	shalt  }
0x55: {  	_ =	shalt  }
0x56: {  	_ =	shalt  }
0x57: {  	_ =	shalt  }
0x58: {  	_ =	shalt  }
0x59: {  	_ =	shalt  }
0x5a: {  	_ =	shalt  }
0x5b: {  	_ =	shalt  }
0x5c: {  	_ =	shalt  }
0x5d: {  	_ =	shalt  }
0x5e: {  	_ =	shalt  }
0x5f: {  	_ =	shalt  }
0x60: {  	_ =	shalt  }
0x61: {  	_ =	shalt  }
0x62: {  	_ =	shalt  }
0x63: {  	_ =	shalt  }
0x64: {  	_ =	shalt  }
0x65: {  	_ =	shalt  }
0x66: {  	_ =	shalt  }
0x67: {  	_ =	shalt  }
0x68: {  	_ =	shalt  }
0x69: {  	_ =	shalt  }
0x6a: {  	_ =	shalt  }
0x6b: {  	_ =	shalt  }
0x6c: {  	_ =	shalt  }
0x6d: {  	_ =	shalt  }
0x6e: {  	_ =	shalt  }
0x6f: {  	_ =	shalt  }
0x70: {  	_ =	shalt  }
0x71: {  	_ =	shalt  }
0x72: {  	_ =	shalt  }
0x73: {  	_ =	shalt  }
0x74: {  	_ =	shalt  }
0x75: {  	_ =	shalt  }
0x76: {  	_ =	shalt  }
0x77: {  	_ =	shalt  }
0x78: {  	_ =	shalt  }
0x79: {  	_ =	shalt  }
0x7a: {  	_ =	shalt  }
0x7b: {  	_ =	shalt  }
0x7c: {  	_ =	shalt  }
0x7d: {  	_ =	shalt  }
0x7e: {  	_ =	shalt  }
0x7f: {  	_ =	shalt  }
0x80: {  	_ =	shalt  }
0x81: {  	_ =	shalt  }
0x82: {  	_ =	shalt  }
0x83: {  	_ =	shalt  }
0x84: {  	_ =	shalt  }
0x85: {  	_ =	shalt  }
0x86: {  	_ =	shalt  }
0x87: {  	_ =	shalt  }
.Lfunc_end0:
.L_simem_size_0:
called_computation.2_lowered:
.L_overlay_start_0:
0x88: {  	s2 =	sld [smem:$0x3FD9]  }
0x89: {  	s3 =	sld [smem:$0x3FFE];
	_ =	sdelay $0x1  }
0x8a: {  	s1 =	srdreg.scid  }
0x8b: {  	s0 =	sand.u32 $0x1, s1  }
0x8c: {  	s17 =	sshll.u32 s0, $0xA;
	s2 =	sadd.s32 s3, s2  }
0x8d: {  	s2 =	sadd.s32 s2, s17  }
0x8e: {  	[smem:$0x3FB9] =	sst s2  }
0x8f: {  	_ = 	snop  }
0x90: {  	s2 =	sld [smem:$0x3FD0];
	(tm) =	ssettm $0x1  }
0x91: {  	s18 =	sld [smem:$0x3FFB];
	_ =	sdelay $0x3  }
0x92: {  	_ =	strace s18  }
0x93: {  	s3 =	sld [smem:$0x3FFC];
	_ =	sdelay $0x3  }
0x94: {  	_ =	strace s3  }
0x95: {  	s3 =	sld [smem:$0x3FFD];
	_ =	sdelay $0x3  }
0x96: {  	_ =	strace s3  }
0x97: {  	_ =	strace $0x8FFFFFFF  }
0x98: {  	s19 =	sld [smem:$0x3FDB];
	_ =	sdelay $0x1  }
0x99: {  	s4 =	simm.s32 $_scs_section_size  }
0x9a: {  	s5 =	simm.s32 $_size__tile_overlayer_lowered;
	s6 =	simm.s32 $_tile_overlayer_lowered  }
0x9b: {  	s22 =	simm.s32 $0x1BFF;
	s21 =	sshll.u32 s6, $0x1;
	s3 =	sadd.s32 s4, s19  }
0x9c: {  	s7 =	simm.s32 $0x0;
	s20 =	sshll.u32 s5, $0x1;
	s5 =	sadd.s32 s21, s3  }
0x9d: {  	[timem:s7], [sflag:s22] =	dma.local [hbm:s5], s20  }
0x9e: {  	_ =	swait.ge [sflag:s22], s20  }
0x9f: {  	s4 =	ssub.s32 $0x0, s20;
	[sflag:s22] =	ssyncset.done $0x0  }
0xa0: {  	[sflag:s22] =	ssyncadd.s32 s4;
	_ =	sdelay $0x1  }
0xa1: {  	s23 =	simm.s32 $0x1B8B  }
0xa2: {  	_ =	swait.ge [sflag:s23], $0x1  }
0xa3: {  	[sflag:s23] =	ssyncset.done $0x0  }
0xa4: {  	s25 =	simm.s32 $0x1B8E;
	s24 =	sld [smem:$0x3FFE];
	[sflag:s23] =	ssyncadd.s32 $0xFFFFFFFF  }
0xa5: {  	s26 =	simm.s32 $execute0_lowered;
	[smem:$0x3FD2] =	sst s25  }
0xa6: {  	s5 =	sshll.u32 s26, $0x1;
	_ =	strace $0x8000004C;
	[dreg:$0x1] =	wrdreg $0xFFFFFFFF  }
0xa7: {  	s28 =	simm.s32 $_size_execute0_lowered;
	s3 =	sadd.s32 s3, s5;
	[dreg:$0x0] =	wrdreg $0x0  }
0xa8: {  	s5 =	sshll.u32 s28, $0x1;
	[dreg:$0x2] =	wrdreg s3  }
0xa9: {  	[dreg:$0x3] =	wrdreg s5  }
0xaa: {  	[dreg:$0x4] =	wrdreg $0xC0  }
0xab: {  	_ =	task [dreg:s7], $0x5FFFF  }
0xac: {  	[dreg:$0x1] =	wrdreg $0xFFFFFFFF  }
0xad: {  	[dreg:$0x0] =	wrdreg $0x60  }
0xae: {  	[dreg:$0x2] =	wrdreg s2  }
0xaf: {  	[dreg:$0x3] =	wrdreg s24  }
0xb0: {  	[dreg:$0x4] =	wrdreg $0x0  }
0xb1: {  	[dreg:$0x5] =	wrdreg $0x9  }
0xb2: {  	_ =	task.clear_ibuf [dreg:s7], $0x6FFFF;
	_ =	strace $0x9000004C  }
0xb3: {  	s29 =	simm.s32 $0x9;
	_ =	strace $0x8000004E  }
0xb4: {  	_ =	swait.ge [sflag:s29], $0x1  }
0xb5: {  	[sflag:s29] =	ssyncadd.s32 $0xFFFFFFFF  }
0xb6: {  	_ =	strace $0x9000004E  }
0xb7: {  	_ =	sfence  }
0xb8: {  	s30 =	sld [smem:$0x0];
	_ =	sdelay $0x2  }
0xb9: {  	s31 =	sshll.u32 s1, $0xD;
	s1 =	sshrl.u32 s1, $0x2  }
0xba: {  	s3 =	sand.u32 $0x4000, s31;
	s1 =	sadd.s32 s1, s30  }
0xbb: {  	s0 =	sor.u32 s3, s0;
	s1 =	sshll.u32 s1, $0x11  }
0xbc: {  	s0 =	sor.u32 s1, s0  }
0xbd: {  	s0 =	sadd.s32 $0x8F2B, s0  }
0xbe: {  	[sflag:s0] =	ssyncadd.remote.s32 $0x1  }
0xbf: {  	_ =	sfence.sel $0xFFFF  }
0xc0: {  	[dreg:$0x0] =	wrdreg $0xFFFFFFFF;
	(pc) =	sbr.abs _section_cstart, $3  }
0xc1: {  	[dreg:$0x1] =	wrdreg $0xFFFFFFFF  }
0xc2: {  	_ =	task.clear_ibuf [dreg:s7], $0x2FFFF;
	_ =	strace $0x9FFFFFFF  }
0xc3: {  	(tm) =	ssettm $0x7FFFFFFF  }
tec
execute0_lowered:
.L_overlay_start_1:
0x0: {  	(tag) =	ssettag $0x1  }
0x1: {  	s1 =	rddreg [dreg:$0x0]  }
0x2: {  	s0 =	rddreg [dreg:$0x1]  }
0x3: {  	s3 =	rddreg [dreg:$0x2];
	s4 =	simm.s32 $0x0  }
0x4: {  	s13 =	stileid.u32;
	s2 =	srdreg.scid;
	s16 =	simm.s32 $0x13A80  }
0x5: {  	s17 =	simm.s32 $0x3;
	s29 =	simm.s32 $0x138D0;
	s30 =	simm.s32 $0x13920  }
0x6: {  	s31 =	simm.s32 $0x13970;
	s28 =	simm.s32 $0x0;
	[smem:$0x7FF] =	sst s4  }
0x7: {  	s2 =	sand.u32 $0x1, s2;
	s5 =	sshll.u32 s13, $0x1;
	s8 =	smul.u32 $0x50, s13  }
0x8: {  	s6 =	sadd.s32 $0x3E00, s0;
	s9 =	sadd.s32 $0x18000, s0;
	s12 =	smul.u32 $0x4E20, s13  }
0x9: {  	p0 =	seq.s32 s13, $0xF;
	_ =	strace $0x8000004D;
	s7 =	sor.u32 s2, s5  }
0xa: {  	s5 =	sadd.s32 $0xDC00, s0;
	[dreg:$0xa] =	wrdreg s9;
	s10 =	ssub.s32 $0x2, s2  }
0xb: {  	s2 =	smul.u32 $0x2710, s2;
	s9 =	sadd.s32 $0x66E00, s0;
	[dreg:$0x7] =	wrdreg s29  }
0xc: {  	[dreg:$0x8] =	wrdreg s30;
	s7 =	smul.u32 $0x2710, s7;
	s11 =	sshrl.u32 s10, $0x1  }
0xd: {  	[dreg:$0x9] =	wrdreg s31;
	s8 =	sadd.s32 s8, s0;
	s18 =	ssub.s32 s10, s11  }
0xe: {  	s10 =	simm.s32 $0x5;
	s12 =	sadd.s32 s2, s12;
	s19 =	sshrl.u32 s7, $0x3  }
0xf: {  	s10 =	simm.s32 @!p0 $0x8;
	s21 =	sadd.s32 $0xF0, s12;
	s23 =	sadd.s32 $0xA0, s12  }
0x10: {  	s14 =	sadd.s32 $0x50, s12;
	s0 =	smax.u32 s18, $0x1;
	s15 =	sadd.s32 $0x140, s12  }
0x11: {  	s18 =	simm.s32 $0x16280;
	s20 =	sadd.s32 s5, s19;
	s11 =	sadd.s32 s6, s19  }
0x12: {  	s22 =	sshrl.u32 s21, $0x3;
	s13 =	sshrl.u32 s23, $0x3;
	s25 =	sshrl.u32 s14, $0x3  }
0x13: {  	[dreg:$0xd] =	wrdreg s0;
	s14 =	sadd.s32 $0x17A00, s8;
	s19 =	simm.s32 $0x50  }
0x14: {  	s21 =	simm.s32 $0x13A00;
	s23 =	simm.s32 $0x16380;
	[dreg:$0xb] =	wrdreg s20  }
0x15: {  	[dreg:$0xc] =	wrdreg s11;
	s11 =	sadd.s32 s22, s6;
	s24 =	sadd.s32 s13, s6  }
0x16: {  	s26 =	sadd.s32 s25, s6;
	s20 =	simm.s32 $0x13880;
	[dreg:$0x4] =	wrdreg s11  }
0x17: {  	s22 =	simm.s32 $0x16400;
	s25 =	simm.s32 $0x2;
	[dreg:$0x5] =	wrdreg s24  }
0x18: {  	v0 =	vmov s2;
	[dreg:$0x6] =	wrdreg s26;
	s24 =	simm.s32 $0x1;
	s26 =	simm.s32 $0x16300  }
.LBB2_1:
0x19: {  	s0 =	rddreg [dreg:$0xa]  }
0x1a: {  	[tilespmem:s16], [sflag:$0x3] =	stream.linear.gather [hbm4b:s0+s4], $0x2800, $0x38;
	[tilespmem:$0x18C00] =	vst v63  }
0x1b: {  	_ =	swait.ge [sflag:s17], $0x2800  }
0x1c: {  	[sflag:s17] =	ssyncset.done $0x0  }
0x1d: {  	[sflag:s17] =	ssyncadd.s32 $0xFFFFD800  }
0x1e: {  	[tilespmem:s18], [sflag:$0x3] =	stream.linear.gather [hbm4b:s14+s4], $0x50, $0x38;
	[tilespmem:$0x18C00] =	vst v63  }
0x1f: {  	p0 =	sne.s32 s10, $0x1;
	_ =	swait.ge [sflag:s17], $0x50  }
.Ltmp0:
0x20: {  	[sflag:s17] =	ssyncset.done $0x0;
	(pc) =	sbr.rel @!p0 .LBB2_3-.Ltmp0, $4  }
0x21: {  	[sflag:s17] =	ssyncadd.s32 $0xFFFFFFB0  }
0x22: {  	[spmem:s3] =	stream.indirect.scatter [tilespmem:s16], [sflag:$0x3], $0x80, s18, s19, $0xb8;
	[tilespmem:$0x18C00] =	vst v63  }
0x23: {  	_ =	swait.ge [sflag:s17], $0x2800  }
0x24: {  	s2 =	smov.u32 s14;
	s0 =	sadd.s32 $0xFFFFFFFF, s10;
	[sflag:s17] =	ssyncset.done $0x0  }
.LBB2_2:
0x25: {  	p1 =	sne.s32 s0, $0x1;
	[sflag:s17] =	ssyncadd.s32 $0xFFFFD800;
	s2 =	sadd.s32 $0xA, s2  }
0x26: {  	[tilespmem:s18], [sflag:$0x3] =	stream.linear.gather [hbm4b:s2+s4], $0x50, $0x38;
	[tilespmem:$0x18C00] =	vst v63  }
0x27: {  	s0 =	sadd.s32 $0xFFFFFFFF, s0;
	_ =	swait.ge [sflag:s17], $0x50  }
.Ltmp1:
0x28: {  	[sflag:s17] =	ssyncset.done $0x0;
	(pc) =	sbr.rel @p1 .LBB2_2-.Ltmp1, $4  }
0x29: {  	[sflag:s17] =	ssyncadd.s32 $0xFFFFFFB0  }
0x2a: {  	[spmem:s3] =	stream.indirect.scatter [tilespmem:s16], [sflag:$0x3], $0x80, s18, s19, $0xb8;
	[tilespmem:$0x18C00] =	vst v63  }
0x2b: {  	_ =	swait.ge [sflag:s17], $0x2800  }
0x2c: {  	[sflag:s17] =	ssyncset.done $0x0  }
.LBB2_3:
0x2d: {  	[sflag:s17] =	ssyncadd.s32 $0xFFFFD800  }
0x2e: {  	[bflag:$0x0] =	sbarrier.arrive $0xFFFF  }
0x2f: {  	s0 =	simm.s32 $0x0;
	s2 =	rddreg [dreg:$0xb]  }
0x30: {  	[tilespmem:s20], [sflag:$0x3] =	stream.linear.gather [hbm4b:s2+s0], $0x140, $0x38;
	[tilespmem:$0x18C00] =	vst v63  }
0x31: {  	_ =	swait.ge [sflag:s17], $0x140  }
0x32: {  	[sflag:s17] =	ssyncset.done $0x0  }
0x33: {  	s8 =	rddreg [dreg:$0xc];
	[sflag:s17] =	ssyncadd.s32 $0xFFFFFEC0  }
0x34: {  	[tilespmem:s21], [sflag:$0x3] =	stream.linear.gather [hbm4b:s8+s0], $0x50, $0x38;
	[tilespmem:$0x18C00] =	vst v63  }
0x35: {  	_ =	swait.ge [sflag:s17], $0x50  }
0x36: {  	[sflag:s17] =	ssyncset.done $0x0  }
0x37: {  	s11 =	rddreg [dreg:$0x7];
	[sflag:s17] =	ssyncadd.s32 $0xFFFFFFB0  }
0x38: {  	[tilespmem:s16], [sflag:$0x1] =	stream.indirect.gather [hbm4b:s1+s19], $0x80, s20, s19, $0xb8;
	[tilespmem:$0x18C00] =	vst v63  }
0x39: {  	s12 =	rddreg [dreg:$0x6]  }
0x3a: {  	[tilespmem:s22], [sflag:$0x2] =	stream.indirect.gather [hbm4b:s1+s19], $0x80, s11, s19, $0xb8;
	[tilespmem:$0x18C00] =	vst v63  }
0x3b: {  	s13 =	sadd.s32 $0x0, s12  }
0x3c: {  	[tilespmem:s23], [sflag:$0x3] =	stream.linear.gather [hbm4b:s13+s4], $0x50, $0x38;
	[tilespmem:$0x18C00] =	vst v63  }
0x3d: {  	_ =	swait.ge [sflag:s17], $0x50  }
0x3e: {  	[sflag:s17] =	ssyncset.done $0x0  }
0x3f: {  	[sflag:s17] =	ssyncadd.s32 $0xFFFFFFB0  }
0x40: {  	_ =	swait.ge [sflag:s24], $0x2800  }
0x41: {  	[sflag:s24] =	ssyncset.done $0x0  }
0x42: {  	[sflag:s24] =	ssyncadd.s32 $0xFFFFD800  }
0x43: {  	[spmem:s3] =	stream.indirect.scatter.add.f32 [tilespmem:s16], [sflag:$0x3], $0x80, s21, s19, $0xb8;
	[tilespmem:$0x18C00] =	vst v63  }
0x44: {  	_ =	swait.ge [sflag:s17], $0x2800  }
0x45: {  	s2 =	rddreg [dreg:$0x8];
	[sflag:s17] =	ssyncset.done $0x0  }
0x46: {  	s8 =	rddreg [dreg:$0x5];
	[sflag:s17] =	ssyncadd.s32 $0xFFFFD800  }
0x47: {  	[tilespmem:s16], [sflag:$0x1] =	stream.indirect.gather [hbm4b:s1+s19], $0x80, s2, s19, $0xb8;
	[tilespmem:$0x18C00] =	vst v63  }
0x48: {  	s11 =	sadd.s32 $0x0, s8  }
0x49: {  	[tilespmem:s21], [sflag:$0x3] =	stream.linear.gather [hbm4b:s11+s4], $0x50, $0x38;
	[tilespmem:$0x18C00] =	vst v63  }
0x4a: {  	_ =	swait.ge [sflag:s17], $0x50  }
0x4b: {  	[sflag:s17] =	ssyncset.done $0x0  }
0x4c: {  	[sflag:s17] =	ssyncadd.s32 $0xFFFFFFB0  }
0x4d: {  	_ =	swait.ge [sflag:s25], $0x2800  }
0x4e: {  	[sflag:s25] =	ssyncset.done $0x0  }
0x4f: {  	[sflag:s25] =	ssyncadd.s32 $0xFFFFD800  }
0x50: {  	[spmem:s3] =	stream.indirect.scatter.add.f32 [tilespmem:s22], [sflag:$0x3], $0x80, s23, s19, $0xb8;
	[tilespmem:$0x18C00] =	vst v63  }
0x51: {  	_ =	swait.ge [sflag:s17], $0x2800  }
0x52: {  	s12 =	rddreg [dreg:$0x9];
	[sflag:s17] =	ssyncset.done $0x0  }
0x53: {  	s13 =	rddreg [dreg:$0x4];
	[sflag:s17] =	ssyncadd.s32 $0xFFFFD800  }
0x54: {  	[tilespmem:s22], [sflag:$0x2] =	stream.indirect.gather [hbm4b:s1+s19], $0x80, s12, s19, $0xb8;
	[tilespmem:$0x18C00] =	vst v63  }
0x55: {  	s8 =	sadd.s32 $0x0, s13  }
0x56: {  	[tilespmem:s23], [sflag:$0x3] =	stream.linear.gather [hbm4b:s8+s4], $0x50, $0x38;
	[tilespmem:$0x18C00] =	vst v63  }
0x57: {  	_ =	swait.ge [sflag:s17], $0x50  }
0x58: {  	[sflag:s17] =	ssyncset.done $0x0  }
0x59: {  	[sflag:s17] =	ssyncadd.s32 $0xFFFFFFB0  }
0x5a: {  	_ =	swait.ge [sflag:s24], $0x2800  }
0x5b: {  	[sflag:s24] =	ssyncset.done $0x0  }
0x5c: {  	[sflag:s24] =	ssyncadd.s32 $0xFFFFD800  }
0x5d: {  	[spmem:s3] =	stream.indirect.scatter.add.f32 [tilespmem:s16], [sflag:$0x3], $0x80, s21, s19, $0xb8;
	[tilespmem:$0x18C00] =	vst v63  }
0x5e: {  	_ =	swait.ge [sflag:s17], $0x2800  }
0x5f: {  	[sflag:s17] =	ssyncset.done $0x0  }
0x60: {  	[sflag:s17] =	ssyncadd.s32 $0xFFFFD800  }
0x61: {  	s11 =	simm.s32 $0x4;
	_ =	swait.ge [sflag:s25], $0x2800  }
0x62: {  	s0 =	smin.u32 s11, $0x79;
	[sflag:s25] =	ssyncset.done $0x0  }
0x63: {  	s12 =	smul.u32 $0x50, s0;
	[sflag:s25] =	ssyncadd.s32 $0xFFFFD800  }
0x64: {  	[spmem:s3] =	stream.indirect.scatter.add.f32 [tilespmem:s22], [sflag:$0x3], $0x80, s23, s19, $0xb8;
	[tilespmem:$0x18C00] =	vst v63  }
0x65: {  	s2 =	sadd.s32 s7, s12;
	_ =	swait.ge [sflag:s17], $0x2800  }
0x66: {  	s2 =	sshrl.u32 s2, $0x3;
	[sflag:s17] =	ssyncset.done $0x0  }
0x67: {  	s2 =	sadd.s32 s5, s2;
	[sflag:s17] =	ssyncadd.s32 $0xFFFFD800  }
0x68: {  	[tilespmem:s20], [sflag:$0x3] =	stream.linear.gather [hbm4b:s2+s4], $0x140, $0x38;
	[tilespmem:$0x18C00] =	vst v63  }
0x69: {  	s31 =	simm.s32 $0x28;
	s30 =	sadd.s32 $0x140, s15;
	_ =	swait.ge [sflag:s17], $0x140  }
0x6a: {  	s29 =	simm.s32 $0x13B00;
	s8 =	sshrl.u32 s15, $0x3;
	[sflag:s17] =	ssyncset.done $0x0  }
0x6b: {  	s0 =	smul.u32 $0xFFFFFEC0, s0;
	s13 =	sadd.s32 s6, s8;
	[sflag:s17] =	ssyncadd.s32 $0xFFFFFEC0  }
0x6c: {  	[tilespmem:s21], [sflag:$0x3] =	stream.linear.gather [hbm4b:s13+s4], $0x50, $0x38;
	[tilespmem:$0x18C00] =	vst v63  }
0x6d: {  	s11 =	sshra.s32 s0, $0x2;
	s0 =	simm.s32 $0x8;
	_ =	swait.ge [sflag:s17], $0x50  }
0x6e: {  	s8 =	sadd.s32 $0x139C0, s11;
	s12 =	rddreg [dreg:$0x6];
	[sflag:s17] =	ssyncset.done $0x0  }
0x6f: {  	s2 =	simm.s32 $0x50;
	s13 =	rddreg [dreg:$0x7];
	[sflag:s17] =	ssyncadd.s32 $0xFFFFFFB0  }
.LBB2_4:
0x70: {  	[tilespmem:s16], [sflag:$0x1] =	stream.indirect.gather [hbm4b:s1+s19], $0x80, s8, s19, $0xb8;
	[tilespmem:$0x18C00] =	vst v63  }
0x71: {  	_ = 	snop  }
0x72: {  	[tilespmem:s22], [sflag:$0x2] =	stream.indirect.gather [hbm4b:s1+s19], $0x80, s13, s19, $0xb8;
	[tilespmem:$0x18C00] =	vst v63  }
0x73: {  	s12 =	sadd.s32 s31, s12  }
0x74: {  	[tilespmem:s23], [sflag:$0x3] =	stream.linear.gather [hbm4b:s12+s4], $0x50, $0x38;
	[tilespmem:$0x18C00] =	vst v63  }
0x75: {  	_ =	swait.ge [sflag:s17], $0x50  }
0x76: {  	[sflag:s17] =	ssyncset.done $0x0  }
0x77: {  	[sflag:s17] =	ssyncadd.s32 $0xFFFFFFB0  }
0x78: {  	_ =	swait.ge [sflag:s24], $0x2800  }
0x79: {  	[sflag:s24] =	ssyncset.done $0x0  }
0x7a: {  	[sflag:s24] =	ssyncadd.s32 $0xFFFFD800  }
0x7b: {  	[spmem:s3] =	stream.indirect.scatter.add.f32 [tilespmem:s16], [sflag:$0x3], $0x80, s21, s19, $0xb8;
	[tilespmem:$0x18C00] =	vst v63  }
0x7c: {  	_ =	swait.ge [sflag:s17], $0x2800  }
0x7d: {  	s12 =	rddreg [dreg:$0x8];
	[sflag:s17] =	ssyncset.done $0x0  }
0x7e: {  	s13 =	rddreg [dreg:$0x5];
	[sflag:s17] =	ssyncadd.s32 $0xFFFFD800  }
0x7f: {  	[tilespmem:s16], [sflag:$0x1] =	stream.indirect.gather [hbm4b:s1+s19], $0x80, s12, s19, $0xb8;
	[tilespmem:$0x18C00] =	vst v63  }
0x80: {  	s13 =	sadd.s32 s31, s13  }
0x81: {  	[tilespmem:s21], [sflag:$0x3] =	stream.linear.gather [hbm4b:s13+s4], $0x50, $0x38;
	[tilespmem:$0x18C00] =	vst v63  }
0x82: {  	_ =	swait.ge [sflag:s17], $0x50  }
0x83: {  	[sflag:s17] =	ssyncset.done $0x0  }
0x84: {  	[sflag:s17] =	ssyncadd.s32 $0xFFFFFFB0  }
0x85: {  	_ =	swait.ge [sflag:s25], $0x2800  }
0x86: {  	[sflag:s25] =	ssyncset.done $0x0  }
0x87: {  	[sflag:s25] =	ssyncadd.s32 $0xFFFFD800  }
0x88: {  	[spmem:s3] =	stream.indirect.scatter.add.f32 [tilespmem:s22], [sflag:$0x3], $0x80, s23, s19, $0xb8;
	[tilespmem:$0x18C00] =	vst v63  }
0x89: {  	_ =	swait.ge [sflag:s17], $0x2800  }
0x8a: {  	s12 =	rddreg [dreg:$0x9];
	[sflag:s17] =	ssyncset.done $0x0  }
0x8b: {  	s13 =	rddreg [dreg:$0x4];
	[sflag:s17] =	ssyncadd.s32 $0xFFFFD800  }
0x8c: {  	[tilespmem:s22], [sflag:$0x2] =	stream.indirect.gather [hbm4b:s1+s19], $0x80, s12, s19, $0xb8;
	[tilespmem:$0x18C00] =	vst v63  }
0x8d: {  	s13 =	sadd.s32 s31, s13  }
0x8e: {  	[tilespmem:s23], [sflag:$0x3] =	stream.linear.gather [hbm4b:s13+s4], $0x50, $0x38;
	[tilespmem:$0x18C00] =	vst v63  }
0x8f: {  	_ =	swait.ge [sflag:s17], $0x50  }
0x90: {  	[sflag:s17] =	ssyncset.done $0x0  }
0x91: {  	[sflag:s17] =	ssyncadd.s32 $0xFFFFFFB0  }
0x92: {  	_ =	swait.ge [sflag:s24], $0x2800  }
0x93: {  	[sflag:s24] =	ssyncset.done $0x0  }
0x94: {  	[sflag:s24] =	ssyncadd.s32 $0xFFFFD800  }
0x95: {  	[spmem:s3] =	stream.indirect.scatter.add.f32 [tilespmem:s16], [sflag:$0x3], $0x80, s21, s19, $0xb8;
	[tilespmem:$0x18C00] =	vst v63  }
0x96: {  	_ =	swait.ge [sflag:s17], $0x2800  }
0x97: {  	[sflag:s17] =	ssyncset.done $0x0  }
0x98: {  	[sflag:s17] =	ssyncadd.s32 $0xFFFFD800  }
0x99: {  	_ =	swait.ge [sflag:s25], $0x2800  }
0x9a: {  	s11 =	smov.u32 s2;
	s12 =	smin.u32 s0, $0x79;
	[sflag:s25] =	ssyncset.done $0x0  }
0x9b: {  	s31 =	smov.u32 s11;
	s13 =	smul.u32 $0x50, s12;
	[sflag:s25] =	ssyncadd.s32 $0xFFFFD800  }
0x9c: {  	[spmem:s3] =	stream.indirect.scatter.add.f32 [tilespmem:s22], [sflag:$0x3], $0x80, s23, s19, $0xb8;
	[tilespmem:$0x18C00] =	vst v63  }
0x9d: {  	s11 =	smul.u32 $0xFFFFFEC0, s12;
	s12 =	sadd.s32 s7, s13;
	_ =	swait.ge [sflag:s17], $0x2800  }
0x9e: {  	s12 =	sshrl.u32 s12, $0x3;
	[sflag:s17] =	ssyncset.done $0x0  }
0x9f: {  	p1 =	sne.s32 s2, $0x4B0;
	s12 =	sadd.s32 s5, s12;
	[sflag:s17] =	ssyncadd.s32 $0xFFFFD800  }
0xa0: {  	[tilespmem:s20], [sflag:$0x3] =	stream.linear.gather [hbm4b:s12+s4], $0x140, $0x38;
	[tilespmem:$0x18C00] =	vst v63  }
0xa1: {  	s2 =	sadd.s32 $0x28, s2;
	s8 =	smov.u32 s29;
	_ =	swait.ge [sflag:s17], $0x140  }
0xa2: {  	s29 =	sadd.s32 $0x140, s29;
	s13 =	sshrl.u32 s30, $0x3;
	[sflag:s17] =	ssyncset.done $0x0  }
.Ltmp2:
0xa3: {  	s12 =	sadd.s32 s6, s13;
	[sflag:s17] =	ssyncadd.s32 $0xFFFFFEC0;
	(pc) =	sbr.rel @p1 .LBB2_4-.Ltmp2, $4  }
0xa4: {  	[tilespmem:s21], [sflag:$0x3] =	stream.linear.gather [hbm4b:s12+s4], $0x50, $0x38;
	[tilespmem:$0x18C00] =	vst v63  }
0xa5: {  	s0 =	sadd.s32 $0x4, s0;
	s11 =	sshra.s32 s11, $0x2;
	_ =	swait.ge [sflag:s17], $0x50  }
0xa6: {  	s30 =	sadd.s32 $0x140, s30;
	s12 =	rddreg [dreg:$0x6];
	[sflag:s17] =	ssyncset.done $0x0  }
0xa7: {  	s8 =	sadd.s32 s11, s8;
	s13 =	rddreg [dreg:$0x7];
	[sflag:s17] =	ssyncadd.s32 $0xFFFFFFB0  }
0xa8: {  	[tilespmem:s16], [sflag:$0x1] =	stream.indirect.gather [hbm4b:s1+s19], $0x80, s8, s19, $0xb8;
	[tilespmem:$0x18C00] =	vst v63  }
0xa9: {  	_ = 	snop  }
0xaa: {  	[tilespmem:s22], [sflag:$0x2] =	stream.indirect.gather [hbm4b:s1+s19], $0x80, s13, s19, $0xb8;
	[tilespmem:$0x18C00] =	vst v63  }
0xab: {  	s2 =	sadd.s32 s31, s12  }
0xac: {  	[tilespmem:s23], [sflag:$0x3] =	stream.linear.gather [hbm4b:s2+s4], $0x50, $0x38;
	[tilespmem:$0x18C00] =	vst v63  }
0xad: {  	_ =	swait.ge [sflag:s17], $0x50  }
0xae: {  	[sflag:s17] =	ssyncset.done $0x0  }
0xaf: {  	[sflag:s17] =	ssyncadd.s32 $0xFFFFFFB0  }
0xb0: {  	_ =	swait.ge [sflag:s24], $0x2800  }
0xb1: {  	[sflag:s24] =	ssyncset.done $0x0  }
0xb2: {  	[sflag:s24] =	ssyncadd.s32 $0xFFFFD800  }
0xb3: {  	[spmem:s3] =	stream.indirect.scatter.add.f32 [tilespmem:s16], [sflag:$0x3], $0x80, s21, s19, $0xb8;
	[tilespmem:$0x18C00] =	vst v63  }
0xb4: {  	_ =	swait.ge [sflag:s17], $0x2800  }
0xb5: {  	s11 =	rddreg [dreg:$0x8];
	[sflag:s17] =	ssyncset.done $0x0  }
0xb6: {  	s12 =	rddreg [dreg:$0x5];
	[sflag:s17] =	ssyncadd.s32 $0xFFFFD800  }
0xb7: {  	[tilespmem:s16], [sflag:$0x1] =	stream.indirect.gather [hbm4b:s1+s19], $0x80, s11, s19, $0xb8;
	[tilespmem:$0x18C00] =	vst v63  }
0xb8: {  	s13 =	sadd.s32 s31, s12  }
0xb9: {  	[tilespmem:s21], [sflag:$0x3] =	stream.linear.gather [hbm4b:s13+s4], $0x50, $0x38;
	[tilespmem:$0x18C00] =	vst v63  }
0xba: {  	_ =	swait.ge [sflag:s17], $0x50  }
0xbb: {  	[sflag:s17] =	ssyncset.done $0x0  }
0xbc: {  	[sflag:s17] =	ssyncadd.s32 $0xFFFFFFB0  }
0xbd: {  	_ =	swait.ge [sflag:s25], $0x2800  }
0xbe: {  	[sflag:s25] =	ssyncset.done $0x0  }
0xbf: {  	[sflag:s25] =	ssyncadd.s32 $0xFFFFD800  }
0xc0: {  	[spmem:s3] =	stream.indirect.scatter.add.f32 [tilespmem:s22], [sflag:$0x3], $0x80, s23, s19, $0xb8;
	[tilespmem:$0x18C00] =	vst v63  }
0xc1: {  	_ =	swait.ge [sflag:s17], $0x2800  }
0xc2: {  	s8 =	rddreg [dreg:$0x9];
	[sflag:s17] =	ssyncset.done $0x0  }
0xc3: {  	s11 =	rddreg [dreg:$0x4];
	[sflag:s17] =	ssyncadd.s32 $0xFFFFD800  }
0xc4: {  	[tilespmem:s22], [sflag:$0x2] =	stream.indirect.gather [hbm4b:s1+s19], $0x80, s8, s19, $0xb8;
	[tilespmem:$0x18C00] =	vst v63  }
0xc5: {  	s12 =	sadd.s32 s31, s11  }
0xc6: {  	[tilespmem:s23], [sflag:$0x3] =	stream.linear.gather [hbm4b:s12+s4], $0x50, $0x38;
	[tilespmem:$0x18C00] =	vst v63  }
0xc7: {  	_ =	swait.ge [sflag:s17], $0x50  }
0xc8: {  	[sflag:s17] =	ssyncset.done $0x0  }
0xc9: {  	[sflag:s17] =	ssyncadd.s32 $0xFFFFFFB0  }
0xca: {  	_ =	swait.ge [sflag:s24], $0x2800  }
0xcb: {  	[sflag:s24] =	ssyncset.done $0x0  }
0xcc: {  	[sflag:s24] =	ssyncadd.s32 $0xFFFFD800  }
0xcd: {  	[spmem:s3] =	stream.indirect.scatter.add.f32 [tilespmem:s16], [sflag:$0x3], $0x80, s21, s19, $0xb8;
	[tilespmem:$0x18C00] =	vst v63  }
0xce: {  	_ =	swait.ge [sflag:s17], $0x2800  }
0xcf: {  	[sflag:s17] =	ssyncset.done $0x0  }
0xd0: {  	[sflag:s17] =	ssyncadd.s32 $0xFFFFD800  }
0xd1: {  	_ =	swait.ge [sflag:s25], $0x2800  }
0xd2: {  	s0 =	smin.u32 s0, $0x79;
	[sflag:s25] =	ssyncset.done $0x0  }
0xd3: {  	s13 =	smul.u32 $0x50, s0;
	[sflag:s25] =	ssyncadd.s32 $0xFFFFD800  }
0xd4: {  	[spmem:s3] =	stream.indirect.scatter.add.f32 [tilespmem:s22], [sflag:$0x3], $0x80, s23, s19, $0xb8;
	[tilespmem:$0x18C00] =	vst v63  }
0xd5: {  	s2 =	sadd.s32 s7, s13;
	_ =	swait.ge [sflag:s17], $0x2800  }
0xd6: {  	s2 =	sshrl.u32 s2, $0x3;
	[sflag:s17] =	ssyncset.done $0x0  }
0xd7: {  	s2 =	sadd.s32 s5, s2;
	[sflag:s17] =	ssyncadd.s32 $0xFFFFD800  }
0xd8: {  	[tilespmem:s20], [sflag:$0x3] =	stream.linear.gather [hbm4b:s2+s4], $0x140, $0x38;
	[tilespmem:$0x18C00] =	vst v63  }
0xd9: {  	_ =	swait.ge [sflag:s17], $0x140  }
0xda: {  	s31 =	sshrl.u32 s30, $0x3;
	[sflag:s17] =	ssyncset.done $0x0  }
0xdb: {  	s0 =	smul.u32 $0xFFFFFEC0, s0;
	s2 =	sadd.s32 s6, s31;
	[sflag:s17] =	ssyncadd.s32 $0xFFFFFEC0  }
0xdc: {  	[tilespmem:s21], [sflag:$0x3] =	stream.linear.gather [hbm4b:s2+s4], $0x50, $0x38;
	[tilespmem:$0x18C00] =	vst v63  }
0xdd: {  	_ =	swait.ge [sflag:s17], $0x50  }
0xde: {  	s0 =	sshra.s32 s0, $0x2;
	[sflag:s17] =	ssyncset.done $0x0  }
0xdf: {  	s0 =	sadd.s32 s0, s29;
	[sflag:s17] =	ssyncadd.s32 $0xFFFFFFB0  }
0xe0: {  	[tilespmem:s16], [sflag:$0x1] =	stream.indirect.gather [hbm4b:s1+s19], $0x80, s0, s19, $0xb8;
	[tilespmem:$0x18C00] =	vst v63  }
0xe1: {  	_ =	swait.ge [sflag:s24], $0x2800  }
0xe2: {  	[sflag:s24] =	ssyncset.done $0x0  }
0xe3: {  	[sflag:s24] =	ssyncadd.s32 $0xFFFFD800  }
0xe4: {  	[spmem:s3] =	stream.indirect.scatter.add.f32 [tilespmem:s16], [sflag:$0x3], $0x80, s21, s19, $0xb8;
	[tilespmem:$0x18C00] =	vst v63  }
0xe5: {  	_ =	swait.ge [sflag:s17], $0x2800  }
0xe6: {  	[sflag:s17] =	ssyncset.done $0x0  }
0xe7: {  	[sflag:s17] =	ssyncadd.s32 $0xFFFFD800  }
0xe8: {  	[bflag:$0x0] =	sbarrier.arrive $0xFFFF  }
0xe9: {  	[tilespmem:s18], [sflag:$0x3] =	stream.linear.gather [hbm4b:s14+s4], $0x50, $0x38;
	[tilespmem:$0x18C00] =	vst v63  }
0xea: {  	_ =	swait.ge [sflag:s17], $0x50  }
0xeb: {  	[sflag:s17] =	ssyncset.done $0x0  }
0xec: {  	[sflag:s17] =	ssyncadd.s32 $0xFFFFFFB0  }
0xed: {  	v1 =	vld [tilespmem:$0x162C0]  }
0xee: {  	v2 =	vld [tilespmem:$0x162A0]  }
0xef: {  	v3 =	vld [tilespmem:$0x162B0]  }
0xf0: {  	v4 =	vld [tilespmem:$0x16280]  }
0xf1: {  	v5 =	vld [tilespmem:$0x16290]  }
0xf2: {  	v1 =	vadd.s32 v0, v1  }
0xf3: {  	v2 =	vadd.s32 v0, v2;
	[tilespmem:$0x16340] =	vst v1  }
0xf4: {  	[tilespmem:$0x16320] =	vst v2;
	v1 =	vadd.s32 v0, v3  }
0xf5: {  	v2 =	vadd.s32 v0, v4;
	[tilespmem:$0x16330] =	vst v1  }
.Ltmp3:
0xf6: {  	[tilespmem:$0x16300] =	vst v2;
	v1 =	vadd.s32 v0, v5;
	(pc) =	sbr.rel @!p0 .LBB2_7-.Ltmp3, $4  }
0xf7: {  	[tilespmem:$0x16310] =	vst v1  }
0xf8: {  	[tilespmem:s16], [sflag:$0x1] =	stream.indirect.gather [spmem:s3], $0x80, s18, s19, $0xb8;
	[tilespmem:$0x18C00] =	vst v63  }
0xf9: {  	_ =	swait.ge [sflag:s24], $0x2800  }
0xfa: {  	s2 =	smov.u32 s14;
	s0 =	sadd.s32 $0xFFFFFFFF, s10;
	[sflag:s24] =	ssyncset.done $0x0  }
.LBB2_6:
0xfb: {  	p0 =	sne.s32 s0, $0x1;
	[sflag:s24] =	ssyncadd.s32 $0xFFFFD800;
	s2 =	sadd.s32 $0xA, s2  }
0xfc: {  	[hbm4b:s9+s19] =	stream.indirect.scatter [tilespmem:s16], [sflag:$0x3], $0x80, s26, s19, $0xb8;
	[tilespmem:$0x18C00] =	vst v63  }
0xfd: {  	s0 =	sadd.s32 $0xFFFFFFFF, s0;
	_ =	swait.ge [sflag:s17], $0x2800  }
0xfe: {  	[sflag:s17] =	ssyncset.done $0x0  }
0xff: {  	[sflag:s17] =	ssyncadd.s32 $0xFFFFD800  }
0x100: {  	[tilespmem:s18], [sflag:$0x3] =	stream.linear.gather [hbm4b:s2+s4], $0x50, $0x38;
	[tilespmem:$0x18C00] =	vst v63  }
0x101: {  	_ =	swait.ge [sflag:s17], $0x50  }
0x102: {  	[sflag:s17] =	ssyncset.done $0x0  }
0x103: {  	[sflag:s17] =	ssyncadd.s32 $0xFFFFFFB0  }
0x104: {  	v1 =	vld [tilespmem:$0x162C0]  }
0x105: {  	v2 =	vld [tilespmem:$0x162A0]  }
0x106: {  	v3 =	vld [tilespmem:$0x162B0]  }
0x107: {  	v4 =	vld [tilespmem:$0x16280]  }
0x108: {  	v5 =	vld [tilespmem:$0x16290]  }
0x109: {  	v1 =	vadd.s32 v0, v1  }
0x10a: {  	v2 =	vadd.s32 v0, v2;
	[tilespmem:$0x16340] =	vst v1  }
0x10b: {  	[tilespmem:$0x16320] =	vst v2;
	v1 =	vadd.s32 v0, v3  }
0x10c: {  	v2 =	vadd.s32 v0, v4;
	[tilespmem:$0x16330] =	vst v1  }
.Ltmp4:
0x10d: {  	[tilespmem:$0x16300] =	vst v2;
	v1 =	vadd.s32 v0, v5;
	(pc) =	sbr.rel @p0 .LBB2_6-.Ltmp4, $4  }
0x10e: {  	[tilespmem:$0x16310] =	vst v1  }
0x10f: {  	[tilespmem:s16], [sflag:$0x1] =	stream.indirect.gather [spmem:s3], $0x80, s18, s19, $0xb8;
	[tilespmem:$0x18C00] =	vst v63  }
0x110: {  	_ =	swait.ge [sflag:s24], $0x2800  }
0x111: {  	[sflag:s24] =	ssyncset.done $0x0  }
.LBB2_7:
0x112: {  	[sflag:s24] =	ssyncadd.s32 $0xFFFFD800  }
0x113: {  	[hbm4b:s9+s19] =	stream.indirect.scatter [tilespmem:s16], [sflag:$0x3], $0x80, s26, s19, $0xb8;
	[tilespmem:$0x18C00] =	vst v63  }
0x114: {  	_ =	swait.ge [sflag:s17], $0x2800  }
0x115: {  	s28 =	sadd.s32 $0x1, s28;
	s0 =	rddreg [dreg:$0xd]  }
0x116: {  	p0 =	sne.s32 s28, s0  }
.Ltmp5:
0x117: {  	_ = 	snop;
	(pc) =	sbr.rel @p0 .LBB2_1-.Ltmp5, $3  }
0x118: {  	_ =	sdelay $0x1  }
0x119: {  	[sflag:s17] =	ssyncset.done $0x0  }
0x11a: {  	[sflag:s17] =	ssyncadd.s32 $0xFFFFD800  }
0x11b: {  	_ =	sfence.sel $0x180000  }
0x11c: {  	[bflag:$0x0] =	sbarrier.arrive $0xFFFF  }
0x11d: {  	_ =	strace $0x9000004D  }
0x11e: {  	s0 =	stileid.u32;
	[bflag:$0x2] =	sbarrier.arrive $0xFFFF  }
0x11f: {  	p0 =	sne.s32 s0, $0x0;
	s0 =	rddreg [dreg:$0x3]  }
0x120: {  	s0 =	sadd.s32 @!p0 $0x100000, s0  }
0x121: {  	[sflag:s0] =	ssyncadd.tile.s32 @!p0 $0x1;
	_ =	shalt  }
.Lfunc_end2:
_tile_overlayer_lowered:
.L_overlay_start_2:
0x122: {  	(tag) =	ssettag $0x2  }
0x123: {  	s0 =	rddreg [dreg:$0x0];
	s2 =	stileid.u32  }
0x124: {  	s1 =	rddreg [dreg:$0x1];
	p0 =	sne.s32 s2, $0x0  }
0x125: {  	s3 =	rddreg [dreg:$0x2];
	[bflag:$0x3] =	sbarrier.arrive $0xFFFF;
	s2 =	simm.s32 @!p0 $0x1C03  }
0x126: {  	[timem:s3], [sflag:s2] =	dma.local @!p0 [hbm:s0], s1  }
0x127: {  	s0 =	simm.s32 @!p0 $0x3  }
0x128: {  	_ =	swait.ge @!p0 [sflag:s0], s1  }
0x129: {  	s1 =	ssub.s32 @!p0 $0x0, s1;
	[sflag:s0] =	ssyncset.done @!p0 $0x0  }
0x12a: {  	[sflag:s0] =	ssyncadd.s32 @!p0 s1  }
0x12b: {  	[bflag:$0x3] =	sbarrier.arrive $0xFFFF  }
0x12c: {  	_ =	shalt  }

// kernel: kernel.20.cloned.1.call-start
scs
__scs_entry_jumppad:
0x0: {  	(pc) =	sbr.rel $0x88, $3  }
0x1: {  	(tag) =	ssettag $0x0;
	lr =	simm.s32 $0x1  }
0x2: {  	[smem:$0x3F92] =	sst lr;
	_ =	strace $0xD0000000  }
0x3: {  	_ = 	snop  }
0x4: {  	_ = 	snop  }
0x5: {  	_ = 	snop  }
0x6: {  	_ = 	snop  }
0x7: {  	_ = 	snop  }
__scs_overlays_trampoline_lowered:
0x8: {  	[smem:$0x3FA1] =	sst s0  }
0x9: {  	[smem:$0x3FA2] =	sst s1  }
0xa: {  	[smem:$0x3FA3] =	sst s2  }
0xb: {  	[smem:$0x3FA4] =	sst s3  }
0xc: {  	[smem:$0x3FA5] =	sst s4  }
0xd: {  	[smem:$0x3FA6] =	sst s5  }
0xe: {  	[smem:$0x3FA7] =	sst s6  }
0xf: {  	[smem:$0x3FA8] =	sst s7  }
0x10: {  	[smem:$0x3FA9] =	sst s8  }
0x11: {  	[smem:$0x3FAA] =	sst s9;
	s0 =	simm.s32 @!p0 $0x0  }
0x12: {  	s1 =	sld [smem:$0x3F90];
	s0 =	simm.s32 @p0 $0x1  }
0x13: {  	[smem:$0x3FAB] =	sst s0;
	s0 =	simm.s32 @!p1 $0x0  }
0x14: {  	s2 =	sld [smem:$0x3F8F];
	s0 =	simm.s32 @p1 $0x1  }
0x15: {  	[smem:$0x3FAC] =	sst s0;
	s0 =	simm.s32 @!p2 $0x0  }
0x16: {  	s3 =	sld [smem:$0x3FDB];
	s0 =	simm.s32 @p2 $0x1  }
0x17: {  	s4 =	simm.s32 $0x1BF5;
	[smem:$0x3FAE] =	sst s0  }
0x18: {  	s0 =	sld [smem:$0x3F91];
	_ =	swait.ge [sflag:s4], $0x0  }
0x19: {  	s7 =	sld [smem:$0x3F92]  }
0x1a: {  	s8 =	sadd.s32 $0xFFFFE003, lr  }
0x1b: {  	s9 =	sadd.s32 $0xFFFFFEF7, lr;
	s5 =	simm.s32 $0xFFFFFFFF;
	p2 =	slt.u32 s8, $0xFFFFF086  }
0x1c: {  	p1 =	slt.u32 s9, $0xF7A;
	s5 =	simm.s32 @!p2 $0x0  }
0x1d: {  	s5 =	simm.s32 @p1 $0x1;
	p0 =	seq.s32 s7, s2  }
0x1e: {  	s7 =	smul.u32 @!p0 $0xF7A, s2;
	p2 =	seq.s32 @!p0 s5, $0x0  }
0x1f: {  	s9 =	smul.u32 $0xF7A, s1;
	s8 =	simm.s32 @!p0 $0x1BF5;
	p2 =	por !p2, p0  }
0x20: {  	[sflag:s8] =	ssyncset.s32 @!p0 $0xFFFFF086;
	s6 =	sadd.s32 @!p0 s3, s7;
	s7 =	simm.s32 @!p0 $0x108  }
0x21: {  	s3 =	sadd.s32 s3, s9;
	s6 =	sadd.s32 @!p0 $0x88, s6;
	s7 =	simm.s32 @p2 $0x1082  }
0x22: {  	[simem:s7], [sflag:s8] =	dma.local @!p0 [hbm:s6], $0xF7A  }
0x23: {  	s9 =	sor.u32 $0xD0000000, s2;
	s6 =	simm.s32 $0x108;
	_ =	swait.ge @!p0 [sflag:s8], $0x0  }
0x24: {  	s3 =	sadd.s32 $0x88, s3;
	s6 =	simm.s32 @!p1 $0x1082;
	[sflag:s4] =	ssyncset.s32 $0xFFFFF086  }
0x25: {  	[simem:s6], [sflag:s4] =	dma.local [hbm:s3], $0xF7A  }
0x26: {  	[smem:$0x3F92] =	sst s1;
	(tag) =	ssettag s2;
	_ =	strace s9  }
0x27: {  	s1 =	sld [smem:$0x3FA2]  }
0x28: {  	s2 =	sld [smem:$0x3FA3]  }
0x29: {  	s4 =	sld [smem:$0x3FA5]  }
0x2a: {  	p0 =	seq.s32 s5, $0x0;
	s5 =	sld [smem:$0x3FA6]  }
0x2b: {  	s6 =	sld [smem:$0x3FA7]  }
0x2c: {  	s7 =	sld [smem:$0x3FA8]  }
0x2d: {  	s3 =	simm.s32 $0x108;
	s8 =	sld [smem:$0x3FA9]  }
0x2e: {  	s3 =	simm.s32 @!p0 $0x1082;
	s9 =	sld [smem:$0x3FAA]  }
0x2f: {  	lr =	sadd.s32 s0, s3;
	s0 =	sld [smem:$0x3FA1]  }
0x30: {  	s3 =	sld [smem:$0x3FA4]  }
0x31: {  	[smem:$0x3FAD] =	sst s10  }
0x32: {  	s10 =	sld [smem:$0x3FAB];
	_ =	sdelay $0x3  }
0x33: {  	p0 =	seq.s32 s10, $0x1;
	s10 =	sld [smem:$0x3FAD];
	_ =	sdelay $0x3  }
0x34: {  	[smem:$0x3FAD] =	sst s10  }
0x35: {  	s10 =	sld [smem:$0x3FAC];
	_ =	sdelay $0x3  }
0x36: {  	p1 =	seq.s32 s10, $0x1;
	s10 =	sld [smem:$0x3FAD];
	_ =	sdelay $0x3  }
0x37: {  	[smem:$0x3FAD] =	sst s10  }
0x38: {  	s10 =	sld [smem:$0x3FAE]  }
0x39: {  	_ = 	snop;
	(pc) =	sbr.ind lr, $3  }
0x3a: {  	_ = 	snop  }
0x3b: {  	_ = 	snop  }
0x3c: {  	p2 =	seq.s32 s10, $0x1;
	s10 =	sld [smem:$0x3FAD]  }
0x3d: {  	_ =	shalt  }
0x3e: {  	_ =	shalt  }
0x3f: {  	_ =	shalt  }
0x40: {  	_ =	shalt  }
0x41: {  	_ =	shalt  }
0x42: {  	_ =	shalt  }
0x43: {  	_ =	shalt  }
0x44: {  	_ =	shalt  }
0x45: {  	_ =	shalt  }
0x46: {  	_ =	shalt  }
0x47: {  	_ =	shalt  }
0x48: {  	_ =	shalt  }
0x49: {  	_ =	shalt  }
0x4a: {  	_ =	shalt  }
0x4b: {  	_ =	shalt  }
0x4c: {  	_ =	shalt  }
0x4d: {  	_ =	shalt  }
0x4e: {  	_ =	shalt  }
0x4f: {  	_ =	shalt  }
0x50: {  	_ =	shalt  }
0x51: {  	_ =	shalt  }
0x52: {  	_ =	shalt  }
0x53: {  	_ =	shalt  }
0x54: {  	_ =	shalt  }
0x55: {  	_ =	shalt  }
0x56: {  	_ =	shalt  }
0x57: {  	_ =	shalt  }
0x58: {  	_ =	shalt  }
0x59: {  	_ =	shalt  }
0x5a: {  	_ =	shalt  }
0x5b: {  	_ =	shalt  }
0x5c: {  	_ =	shalt  }
0x5d: {  	_ =	shalt  }
0x5e: {  	_ =	shalt  }
0x5f: {  	_ =	shalt  }
0x60: {  	_ =	shalt  }
0x61: {  	_ =	shalt  }
0x62: {  	_ =	shalt  }
0x63: {  	_ =	shalt  }
0x64: {  	_ =	shalt  }
0x65: {  	_ =	shalt  }
0x66: {  	_ =	shalt  }
0x67: {  	_ =	shalt  }
0x68: {  	_ =	shalt  }
0x69: {  	_ =	shalt  }
0x6a: {  	_ =	shalt  }
0x6b: {  	_ =	shalt  }
0x6c: {  	_ =	shalt  }
0x6d: {  	_ =	shalt  }
0x6e: {  	_ =	shalt  }
0x6f: {  	_ =	shalt  }
0x70: {  	_ =	shalt  }
0x71: {  	_ =	shalt  }
0x72: {  	_ =	shalt  }
0x73: {  	_ =	shalt  }
0x74: {  	_ =	shalt  }
0x75: {  	_ =	shalt  }
0x76: {  	_ =	shalt  }
0x77: {  	_ =	shalt  }
0x78: {  	_ =	shalt  }
0x79: {  	_ =	shalt  }
0x7a: {  	_ =	shalt  }
0x7b: {  	_ =	shalt  }
0x7c: {  	_ =	shalt  }
0x7d: {  	_ =	shalt  }
0x7e: {  	_ =	shalt  }
0x7f: {  	_ =	shalt  }
0x80: {  	_ =	shalt  }
0x81: {  	_ =	shalt  }
0x82: {  	_ =	shalt  }
0x83: {  	_ =	shalt  }
0x84: {  	_ =	shalt  }
0x85: {  	_ =	shalt  }
0x86: {  	_ =	shalt  }
0x87: {  	_ =	shalt  }
.Lfunc_end0:
.L_simem_size_0:
called_computation.3_lowered:
.L_overlay_start_0:
0x88: {  	s2 =	sld [smem:$0x3FD9]  }
0x89: {  	s3 =	sld [smem:$0x3FFE];
	_ =	sdelay $0x1  }
0x8a: {  	s1 =	srdreg.scid  }
0x8b: {  	s0 =	sand.u32 $0x1, s1  }
0x8c: {  	s17 =	sshll.u32 s0, $0xA;
	s2 =	sadd.s32 s3, s2  }
0x8d: {  	s2 =	sadd.s32 s2, s17  }
0x8e: {  	[smem:$0x3FB9] =	sst s2  }
0x8f: {  	_ = 	snop  }
0x90: {  	s2 =	sld [smem:$0x3FD0];
	(tm) =	ssettm $0x1  }
0x91: {  	s18 =	sld [smem:$0x3FFB];
	_ =	sdelay $0x3  }
0x92: {  	_ =	strace s18  }
0x93: {  	s3 =	sld [smem:$0x3FFC];
	_ =	sdelay $0x3  }
0x94: {  	_ =	strace s3  }
0x95: {  	s3 =	sld [smem:$0x3FFD];
	_ =	sdelay $0x3  }
0x96: {  	_ =	strace s3  }
0x97: {  	_ =	strace $0x8FFFFFFF  }
0x98: {  	s19 =	sld [smem:$0x3FDB];
	_ =	sdelay $0x1  }
0x99: {  	s4 =	simm.s32 $_scs_section_size  }
0x9a: {  	s5 =	simm.s32 $_size__tile_overlayer_lowered;
	s6 =	simm.s32 $_tile_overlayer_lowered  }
0x9b: {  	s22 =	simm.s32 $0x1BFF;
	s21 =	sshll.u32 s6, $0x1;
	s3 =	sadd.s32 s4, s19  }
0x9c: {  	s7 =	simm.s32 $0x0;
	s20 =	sshll.u32 s5, $0x1;
	s5 =	sadd.s32 s21, s3  }
0x9d: {  	[timem:s7], [sflag:s22] =	dma.local [hbm:s5], s20  }
0x9e: {  	_ =	swait.ge [sflag:s22], s20  }
0x9f: {  	s4 =	ssub.s32 $0x0, s20;
	[sflag:s22] =	ssyncset.done $0x0  }
0xa0: {  	[sflag:s22] =	ssyncadd.s32 s4;
	_ =	sdelay $0x1  }
0xa1: {  	s23 =	simm.s32 $0x1B8B  }
0xa2: {  	_ =	swait.ge [sflag:s23], $0x1  }
0xa3: {  	[sflag:s23] =	ssyncset.done $0x0  }
0xa4: {  	s25 =	simm.s32 $0x1B8E;
	s24 =	sld [smem:$0x3FFE];
	[sflag:s23] =	ssyncadd.s32 $0xFFFFFFFF  }
0xa5: {  	s26 =	simm.s32 $execute0_lowered;
	[smem:$0x3FD2] =	sst s25  }
0xa6: {  	s5 =	sshll.u32 s26, $0x1;
	_ =	strace $0x8000004F;
	[dreg:$0x1] =	wrdreg $0xFFFFFFFF  }
0xa7: {  	s28 =	simm.s32 $_size_execute0_lowered;
	s3 =	sadd.s32 s3, s5;
	[dreg:$0x0] =	wrdreg $0x0  }
0xa8: {  	s5 =	sshll.u32 s28, $0x1;
	[dreg:$0x2] =	wrdreg s3  }
0xa9: {  	[dreg:$0x3] =	wrdreg s5  }
0xaa: {  	[dreg:$0x4] =	wrdreg $0xC0  }
0xab: {  	_ =	task [dreg:s7], $0x5FFFF  }
0xac: {  	[dreg:$0x1] =	wrdreg $0xFFFFFFFF  }
0xad: {  	[dreg:$0x0] =	wrdreg $0x60  }
0xae: {  	[dreg:$0x2] =	wrdreg s2  }
0xaf: {  	[dreg:$0x3] =	wrdreg s24  }
0xb0: {  	[dreg:$0x4] =	wrdreg $0x0  }
0xb1: {  	[dreg:$0x5] =	wrdreg $0x9  }
0xb2: {  	_ =	task.clear_ibuf [dreg:s7], $0x6FFFF;
	_ =	strace $0x9000004F  }
0xb3: {  	s29 =	simm.s32 $0x9;
	_ =	strace $0x80000051  }
0xb4: {  	_ =	swait.ge [sflag:s29], $0x1  }
0xb5: {  	[sflag:s29] =	ssyncadd.s32 $0xFFFFFFFF  }
0xb6: {  	_ =	strace $0x90000051  }
0xb7: {  	_ =	sfence  }
0xb8: {  	s30 =	sld [smem:$0x0];
	_ =	sdelay $0x2  }
0xb9: {  	s31 =	sshll.u32 s1, $0xD;
	s1 =	sshrl.u32 s1, $0x2  }
0xba: {  	s3 =	sand.u32 $0x4000, s31;
	s1 =	sadd.s32 s1, s30  }
0xbb: {  	s0 =	sor.u32 s3, s0;
	s1 =	sshll.u32 s1, $0x11  }
0xbc: {  	s0 =	sor.u32 s1, s0  }
0xbd: {  	s0 =	sadd.s32 $0x8F2B, s0  }
0xbe: {  	[sflag:s0] =	ssyncadd.remote.s32 $0x1  }
0xbf: {  	_ =	sfence.sel $0xFFFF  }
0xc0: {  	[dreg:$0x0] =	wrdreg $0xFFFFFFFF;
	(pc) =	sbr.abs _section_cstart, $3  }
0xc1: {  	[dreg:$0x1] =	wrdreg $0xFFFFFFFF  }
0xc2: {  	_ =	task.clear_ibuf [dreg:s7], $0x2FFFF;
	_ =	strace $0x9FFFFFFF  }
0xc3: {  	(tm) =	ssettm $0x7FFFFFFF  }
tec
execute0_lowered:
.L_overlay_start_1:
0x0: {  	(tag) =	ssettag $0x1  }
0x1: {  	s1 =	rddreg [dreg:$0x0]  }
0x2: {  	s0 =	rddreg [dreg:$0x1]  }
0x3: {  	s3 =	rddreg [dreg:$0x2];
	s4 =	simm.s32 $0x0  }
0x4: {  	s13 =	stileid.u32;
	s2 =	srdreg.scid;
	s16 =	simm.s32 $0x13A80  }
0x5: {  	s17 =	simm.s32 $0x3;
	s29 =	simm.s32 $0x138D0;
	s30 =	simm.s32 $0x13920  }
0x6: {  	s31 =	simm.s32 $0x13970;
	s28 =	simm.s32 $0x0;
	[smem:$0x7FF] =	sst s4  }
0x7: {  	s2 =	sand.u32 $0x1, s2;
	s5 =	sshll.u32 s13, $0x1;
	s8 =	smul.u32 $0x50, s13  }
0x8: {  	s6 =	sadd.s32 $0x3E00, s0;
	s9 =	sadd.s32 $0x18000, s0;
	s12 =	smul.u32 $0x4E20, s13  }
0x9: {  	p0 =	seq.s32 s13, $0xF;
	_ =	strace $0x80000050;
	s7 =	sor.u32 s2, s5  }
0xa: {  	s5 =	sadd.s32 $0xDC00, s0;
	[dreg:$0xa] =	wrdreg s9;
	s10 =	ssub.s32 $0x2, s2  }
0xb: {  	s2 =	smul.u32 $0x2710, s2;
	s9 =	sadd.s32 $0x66E00, s0;
	[dreg:$0x7] =	wrdreg s29  }
0xc: {  	[dreg:$0x8] =	wrdreg s30;
	s7 =	smul.u32 $0x2710, s7;
	s11 =	sshrl.u32 s10, $0x1  }
0xd: {  	[dreg:$0x9] =	wrdreg s31;
	s8 =	sadd.s32 s8, s0;
	s18 =	ssub.s32 s10, s11  }
0xe: {  	s10 =	simm.s32 $0x5;
	s12 =	sadd.s32 s2, s12;
	s19 =	sshrl.u32 s7, $0x3  }
0xf: {  	s10 =	simm.s32 @!p0 $0x8;
	s21 =	sadd.s32 $0xF0, s12;
	s23 =	sadd.s32 $0xA0, s12  }
0x10: {  	s14 =	sadd.s32 $0x50, s12;
	s0 =	smax.u32 s18, $0x1;
	s15 =	sadd.s32 $0x140, s12  }
0x11: {  	s18 =	simm.s32 $0x16280;
	s20 =	sadd.s32 s5, s19;
	s11 =	sadd.s32 s6, s19  }
0x12: {  	s22 =	sshrl.u32 s21, $0x3;
	s13 =	sshrl.u32 s23, $0x3;
	s25 =	sshrl.u32 s14, $0x3  }
0x13: {  	[dreg:$0xd] =	wrdreg s0;
	s14 =	sadd.s32 $0x17A00, s8;
	s19 =	simm.s32 $0x50  }
0x14: {  	s21 =	simm.s32 $0x13A00;
	s23 =	simm.s32 $0x16380;
	[dreg:$0xb] =	wrdreg s20  }
0x15: {  	[dreg:$0xc] =	wrdreg s11;
	s11 =	sadd.s32 s22, s6;
	s24 =	sadd.s32 s13, s6  }
0x16: {  	s26 =	sadd.s32 s25, s6;
	s20 =	simm.s32 $0x13880;
	[dreg:$0x4] =	wrdreg s11  }
0x17: {  	s22 =	simm.s32 $0x16400;
	s25 =	simm.s32 $0x2;
	[dreg:$0x5] =	wrdreg s24  }
0x18: {  	v0 =	vmov s2;
	[dreg:$0x6] =	wrdreg s26;
	s24 =	simm.s32 $0x1;
	s26 =	simm.s32 $0x16300  }
.LBB2_1:
0x19: {  	s0 =	rddreg [dreg:$0xa]  }
0x1a: {  	[tilespmem:s16], [sflag:$0x3] =	stream.linear.gather [hbm4b:s0+s4], $0x2800, $0x38;
	[tilespmem:$0x18C00] =	vst v63  }
0x1b: {  	_ =	swait.ge [sflag:s17], $0x2800  }
0x1c: {  	[sflag:s17] =	ssyncset.done $0x0  }
0x1d: {  	[sflag:s17] =	ssyncadd.s32 $0xFFFFD800  }
0x1e: {  	[tilespmem:s18], [sflag:$0x3] =	stream.linear.gather [hbm4b:s14+s4], $0x50, $0x38;
	[tilespmem:$0x18C00] =	vst v63  }
0x1f: {  	p0 =	sne.s32 s10, $0x1;
	_ =	swait.ge [sflag:s17], $0x50  }
.Ltmp0:
0x20: {  	[sflag:s17] =	ssyncset.done $0x0;
	(pc) =	sbr.rel @!p0 .LBB2_3-.Ltmp0, $4  }
0x21: {  	[sflag:s17] =	ssyncadd.s32 $0xFFFFFFB0  }
0x22: {  	[spmem:s3] =	stream.indirect.scatter [tilespmem:s16], [sflag:$0x3], $0x80, s18, s19, $0xb8;
	[tilespmem:$0x18C00] =	vst v63  }
0x23: {  	_ =	swait.ge [sflag:s17], $0x2800  }
0x24: {  	s2 =	smov.u32 s14;
	s0 =	sadd.s32 $0xFFFFFFFF, s10;
	[sflag:s17] =	ssyncset.done $0x0  }
.LBB2_2:
0x25: {  	p1 =	sne.s32 s0, $0x1;
	[sflag:s17] =	ssyncadd.s32 $0xFFFFD800;
	s2 =	sadd.s32 $0xA, s2  }
0x26: {  	[tilespmem:s18], [sflag:$0x3] =	stream.linear.gather [hbm4b:s2+s4], $0x50, $0x38;
	[tilespmem:$0x18C00] =	vst v63  }
0x27: {  	s0 =	sadd.s32 $0xFFFFFFFF, s0;
	_ =	swait.ge [sflag:s17], $0x50  }
.Ltmp1:
0x28: {  	[sflag:s17] =	ssyncset.done $0x0;
	(pc) =	sbr.rel @p1 .LBB2_2-.Ltmp1, $4  }
0x29: {  	[sflag:s17] =	ssyncadd.s32 $0xFFFFFFB0  }
0x2a: {  	[spmem:s3] =	stream.indirect.scatter [tilespmem:s16], [sflag:$0x3], $0x80, s18, s19, $0xb8;
	[tilespmem:$0x18C00] =	vst v63  }
0x2b: {  	_ =	swait.ge [sflag:s17], $0x2800  }
0x2c: {  	[sflag:s17] =	ssyncset.done $0x0  }
.LBB2_3:
0x2d: {  	[sflag:s17] =	ssyncadd.s32 $0xFFFFD800  }
0x2e: {  	[bflag:$0x0] =	sbarrier.arrive $0xFFFF  }
0x2f: {  	s0 =	simm.s32 $0x0;
	s2 =	rddreg [dreg:$0xb]  }
0x30: {  	[tilespmem:s20], [sflag:$0x3] =	stream.linear.gather [hbm4b:s2+s0], $0x140, $0x38;
	[tilespmem:$0x18C00] =	vst v63  }
0x31: {  	_ =	swait.ge [sflag:s17], $0x140  }
0x32: {  	[sflag:s17] =	ssyncset.done $0x0  }
0x33: {  	s8 =	rddreg [dreg:$0xc];
	[sflag:s17] =	ssyncadd.s32 $0xFFFFFEC0  }
0x34: {  	[tilespmem:s21], [sflag:$0x3] =	stream.linear.gather [hbm4b:s8+s0], $0x50, $0x38;
	[tilespmem:$0x18C00] =	vst v63  }
0x35: {  	_ =	swait.ge [sflag:s17], $0x50  }
0x36: {  	[sflag:s17] =	ssyncset.done $0x0  }
0x37: {  	s11 =	rddreg [dreg:$0x7];
	[sflag:s17] =	ssyncadd.s32 $0xFFFFFFB0  }
0x38: {  	[tilespmem:s16], [sflag:$0x1] =	stream.indirect.gather [hbm4b:s1+s19], $0x80, s20, s19, $0xb8;
	[tilespmem:$0x18C00] =	vst v63  }
0x39: {  	s12 =	rddreg [dreg:$0x6]  }
0x3a: {  	[tilespmem:s22], [sflag:$0x2] =	stream.indirect.gather [hbm4b:s1+s19], $0x80, s11, s19, $0xb8;
	[tilespmem:$0x18C00] =	vst v63  }
0x3b: {  	s13 =	sadd.s32 $0x0, s12  }
0x3c: {  	[tilespmem:s23], [sflag:$0x3] =	stream.linear.gather [hbm4b:s13+s4], $0x50, $0x38;
	[tilespmem:$0x18C00] =	vst v63  }
0x3d: {  	_ =	swait.ge [sflag:s17], $0x50  }
0x3e: {  	[sflag:s17] =	ssyncset.done $0x0  }
0x3f: {  	[sflag:s17] =	ssyncadd.s32 $0xFFFFFFB0  }
0x40: {  	_ =	swait.ge [sflag:s24], $0x2800  }
0x41: {  	[sflag:s24] =	ssyncset.done $0x0  }
0x42: {  	[sflag:s24] =	ssyncadd.s32 $0xFFFFD800  }
0x43: {  	[spmem:s3] =	stream.indirect.scatter.add.f32 [tilespmem:s16], [sflag:$0x3], $0x80, s21, s19, $0xb8;
	[tilespmem:$0x18C00] =	vst v63  }
0x44: {  	_ =	swait.ge [sflag:s17], $0x2800  }
0x45: {  	s2 =	rddreg [dreg:$0x8];
	[sflag:s17] =	ssyncset.done $0x0  }
0x46: {  	s8 =	rddreg [dreg:$0x5];
	[sflag:s17] =	ssyncadd.s32 $0xFFFFD800  }
0x47: {  	[tilespmem:s16], [sflag:$0x1] =	stream.indirect.gather [hbm4b:s1+s19], $0x80, s2, s19, $0xb8;
	[tilespmem:$0x18C00] =	vst v63  }
0x48: {  	s11 =	sadd.s32 $0x0, s8  }
0x49: {  	[tilespmem:s21], [sflag:$0x3] =	stream.linear.gather [hbm4b:s11+s4], $0x50, $0x38;
	[tilespmem:$0x18C00] =	vst v63  }
0x4a: {  	_ =	swait.ge [sflag:s17], $0x50  }
0x4b: {  	[sflag:s17] =	ssyncset.done $0x0  }
0x4c: {  	[sflag:s17] =	ssyncadd.s32 $0xFFFFFFB0  }
0x4d: {  	_ =	swait.ge [sflag:s25], $0x2800  }
0x4e: {  	[sflag:s25] =	ssyncset.done $0x0  }
0x4f: {  	[sflag:s25] =	ssyncadd.s32 $0xFFFFD800  }
0x50: {  	[spmem:s3] =	stream.indirect.scatter.add.f32 [tilespmem:s22], [sflag:$0x3], $0x80, s23, s19, $0xb8;
	[tilespmem:$0x18C00] =	vst v63  }
0x51: {  	_ =	swait.ge [sflag:s17], $0x2800  }
0x52: {  	s12 =	rddreg [dreg:$0x9];
	[sflag:s17] =	ssyncset.done $0x0  }
0x53: {  	s13 =	rddreg [dreg:$0x4];
	[sflag:s17] =	ssyncadd.s32 $0xFFFFD800  }
0x54: {  	[tilespmem:s22], [sflag:$0x2] =	stream.indirect.gather [hbm4b:s1+s19], $0x80, s12, s19, $0xb8;
	[tilespmem:$0x18C00] =	vst v63  }
0x55: {  	s8 =	sadd.s32 $0x0, s13  }
0x56: {  	[tilespmem:s23], [sflag:$0x3] =	stream.linear.gather [hbm4b:s8+s4], $0x50, $0x38;
	[tilespmem:$0x18C00] =	vst v63  }
0x57: {  	_ =	swait.ge [sflag:s17], $0x50  }
0x58: {  	[sflag:s17] =	ssyncset.done $0x0  }
0x59: {  	[sflag:s17] =	ssyncadd.s32 $0xFFFFFFB0  }
0x5a: {  	_ =	swait.ge [sflag:s24], $0x2800  }
0x5b: {  	[sflag:s24] =	ssyncset.done $0x0  }
0x5c: {  	[sflag:s24] =	ssyncadd.s32 $0xFFFFD800  }
0x5d: {  	[spmem:s3] =	stream.indirect.scatter.add.f32 [tilespmem:s16], [sflag:$0x3], $0x80, s21, s19, $0xb8;
	[tilespmem:$0x18C00] =	vst v63  }
0x5e: {  	_ =	swait.ge [sflag:s17], $0x2800  }
0x5f: {  	[sflag:s17] =	ssyncset.done $0x0  }
0x60: {  	[sflag:s17] =	ssyncadd.s32 $0xFFFFD800  }
0x61: {  	s11 =	simm.s32 $0x4;
	_ =	swait.ge [sflag:s25], $0x2800  }
0x62: {  	s0 =	smin.u32 s11, $0x79;
	[sflag:s25] =	ssyncset.done $0x0  }
0x63: {  	s12 =	smul.u32 $0x50, s0;
	[sflag:s25] =	ssyncadd.s32 $0xFFFFD800  }
0x64: {  	[spmem:s3] =	stream.indirect.scatter.add.f32 [tilespmem:s22], [sflag:$0x3], $0x80, s23, s19, $0xb8;
	[tilespmem:$0x18C00] =	vst v63  }
0x65: {  	s2 =	sadd.s32 s7, s12;
	_ =	swait.ge [sflag:s17], $0x2800  }
0x66: {  	s2 =	sshrl.u32 s2, $0x3;
	[sflag:s17] =	ssyncset.done $0x0  }
0x67: {  	s2 =	sadd.s32 s5, s2;
	[sflag:s17] =	ssyncadd.s32 $0xFFFFD800  }
0x68: {  	[tilespmem:s20], [sflag:$0x3] =	stream.linear.gather [hbm4b:s2+s4], $0x140, $0x38;
	[tilespmem:$0x18C00] =	vst v63  }
0x69: {  	s31 =	simm.s32 $0x28;
	s30 =	sadd.s32 $0x140, s15;
	_ =	swait.ge [sflag:s17], $0x140  }
0x6a: {  	s29 =	simm.s32 $0x13B00;
	s8 =	sshrl.u32 s15, $0x3;
	[sflag:s17] =	ssyncset.done $0x0  }
0x6b: {  	s0 =	smul.u32 $0xFFFFFEC0, s0;
	s13 =	sadd.s32 s6, s8;
	[sflag:s17] =	ssyncadd.s32 $0xFFFFFEC0  }
0x6c: {  	[tilespmem:s21], [sflag:$0x3] =	stream.linear.gather [hbm4b:s13+s4], $0x50, $0x38;
	[tilespmem:$0x18C00] =	vst v63  }
0x6d: {  	s11 =	sshra.s32 s0, $0x2;
	s0 =	simm.s32 $0x8;
	_ =	swait.ge [sflag:s17], $0x50  }
0x6e: {  	s8 =	sadd.s32 $0x139C0, s11;
	s12 =	rddreg [dreg:$0x6];
	[sflag:s17] =	ssyncset.done $0x0  }
0x6f: {  	s2 =	simm.s32 $0x50;
	s13 =	rddreg [dreg:$0x7];
	[sflag:s17] =	ssyncadd.s32 $0xFFFFFFB0  }
.LBB2_4:
0x70: {  	[tilespmem:s16], [sflag:$0x1] =	stream.indirect.gather [hbm4b:s1+s19], $0x80, s8, s19, $0xb8;
	[tilespmem:$0x18C00] =	vst v63  }
0x71: {  	_ = 	snop  }
0x72: {  	[tilespmem:s22], [sflag:$0x2] =	stream.indirect.gather [hbm4b:s1+s19], $0x80, s13, s19, $0xb8;
	[tilespmem:$0x18C00] =	vst v63  }
0x73: {  	s12 =	sadd.s32 s31, s12  }
0x74: {  	[tilespmem:s23], [sflag:$0x3] =	stream.linear.gather [hbm4b:s12+s4], $0x50, $0x38;
	[tilespmem:$0x18C00] =	vst v63  }
0x75: {  	_ =	swait.ge [sflag:s17], $0x50  }
0x76: {  	[sflag:s17] =	ssyncset.done $0x0  }
0x77: {  	[sflag:s17] =	ssyncadd.s32 $0xFFFFFFB0  }
0x78: {  	_ =	swait.ge [sflag:s24], $0x2800  }
0x79: {  	[sflag:s24] =	ssyncset.done $0x0  }
0x7a: {  	[sflag:s24] =	ssyncadd.s32 $0xFFFFD800  }
0x7b: {  	[spmem:s3] =	stream.indirect.scatter.add.f32 [tilespmem:s16], [sflag:$0x3], $0x80, s21, s19, $0xb8;
	[tilespmem:$0x18C00] =	vst v63  }
0x7c: {  	_ =	swait.ge [sflag:s17], $0x2800  }
0x7d: {  	s12 =	rddreg [dreg:$0x8];
	[sflag:s17] =	ssyncset.done $0x0  }
0x7e: {  	s13 =	rddreg [dreg:$0x5];
	[sflag:s17] =	ssyncadd.s32 $0xFFFFD800  }
0x7f: {  	[tilespmem:s16], [sflag:$0x1] =	stream.indirect.gather [hbm4b:s1+s19], $0x80, s12, s19, $0xb8;
	[tilespmem:$0x18C00] =	vst v63  }
0x80: {  	s13 =	sadd.s32 s31, s13  }
0x81: {  	[tilespmem:s21], [sflag:$0x3] =	stream.linear.gather [hbm4b:s13+s4], $0x50, $0x38;
	[tilespmem:$0x18C00] =	vst v63  }
0x82: {  	_ =	swait.ge [sflag:s17], $0x50  }
0x83: {  	[sflag:s17] =	ssyncset.done $0x0  }
0x84: {  	[sflag:s17] =	ssyncadd.s32 $0xFFFFFFB0  }
0x85: {  	_ =	swait.ge [sflag:s25], $0x2800  }
0x86: {  	[sflag:s25] =	ssyncset.done $0x0  }
0x87: {  	[sflag:s25] =	ssyncadd.s32 $0xFFFFD800  }
0x88: {  	[spmem:s3] =	stream.indirect.scatter.add.f32 [tilespmem:s22], [sflag:$0x3], $0x80, s23, s19, $0xb8;
	[tilespmem:$0x18C00] =	vst v63  }
0x89: {  	_ =	swait.ge [sflag:s17], $0x2800  }
0x8a: {  	s12 =	rddreg [dreg:$0x9];
	[sflag:s17] =	ssyncset.done $0x0  }
0x8b: {  	s13 =	rddreg [dreg:$0x4];
	[sflag:s17] =	ssyncadd.s32 $0xFFFFD800  }
0x8c: {  	[tilespmem:s22], [sflag:$0x2] =	stream.indirect.gather [hbm4b:s1+s19], $0x80, s12, s19, $0xb8;
	[tilespmem:$0x18C00] =	vst v63  }
0x8d: {  	s13 =	sadd.s32 s31, s13  }
0x8e: {  	[tilespmem:s23], [sflag:$0x3] =	stream.linear.gather [hbm4b:s13+s4], $0x50, $0x38;
	[tilespmem:$0x18C00] =	vst v63  }
0x8f: {  	_ =	swait.ge [sflag:s17], $0x50  }
0x90: {  	[sflag:s17] =	ssyncset.done $0x0  }
0x91: {  	[sflag:s17] =	ssyncadd.s32 $0xFFFFFFB0  }
0x92: {  	_ =	swait.ge [sflag:s24], $0x2800  }
0x93: {  	[sflag:s24] =	ssyncset.done $0x0  }
0x94: {  	[sflag:s24] =	ssyncadd.s32 $0xFFFFD800  }
0x95: {  	[spmem:s3] =	stream.indirect.scatter.add.f32 [tilespmem:s16], [sflag:$0x3], $0x80, s21, s19, $0xb8;
	[tilespmem:$0x18C00] =	vst v63  }
0x96: {  	_ =	swait.ge [sflag:s17], $0x2800  }
0x97: {  	[sflag:s17] =	ssyncset.done $0x0  }
0x98: {  	[sflag:s17] =	ssyncadd.s32 $0xFFFFD800  }
0x99: {  	_ =	swait.ge [sflag:s25], $0x2800  }
0x9a: {  	s11 =	smov.u32 s2;
	s12 =	smin.u32 s0, $0x79;
	[sflag:s25] =	ssyncset.done $0x0  }
0x9b: {  	s31 =	smov.u32 s11;
	s13 =	smul.u32 $0x50, s12;
	[sflag:s25] =	ssyncadd.s32 $0xFFFFD800  }
0x9c: {  	[spmem:s3] =	stream.indirect.scatter.add.f32 [tilespmem:s22], [sflag:$0x3], $0x80, s23, s19, $0xb8;
	[tilespmem:$0x18C00] =	vst v63  }
0x9d: {  	s11 =	smul.u32 $0xFFFFFEC0, s12;
	s12 =	sadd.s32 s7, s13;
	_ =	swait.ge [sflag:s17], $0x2800  }
0x9e: {  	s12 =	sshrl.u32 s12, $0x3;
	[sflag:s17] =	ssyncset.done $0x0  }
0x9f: {  	p1 =	sne.s32 s2, $0x4B0;
	s12 =	sadd.s32 s5, s12;
	[sflag:s17] =	ssyncadd.s32 $0xFFFFD800  }
0xa0: {  	[tilespmem:s20], [sflag:$0x3] =	stream.linear.gather [hbm4b:s12+s4], $0x140, $0x38;
	[tilespmem:$0x18C00] =	vst v63  }
0xa1: {  	s2 =	sadd.s32 $0x28, s2;
	s8 =	smov.u32 s29;
	_ =	swait.ge [sflag:s17], $0x140  }
0xa2: {  	s29 =	sadd.s32 $0x140, s29;
	s13 =	sshrl.u32 s30, $0x3;
	[sflag:s17] =	ssyncset.done $0x0  }
.Ltmp2:
0xa3: {  	s12 =	sadd.s32 s6, s13;
	[sflag:s17] =	ssyncadd.s32 $0xFFFFFEC0;
	(pc) =	sbr.rel @p1 .LBB2_4-.Ltmp2, $4  }
0xa4: {  	[tilespmem:s21], [sflag:$0x3] =	stream.linear.gather [hbm4b:s12+s4], $0x50, $0x38;
	[tilespmem:$0x18C00] =	vst v63  }
0xa5: {  	s0 =	sadd.s32 $0x4, s0;
	s11 =	sshra.s32 s11, $0x2;
	_ =	swait.ge [sflag:s17], $0x50  }
0xa6: {  	s30 =	sadd.s32 $0x140, s30;
	s12 =	rddreg [dreg:$0x6];
	[sflag:s17] =	ssyncset.done $0x0  }
0xa7: {  	s8 =	sadd.s32 s11, s8;
	s13 =	rddreg [dreg:$0x7];
	[sflag:s17] =	ssyncadd.s32 $0xFFFFFFB0  }
0xa8: {  	[tilespmem:s16], [sflag:$0x1] =	stream.indirect.gather [hbm4b:s1+s19], $0x80, s8, s19, $0xb8;
	[tilespmem:$0x18C00] =	vst v63  }
0xa9: {  	_ = 	snop  }
0xaa: {  	[tilespmem:s22], [sflag:$0x2] =	stream.indirect.gather [hbm4b:s1+s19], $0x80, s13, s19, $0xb8;
	[tilespmem:$0x18C00] =	vst v63  }
0xab: {  	s2 =	sadd.s32 s31, s12  }
0xac: {  	[tilespmem:s23], [sflag:$0x3] =	stream.linear.gather [hbm4b:s2+s4], $0x50, $0x38;
	[tilespmem:$0x18C00] =	vst v63  }
0xad: {  	_ =	swait.ge [sflag:s17], $0x50  }
0xae: {  	[sflag:s17] =	ssyncset.done $0x0  }
0xaf: {  	[sflag:s17] =	ssyncadd.s32 $0xFFFFFFB0  }
0xb0: {  	_ =	swait.ge [sflag:s24], $0x2800  }
0xb1: {  	[sflag:s24] =	ssyncset.done $0x0  }
0xb2: {  	[sflag:s24] =	ssyncadd.s32 $0xFFFFD800  }
0xb3: {  	[spmem:s3] =	stream.indirect.scatter.add.f32 [tilespmem:s16], [sflag:$0x3], $0x80, s21, s19, $0xb8;
	[tilespmem:$0x18C00] =	vst v63  }
0xb4: {  	_ =	swait.ge [sflag:s17], $0x2800  }
0xb5: {  	s11 =	rddreg [dreg:$0x8];
	[sflag:s17] =	ssyncset.done $0x0  }
0xb6: {  	s12 =	rddreg [dreg:$0x5];
	[sflag:s17] =	ssyncadd.s32 $0xFFFFD800  }
0xb7: {  	[tilespmem:s16], [sflag:$0x1] =	stream.indirect.gather [hbm4b:s1+s19], $0x80, s11, s19, $0xb8;
	[tilespmem:$0x18C00] =	vst v63  }
0xb8: {  	s13 =	sadd.s32 s31, s12  }
0xb9: {  	[tilespmem:s21], [sflag:$0x3] =	stream.linear.gather [hbm4b:s13+s4], $0x50, $0x38;
	[tilespmem:$0x18C00] =	vst v63  }
0xba: {  	_ =	swait.ge [sflag:s17], $0x50  }
0xbb: {  	[sflag:s17] =	ssyncset.done $0x0  }
0xbc: {  	[sflag:s17] =	ssyncadd.s32 $0xFFFFFFB0  }
0xbd: {  	_ =	swait.ge [sflag:s25], $0x2800  }
0xbe: {  	[sflag:s25] =	ssyncset.done $0x0  }
0xbf: {  	[sflag:s25] =	ssyncadd.s32 $0xFFFFD800  }
0xc0: {  	[spmem:s3] =	stream.indirect.scatter.add.f32 [tilespmem:s22], [sflag:$0x3], $0x80, s23, s19, $0xb8;
	[tilespmem:$0x18C00] =	vst v63  }
0xc1: {  	_ =	swait.ge [sflag:s17], $0x2800  }
0xc2: {  	s8 =	rddreg [dreg:$0x9];
	[sflag:s17] =	ssyncset.done $0x0  }
0xc3: {  	s11 =	rddreg [dreg:$0x4];
	[sflag:s17] =	ssyncadd.s32 $0xFFFFD800  }
0xc4: {  	[tilespmem:s22], [sflag:$0x2] =	stream.indirect.gather [hbm4b:s1+s19], $0x80, s8, s19, $0xb8;
	[tilespmem:$0x18C00] =	vst v63  }
0xc5: {  	s12 =	sadd.s32 s31, s11  }
0xc6: {  	[tilespmem:s23], [sflag:$0x3] =	stream.linear.gather [hbm4b:s12+s4], $0x50, $0x38;
	[tilespmem:$0x18C00] =	vst v63  }
0xc7: {  	_ =	swait.ge [sflag:s17], $0x50  }
0xc8: {  	[sflag:s17] =	ssyncset.done $0x0  }
0xc9: {  	[sflag:s17] =	ssyncadd.s32 $0xFFFFFFB0  }
0xca: {  	_ =	swait.ge [sflag:s24], $0x2800  }
0xcb: {  	[sflag:s24] =	ssyncset.done $0x0  }
0xcc: {  	[sflag:s24] =	ssyncadd.s32 $0xFFFFD800  }
0xcd: {  	[spmem:s3] =	stream.indirect.scatter.add.f32 [tilespmem:s16], [sflag:$0x3], $0x80, s21, s19, $0xb8;
	[tilespmem:$0x18C00] =	vst v63  }
0xce: {  	_ =	swait.ge [sflag:s17], $0x2800  }
0xcf: {  	[sflag:s17] =	ssyncset.done $0x0  }
0xd0: {  	[sflag:s17] =	ssyncadd.s32 $0xFFFFD800  }
0xd1: {  	_ =	swait.ge [sflag:s25], $0x2800  }
0xd2: {  	s0 =	smin.u32 s0, $0x79;
	[sflag:s25] =	ssyncset.done $0x0  }
0xd3: {  	s13 =	smul.u32 $0x50, s0;
	[sflag:s25] =	ssyncadd.s32 $0xFFFFD800  }
0xd4: {  	[spmem:s3] =	stream.indirect.scatter.add.f32 [tilespmem:s22], [sflag:$0x3], $0x80, s23, s19, $0xb8;
	[tilespmem:$0x18C00] =	vst v63  }
0xd5: {  	s2 =	sadd.s32 s7, s13;
	_ =	swait.ge [sflag:s17], $0x2800  }
0xd6: {  	s2 =	sshrl.u32 s2, $0x3;
	[sflag:s17] =	ssyncset.done $0x0  }
0xd7: {  	s2 =	sadd.s32 s5, s2;
	[sflag:s17] =	ssyncadd.s32 $0xFFFFD800  }
0xd8: {  	[tilespmem:s20], [sflag:$0x3] =	stream.linear.gather [hbm4b:s2+s4], $0x140, $0x38;
	[tilespmem:$0x18C00] =	vst v63  }
0xd9: {  	_ =	swait.ge [sflag:s17], $0x140  }
0xda: {  	s31 =	sshrl.u32 s30, $0x3;
	[sflag:s17] =	ssyncset.done $0x0  }
0xdb: {  	s0 =	smul.u32 $0xFFFFFEC0, s0;
	s2 =	sadd.s32 s6, s31;
	[sflag:s17] =	ssyncadd.s32 $0xFFFFFEC0  }
0xdc: {  	[tilespmem:s21], [sflag:$0x3] =	stream.linear.gather [hbm4b:s2+s4], $0x50, $0x38;
	[tilespmem:$0x18C00] =	vst v63  }
0xdd: {  	_ =	swait.ge [sflag:s17], $0x50  }
0xde: {  	s0 =	sshra.s32 s0, $0x2;
	[sflag:s17] =	ssyncset.done $0x0  }
0xdf: {  	s0 =	sadd.s32 s0, s29;
	[sflag:s17] =	ssyncadd.s32 $0xFFFFFFB0  }
0xe0: {  	[tilespmem:s16], [sflag:$0x1] =	stream.indirect.gather [hbm4b:s1+s19], $0x80, s0, s19, $0xb8;
	[tilespmem:$0x18C00] =	vst v63  }
0xe1: {  	_ =	swait.ge [sflag:s24], $0x2800  }
0xe2: {  	[sflag:s24] =	ssyncset.done $0x0  }
0xe3: {  	[sflag:s24] =	ssyncadd.s32 $0xFFFFD800  }
0xe4: {  	[spmem:s3] =	stream.indirect.scatter.add.f32 [tilespmem:s16], [sflag:$0x3], $0x80, s21, s19, $0xb8;
	[tilespmem:$0x18C00] =	vst v63  }
0xe5: {  	_ =	swait.ge [sflag:s17], $0x2800  }
0xe6: {  	[sflag:s17] =	ssyncset.done $0x0  }
0xe7: {  	[sflag:s17] =	ssyncadd.s32 $0xFFFFD800  }
0xe8: {  	[bflag:$0x0] =	sbarrier.arrive $0xFFFF  }
0xe9: {  	[tilespmem:s18], [sflag:$0x3] =	stream.linear.gather [hbm4b:s14+s4], $0x50, $0x38;
	[tilespmem:$0x18C00] =	vst v63  }
0xea: {  	_ =	swait.ge [sflag:s17], $0x50  }
0xeb: {  	[sflag:s17] =	ssyncset.done $0x0  }
0xec: {  	[sflag:s17] =	ssyncadd.s32 $0xFFFFFFB0  }
0xed: {  	v1 =	vld [tilespmem:$0x162C0]  }
0xee: {  	v2 =	vld [tilespmem:$0x162A0]  }
0xef: {  	v3 =	vld [tilespmem:$0x162B0]  }
0xf0: {  	v4 =	vld [tilespmem:$0x16280]  }
0xf1: {  	v5 =	vld [tilespmem:$0x16290]  }
0xf2: {  	v1 =	vadd.s32 v0, v1  }
0xf3: {  	v2 =	vadd.s32 v0, v2;
	[tilespmem:$0x16340] =	vst v1  }
0xf4: {  	[tilespmem:$0x16320] =	vst v2;
	v1 =	vadd.s32 v0, v3  }
0xf5: {  	v2 =	vadd.s32 v0, v4;
	[tilespmem:$0x16330] =	vst v1  }
.Ltmp3:
0xf6: {  	[tilespmem:$0x16300] =	vst v2;
	v1 =	vadd.s32 v0, v5;
	(pc) =	sbr.rel @!p0 .LBB2_7-.Ltmp3, $4  }
0xf7: {  	[tilespmem:$0x16310] =	vst v1  }
0xf8: {  	[tilespmem:s16], [sflag:$0x1] =	stream.indirect.gather [spmem:s3], $0x80, s18, s19, $0xb8;
	[tilespmem:$0x18C00] =	vst v63  }
0xf9: {  	_ =	swait.ge [sflag:s24], $0x2800  }
0xfa: {  	s2 =	smov.u32 s14;
	s0 =	sadd.s32 $0xFFFFFFFF, s10;
	[sflag:s24] =	ssyncset.done $0x0  }
.LBB2_6:
0xfb: {  	p0 =	sne.s32 s0, $0x1;
	[sflag:s24] =	ssyncadd.s32 $0xFFFFD800;
	s2 =	sadd.s32 $0xA, s2  }
0xfc: {  	[hbm4b:s9+s19] =	stream.indirect.scatter [tilespmem:s16], [sflag:$0x3], $0x80, s26, s19, $0xb8;
	[tilespmem:$0x18C00] =	vst v63  }
0xfd: {  	s0 =	sadd.s32 $0xFFFFFFFF, s0;
	_ =	swait.ge [sflag:s17], $0x2800  }
0xfe: {  	[sflag:s17] =	ssyncset.done $0x0  }
0xff: {  	[sflag:s17] =	ssyncadd.s32 $0xFFFFD800  }
0x100: {  	[tilespmem:s18], [sflag:$0x3] =	stream.linear.gather [hbm4b:s2+s4], $0x50, $0x38;
	[tilespmem:$0x18C00] =	vst v63  }
0x101: {  	_ =	swait.ge [sflag:s17], $0x50  }
0x102: {  	[sflag:s17] =	ssyncset.done $0x0  }
0x103: {  	[sflag:s17] =	ssyncadd.s32 $0xFFFFFFB0  }
0x104: {  	v1 =	vld [tilespmem:$0x162C0]  }
0x105: {  	v2 =	vld [tilespmem:$0x162A0]  }
0x106: {  	v3 =	vld [tilespmem:$0x162B0]  }
0x107: {  	v4 =	vld [tilespmem:$0x16280]  }
0x108: {  	v5 =	vld [tilespmem:$0x16290]  }
0x109: {  	v1 =	vadd.s32 v0, v1  }
0x10a: {  	v2 =	vadd.s32 v0, v2;
	[tilespmem:$0x16340] =	vst v1  }
0x10b: {  	[tilespmem:$0x16320] =	vst v2;
	v1 =	vadd.s32 v0, v3  }
0x10c: {  	v2 =	vadd.s32 v0, v4;
	[tilespmem:$0x16330] =	vst v1  }
.Ltmp4:
0x10d: {  	[tilespmem:$0x16300] =	vst v2;
	v1 =	vadd.s32 v0, v5;
	(pc) =	sbr.rel @p0 .LBB2_6-.Ltmp4, $4  }
0x10e: {  	[tilespmem:$0x16310] =	vst v1  }
0x10f: {  	[tilespmem:s16], [sflag:$0x1] =	stream.indirect.gather [spmem:s3], $0x80, s18, s19, $0xb8;
	[tilespmem:$0x18C00] =	vst v63  }
0x110: {  	_ =	swait.ge [sflag:s24], $0x2800  }
0x111: {  	[sflag:s24] =	ssyncset.done $0x0  }
.LBB2_7:
0x112: {  	[sflag:s24] =	ssyncadd.s32 $0xFFFFD800  }
0x113: {  	[hbm4b:s9+s19] =	stream.indirect.scatter [tilespmem:s16], [sflag:$0x3], $0x80, s26, s19, $0xb8;
	[tilespmem:$0x18C00] =	vst v63  }
0x114: {  	_ =	swait.ge [sflag:s17], $0x2800  }
0x115: {  	s28 =	sadd.s32 $0x1, s28;
	s0 =	rddreg [dreg:$0xd]  }
0x116: {  	p0 =	sne.s32 s28, s0  }
.Ltmp5:
0x117: {  	_ = 	snop;
	(pc) =	sbr.rel @p0 .LBB2_1-.Ltmp5, $3  }
0x118: {  	_ =	sdelay $0x1  }
0x119: {  	[sflag:s17] =	ssyncset.done $0x0  }
0x11a: {  	[sflag:s17] =	ssyncadd.s32 $0xFFFFD800  }
0x11b: {  	_ =	sfence.sel $0x180000  }
0x11c: {  	[bflag:$0x0] =	sbarrier.arrive $0xFFFF  }
0x11d: {  	_ =	strace $0x90000050  }
0x11e: {  	s0 =	stileid.u32;
	[bflag:$0x2] =	sbarrier.arrive $0xFFFF  }
0x11f: {  	p0 =	sne.s32 s0, $0x0;
	s0 =	rddreg [dreg:$0x3]  }
0x120: {  	s0 =	sadd.s32 @!p0 $0x100000, s0  }
0x121: {  	[sflag:s0] =	ssyncadd.tile.s32 @!p0 $0x1;
	_ =	shalt  }
.Lfunc_end2:
_tile_overlayer_lowered:
.L_overlay_start_2:
0x122: {  	(tag) =	ssettag $0x2  }
0x123: {  	s0 =	rddreg [dreg:$0x0];
	s2 =	stileid.u32  }
0x124: {  	s1 =	rddreg [dreg:$0x1];
	p0 =	sne.s32 s2, $0x0  }
0x125: {  	s3 =	rddreg [dreg:$0x2];
	[bflag:$0x3] =	sbarrier.arrive $0xFFFF;
	s2 =	simm.s32 @!p0 $0x1C03  }
0x126: {  	[timem:s3], [sflag:s2] =	dma.local @!p0 [hbm:s0], s1  }
0x127: {  	s0 =	simm.s32 @!p0 $0x3  }
0x128: {  	_ =	swait.ge @!p0 [sflag:s0], s1  }
0x129: {  	s1 =	ssub.s32 @!p0 $0x0, s1;
	[sflag:s0] =	ssyncset.done @!p0 $0x0  }
0x12a: {  	[sflag:s0] =	ssyncadd.s32 @!p0 s1  }
0x12b: {  	[bflag:$0x3] =	sbarrier.arrive $0xFFFF  }
0x12c: {  	_ =	shalt  }

</sc_bundles>
